<compile_context>
chip_gen: v7x
topology: tpu7x:2x2x1
jax: 0.10.2.dev20260603
libtpu: 0.0.44.dev20260713+nightly
codegen_flags: <defaults>
</compile_context>

<pallas_src>
import functools

import jax
import jax.numpy as jnp
from jax import lax
from jax.experimental import pallas as pl
from jax.experimental.pallas import tpu as pltpu
from jax.experimental.pallas import tpu_sc as plsc

N = 10000
E = 320000
T = 12
T2 = T // 2
F_IN = 128
F_OUT = 32
C2 = 2 * F_OUT
C4 = 2 * C2

NC, NS, L = 2, 16, 16
NW = NC * NS
K = 128
CH = 80
P0 = 3
TOTCH = 2560
CHS = TOTCH // NS
NQ = 4
CHQ = CHS // NQ
EPW = CH * K
E_PAD = NW * EPW
ACC_ROWS = 10240
RPS = ACC_ROWS // NS
JUNK = N + 64
ZR = 32

_mesh = plsc.VectorSubcoreMesh(core_axis_name="c", subcore_axis_name="s")


def _deg_body(dst_ref, out_ref, dstv, onesv, zerov, acc):
    c = lax.axis_index("c")
    s = lax.axis_index("s")
    ones16 = jnp.ones((L,), jnp.float32)
    for i in range(K // L):
        onesv[pl.ds(i * L, L)] = ones16

    def zfill(r, _):
        zerov[pl.ds(r * L, L)] = jnp.zeros((L,), jnp.float32)
        return 0

    lax.fori_loop(0, RPS // L, zfill, 0)

    pltpu.sync_copy(dst_ref.at[c, s], dstv)
    pltpu.sync_copy(zerov, acc.at[pl.ds(s * RPS, RPS)])
    plsc.subcore_barrier()

    def chunk(j, _):
        pltpu.sync_copy(onesv, acc.at[dstv.at[j]], add=True)
        return 0

    lax.fori_loop(0, CH, chunk, 0)
    plsc.subcore_barrier()
    pltpu.sync_copy(acc.at[pl.ds(s * RPS, RPS)], out_ref.at[c, pl.ds(s * RPS, RPS)])


_deg_call = pl.kernel(
    _deg_body,
    mesh=_mesh,
    out_type=jax.ShapeDtypeStruct((NC, ACC_ROWS), jnp.float32),
    scratch_types=[
        pltpu.VMEM((CH, K), jnp.int32),
        pltpu.VMEM((K,), jnp.float32),
        pltpu.VMEM((RPS,), jnp.float32),
        pltpu.VMEM_SHARED((ACC_ROWS,), jnp.float32),
    ],
)


def _agg_body(yflat_ref, src_ref, dst_ref, out_ref, srcv, dstv, idxv,
              rows0, rows1, zerov, acc, sg0, sg1, ss0, ss1):
    c = lax.axis_index("c")
    s = lax.axis_index("s")
    rows = (rows0, rows1)
    sg = (sg0, sg1)
    ss = (ss0, ss1)

    def zrow(r, _):
        for i in range(C4 // L):
            zerov[r, pl.ds(i * L, L)] = jnp.zeros((L,), jnp.float32)
        return 0

    lax.fori_loop(0, ZR, zrow, 0)

    def prep_idx(b, j, poff):
        for i in range(K // L):
            idxv[b, pl.ds(i * L, L)] = srcv[j, pl.ds(i * L, L)] + poff

    def gather(b):
        pltpu.async_copy(yflat_ref.at[idxv.at[b]], rows[b], sg[b])

    npairs = jnp.where(c == 0, P0, T2 - P0)
    pbase = jnp.where(c == 0, 0, P0)

    def period(pp, _):
        p = pbase + pp
        poff = p * N

        def zslice(q, _):
            pltpu.sync_copy(zerov, acc.at[pl.ds(s * RPS + q * ZR, ZR)])
            return 0

        lax.fori_loop(0, RPS // ZR, zslice, 0)
        plsc.subcore_barrier()

        for h in range(NQ):
            qbase = s * CHS + h * CHQ
            pltpu.sync_copy(src_ref.at[pl.ds(qbase, CHQ)], srcv)
            pltpu.sync_copy(dst_ref.at[pl.ds(qbase, CHQ)], dstv)

            for b in range(2):
                prep_idx(b, b, poff)
                gather(b)

            def chunk(jj, _):
                for b in range(2):
                    j = 2 * jj + b
                    pltpu.make_async_copy(
                        yflat_ref.at[idxv.at[b]], rows[b], sg[b]).wait()
                    pltpu.async_copy(rows[b], acc.at[dstv.at[j]], ss[b],
                                     add=True)

                    @pl.when(j + 2 < CHQ)
                    def _():
                        prep_idx(b, j + 2, poff)

                    pltpu.make_async_copy(
                        rows[b], acc.at[dstv.at[j]], ss[b]).wait()

                    @pl.when(j + 2 < CHQ)
                    def _():
                        gather(b)
                return 0

            lax.fori_loop(0, CHQ // 2, chunk, 0)

        plsc.subcore_barrier()
        pltpu.sync_copy(acc.at[pl.ds(s * RPS, RPS)],
                        out_ref.at[p, pl.ds(s * RPS, RPS)])
        return 0

    lax.fori_loop(0, npairs, period, 0)


_agg_call = pl.kernel(
    _agg_body,
    mesh=_mesh,
    out_type=jax.ShapeDtypeStruct((T2, ACC_ROWS, C4), jnp.float32),
    scratch_types=[
        pltpu.VMEM((CHQ, K), jnp.int32),
        pltpu.VMEM((CHQ, K), jnp.int32),
        pltpu.VMEM((2, K), jnp.int32),
        pltpu.VMEM((K, C4), jnp.float32),
        pltpu.VMEM((K, C4), jnp.float32),
        pltpu.VMEM((ZR, C4), jnp.float32),
        pltpu.VMEM_SHARED((ACC_ROWS, C4), jnp.float32),
        pltpu.SemaphoreType.DMA,
        pltpu.SemaphoreType.DMA,
        pltpu.SemaphoreType.DMA,
        pltpu.SemaphoreType.DMA,
    ],
)

BN = 200


def _proj_body(x_ref, degp_ref, wz_ref, wlz_ref, wh_ref, wlh_ref, y_ref):
    wc = jnp.concatenate(
        [wz_ref[...] @ wlz_ref[:F_OUT], wh_ref[...] @ wlh_ref[:F_OUT]], axis=1)
    dn = (((2,), (0,)), ((), ()))
    ye = lax.dot_general(x_ref[:, 0], wc, dn,
                         preferred_element_type=jnp.float32)
    yo = lax.dot_general(x_ref[:, 1], wc, dn,
                         preferred_element_type=jnp.float32)
    dinv = lax.rsqrt(degp_ref[0] + degp_ref[1] + 1.0)
    y_ref[...] = jnp.concatenate([ye, yo], axis=2) * dinv[None, :, :]


def _proj_call(xt, degp3, wz, wlz, wh, wlh):
    return pl.pallas_call(
        _proj_body,
        grid=(N // BN,),
        in_specs=[
            pl.BlockSpec((T2, 2, BN, F_IN), lambda i: (0, 0, i, 0)),
            pl.BlockSpec((NC, BN, 1), lambda i: (0, i, 0)),
            pl.BlockSpec((F_IN, F_OUT), lambda i: (0, 0)),
            pl.BlockSpec((2 * F_OUT, F_OUT), lambda i: (0, 0)),
            pl.BlockSpec((F_IN, F_OUT), lambda i: (0, 0)),
            pl.BlockSpec((2 * F_OUT, F_OUT), lambda i: (0, 0)),
        ],
        out_specs=pl.BlockSpec((T2, BN, C4), lambda i: (0, i, 0)),
        out_shape=jax.ShapeDtypeStruct((T2, N, C4), jnp.float32),
    )(xt, degp3, wz, wlz, wh, wlh)


def _final_body(part_ref, y_ref, degp_ref, att_ref, bz_ref, wlz_ref, blz_ref,
                bh_ref, wlh_ref, blh_ref, o_ref):
    att = att_ref[...]
    e = jnp.exp(att - jnp.max(att))
    probs = e / jnp.sum(e)
    pe = probs[:, 0:1]
    po = probs[:, 1:2]
    bz = bz_ref[...] @ wlz_ref[:F_OUT] + blz_ref[...]
    bh = bh_ref[...] @ wlh_ref[:F_OUT] + blh_ref[...]
    dinv = lax.rsqrt(degp_ref[0] + degp_ref[1] + 1.0)
    a = (part_ref[...] + y_ref[...]) * dinv[None, :, :]
    ge = (1.0 - jax.nn.sigmoid(a[:, :, 0 * F_OUT:1 * F_OUT] + bz[None])) \
        * jnp.tanh(a[:, :, 1 * F_OUT:2 * F_OUT] + bh[None])
    go = (1.0 - jax.nn.sigmoid(a[:, :, 2 * F_OUT:3 * F_OUT] + bz[None])) \
        * jnp.tanh(a[:, :, 3 * F_OUT:4 * F_OUT] + bh[None])
    o_ref[...] = jnp.sum(ge * pe[:, :, None] + go * po[:, :, None], axis=0)


def _final_call(part, y, degp3, att, bz, wlz, blz, bh, wlh, blh):
    return pl.pallas_call(
        _final_body,
        grid=(N // BN,),
        in_specs=[
            pl.BlockSpec((T2, BN, C4), lambda i: (0, i, 0)),
            pl.BlockSpec((T2, BN, C4), lambda i: (0, i, 0)),
            pl.BlockSpec((NC, BN, 1), lambda i: (0, i, 0)),
            pl.BlockSpec((T2, 2), lambda i: (0, 0)),
            pl.BlockSpec((1, F_OUT), lambda i: (0, 0)),
            pl.BlockSpec((2 * F_OUT, F_OUT), lambda i: (0, 0)),
            pl.BlockSpec((1, F_OUT), lambda i: (0, 0)),
            pl.BlockSpec((1, F_OUT), lambda i: (0, 0)),
            pl.BlockSpec((2 * F_OUT, F_OUT), lambda i: (0, 0)),
            pl.BlockSpec((1, F_OUT), lambda i: (0, 0)),
        ],
        out_specs=pl.BlockSpec((BN, F_OUT), lambda i: (i, 0)),
        out_shape=jax.ShapeDtypeStruct((N, F_OUT), jnp.float32),
    )(part, y, degp3, att, bz, wlz, blz, bh, wlh, blh)


def kernel(X, edge_index, W_z, b_z, Wl_z, bl_z, W_r, b_r, Wl_r, bl_r,
           W_h, b_h, Wl_h, bl_h, attention):
    pad = E_PAD - E
    src_r = jnp.concatenate(
        [edge_index[0], jnp.zeros((pad,), jnp.int32)]).reshape(TOTCH, K)
    dst_r = jnp.concatenate(
        [edge_index[1], jnp.full((pad,), JUNK, jnp.int32)]).reshape(TOTCH, K)

    degp = _deg_call(dst_r.reshape(NC, NS, CH, K))
    degp3 = degp[:, :, None]

    xt = jnp.transpose(X, (2, 0, 1)).reshape(T2, 2, N, F_IN)
    y = _proj_call(xt, degp3, W_z, Wl_z, W_h, Wl_h)

    part = _agg_call(y.reshape(T2 * N, C4), src_r, dst_r)

    return _final_call(
        part, y, degp3, attention.reshape(T2, 2),
        b_z.reshape(1, F_OUT), Wl_z, bl_z.reshape(1, F_OUT),
        b_h.reshape(1, F_OUT), Wl_h, bl_h.reshape(1, F_OUT))

# --- scband reference (transcript-rebuilt; emitter-appended) ---
"""Pipeline reference for scband-a3-tgcn2-76149770158682 (READ-ONLY COPY).

The authoritative reference and input builder live on the scoring server;
editing this copy changes nothing except your own understanding.
"""

import jax, jax.numpy as jnp
import numpy as np

N = 10000
E = 320000
F_IN = 128
F_OUT = 32
T = 12


def setup_inputs(seed: int = 0) -> dict:
    key = jax.random.key(seed)
    ks = jax.random.split(key, 20)
    def lin(k, fan_in, shape):
        bound = 1.0 / np.sqrt(fan_in)
        return jax.random.uniform(k, shape, minval=-bound, maxval=bound, dtype=jnp.float32)
    inp = {}
    inp["X"] = jax.random.normal(ks[0], (N, F_IN, T), dtype=jnp.float32)
    inp["edge_index"] = jax.random.randint(ks[1], (2, E), 0, N, dtype=jnp.int32)
    # GCNConv weights for update gate (z), reset gate (r), candidate (h)
    inp["W_z"] = lin(ks[2], F_IN, (F_IN, F_OUT))
    inp["b_z"] = lin(ks[3], F_IN, (F_OUT,))
    inp["Wl_z"] = lin(ks[4], 2 * F_OUT, (2 * F_OUT, F_OUT))
    inp["bl_z"] = lin(ks[5], 2 * F_OUT, (F_OUT,))
    inp["W_r"] = lin(ks[6], F_IN, (F_IN, F_OUT))
    inp["b_r"] = lin(ks[7], F_IN, (F_OUT,))
    inp["Wl_r"] = lin(ks[8], 2 * F_OUT, (2 * F_OUT, F_OUT))
    inp["bl_r"] = lin(ks[9], 2 * F_OUT, (F_OUT,))
    inp["W_h"] = lin(ks[10], F_IN, (F_IN, F_OUT))
    inp["b_h"] = lin(ks[11], F_IN, (F_OUT,))
    inp["Wl_h"] = lin(ks[12], 2 * F_OUT, (2 * F_OUT, F_OUT))
    inp["bl_h"] = lin(ks[13], 2 * F_OUT, (F_OUT,))
    inp["attention"] = jax.random.uniform(ks[14], (T,), dtype=jnp.float32)
    return inp


def _gcn(x, W, b, src, dst, norm, n):
    # GCNConv with symmetric normalization: D^-1/2 (A+I) D^-1/2 X W + b
    xw = x @ W
    msg = xw[src] * norm[:, None]
    return jax.ops.segment_sum(msg, dst, num_segments=n) + b


def reference(X, edge_index, W_z, b_z, Wl_z, bl_z, W_r, b_r, Wl_r, bl_r, W_h, b_h, Wl_h, bl_h, attention):
    n = X.shape[0]
    # add self loops (fill_value = 1.0 since improved=False)
    loop = jnp.arange(n, dtype=edge_index.dtype)
    src = jnp.concatenate([edge_index[0], loop])
    dst = jnp.concatenate([edge_index[1], loop])
    w = jnp.ones(src.shape[0], dtype=X.dtype)
    deg = jax.ops.segment_sum(w, dst, num_segments=n)
    dinv = jnp.where(deg > 0.0, 1.0 / jnp.sqrt(deg), 0.0)
    norm = dinv[src] * w * dinv[dst]

    probs = jax.nn.softmax(attention, axis=0)
    d_out = W_z.shape[1]
    H0 = jnp.zeros((n, d_out), dtype=X.dtype)  # H=None -> zeros each period
    H_accum = jnp.zeros((n, d_out), dtype=X.dtype)
    for p in range(attention.shape[0]):
        x = X[:, :, p]
        Z = jax.nn.sigmoid(jnp.concatenate([_gcn(x, W_z, b_z, src, dst, norm, n), H0], axis=1) @ Wl_z + bl_z)
        R = jax.nn.sigmoid(jnp.concatenate([_gcn(x, W_r, b_r, src, dst, norm, n), H0], axis=1) @ Wl_r + bl_r)
        H_tilde = jnp.tanh(jnp.concatenate([_gcn(x, W_h, b_h, src, dst, norm, n), H0 * R], axis=1) @ Wl_h + bl_h)
        H = Z * H0 + (1.0 - Z) * H_tilde
        H_accum = H_accum + probs[p] * H
    return H_accum

if __name__ == "__main__":
    import jax
    _d = setup_inputs()
    print(jax.jit(kernel)(*tuple(_d.values())))

</pallas_src>

<mosaic_0001>
#map = affine_map<(d0, d1) -> (0, 0)>
#map1 = affine_map<(d0, d1) -> (0, 0, 0)>
module attributes {stable_mosaic.version = 14 : i64} {
  func.func @_agg_body(%arg0: i32, %arg1: i32, %arg2: memref<60000x128xf32, #tpu.memory_space<hbm>>, %arg3: memref<2560x128xi32, #tpu.memory_space<hbm>>, %arg4: memref<2560x128xi32, #tpu.memory_space<hbm>>, %arg5: memref<6x10240x128xf32, #tpu.memory_space<hbm>>, %arg6: memref<40x128xi32, #tpu.memory_space<vmem>>, %arg7: memref<40x128xi32, #tpu.memory_space<vmem>>, %arg8: memref<2x128xi32, #tpu.memory_space<vmem>>, %arg9: memref<128x128xf32, #tpu.memory_space<vmem>>, %arg10: memref<128x128xf32, #tpu.memory_space<vmem>>, %arg11: memref<32x128xf32, #tpu.memory_space<vmem>>, %arg12: memref<10240x128xf32, #tpu.memory_space<vmem_shared>>, %arg13: memref<!tpu.dma_semaphore, #tpu.memory_space<semaphore_mem>>, %arg14: memref<!tpu.dma_semaphore, #tpu.memory_space<semaphore_mem>>, %arg15: memref<!tpu.dma_semaphore, #tpu.memory_space<semaphore_mem>>, %arg16: memref<!tpu.dma_semaphore, #tpu.memory_space<semaphore_mem>>) attributes {dimension_semantics = [#tpu.dimension_semantics<core_parallel>, #tpu.dimension_semantics<subcore_parallel>], iteration_bounds = array<i64: 2, 16>, scalar_prefetch = 0 : i64, scratch_operands = 11 : i64, tpu.core_type = #tpu.core_type<sc_vector_subcore>, window_params = [{transform_indices = #map}, {transform_indices = #map}, {transform_indices = #map}, {transform_indices = #map1}]} {
    %scan3A = arith.constant 0 : i32
    %scan3A_0 = arith.constant 0 : i32
    %scan3A_1 = arith.constant 32 : i32
    %scan3A_2 = arith.addi %scan3A_0, %scan3A_1 : i32
    %scan3A_3 = arith.constant 1 : i32
    %scan3A_4 = scf.for %scan3A_24 = %scan3A_0 to %scan3A_2 step %scan3A_3 iter_args(%scan3A_25 = %scan3A) -> (i32)  : i32 {
      %broadcast_in_dim3A = arith.constant 0.000000e+00 : f32
      %broadcast_in_dim3A_26 = vector.broadcast %broadcast_in_dim3A : f32 to vector<16xf32>
      %swap3A = arith.index_cast %scan3A_24 : i32 to index
      %swap3A_27 = arith.constant 0 : index
      %swap3A_28 = tpu.vector_load %arg11[%swap3A, %swap3A_27] {strides = array<i32>} : memref<32x128xf32, #tpu.memory_space<vmem>>, vector<1x16xf32>,
      %swap3A_29 = vector.shape_cast %swap3A_28 : vector<1x16xf32> to vector<16xf32>
      %swap3A_30 = vector.shape_cast %broadcast_in_dim3A_26 : vector<16xf32> to vector<1x16xf32>
      tpu.vector_store %arg11[%swap3A, %swap3A_27], %swap3A_30 {strides = array<i32>} : memref<32x128xf32, #tpu.memory_space<vmem>>, vector<1x16xf32>,
      %broadcast_in_dim3A_31 = arith.constant 0.000000e+00 : f32
      %broadcast_in_dim3A_32 = vector.broadcast %broadcast_in_dim3A_31 : f32 to vector<16xf32>
      %swap3A_33 = arith.index_cast %scan3A_24 : i32 to index
      %swap3A_34 = arith.constant 16 : index
      %swap3A_35 = tpu.vector_load %arg11[%swap3A_33, %swap3A_34] {strides = array<i32>} : memref<32x128xf32, #tpu.memory_space<vmem>>, vector<1x16xf32>,
      %swap3A_36 = vector.shape_cast %swap3A_35 : vector<1x16xf32> to vector<16xf32>
      %swap3A_37 = vector.shape_cast %broadcast_in_dim3A_32 : vector<16xf32> to vector<1x16xf32>
      tpu.vector_store %arg11[%swap3A_33, %swap3A_34], %swap3A_37 {strides = array<i32>} : memref<32x128xf32, #tpu.memory_space<vmem>>, vector<1x16xf32>,
      %broadcast_in_dim3A_38 = arith.constant 0.000000e+00 : f32
      %broadcast_in_dim3A_39 = vector.broadcast %broadcast_in_dim3A_38 : f32 to vector<16xf32>
      %swap3A_40 = arith.index_cast %scan3A_24 : i32 to index
      %swap3A_41 = arith.constant 32 : index
      %swap3A_42 = tpu.vector_load %arg11[%swap3A_40, %swap3A_41] {strides = array<i32>} : memref<32x128xf32, #tpu.memory_space<vmem>>, vector<1x16xf32>,
      %swap3A_43 = vector.shape_cast %swap3A_42 : vector<1x16xf32> to vector<16xf32>
      %swap3A_44 = vector.shape_cast %broadcast_in_dim3A_39 : vector<16xf32> to vector<1x16xf32>
      tpu.vector_store %arg11[%swap3A_40, %swap3A_41], %swap3A_44 {strides = array<i32>} : memref<32x128xf32, #tpu.memory_space<vmem>>, vector<1x16xf32>,
      %broadcast_in_dim3A_45 = arith.constant 0.000000e+00 : f32
      %broadcast_in_dim3A_46 = vector.broadcast %broadcast_in_dim3A_45 : f32 to vector<16xf32>
      %swap3A_47 = arith.index_cast %scan3A_24 : i32 to index
      %swap3A_48 = arith.constant 48 : index
      %swap3A_49 = tpu.vector_load %arg11[%swap3A_47, %swap3A_48] {strides = array<i32>} : memref<32x128xf32, #tpu.memory_space<vmem>>, vector<1x16xf32>,
      %swap3A_50 = vector.shape_cast %swap3A_49 : vector<1x16xf32> to vector<16xf32>
      %swap3A_51 = vector.shape_cast %broadcast_in_dim3A_46 : vector<16xf32> to vector<1x16xf32>
      tpu.vector_store %arg11[%swap3A_47, %swap3A_48], %swap3A_51 {strides = array<i32>} : memref<32x128xf32, #tpu.memory_space<vmem>>, vector<1x16xf32>,
      %broadcast_in_dim3A_52 = arith.constant 0.000000e+00 : f32
      %broadcast_in_dim3A_53 = vector.broadcast %broadcast_in_dim3A_52 : f32 to vector<16xf32>
      %swap3A_54 = arith.index_cast %scan3A_24 : i32 to index
      %swap3A_55 = arith.constant 64 : index
      %swap3A_56 = tpu.vector_load %arg11[%swap3A_54, %swap3A_55] {strides = array<i32>} : memref<32x128xf32, #tpu.memory_space<vmem>>, vector<1x16xf32>,
      %swap3A_57 = vector.shape_cast %swap3A_56 : vector<1x16xf32> to vector<16xf32>
      %swap3A_58 = vector.shape_cast %broadcast_in_dim3A_53 : vector<16xf32> to vector<1x16xf32>
      tpu.vector_store %arg11[%swap3A_54, %swap3A_55], %swap3A_58 {strides = array<i32>} : memref<32x128xf32, #tpu.memory_space<vmem>>, vector<1x16xf32>,
      %broadcast_in_dim3A_59 = arith.constant 0.000000e+00 : f32
      %broadcast_in_dim3A_60 = vector.broadcast %broadcast_in_dim3A_59 : f32 to vector<16xf32>
      %swap3A_61 = arith.index_cast %scan3A_24 : i32 to index
      %swap3A_62 = arith.constant 80 : index
      %swap3A_63 = tpu.vector_load %arg11[%swap3A_61, %swap3A_62] {strides = array<i32>} : memref<32x128xf32, #tpu.memory_space<vmem>>, vector<1x16xf32>,
      %swap3A_64 = vector.shape_cast %swap3A_63 : vector<1x16xf32> to vector<16xf32>
      %swap3A_65 = vector.shape_cast %broadcast_in_dim3A_60 : vector<16xf32> to vector<1x16xf32>
      tpu.vector_store %arg11[%swap3A_61, %swap3A_62], %swap3A_65 {strides = array<i32>} : memref<32x128xf32, #tpu.memory_space<vmem>>, vector<1x16xf32>,
      %broadcast_in_dim3A_66 = arith.constant 0.000000e+00 : f32
      %broadcast_in_dim3A_67 = vector.broadcast %broadcast_in_dim3A_66 : f32 to vector<16xf32>
      %swap3A_68 = arith.index_cast %scan3A_24 : i32 to index
      %swap3A_69 = arith.constant 96 : index
      %swap3A_70 = tpu.vector_load %arg11[%swap3A_68, %swap3A_69] {strides = array<i32>} : memref<32x128xf32, #tpu.memory_space<vmem>>, vector<1x16xf32>,
      %swap3A_71 = vector.shape_cast %swap3A_70 : vector<1x16xf32> to vector<16xf32>
      %swap3A_72 = vector.shape_cast %broadcast_in_dim3A_67 : vector<16xf32> to vector<1x16xf32>
      tpu.vector_store %arg11[%swap3A_68, %swap3A_69], %swap3A_72 {strides = array<i32>} : memref<32x128xf32, #tpu.memory_space<vmem>>, vector<1x16xf32>,
      %broadcast_in_dim3A_73 = arith.constant 0.000000e+00 : f32
      %broadcast_in_dim3A_74 = vector.broadcast %broadcast_in_dim3A_73 : f32 to vector<16xf32>
      %swap3A_75 = arith.index_cast %scan3A_24 : i32 to index
      %swap3A_76 = arith.constant 112 : index
      %swap3A_77 = tpu.vector_load %arg11[%swap3A_75, %swap3A_76] {strides = array<i32>} : memref<32x128xf32, #tpu.memory_space<vmem>>, vector<1x16xf32>,
      %swap3A_78 = vector.shape_cast %swap3A_77 : vector<1x16xf32> to vector<16xf32>
      %swap3A_79 = vector.shape_cast %broadcast_in_dim3A_74 : vector<16xf32> to vector<1x16xf32>
      tpu.vector_store %arg11[%swap3A_75, %swap3A_76], %swap3A_79 {strides = array<i32>} : memref<32x128xf32, #tpu.memory_space<vmem>>, vector<1x16xf32>,
      %scan3A_80 = arith.constant 0 : i32
      scf.yield %scan3A_80 : i32
    }
    %scan3A_5 = arith.constant 32 : i32
    %eq3A = arith.constant 0 : i32
    %eq3A_6 = arith.cmpi eq, %arg0, %eq3A : i32
    %jit3A = arith.constant 3 : i32
    %jit3A_7 = arith.constant 3 : i32
    %select_n3A = arith.select %eq3A_6, %jit3A, %jit3A_7 : i32
    %eq3A_8 = arith.constant 0 : i32
    %eq3A_9 = arith.cmpi eq, %arg0, %eq3A_8 : i32
    %jit3A_10 = arith.constant 0 : i32
    %jit3A_11 = arith.constant 3 : i32
    %select_n3A_12 = arith.select %eq3A_9, %jit3A_10, %jit3A_11 : i32
    %while3A = arith.constant 0 : i32
    %while3A_13 = arith.constant 0 : i32
    %while3A_14 = arith.subi %select_n3A, %while3A : i32
    %while3A_15 = arith.addi %while3A, %while3A_14 : i32
    %while3A_16 = arith.constant 1 : i32
    %while3A_17 = arith.divsi %while3A_14, %while3A_16 : i32
    %while3A_18 = arith.muli %while3A_17, %while3A_16 : i32
    %while3A_19 = arith.addi %while3A, %while3A_18 : i32
    %while3A_20 = arith.constant 1 : i32
    %while3A_21 = scf.for %while3A_24 = %while3A to %while3A_19 step %while3A_20 iter_args(%while3A_25 = %while3A_13) -> (i32)  : i32 {
      %add3A = arith.addi %select_n3A_12, %while3A_24 : i32
      %mul3A = arith.constant 10000 : i32
      %mul3A_26 = arith.muli %add3A, %mul3A : i32
      %scan3A_27 = arith.constant 0 : i32
      %scan3A_28 = arith.constant 0 : i32
      %scan3A_29 = arith.constant 20 : i32
      %scan3A_30 = arith.addi %scan3A_28, %scan3A_29 : i32
      %scan3A_31 = arith.constant 1 : i32
      %scan3A_32 = scf.for %scan3A_969 = %scan3A_28 to %scan3A_30 step %scan3A_31 iter_args(%scan3A_970 = %scan3A_27) -> (i32)  : i32 {
        %mul3A_971 = arith.constant 640 : i32
        %mul3A_972 = arith.muli %arg1, %mul3A_971 : i32
        %mul3A_973 = arith.constant 32 : i32
        %mul3A_974 = arith.muli %scan3A_969, %mul3A_973 : i32
        %add3A_975 = arith.addi %mul3A_972, %mul3A_974 : i32
        "tpu.region"() ({
          %run_scoped3A = tpu.sem_alloc : memref<!tpu.dma_semaphore, #tpu.memory_space<semaphore_mem>>
          %dma_start3A_977 = arith.constant 0 : i32
          %dma_start3A_978 = tpu.memref_slice %arg12[%add3A_975, %dma_start3A_977] : memref<10240x128xf32, #tpu.memory_space<vmem_shared>> -> memref<32x128xf32, #tpu.memory_space<vmem_shared>>
          %dma_start3A_979 = arith.constant 0 : i32
          %dma_start3A_980 = tpu.memref_slice %arg12[%add3A_975, %dma_start3A_979] : memref<10240x128xf32, #tpu.memory_space<vmem_shared>> -> memref<32x128xf32, #tpu.memory_space<vmem_shared>>
          tpu.enqueue_dma source(%arg11 : memref<32x128xf32, #tpu.memory_space<vmem>>) target(%dma_start3A_980 : memref<32x128xf32, #tpu.memory_space<vmem_shared>>) target_semaphore(%run_scoped3A : memref<!tpu.dma_semaphore, #tpu.memory_space<semaphore_mem>>)
          %dma_wait3A = arith.constant 0 : i32
          %dma_wait3A_981 = tpu.memref_slice %arg12[%add3A_975, %dma_wait3A] : memref<10240x128xf32, #tpu.memory_space<vmem_shared>> -> memref<32x128xf32, #tpu.memory_space<vmem_shared>>
          %dma_wait3A_982 = arith.constant 0 : i32
          %dma_wait3A_983 = tpu.memref_slice %arg12[%add3A_975, %dma_wait3A_982] : memref<10240x128xf32, #tpu.memory_space<vmem_shared>> -> memref<32x128xf32, #tpu.memory_space<vmem_shared>>
          tpu.wait_dma2 semaphore(%run_scoped3A : memref<!tpu.dma_semaphore, #tpu.memory_space<semaphore_mem>>) src(%arg11 : memref<32x128xf32, #tpu.memory_space<vmem>>) dst(%dma_wait3A_983 : memref<32x128xf32, #tpu.memory_space<vmem_shared>>)
          tpu.yield
        }) : () -> ()
        %scan3A_976 = arith.constant 0 : i32
        scf.yield %scan3A_976 : i32
      }
      %scan3A_33 = arith.constant 20 : i32
      %barrier3A = arith.constant 0 : index
      tpu.barrier barrier_id(%barrier3A)
      %mul3A_34 = arith.constant 160 : i32
      %mul3A_35 = arith.muli %arg1, %mul3A_34 : i32
      %add3A_36 = arith.constant 0 : i32
      %add3A_37 = arith.addi %mul3A_35, %add3A_36 : i32
      "tpu.region"() ({
        %run_scoped3A = tpu.sem_alloc : memref<!tpu.dma_semaphore, #tpu.memory_space<semaphore_mem>>
        %dma_start3A_969 = arith.constant 0 : i32
        %dma_start3A_970 = tpu.memref_slice %arg3[%add3A_37, %dma_start3A_969] : memref<2560x128xi32, #tpu.memory_space<hbm>> -> memref<40x128xi32, #tpu.memory_space<hbm>>
        %dma_start3A_971 = arith.constant 0 : i32
        %dma_start3A_972 = tpu.memref_slice %arg3[%add3A_37, %dma_start3A_971] : memref<2560x128xi32, #tpu.memory_space<hbm>> -> memref<40x128xi32, #tpu.memory_space<hbm>>
        tpu.enqueue_dma source(%dma_start3A_972 : memref<40x128xi32, #tpu.memory_space<hbm>>) target(%arg6 : memref<40x128xi32, #tpu.memory_space<vmem>>) target_semaphore(%run_scoped3A : memref<!tpu.dma_semaphore, #tpu.memory_space<semaphore_mem>>)
        %dma_wait3A = arith.constant 0 : i32
        %dma_wait3A_973 = tpu.memref_slice %arg3[%add3A_37, %dma_wait3A] : memref<2560x128xi32, #tpu.memory_space<hbm>> -> memref<40x128xi32, #tpu.memory_space<hbm>>
        %dma_wait3A_974 = arith.constant 0 : i32
        %dma_wait3A_975 = tpu.memref_slice %arg3[%add3A_37, %dma_wait3A_974] : memref<2560x128xi32, #tpu.memory_space<hbm>> -> memref<40x128xi32, #tpu.memory_space<hbm>>
        tpu.wait_dma2 semaphore(%run_scoped3A : memref<!tpu.dma_semaphore, #tpu.memory_space<semaphore_mem>>) src(%dma_wait3A_975 : memref<40x128xi32, #tpu.memory_space<hbm>>) dst(%arg6 : memref<40x128xi32, #tpu.memory_space<vmem>>)
        tpu.yield
      }) : () -> ()
      "tpu.region"() ({
        %run_scoped3A = tpu.sem_alloc : memref<!tpu.dma_semaphore, #tpu.memory_space<semaphore_mem>>
        %dma_start3A_969 = arith.constant 0 : i32
        %dma_start3A_970 = tpu.memref_slice %arg4[%add3A_37, %dma_start3A_969] : memref<2560x128xi32, #tpu.memory_space<hbm>> -> memref<40x128xi32, #tpu.memory_space<hbm>>
        %dma_start3A_971 = arith.constant 0 : i32
        %dma_start3A_972 = tpu.memref_slice %arg4[%add3A_37, %dma_start3A_971] : memref<2560x128xi32, #tpu.memory_space<hbm>> -> memref<40x128xi32, #tpu.memory_space<hbm>>
        tpu.enqueue_dma source(%dma_start3A_972 : memref<40x128xi32, #tpu.memory_space<hbm>>) target(%arg7 : memref<40x128xi32, #tpu.memory_space<vmem>>) target_semaphore(%run_scoped3A : memref<!tpu.dma_semaphore, #tpu.memory_space<semaphore_mem>>)
        %dma_wait3A = arith.constant 0 : i32
        %dma_wait3A_973 = tpu.memref_slice %arg4[%add3A_37, %dma_wait3A] : memref<2560x128xi32, #tpu.memory_space<hbm>> -> memref<40x128xi32, #tpu.memory_space<hbm>>
        %dma_wait3A_974 = arith.constant 0 : i32
        %dma_wait3A_975 = tpu.memref_slice %arg4[%add3A_37, %dma_wait3A_974] : memref<2560x128xi32, #tpu.memory_space<hbm>> -> memref<40x128xi32, #tpu.memory_space<hbm>>
        tpu.wait_dma2 semaphore(%run_scoped3A : memref<!tpu.dma_semaphore, #tpu.memory_space<semaphore_mem>>) src(%dma_wait3A_975 : memref<40x128xi32, #tpu.memory_space<hbm>>) dst(%arg7 : memref<40x128xi32, #tpu.memory_space<vmem>>)
        tpu.yield
      }) : () -> ()
      %get3A = arith.constant 0 : i32
      %get3A_38 = arith.index_cast %get3A : i32 to index
      %get3A_39 = arith.constant 0 : index
      %get3A_40 = tpu.vector_load %arg6[%get3A_38, %get3A_39] {strides = array<i32>} : memref<40x128xi32, #tpu.memory_space<vmem>>, vector<1x16xi32>,
      %get3A_41 = vector.shape_cast %get3A_40 : vector<1x16xi32> to vector<16xi32>
      %add3A_42 = vector.broadcast %mul3A_26 : i32 to vector<16xi32>
      %add3A_43 = arith.addi %get3A_41, %add3A_42 : vector<16xi32>
      %swap3A = arith.constant 0 : i32
      %swap3A_44 = arith.index_cast %swap3A : i32 to index
      %swap3A_45 = arith.constant 0 : index
      %swap3A_46 = tpu.vector_load %arg8[%swap3A_44, %swap3A_45] {strides = array<i32>} : memref<2x128xi32, #tpu.memory_space<vmem>>, vector<1x16xi32>,
      %swap3A_47 = vector.shape_cast %swap3A_46 : vector<1x16xi32> to vector<16xi32>
      %swap3A_48 = vector.shape_cast %add3A_43 : vector<16xi32> to vector<1x16xi32>
      tpu.vector_store %arg8[%swap3A_44, %swap3A_45], %swap3A_48 {strides = array<i32>} : memref<2x128xi32, #tpu.memory_space<vmem>>, vector<1x16xi32>,
      %get3A_49 = arith.constant 0 : i32
      %get3A_50 = arith.index_cast %get3A_49 : i32 to index
      %get3A_51 = arith.constant 16 : index
      %get3A_52 = tpu.vector_load %arg6[%get3A_50, %get3A_51] {strides = array<i32>} : memref<40x128xi32, #tpu.memory_space<vmem>>, vector<1x16xi32>,
      %get3A_53 = vector.shape_cast %get3A_52 : vector<1x16xi32> to vector<16xi32>
      %add3A_54 = vector.broadcast %mul3A_26 : i32 to vector<16xi32>
      %add3A_55 = arith.addi %get3A_53, %add3A_54 : vector<16xi32>
      %swap3A_56 = arith.constant 0 : i32
      %swap3A_57 = arith.index_cast %swap3A_56 : i32 to index
      %swap3A_58 = arith.constant 16 : index
      %swap3A_59 = tpu.vector_load %arg8[%swap3A_57, %swap3A_58] {strides = array<i32>} : memref<2x128xi32, #tpu.memory_space<vmem>>, vector<1x16xi32>,
      %swap3A_60 = vector.shape_cast %swap3A_59 : vector<1x16xi32> to vector<16xi32>
      %swap3A_61 = vector.shape_cast %add3A_55 : vector<16xi32> to vector<1x16xi32>
      tpu.vector_store %arg8[%swap3A_57, %swap3A_58], %swap3A_61 {strides = array<i32>} : memref<2x128xi32, #tpu.memory_space<vmem>>, vector<1x16xi32>,
      %get3A_62 = arith.constant 0 : i32
      %get3A_63 = arith.index_cast %get3A_62 : i32 to index
      %get3A_64 = arith.constant 32 : index
      %get3A_65 = tpu.vector_load %arg6[%get3A_63, %get3A_64] {strides = array<i32>} : memref<40x128xi32, #tpu.memory_space<vmem>>, vector<1x16xi32>,
      %get3A_66 = vector.shape_cast %get3A_65 : vector<1x16xi32> to vector<16xi32>
      %add3A_67 = vector.broadcast %mul3A_26 : i32 to vector<16xi32>
      %add3A_68 = arith.addi %get3A_66, %add3A_67 : vector<16xi32>
      %swap3A_69 = arith.constant 0 : i32
      %swap3A_70 = arith.index_cast %swap3A_69 : i32 to index
      %swap3A_71 = arith.constant 32 : index
      %swap3A_72 = tpu.vector_load %arg8[%swap3A_70, %swap3A_71] {strides = array<i32>} : memref<2x128xi32, #tpu.memory_space<vmem>>, vector<1x16xi32>,
      %swap3A_73 = vector.shape_cast %swap3A_72 : vector<1x16xi32> to vector<16xi32>
      %swap3A_74 = vector.shape_cast %add3A_68 : vector<16xi32> to vector<1x16xi32>
      tpu.vector_store %arg8[%swap3A_70, %swap3A_71], %swap3A_74 {strides = array<i32>} : memref<2x128xi32, #tpu.memory_space<vmem>>, vector<1x16xi32>,
      %get3A_75 = arith.constant 0 : i32
      %get3A_76 = arith.index_cast %get3A_75 : i32 to index
      %get3A_77 = arith.constant 48 : index
      %get3A_78 = tpu.vector_load %arg6[%get3A_76, %get3A_77] {strides = array<i32>} : memref<40x128xi32, #tpu.memory_space<vmem>>, vector<1x16xi32>,
      %get3A_79 = vector.shape_cast %get3A_78 : vector<1x16xi32> to vector<16xi32>
      %add3A_80 = vector.broadcast %mul3A_26 : i32 to vector<16xi32>
      %add3A_81 = arith.addi %get3A_79, %add3A_80 : vector<16xi32>
      %swap3A_82 = arith.constant 0 : i32
      %swap3A_83 = arith.index_cast %swap3A_82 : i32 to index
      %swap3A_84 = arith.constant 48 : index
      %swap3A_85 = tpu.vector_load %arg8[%swap3A_83, %swap3A_84] {strides = array<i32>} : memref<2x128xi32, #tpu.memory_space<vmem>>, vector<1x16xi32>,
      %swap3A_86 = vector.shape_cast %swap3A_85 : vector<1x16xi32> to vector<16xi32>
      %swap3A_87 = vector.shape_cast %add3A_81 : vector<16xi32> to vector<1x16xi32>
      tpu.vector_store %arg8[%swap3A_83, %swap3A_84], %swap3A_87 {strides = array<i32>} : memref<2x128xi32, #tpu.memory_space<vmem>>, vector<1x16xi32>,
      %get3A_88 = arith.constant 0 : i32
      %get3A_89 = arith.index_cast %get3A_88 : i32 to index
      %get3A_90 = arith.constant 64 : index
      %get3A_91 = tpu.vector_load %arg6[%get3A_89, %get3A_90] {strides = array<i32>} : memref<40x128xi32, #tpu.memory_space<vmem>>, vector<1x16xi32>,
      %get3A_92 = vector.shape_cast %get3A_91 : vector<1x16xi32> to vector<16xi32>
      %add3A_93 = vector.broadcast %mul3A_26 : i32 to vector<16xi32>
      %add3A_94 = arith.addi %get3A_92, %add3A_93 : vector<16xi32>
      %swap3A_95 = arith.constant 0 : i32
      %swap3A_96 = arith.index_cast %swap3A_95 : i32 to index
      %swap3A_97 = arith.constant 64 : index
      %swap3A_98 = tpu.vector_load %arg8[%swap3A_96, %swap3A_97] {strides = array<i32>} : memref<2x128xi32, #tpu.memory_space<vmem>>, vector<1x16xi32>,
      %swap3A_99 = vector.shape_cast %swap3A_98 : vector<1x16xi32> to vector<16xi32>
      %swap3A_100 = vector.shape_cast %add3A_94 : vector<16xi32> to vector<1x16xi32>
      tpu.vector_store %arg8[%swap3A_96, %swap3A_97], %swap3A_100 {strides = array<i32>} : memref<2x128xi32, #tpu.memory_space<vmem>>, vector<1x16xi32>,
      %get3A_101 = arith.constant 0 : i32
      %get3A_102 = arith.index_cast %get3A_101 : i32 to index
      %get3A_103 = arith.constant 80 : index
      %get3A_104 = tpu.vector_load %arg6[%get3A_102, %get3A_103] {strides = array<i32>} : memref<40x128xi32, #tpu.memory_space<vmem>>, vector<1x16xi32>,
      %get3A_105 = vector.shape_cast %get3A_104 : vector<1x16xi32> to vector<16xi32>
      %add3A_106 = vector.broadcast %mul3A_26 : i32 to vector<16xi32>
      %add3A_107 = arith.addi %get3A_105, %add3A_106 : vector<16xi32>
      %swap3A_108 = arith.constant 0 : i32
      %swap3A_109 = arith.index_cast %swap3A_108 : i32 to index
      %swap3A_110 = arith.constant 80 : index
      %swap3A_111 = tpu.vector_load %arg8[%swap3A_109, %swap3A_110] {strides = array<i32>} : memref<2x128xi32, #tpu.memory_space<vmem>>, vector<1x16xi32>,
      %swap3A_112 = vector.shape_cast %swap3A_111 : vector<1x16xi32> to vector<16xi32>
      %swap3A_113 = vector.shape_cast %add3A_107 : vector<16xi32> to vector<1x16xi32>
      tpu.vector_store %arg8[%swap3A_109, %swap3A_110], %swap3A_113 {strides = array<i32>} : memref<2x128xi32, #tpu.memory_space<vmem>>, vector<1x16xi32>,
      %get3A_114 = arith.constant 0 : i32
      %get3A_115 = arith.index_cast %get3A_114 : i32 to index
      %get3A_116 = arith.constant 96 : index
      %get3A_117 = tpu.vector_load %arg6[%get3A_115, %get3A_116] {strides = array<i32>} : memref<40x128xi32, #tpu.memory_space<vmem>>, vector<1x16xi32>,
      %get3A_118 = vector.shape_cast %get3A_117 : vector<1x16xi32> to vector<16xi32>
      %add3A_119 = vector.broadcast %mul3A_26 : i32 to vector<16xi32>
      %add3A_120 = arith.addi %get3A_118, %add3A_119 : vector<16xi32>
      %swap3A_121 = arith.constant 0 : i32
      %swap3A_122 = arith.index_cast %swap3A_121 : i32 to index
      %swap3A_123 = arith.constant 96 : index
      %swap3A_124 = tpu.vector_load %arg8[%swap3A_122, %swap3A_123] {strides = array<i32>} : memref<2x128xi32, #tpu.memory_space<vmem>>, vector<1x16xi32>,
      %swap3A_125 = vector.shape_cast %swap3A_124 : vector<1x16xi32> to vector<16xi32>
      %swap3A_126 = vector.shape_cast %add3A_120 : vector<16xi32> to vector<1x16xi32>
      tpu.vector_store %arg8[%swap3A_122, %swap3A_123], %swap3A_126 {strides = array<i32>} : memref<2x128xi32, #tpu.memory_space<vmem>>, vector<1x16xi32>,
      %get3A_127 = arith.constant 0 : i32
      %get3A_128 = arith.index_cast %get3A_127 : i32 to index
      %get3A_129 = arith.constant 112 : index
      %get3A_130 = tpu.vector_load %arg6[%get3A_128, %get3A_129] {strides = array<i32>} : memref<40x128xi32, #tpu.memory_space<vmem>>, vector<1x16xi32>,
      %get3A_131 = vector.shape_cast %get3A_130 : vector<1x16xi32> to vector<16xi32>
      %add3A_132 = vector.broadcast %mul3A_26 : i32 to vector<16xi32>
      %add3A_133 = arith.addi %get3A_131, %add3A_132 : vector<16xi32>
      %swap3A_134 = arith.constant 0 : i32
      %swap3A_135 = arith.index_cast %swap3A_134 : i32 to index
      %swap3A_136 = arith.constant 112 : index
      %swap3A_137 = tpu.vector_load %arg8[%swap3A_135, %swap3A_136] {strides = array<i32>} : memref<2x128xi32, #tpu.memory_space<vmem>>, vector<1x16xi32>,
      %swap3A_138 = vector.shape_cast %swap3A_137 : vector<1x16xi32> to vector<16xi32>
      %swap3A_139 = vector.shape_cast %add3A_133 : vector<16xi32> to vector<1x16xi32>
      tpu.vector_store %arg8[%swap3A_135, %swap3A_136], %swap3A_139 {strides = array<i32>} : memref<2x128xi32, #tpu.memory_space<vmem>>, vector<1x16xi32>,
      %dma_start3A = arith.constant 0 : i32
      %dma_start3A_140 = arith.constant 0 : i32
      %dma_start3A_141 = tpu.memref_slice %arg8[%dma_start3A, %dma_start3A_140] : memref<2x128xi32, #tpu.memory_space<vmem>> -> memref<1x128xi32, #tpu.memory_space<vmem>>
      %dma_start3A_142 = tpu.memref_squeeze %dma_start3A_141 : memref<1x128xi32, #tpu.memory_space<vmem>> -> memref<128xi32, #tpu.memory_space<vmem>>
      %dma_start3A_143 = arith.constant 0 : i32
      %dma_start3A_144 = arith.constant 0 : i32
      %dma_start3A_145 = tpu.memref_slice %arg2[%dma_start3A_143, %dma_start3A_144] : memref<60000x128xf32, #tpu.memory_space<hbm>> -> memref<60000x128xf32, #tpu.memory_space<hbm>>
      tpu.enqueue_indirect_dma source(%dma_start3A_145 : memref<60000x128xf32, #tpu.memory_space<hbm>>) target(%arg9 : memref<128x128xf32, #tpu.memory_space<vmem>>) offsets(%dma_start3A_142 : memref<128xi32, #tpu.memory_space<vmem>>) semaphore(%arg13 : memref<!tpu.dma_semaphore, #tpu.memory_space<semaphore_mem>>)
      %get3A_146 = arith.constant 1 : i32
      %get3A_147 = arith.index_cast %get3A_146 : i32 to index
      %get3A_148 = arith.constant 0 : index
      %get3A_149 = tpu.vector_load %arg6[%get3A_147, %get3A_148] {strides = array<i32>} : memref<40x128xi32, #tpu.memory_space<vmem>>, vector<1x16xi32>,
      %get3A_150 = vector.shape_cast %get3A_149 : vector<1x16xi32> to vector<16xi32>
      %add3A_151 = vector.broadcast %mul3A_26 : i32 to vector<16xi32>
      %add3A_152 = arith.addi %get3A_150, %add3A_151 : vector<16xi32>
      %swap3A_153 = arith.constant 1 : i32
      %swap3A_154 = arith.index_cast %swap3A_153 : i32 to index
      %swap3A_155 = arith.constant 0 : index
      %swap3A_156 = tpu.vector_load %arg8[%swap3A_154, %swap3A_155] {strides = array<i32>} : memref<2x128xi32, #tpu.memory_space<vmem>>, vector<1x16xi32>,
      %swap3A_157 = vector.shape_cast %swap3A_156 : vector<1x16xi32> to vector<16xi32>
      %swap3A_158 = vector.shape_cast %add3A_152 : vector<16xi32> to vector<1x16xi32>
      tpu.vector_store %arg8[%swap3A_154, %swap3A_155], %swap3A_158 {strides = array<i32>} : memref<2x128xi32, #tpu.memory_space<vmem>>, vector<1x16xi32>,
      %get3A_159 = arith.constant 1 : i32
      %get3A_160 = arith.index_cast %get3A_159 : i32 to index
      %get3A_161 = arith.constant 16 : index
      %get3A_162 = tpu.vector_load %arg6[%get3A_160, %get3A_161] {strides = array<i32>} : memref<40x128xi32, #tpu.memory_space<vmem>>, vector<1x16xi32>,
      %get3A_163 = vector.shape_cast %get3A_162 : vector<1x16xi32> to vector<16xi32>
      %add3A_164 = vector.broadcast %mul3A_26 : i32 to vector<16xi32>
      %add3A_165 = arith.addi %get3A_163, %add3A_164 : vector<16xi32>
      %swap3A_166 = arith.constant 1 : i32
      %swap3A_167 = arith.index_cast %swap3A_166 : i32 to index
      %swap3A_168 = arith.constant 16 : index
      %swap3A_169 = tpu.vector_load %arg8[%swap3A_167, %swap3A_168] {strides = array<i32>} : memref<2x128xi32, #tpu.memory_space<vmem>>, vector<1x16xi32>,
      %swap3A_170 = vector.shape_cast %swap3A_169 : vector<1x16xi32> to vector<16xi32>
      %swap3A_171 = vector.shape_cast %add3A_165 : vector<16xi32> to vector<1x16xi32>
      tpu.vector_store %arg8[%swap3A_167, %swap3A_168], %swap3A_171 {strides = array<i32>} : memref<2x128xi32, #tpu.memory_space<vmem>>, vector<1x16xi32>,
      %get3A_172 = arith.constant 1 : i32
      %get3A_173 = arith.index_cast %get3A_172 : i32 to index
      %get3A_174 = arith.constant 32 : index
      %get3A_175 = tpu.vector_load %arg6[%get3A_173, %get3A_174] {strides = array<i32>} : memref<40x128xi32, #tpu.memory_space<vmem>>, vector<1x16xi32>,
      %get3A_176 = vector.shape_cast %get3A_175 : vector<1x16xi32> to vector<16xi32>
      %add3A_177 = vector.broadcast %mul3A_26 : i32 to vector<16xi32>
      %add3A_178 = arith.addi %get3A_176, %add3A_177 : vector<16xi32>
      %swap3A_179 = arith.constant 1 : i32
      %swap3A_180 = arith.index_cast %swap3A_179 : i32 to index
      %swap3A_181 = arith.constant 32 : index
      %swap3A_182 = tpu.vector_load %arg8[%swap3A_180, %swap3A_181] {strides = array<i32>} : memref<2x128xi32, #tpu.memory_space<vmem>>, vector<1x16xi32>,
      %swap3A_183 = vector.shape_cast %swap3A_182 : vector<1x16xi32> to vector<16xi32>
      %swap3A_184 = vector.shape_cast %add3A_178 : vector<16xi32> to vector<1x16xi32>
      tpu.vector_store %arg8[%swap3A_180, %swap3A_181], %swap3A_184 {strides = array<i32>} : memref<2x128xi32, #tpu.memory_space<vmem>>, vector<1x16xi32>,
      %get3A_185 = arith.constant 1 : i32
      %get3A_186 = arith.index_cast %get3A_185 : i32 to index
      %get3A_187 = arith.constant 48 : index
      %get3A_188 = tpu.vector_load %arg6[%get3A_186, %get3A_187] {strides = array<i32>} : memref<40x128xi32, #tpu.memory_space<vmem>>, vector<1x16xi32>,
      %get3A_189 = vector.shape_cast %get3A_188 : vector<1x16xi32> to vector<16xi32>
      %add3A_190 = vector.broadcast %mul3A_26 : i32 to vector<16xi32>
      %add3A_191 = arith.addi %get3A_189, %add3A_190 : vector<16xi32>
      %swap3A_192 = arith.constant 1 : i32
      %swap3A_193 = arith.index_cast %swap3A_192 : i32 to index
      %swap3A_194 = arith.constant 48 : index
      %swap3A_195 = tpu.vector_load %arg8[%swap3A_193, %swap3A_194] {strides = array<i32>} : memref<2x128xi32, #tpu.memory_space<vmem>>, vector<1x16xi32>,
      %swap3A_196 = vector.shape_cast %swap3A_195 : vector<1x16xi32> to vector<16xi32>
      %swap3A_197 = vector.shape_cast %add3A_191 : vector<16xi32> to vector<1x16xi32>
      tpu.vector_store %arg8[%swap3A_193, %swap3A_194], %swap3A_197 {strides = array<i32>} : memref<2x128xi32, #tpu.memory_space<vmem>>, vector<1x16xi32>,
      %get3A_198 = arith.constant 1 : i32
      %get3A_199 = arith.index_cast %get3A_198 : i32 to index
      %get3A_200 = arith.constant 64 : index
      %get3A_201 = tpu.vector_load %arg6[%get3A_199, %get3A_200] {strides = array<i32>} : memref<40x128xi32, #tpu.memory_space<vmem>>, vector<1x16xi32>,
      %get3A_202 = vector.shape_cast %get3A_201 : vector<1x16xi32> to vector<16xi32>
      %add3A_203 = vector.broadcast %mul3A_26 : i32 to vector<16xi32>
      %add3A_204 = arith.addi %get3A_202, %add3A_203 : vector<16xi32>
      %swap3A_205 = arith.constant 1 : i32
      %swap3A_206 = arith.index_cast %swap3A_205 : i32 to index
      %swap3A_207 = arith.constant 64 : index
      %swap3A_208 = tpu.vector_load %arg8[%swap3A_206, %swap3A_207] {strides = array<i32>} : memref<2x128xi32, #tpu.memory_space<vmem>>, vector<1x16xi32>,
      %swap3A_209 = vector.shape_cast %swap3A_208 : vector<1x16xi32> to vector<16xi32>
      %swap3A_210 = vector.shape_cast %add3A_204 : vector<16xi32> to vector<1x16xi32>
      tpu.vector_store %arg8[%swap3A_206, %swap3A_207], %swap3A_210 {strides = array<i32>} : memref<2x128xi32, #tpu.memory_space<vmem>>, vector<1x16xi32>,
      %get3A_211 = arith.constant 1 : i32
      %get3A_212 = arith.index_cast %get3A_211 : i32 to index
      %get3A_213 = arith.constant 80 : index
      %get3A_214 = tpu.vector_load %arg6[%get3A_212, %get3A_213] {strides = array<i32>} : memref<40x128xi32, #tpu.memory_space<vmem>>, vector<1x16xi32>,
      %get3A_215 = vector.shape_cast %get3A_214 : vector<1x16xi32> to vector<16xi32>
      %add3A_216 = vector.broadcast %mul3A_26 : i32 to vector<16xi32>
      %add3A_217 = arith.addi %get3A_215, %add3A_216 : vector<16xi32>
      %swap3A_218 = arith.constant 1 : i32
      %swap3A_219 = arith.index_cast %swap3A_218 : i32 to index
      %swap3A_220 = arith.constant 80 : index
      %swap3A_221 = tpu.vector_load %arg8[%swap3A_219, %swap3A_220] {strides = array<i32>} : memref<2x128xi32, #tpu.memory_space<vmem>>, vector<1x16xi32>,
      %swap3A_222 = vector.shape_cast %swap3A_221 : vector<1x16xi32> to vector<16xi32>
      %swap3A_223 = vector.shape_cast %add3A_217 : vector<16xi32> to vector<1x16xi32>
      tpu.vector_store %arg8[%swap3A_219, %swap3A_220], %swap3A_223 {strides = array<i32>} : memref<2x128xi32, #tpu.memory_space<vmem>>, vector<1x16xi32>,
      %get3A_224 = arith.constant 1 : i32
      %get3A_225 = arith.index_cast %get3A_224 : i32 to index
      %get3A_226 = arith.constant 96 : index
      %get3A_227 = tpu.vector_load %arg6[%get3A_225, %get3A_226] {strides = array<i32>} : memref<40x128xi32, #tpu.memory_space<vmem>>, vector<1x16xi32>,
      %get3A_228 = vector.shape_cast %get3A_227 : vector<1x16xi32> to vector<16xi32>
      %add3A_229 = vector.broadcast %mul3A_26 : i32 to vector<16xi32>
      %add3A_230 = arith.addi %get3A_228, %add3A_229 : vector<16xi32>
      %swap3A_231 = arith.constant 1 : i32
      %swap3A_232 = arith.index_cast %swap3A_231 : i32 to index
      %swap3A_233 = arith.constant 96 : index
      %swap3A_234 = tpu.vector_load %arg8[%swap3A_232, %swap3A_233] {strides = array<i32>} : memref<2x128xi32, #tpu.memory_space<vmem>>, vector<1x16xi32>,
      %swap3A_235 = vector.shape_cast %swap3A_234 : vector<1x16xi32> to vector<16xi32>
      %swap3A_236 = vector.shape_cast %add3A_230 : vector<16xi32> to vector<1x16xi32>
      tpu.vector_store %arg8[%swap3A_232, %swap3A_233], %swap3A_236 {strides = array<i32>} : memref<2x128xi32, #tpu.memory_space<vmem>>, vector<1x16xi32>,
      %get3A_237 = arith.constant 1 : i32
      %get3A_238 = arith.index_cast %get3A_237 : i32 to index
      %get3A_239 = arith.constant 112 : index
      %get3A_240 = tpu.vector_load %arg6[%get3A_238, %get3A_239] {strides = array<i32>} : memref<40x128xi32, #tpu.memory_space<vmem>>, vector<1x16xi32>,
      %get3A_241 = vector.shape_cast %get3A_240 : vector<1x16xi32> to vector<16xi32>
      %add3A_242 = vector.broadcast %mul3A_26 : i32 to vector<16xi32>
      %add3A_243 = arith.addi %get3A_241, %add3A_242 : vector<16xi32>
      %swap3A_244 = arith.constant 1 : i32
      %swap3A_245 = arith.index_cast %swap3A_244 : i32 to index
      %swap3A_246 = arith.constant 112 : index
      %swap3A_247 = tpu.vector_load %arg8[%swap3A_245, %swap3A_246] {strides = array<i32>} : memref<2x128xi32, #tpu.memory_space<vmem>>, vector<1x16xi32>,
      %swap3A_248 = vector.shape_cast %swap3A_247 : vector<1x16xi32> to vector<16xi32>
      %swap3A_249 = vector.shape_cast %add3A_243 : vector<16xi32> to vector<1x16xi32>
      tpu.vector_store %arg8[%swap3A_245, %swap3A_246], %swap3A_249 {strides = array<i32>} : memref<2x128xi32, #tpu.memory_space<vmem>>, vector<1x16xi32>,
      %dma_start3A_250 = arith.constant 1 : i32
      %dma_start3A_251 = arith.constant 0 : i32
      %dma_start3A_252 = tpu.memref_slice %arg8[%dma_start3A_250, %dma_start3A_251] : memref<2x128xi32, #tpu.memory_space<vmem>> -> memref<1x128xi32, #tpu.memory_space<vmem>>
      %dma_start3A_253 = tpu.memref_squeeze %dma_start3A_252 : memref<1x128xi32, #tpu.memory_space<vmem>> -> memref<128xi32, #tpu.memory_space<vmem>>
      %dma_start3A_254 = arith.constant 0 : i32
      %dma_start3A_255 = arith.constant 0 : i32
      %dma_start3A_256 = tpu.memref_slice %arg2[%dma_start3A_254, %dma_start3A_255] : memref<60000x128xf32, #tpu.memory_space<hbm>> -> memref<60000x128xf32, #tpu.memory_space<hbm>>
      tpu.enqueue_indirect_dma source(%dma_start3A_256 : memref<60000x128xf32, #tpu.memory_space<hbm>>) target(%arg10 : memref<128x128xf32, #tpu.memory_space<vmem>>) offsets(%dma_start3A_253 : memref<128xi32, #tpu.memory_space<vmem>>) semaphore(%arg14 : memref<!tpu.dma_semaphore, #tpu.memory_space<semaphore_mem>>)
      %scan3A_257 = arith.constant 0 : i32
      %scan3A_258 = arith.constant 0 : i32
      %scan3A_259 = arith.constant 20 : i32
      %scan3A_260 = arith.addi %scan3A_258, %scan3A_259 : i32
      %scan3A_261 = arith.constant 1 : i32
      %scan3A_262 = scf.for %scan3A_969 = %scan3A_258 to %scan3A_260 step %scan3A_261 iter_args(%scan3A_970 = %scan3A_257) -> (i32)  : i32 {
        %mul3A_971 = arith.constant 2 : i32
        %mul3A_972 = arith.muli %mul3A_971, %scan3A_969 : i32
        %add3A_973 = arith.constant 0 : i32
        %add3A_974 = arith.addi %mul3A_972, %add3A_973 : i32
        %dma_wait3A = arith.constant 0 : i32
        %dma_wait3A_975 = arith.constant 0 : i32
        %dma_wait3A_976 = tpu.memref_slice %arg8[%dma_wait3A, %dma_wait3A_975] : memref<2x128xi32, #tpu.memory_space<vmem>> -> memref<1x128xi32, #tpu.memory_space<vmem>>
        %dma_wait3A_977 = tpu.memref_squeeze %dma_wait3A_976 : memref<1x128xi32, #tpu.memory_space<vmem>> -> memref<128xi32, #tpu.memory_space<vmem>>
        %dma_wait3A_978 = arith.constant 0 : i32
        %dma_wait3A_979 = arith.constant 0 : i32
        %dma_wait3A_980 = tpu.memref_slice %arg2[%dma_wait3A_978, %dma_wait3A_979] : memref<60000x128xf32, #tpu.memory_space<hbm>> -> memref<60000x128xf32, #tpu.memory_space<hbm>>
        tpu.wait_indirect_dma semaphore(%arg13 : memref<!tpu.dma_semaphore, #tpu.memory_space<semaphore_mem>>) src(%dma_wait3A_980 : memref<60000x128xf32, #tpu.memory_space<hbm>>) dst(%arg9 : memref<128x128xf32, #tpu.memory_space<vmem>>)
        %dma_start3A_981 = arith.constant 0 : i32
        %dma_start3A_982 = tpu.memref_slice %arg7[%add3A_974, %dma_start3A_981] : memref<40x128xi32, #tpu.memory_space<vmem>> -> memref<1x128xi32, #tpu.memory_space<vmem>>
        %dma_start3A_983 = tpu.memref_squeeze %dma_start3A_982 : memref<1x128xi32, #tpu.memory_space<vmem>> -> memref<128xi32, #tpu.memory_space<vmem>>
        %dma_start3A_984 = arith.constant 0 : i32
        %dma_start3A_985 = arith.constant 0 : i32
        %dma_start3A_986 = tpu.memref_slice %arg12[%dma_start3A_984, %dma_start3A_985] : memref<10240x128xf32, #tpu.memory_space<vmem_shared>> -> memref<10240x128xf32, #tpu.memory_space<vmem_shared>>
        tpu.enqueue_indirect_dma source(%arg9 : memref<128x128xf32, #tpu.memory_space<vmem>>) target(%dma_start3A_986 : memref<10240x128xf32, #tpu.memory_space<vmem_shared>>) offsets(%dma_start3A_983 : memref<128xi32, #tpu.memory_space<vmem>>) semaphore(%arg15 : memref<!tpu.dma_semaphore, #tpu.memory_space<semaphore_mem>>) {add = true}
        %add3A_987 = arith.constant 2 : i32
        %add3A_988 = arith.addi %add3A_974, %add3A_987 : i32
        %lt3A = arith.constant 40 : i32
        %lt3A_989 = arith.cmpi slt, %add3A_988, %lt3A : i32
        %convert_element_type3A = arith.extui %lt3A_989 : i1 to i32
        %cond3A = arith.constant 0 : i32
        %cond3A_990 = arith.cmpi ne, %convert_element_type3A, %cond3A : i32
        scf.if %cond3A_990 {
          %add3A_1042 = arith.constant 2 : i32
          %add3A_1043 = arith.addi %add3A_974, %add3A_1042 : i32
          %get3A_1044 = arith.index_cast %add3A_1043 : i32 to index
          %get3A_1045 = arith.constant 0 : index
          %get3A_1046 = tpu.vector_load %arg6[%get3A_1044, %get3A_1045] {strides = array<i32>} : memref<40x128xi32, #tpu.memory_space<vmem>>, vector<1x16xi32>,
          %get3A_1047 = vector.shape_cast %get3A_1046 : vector<1x16xi32> to vector<16xi32>
          %add3A_1048 = vector.broadcast %mul3A_26 : i32 to vector<16xi32>
          %add3A_1049 = arith.addi %get3A_1047, %add3A_1048 : vector<16xi32>
          %swap3A_1050 = arith.constant 0 : i32
          %swap3A_1051 = arith.index_cast %swap3A_1050 : i32 to index
          %swap3A_1052 = arith.constant 0 : index
          %swap3A_1053 = tpu.vector_load %arg8[%swap3A_1051, %swap3A_1052] {strides = array<i32>} : memref<2x128xi32, #tpu.memory_space<vmem>>, vector<1x16xi32>,
          %swap3A_1054 = vector.shape_cast %swap3A_1053 : vector<1x16xi32> to vector<16xi32>
          %swap3A_1055 = vector.shape_cast %add3A_1049 : vector<16xi32> to vector<1x16xi32>
          tpu.vector_store %arg8[%swap3A_1051, %swap3A_1052], %swap3A_1055 {strides = array<i32>} : memref<2x128xi32, #tpu.memory_space<vmem>>, vector<1x16xi32>,
          %get3A_1056 = arith.index_cast %add3A_1043 : i32 to index
          %get3A_1057 = arith.constant 16 : index
          %get3A_1058 = tpu.vector_load %arg6[%get3A_1056, %get3A_1057] {strides = array<i32>} : memref<40x128xi32, #tpu.memory_space<vmem>>, vector<1x16xi32>,
          %get3A_1059 = vector.shape_cast %get3A_1058 : vector<1x16xi32> to vector<16xi32>
          %add3A_1060 = vector.broadcast %mul3A_26 : i32 to vector<16xi32>
          %add3A_1061 = arith.addi %get3A_1059, %add3A_1060 : vector<16xi32>
          %swap3A_1062 = arith.constant 0 : i32
          %swap3A_1063 = arith.index_cast %swap3A_1062 : i32 to index
          %swap3A_1064 = arith.constant 16 : index
          %swap3A_1065 = tpu.vector_load %arg8[%swap3A_1063, %swap3A_1064] {strides = array<i32>} : memref<2x128xi32, #tpu.memory_space<vmem>>, vector<1x16xi32>,
          %swap3A_1066 = vector.shape_cast %swap3A_1065 : vector<1x16xi32> to vector<16xi32>
          %swap3A_1067 = vector.shape_cast %add3A_1061 : vector<16xi32> to vector<1x16xi32>
          tpu.vector_store %arg8[%swap3A_1063, %swap3A_1064], %swap3A_1067 {strides = array<i32>} : memref<2x128xi32, #tpu.memory_space<vmem>>, vector<1x16xi32>,
          %get3A_1068 = arith.index_cast %add3A_1043 : i32 to index
          %get3A_1069 = arith.constant 32 : index
          %get3A_1070 = tpu.vector_load %arg6[%get3A_1068, %get3A_1069] {strides = array<i32>} : memref<40x128xi32, #tpu.memory_space<vmem>>, vector<1x16xi32>,
          %get3A_1071 = vector.shape_cast %get3A_1070 : vector<1x16xi32> to vector<16xi32>
          %add3A_1072 = vector.broadcast %mul3A_26 : i32 to vector<16xi32>
          %add3A_1073 = arith.addi %get3A_1071, %add3A_1072 : vector<16xi32>
          %swap3A_1074 = arith.constant 0 : i32
          %swap3A_1075 = arith.index_cast %swap3A_1074 : i32 to index
          %swap3A_1076 = arith.constant 32 : index
          %swap3A_1077 = tpu.vector_load %arg8[%swap3A_1075, %swap3A_1076] {strides = array<i32>} : memref<2x128xi32, #tpu.memory_space<vmem>>, vector<1x16xi32>,
          %swap3A_1078 = vector.shape_cast %swap3A_1077 : vector<1x16xi32> to vector<16xi32>
          %swap3A_1079 = vector.shape_cast %add3A_1073 : vector<16xi32> to vector<1x16xi32>
          tpu.vector_store %arg8[%swap3A_1075, %swap3A_1076], %swap3A_1079 {strides = array<i32>} : memref<2x128xi32, #tpu.memory_space<vmem>>, vector<1x16xi32>,
          %get3A_1080 = arith.index_cast %add3A_1043 : i32 to index
          %get3A_1081 = arith.constant 48 : index
          %get3A_1082 = tpu.vector_load %arg6[%get3A_1080, %get3A_1081] {strides = array<i32>} : memref<40x128xi32, #tpu.memory_space<vmem>>, vector<1x16xi32>,
          %get3A_1083 = vector.shape_cast %get3A_1082 : vector<1x16xi32> to vector<16xi32>
          %add3A_1084 = vector.broadcast %mul3A_26 : i32 to vector<16xi32>
          %add3A_1085 = arith.addi %get3A_1083, %add3A_1084 : vector<16xi32>
          %swap3A_1086 = arith.constant 0 : i32
          %swap3A_1087 = arith.index_cast %swap3A_1086 : i32 to index
          %swap3A_1088 = arith.constant 48 : index
          %swap3A_1089 = tpu.vector_load %arg8[%swap3A_1087, %swap3A_1088] {strides = array<i32>} : memref<2x128xi32, #tpu.memory_space<vmem>>, vector<1x16xi32>,
          %swap3A_1090 = vector.shape_cast %swap3A_1089 : vector<1x16xi32> to vector<16xi32>
          %swap3A_1091 = vector.shape_cast %add3A_1085 : vector<16xi32> to vector<1x16xi32>
          tpu.vector_store %arg8[%swap3A_1087, %swap3A_1088], %swap3A_1091 {strides = array<i32>} : memref<2x128xi32, #tpu.memory_space<vmem>>, vector<1x16xi32>,
          %get3A_1092 = arith.index_cast %add3A_1043 : i32 to index
          %get3A_1093 = arith.constant 64 : index
          %get3A_1094 = tpu.vector_load %arg6[%get3A_1092, %get3A_1093] {strides = array<i32>} : memref<40x128xi32, #tpu.memory_space<vmem>>, vector<1x16xi32>,
          %get3A_1095 = vector.shape_cast %get3A_1094 : vector<1x16xi32> to vector<16xi32>
          %add3A_1096 = vector.broadcast %mul3A_26 : i32 to vector<16xi32>
          %add3A_1097 = arith.addi %get3A_1095, %add3A_1096 : vector<16xi32>
          %swap3A_1098 = arith.constant 0 : i32
          %swap3A_1099 = arith.index_cast %swap3A_1098 : i32 to index
          %swap3A_1100 = arith.constant 64 : index
          %swap3A_1101 = tpu.vector_load %arg8[%swap3A_1099, %swap3A_1100] {strides = array<i32>} : memref<2x128xi32, #tpu.memory_space<vmem>>, vector<1x16xi32>,
          %swap3A_1102 = vector.shape_cast %swap3A_1101 : vector<1x16xi32> to vector<16xi32>
          %swap3A_1103 = vector.shape_cast %add3A_1097 : vector<16xi32> to vector<1x16xi32>
          tpu.vector_store %arg8[%swap3A_1099, %swap3A_1100], %swap3A_1103 {strides = array<i32>} : memref<2x128xi32, #tpu.memory_space<vmem>>, vector<1x16xi32>,
          %get3A_1104 = arith.index_cast %add3A_1043 : i32 to index
          %get3A_1105 = arith.constant 80 : index
          %get3A_1106 = tpu.vector_load %arg6[%get3A_1104, %get3A_1105] {strides = array<i32>} : memref<40x128xi32, #tpu.memory_space<vmem>>, vector<1x16xi32>,
          %get3A_1107 = vector.shape_cast %get3A_1106 : vector<1x16xi32> to vector<16xi32>
          %add3A_1108 = vector.broadcast %mul3A_26 : i32 to vector<16xi32>
          %add3A_1109 = arith.addi %get3A_1107, %add3A_1108 : vector<16xi32>
          %swap3A_1110 = arith.constant 0 : i32
          %swap3A_1111 = arith.index_cast %swap3A_1110 : i32 to index
          %swap3A_1112 = arith.constant 80 : index
          %swap3A_1113 = tpu.vector_load %arg8[%swap3A_1111, %swap3A_1112] {strides = array<i32>} : memref<2x128xi32, #tpu.memory_space<vmem>>, vector<1x16xi32>,
          %swap3A_1114 = vector.shape_cast %swap3A_1113 : vector<1x16xi32> to vector<16xi32>
          %swap3A_1115 = vector.shape_cast %add3A_1109 : vector<16xi32> to vector<1x16xi32>
          tpu.vector_store %arg8[%swap3A_1111, %swap3A_1112], %swap3A_1115 {strides = array<i32>} : memref<2x128xi32, #tpu.memory_space<vmem>>, vector<1x16xi32>,
          %get3A_1116 = arith.index_cast %add3A_1043 : i32 to index
          %get3A_1117 = arith.constant 96 : index
          %get3A_1118 = tpu.vector_load %arg6[%get3A_1116, %get3A_1117] {strides = array<i32>} : memref<40x128xi32, #tpu.memory_space<vmem>>, vector<1x16xi32>,
          %get3A_1119 = vector.shape_cast %get3A_1118 : vector<1x16xi32> to vector<16xi32>
          %add3A_1120 = vector.broadcast %mul3A_26 : i32 to vector<16xi32>
          %add3A_1121 = arith.addi %get3A_1119, %add3A_1120 : vector<16xi32>
          %swap3A_1122 = arith.constant 0 : i32
          %swap3A_1123 = arith.index_cast %swap3A_1122 : i32 to index
          %swap3A_1124 = arith.constant 96 : index
          %swap3A_1125 = tpu.vector_load %arg8[%swap3A_1123, %swap3A_1124] {strides = array<i32>} : memref<2x128xi32, #tpu.memory_space<vmem>>, vector<1x16xi32>,
          %swap3A_1126 = vector.shape_cast %swap3A_1125 : vector<1x16xi32> to vector<16xi32>
          %swap3A_1127 = vector.shape_cast %add3A_1121 : vector<16xi32> to vector<1x16xi32>
          tpu.vector_store %arg8[%swap3A_1123, %swap3A_1124], %swap3A_1127 {strides = array<i32>} : memref<2x128xi32, #tpu.memory_space<vmem>>, vector<1x16xi32>,
          %get3A_1128 = arith.index_cast %add3A_1043 : i32 to index
          %get3A_1129 = arith.constant 112 : index
          %get3A_1130 = tpu.vector_load %arg6[%get3A_1128, %get3A_1129] {strides = array<i32>} : memref<40x128xi32, #tpu.memory_space<vmem>>, vector<1x16xi32>,
          %get3A_1131 = vector.shape_cast %get3A_1130 : vector<1x16xi32> to vector<16xi32>
          %add3A_1132 = vector.broadcast %mul3A_26 : i32 to vector<16xi32>
          %add3A_1133 = arith.addi %get3A_1131, %add3A_1132 : vector<16xi32>
          %swap3A_1134 = arith.constant 0 : i32
          %swap3A_1135 = arith.index_cast %swap3A_1134 : i32 to index
          %swap3A_1136 = arith.constant 112 : index
          %swap3A_1137 = tpu.vector_load %arg8[%swap3A_1135, %swap3A_1136] {strides = array<i32>} : memref<2x128xi32, #tpu.memory_space<vmem>>, vector<1x16xi32>,
          %swap3A_1138 = vector.shape_cast %swap3A_1137 : vector<1x16xi32> to vector<16xi32>
          %swap3A_1139 = vector.shape_cast %add3A_1133 : vector<16xi32> to vector<1x16xi32>
          tpu.vector_store %arg8[%swap3A_1135, %swap3A_1136], %swap3A_1139 {strides = array<i32>} : memref<2x128xi32, #tpu.memory_space<vmem>>, vector<1x16xi32>,
        } else {
        }
        %dma_wait3A_991 = arith.constant 0 : i32
        %dma_wait3A_992 = tpu.memref_slice %arg7[%add3A_974, %dma_wait3A_991] : memref<40x128xi32, #tpu.memory_space<vmem>> -> memref<1x128xi32, #tpu.memory_space<vmem>>
        %dma_wait3A_993 = tpu.memref_squeeze %dma_wait3A_992 : memref<1x128xi32, #tpu.memory_space<vmem>> -> memref<128xi32, #tpu.memory_space<vmem>>
        %dma_wait3A_994 = arith.constant 0 : i32
        %dma_wait3A_995 = arith.constant 0 : i32
        %dma_wait3A_996 = tpu.memref_slice %arg12[%dma_wait3A_994, %dma_wait3A_995] : memref<10240x128xf32, #tpu.memory_space<vmem_shared>> -> memref<10240x128xf32, #tpu.memory_space<vmem_shared>>
        tpu.wait_indirect_dma semaphore(%arg15 : memref<!tpu.dma_semaphore, #tpu.memory_space<semaphore_mem>>) src(%arg9 : memref<128x128xf32, #tpu.memory_space<vmem>>) dst(%dma_wait3A_996 : memref<10240x128xf32, #tpu.memory_space<vmem_shared>>)
        %add3A_997 = arith.constant 2 : i32
        %add3A_998 = arith.addi %add3A_974, %add3A_997 : i32
        %lt3A_999 = arith.constant 40 : i32
        %lt3A_1000 = arith.cmpi slt, %add3A_998, %lt3A_999 : i32
        %convert_element_type3A_1001 = arith.extui %lt3A_1000 : i1 to i32
        %cond3A_1002 = arith.constant 0 : i32
        %cond3A_1003 = arith.cmpi ne, %convert_element_type3A_1001, %cond3A_1002 : i32
        scf.if %cond3A_1003 {
          %dma_start3A_1042 = arith.constant 0 : i32
          %dma_start3A_1043 = arith.constant 0 : i32
          %dma_start3A_1044 = tpu.memref_slice %arg8[%dma_start3A_1042, %dma_start3A_1043] : memref<2x128xi32, #tpu.memory_space<vmem>> -> memref<1x128xi32, #tpu.memory_space<vmem>>
          %dma_start3A_1045 = tpu.memref_squeeze %dma_start3A_1044 : memref<1x128xi32, #tpu.memory_space<vmem>> -> memref<128xi32, #tpu.memory_space<vmem>>
          %dma_start3A_1046 = arith.constant 0 : i32
          %dma_start3A_1047 = arith.constant 0 : i32
          %dma_start3A_1048 = tpu.memref_slice %arg2[%dma_start3A_1046, %dma_start3A_1047] : memref<60000x128xf32, #tpu.memory_space<hbm>> -> memref<60000x128xf32, #tpu.memory_space<hbm>>
          tpu.enqueue_indirect_dma source(%dma_start3A_1048 : memref<60000x128xf32, #tpu.memory_space<hbm>>) target(%arg9 : memref<128x128xf32, #tpu.memory_space<vmem>>) offsets(%dma_start3A_1045 : memref<128xi32, #tpu.memory_space<vmem>>) semaphore(%arg13 : memref<!tpu.dma_semaphore, #tpu.memory_space<semaphore_mem>>)
        } else {
        }
        %mul3A_1004 = arith.constant 2 : i32
        %mul3A_1005 = arith.muli %mul3A_1004, %scan3A_969 : i32
        %add3A_1006 = arith.constant 1 : i32
        %add3A_1007 = arith.addi %mul3A_1005, %add3A_1006 : i32
        %dma_wait3A_1008 = arith.constant 1 : i32
        %dma_wait3A_1009 = arith.constant 0 : i32
        %dma_wait3A_1010 = tpu.memref_slice %arg8[%dma_wait3A_1008, %dma_wait3A_1009] : memref<2x128xi32, #tpu.memory_space<vmem>> -> memref<1x128xi32, #tpu.memory_space<vmem>>
        %dma_wait3A_1011 = tpu.memref_squeeze %dma_wait3A_1010 : memref<1x128xi32, #tpu.memory_space<vmem>> -> memref<128xi32, #tpu.memory_space<vmem>>
        %dma_wait3A_1012 = arith.constant 0 : i32
        %dma_wait3A_1013 = arith.constant 0 : i32
        %dma_wait3A_1014 = tpu.memref_slice %arg2[%dma_wait3A_1012, %dma_wait3A_1013] : memref<60000x128xf32, #tpu.memory_space<hbm>> -> memref<60000x128xf32, #tpu.memory_space<hbm>>
        tpu.wait_indirect_dma semaphore(%arg14 : memref<!tpu.dma_semaphore, #tpu.memory_space<semaphore_mem>>) src(%dma_wait3A_1014 : memref<60000x128xf32, #tpu.memory_space<hbm>>) dst(%arg10 : memref<128x128xf32, #tpu.memory_space<vmem>>)
        %dma_start3A_1015 = arith.constant 0 : i32
        %dma_start3A_1016 = tpu.memref_slice %arg7[%add3A_1007, %dma_start3A_1015] : memref<40x128xi32, #tpu.memory_space<vmem>> -> memref<1x128xi32, #tpu.memory_space<vmem>>
        %dma_start3A_1017 = tpu.memref_squeeze %dma_start3A_1016 : memref<1x128xi32, #tpu.memory_space<vmem>> -> memref<128xi32, #tpu.memory_space<vmem>>
        %dma_start3A_1018 = arith.constant 0 : i32
        %dma_start3A_1019 = arith.constant 0 : i32
        %dma_start3A_1020 = tpu.memref_slice %arg12[%dma_start3A_1018, %dma_start3A_1019] : memref<10240x128xf32, #tpu.memory_space<vmem_shared>> -> memref<10240x128xf32, #tpu.memory_space<vmem_shared>>
        tpu.enqueue_indirect_dma source(%arg10 : memref<128x128xf32, #tpu.memory_space<vmem>>) target(%dma_start3A_1020 : memref<10240x128xf32, #tpu.memory_space<vmem_shared>>) offsets(%dma_start3A_1017 : memref<128xi32, #tpu.memory_space<vmem>>) semaphore(%arg16 : memref<!tpu.dma_semaphore, #tpu.memory_space<semaphore_mem>>) {add = true}
        %add3A_1021 = arith.constant 2 : i32
        %add3A_1022 = arith.addi %add3A_1007, %add3A_1021 : i32
        %lt3A_1023 = arith.constant 40 : i32
        %lt3A_1024 = arith.cmpi slt, %add3A_1022, %lt3A_1023 : i32
        %convert_element_type3A_1025 = arith.extui %lt3A_1024 : i1 to i32
        %cond3A_1026 = arith.constant 0 : i32
        %cond3A_1027 = arith.cmpi ne, %convert_element_type3A_1025, %cond3A_1026 : i32
        scf.if %cond3A_1027 {
          %add3A_1042 = arith.constant 2 : i32
          %add3A_1043 = arith.addi %add3A_1007, %add3A_1042 : i32
          %get3A_1044 = arith.index_cast %add3A_1043 : i32 to index
          %get3A_1045 = arith.constant 0 : index
          %get3A_1046 = tpu.vector_load %arg6[%get3A_1044, %get3A_1045] {strides = array<i32>} : memref<40x128xi32, #tpu.memory_space<vmem>>, vector<1x16xi32>,
          %get3A_1047 = vector.shape_cast %get3A_1046 : vector<1x16xi32> to vector<16xi32>
          %add3A_1048 = vector.broadcast %mul3A_26 : i32 to vector<16xi32>
          %add3A_1049 = arith.addi %get3A_1047, %add3A_1048 : vector<16xi32>
          %swap3A_1050 = arith.constant 1 : i32
          %swap3A_1051 = arith.index_cast %swap3A_1050 : i32 to index
          %swap3A_1052 = arith.constant 0 : index
          %swap3A_1053 = tpu.vector_load %arg8[%swap3A_1051, %swap3A_1052] {strides = array<i32>} : memref<2x128xi32, #tpu.memory_space<vmem>>, vector<1x16xi32>,
          %swap3A_1054 = vector.shape_cast %swap3A_1053 : vector<1x16xi32> to vector<16xi32>
          %swap3A_1055 = vector.shape_cast %add3A_1049 : vector<16xi32> to vector<1x16xi32>
          tpu.vector_store %arg8[%swap3A_1051, %swap3A_1052], %swap3A_1055 {strides = array<i32>} : memref<2x128xi32, #tpu.memory_space<vmem>>, vector<1x16xi32>,
          %get3A_1056 = arith.index_cast %add3A_1043 : i32 to index
          %get3A_1057 = arith.constant 16 : index
          %get3A_1058 = tpu.vector_load %arg6[%get3A_1056, %get3A_1057] {strides = array<i32>} : memref<40x128xi32, #tpu.memory_space<vmem>>, vector<1x16xi32>,
          %get3A_1059 = vector.shape_cast %get3A_1058 : vector<1x16xi32> to vector<16xi32>
          %add3A_1060 = vector.broadcast %mul3A_26 : i32 to vector<16xi32>
          %add3A_1061 = arith.addi %get3A_1059, %add3A_1060 : vector<16xi32>
          %swap3A_1062 = arith.constant 1 : i32
          %swap3A_1063 = arith.index_cast %swap3A_1062 : i32 to index
          %swap3A_1064 = arith.constant 16 : index
          %swap3A_1065 = tpu.vector_load %arg8[%swap3A_1063, %swap3A_1064] {strides = array<i32>} : memref<2x128xi32, #tpu.memory_space<vmem>>, vector<1x16xi32>,
          %swap3A_1066 = vector.shape_cast %swap3A_1065 : vector<1x16xi32> to vector<16xi32>
          %swap3A_1067 = vector.shape_cast %add3A_1061 : vector<16xi32> to vector<1x16xi32>
          tpu.vector_store %arg8[%swap3A_1063, %swap3A_1064], %swap3A_1067 {strides = array<i32>} : memref<2x128xi32, #tpu.memory_space<vmem>>, vector<1x16xi32>,
          %get3A_1068 = arith.index_cast %add3A_1043 : i32 to index
          %get3A_1069 = arith.constant 32 : index
          %get3A_1070 = tpu.vector_load %arg6[%get3A_1068, %get3A_1069] {strides = array<i32>} : memref<40x128xi32, #tpu.memory_space<vmem>>, vector<1x16xi32>,
          %get3A_1071 = vector.shape_cast %get3A_1070 : vector<1x16xi32> to vector<16xi32>
          %add3A_1072 = vector.broadcast %mul3A_26 : i32 to vector<16xi32>
          %add3A_1073 = arith.addi %get3A_1071, %add3A_1072 : vector<16xi32>
          %swap3A_1074 = arith.constant 1 : i32
          %swap3A_1075 = arith.index_cast %swap3A_1074 : i32 to index
          %swap3A_1076 = arith.constant 32 : index
          %swap3A_1077 = tpu.vector_load %arg8[%swap3A_1075, %swap3A_1076] {strides = array<i32>} : memref<2x128xi32, #tpu.memory_space<vmem>>, vector<1x16xi32>,
          %swap3A_1078 = vector.shape_cast %swap3A_1077 : vector<1x16xi32> to vector<16xi32>
          %swap3A_1079 = vector.shape_cast %add3A_1073 : vector<16xi32> to vector<1x16xi32>
          tpu.vector_store %arg8[%swap3A_1075, %swap3A_1076], %swap3A_1079 {strides = array<i32>} : memref<2x128xi32, #tpu.memory_space<vmem>>, vector<1x16xi32>,
          %get3A_1080 = arith.index_cast %add3A_1043 : i32 to index
          %get3A_1081 = arith.constant 48 : index
          %get3A_1082 = tpu.vector_load %arg6[%get3A_1080, %get3A_1081] {strides = array<i32>} : memref<40x128xi32, #tpu.memory_space<vmem>>, vector<1x16xi32>,
          %get3A_1083 = vector.shape_cast %get3A_1082 : vector<1x16xi32> to vector<16xi32>
          %add3A_1084 = vector.broadcast %mul3A_26 : i32 to vector<16xi32>
          %add3A_1085 = arith.addi %get3A_1083, %add3A_1084 : vector<16xi32>
          %swap3A_1086 = arith.constant 1 : i32
          %swap3A_1087 = arith.index_cast %swap3A_1086 : i32 to index
          %swap3A_1088 = arith.constant 48 : index
          %swap3A_1089 = tpu.vector_load %arg8[%swap3A_1087, %swap3A_1088] {strides = array<i32>} : memref<2x128xi32, #tpu.memory_space<vmem>>, vector<1x16xi32>,
          %swap3A_1090 = vector.shape_cast %swap3A_1089 : vector<1x16xi32> to vector<16xi32>
          %swap3A_1091 = vector.shape_cast %add3A_1085 : vector<16xi32> to vector<1x16xi32>
          tpu.vector_store %arg8[%swap3A_1087, %swap3A_1088], %swap3A_1091 {strides = array<i32>} : memref<2x128xi32, #tpu.memory_space<vmem>>, vector<1x16xi32>,
          %get3A_1092 = arith.index_cast %add3A_1043 : i32 to index
          %get3A_1093 = arith.constant 64 : index
          %get3A_1094 = tpu.vector_load %arg6[%get3A_1092, %get3A_1093] {strides = array<i32>} : memref<40x128xi32, #tpu.memory_space<vmem>>, vector<1x16xi32>,
          %get3A_1095 = vector.shape_cast %get3A_1094 : vector<1x16xi32> to vector<16xi32>
          %add3A_1096 = vector.broadcast %mul3A_26 : i32 to vector<16xi32>
          %add3A_1097 = arith.addi %get3A_1095, %add3A_1096 : vector<16xi32>
          %swap3A_1098 = arith.constant 1 : i32
          %swap3A_1099 = arith.index_cast %swap3A_1098 : i32 to index
          %swap3A_1100 = arith.constant 64 : index
          %swap3A_1101 = tpu.vector_load %arg8[%swap3A_1099, %swap3A_1100] {strides = array<i32>} : memref<2x128xi32, #tpu.memory_space<vmem>>, vector<1x16xi32>,
          %swap3A_1102 = vector.shape_cast %swap3A_1101 : vector<1x16xi32> to vector<16xi32>
          %swap3A_1103 = vector.shape_cast %add3A_1097 : vector<16xi32> to vector<1x16xi32>
          tpu.vector_store %arg8[%swap3A_1099, %swap3A_1100], %swap3A_1103 {strides = array<i32>} : memref<2x128xi32, #tpu.memory_space<vmem>>, vector<1x16xi32>,
          %get3A_1104 = arith.index_cast %add3A_1043 : i32 to index
          %get3A_1105 = arith.constant 80 : index
          %get3A_1106 = tpu.vector_load %arg6[%get3A_1104, %get3A_1105] {strides = array<i32>} : memref<40x128xi32, #tpu.memory_space<vmem>>, vector<1x16xi32>,
          %get3A_1107 = vector.shape_cast %get3A_1106 : vector<1x16xi32> to vector<16xi32>
          %add3A_1108 = vector.broadcast %mul3A_26 : i32 to vector<16xi32>
          %add3A_1109 = arith.addi %get3A_1107, %add3A_1108 : vector<16xi32>
          %swap3A_1110 = arith.constant 1 : i32
          %swap3A_1111 = arith.index_cast %swap3A_1110 : i32 to index
          %swap3A_1112 = arith.constant 80 : index
          %swap3A_1113 = tpu.vector_load %arg8[%swap3A_1111, %swap3A_1112] {strides = array<i32>} : memref<2x128xi32, #tpu.memory_space<vmem>>, vector<1x16xi32>,
          %swap3A_1114 = vector.shape_cast %swap3A_1113 : vector<1x16xi32> to vector<16xi32>
          %swap3A_1115 = vector.shape_cast %add3A_1109 : vector<16xi32> to vector<1x16xi32>
          tpu.vector_store %arg8[%swap3A_1111, %swap3A_1112], %swap3A_1115 {strides = array<i32>} : memref<2x128xi32, #tpu.memory_space<vmem>>, vector<1x16xi32>,
          %get3A_1116 = arith.index_cast %add3A_1043 : i32 to index
          %get3A_1117 = arith.constant 96 : index
          %get3A_1118 = tpu.vector_load %arg6[%get3A_1116, %get3A_1117] {strides = array<i32>} : memref<40x128xi32, #tpu.memory_space<vmem>>, vector<1x16xi32>,
          %get3A_1119 = vector.shape_cast %get3A_1118 : vector<1x16xi32> to vector<16xi32>
          %add3A_1120 = vector.broadcast %mul3A_26 : i32 to vector<16xi32>
          %add3A_1121 = arith.addi %get3A_1119, %add3A_1120 : vector<16xi32>
          %swap3A_1122 = arith.constant 1 : i32
          %swap3A_1123 = arith.index_cast %swap3A_1122 : i32 to index
          %swap3A_1124 = arith.constant 96 : index
          %swap3A_1125 = tpu.vector_load %arg8[%swap3A_1123, %swap3A_1124] {strides = array<i32>} : memref<2x128xi32, #tpu.memory_space<vmem>>, vector<1x16xi32>,
          %swap3A_1126 = vector.shape_cast %swap3A_1125 : vector<1x16xi32> to vector<16xi32>
          %swap3A_1127 = vector.shape_cast %add3A_1121 : vector<16xi32> to vector<1x16xi32>
          tpu.vector_store %arg8[%swap3A_1123, %swap3A_1124], %swap3A_1127 {strides = array<i32>} : memref<2x128xi32, #tpu.memory_space<vmem>>, vector<1x16xi32>,
          %get3A_1128 = arith.index_cast %add3A_1043 : i32 to index
          %get3A_1129 = arith.constant 112 : index
          %get3A_1130 = tpu.vector_load %arg6[%get3A_1128, %get3A_1129] {strides = array<i32>} : memref<40x128xi32, #tpu.memory_space<vmem>>, vector<1x16xi32>,
          %get3A_1131 = vector.shape_cast %get3A_1130 : vector<1x16xi32> to vector<16xi32>
          %add3A_1132 = vector.broadcast %mul3A_26 : i32 to vector<16xi32>
          %add3A_1133 = arith.addi %get3A_1131, %add3A_1132 : vector<16xi32>
          %swap3A_1134 = arith.constant 1 : i32
          %swap3A_1135 = arith.index_cast %swap3A_1134 : i32 to index
          %swap3A_1136 = arith.constant 112 : index
          %swap3A_1137 = tpu.vector_load %arg8[%swap3A_1135, %swap3A_1136] {strides = array<i32>} : memref<2x128xi32, #tpu.memory_space<vmem>>, vector<1x16xi32>,
          %swap3A_1138 = vector.shape_cast %swap3A_1137 : vector<1x16xi32> to vector<16xi32>
          %swap3A_1139 = vector.shape_cast %add3A_1133 : vector<16xi32> to vector<1x16xi32>
          tpu.vector_store %arg8[%swap3A_1135, %swap3A_1136], %swap3A_1139 {strides = array<i32>} : memref<2x128xi32, #tpu.memory_space<vmem>>, vector<1x16xi32>,
        } else {
        }
        %dma_wait3A_1028 = arith.constant 0 : i32
        %dma_wait3A_1029 = tpu.memref_slice %arg7[%add3A_1007, %dma_wait3A_1028] : memref<40x128xi32, #tpu.memory_space<vmem>> -> memref<1x128xi32, #tpu.memory_space<vmem>>
        %dma_wait3A_1030 = tpu.memref_squeeze %dma_wait3A_1029 : memref<1x128xi32, #tpu.memory_space<vmem>> -> memref<128xi32, #tpu.memory_space<vmem>>
        %dma_wait3A_1031 = arith.constant 0 : i32
        %dma_wait3A_1032 = arith.constant 0 : i32
        %dma_wait3A_1033 = tpu.memref_slice %arg12[%dma_wait3A_1031, %dma_wait3A_1032] : memref<10240x128xf32, #tpu.memory_space<vmem_shared>> -> memref<10240x128xf32, #tpu.memory_space<vmem_shared>>
        tpu.wait_indirect_dma semaphore(%arg16 : memref<!tpu.dma_semaphore, #tpu.memory_space<semaphore_mem>>) src(%arg10 : memref<128x128xf32, #tpu.memory_space<vmem>>) dst(%dma_wait3A_1033 : memref<10240x128xf32, #tpu.memory_space<vmem_shared>>)
        %add3A_1034 = arith.constant 2 : i32
        %add3A_1035 = arith.addi %add3A_1007, %add3A_1034 : i32
        %lt3A_1036 = arith.constant 40 : i32
        %lt3A_1037 = arith.cmpi slt, %add3A_1035, %lt3A_1036 : i32
        %convert_element_type3A_1038 = arith.extui %lt3A_1037 : i1 to i32
        %cond3A_1039 = arith.constant 0 : i32
        %cond3A_1040 = arith.cmpi ne, %convert_element_type3A_1038, %cond3A_1039 : i32
        scf.if %cond3A_1040 {
          %dma_start3A_1042 = arith.constant 1 : i32
          %dma_start3A_1043 = arith.constant 0 : i32
          %dma_start3A_1044 = tpu.memref_slice %arg8[%dma_start3A_1042, %dma_start3A_1043] : memref<2x128xi32, #tpu.memory_space<vmem>> -> memref<1x128xi32, #tpu.memory_space<vmem>>
          %dma_start3A_1045 = tpu.memref_squeeze %dma_start3A_1044 : memref<1x128xi32, #tpu.memory_space<vmem>> -> memref<128xi32, #tpu.memory_space<vmem>>
          %dma_start3A_1046 = arith.constant 0 : i32
          %dma_start3A_1047 = arith.constant 0 : i32
          %dma_start3A_1048 = tpu.memref_slice %arg2[%dma_start3A_1046, %dma_start3A_1047] : memref<60000x128xf32, #tpu.memory_space<hbm>> -> memref<60000x128xf32, #tpu.memory_space<hbm>>
          tpu.enqueue_indirect_dma source(%dma_start3A_1048 : memref<60000x128xf32, #tpu.memory_space<hbm>>) target(%arg10 : memref<128x128xf32, #tpu.memory_space<vmem>>) offsets(%dma_start3A_1045 : memref<128xi32, #tpu.memory_space<vmem>>) semaphore(%arg14 : memref<!tpu.dma_semaphore, #tpu.memory_space<semaphore_mem>>)
        } else {
        }
        %scan3A_1041 = arith.constant 0 : i32
        scf.yield %scan3A_1041 : i32
      }
      %scan3A_263 = arith.constant 20 : i32
      %mul3A_264 = arith.constant 160 : i32
      %mul3A_265 = arith.muli %arg1, %mul3A_264 : i32
      %add3A_266 = arith.constant 40 : i32
      %add3A_267 = arith.addi %mul3A_265, %add3A_266 : i32
      "tpu.region"() ({
        %run_scoped3A = tpu.sem_alloc : memref<!tpu.dma_semaphore, #tpu.memory_space<semaphore_mem>>
        %dma_start3A_969 = arith.constant 0 : i32
        %dma_start3A_970 = tpu.memref_slice %arg3[%add3A_267, %dma_start3A_969] : memref<2560x128xi32, #tpu.memory_space<hbm>> -> memref<40x128xi32, #tpu.memory_space<hbm>>
        %dma_start3A_971 = arith.constant 0 : i32
        %dma_start3A_972 = tpu.memref_slice %arg3[%add3A_267, %dma_start3A_971] : memref<2560x128xi32, #tpu.memory_space<hbm>> -> memref<40x128xi32, #tpu.memory_space<hbm>>
        tpu.enqueue_dma source(%dma_start3A_972 : memref<40x128xi32, #tpu.memory_space<hbm>>) target(%arg6 : memref<40x128xi32, #tpu.memory_space<vmem>>) target_semaphore(%run_scoped3A : memref<!tpu.dma_semaphore, #tpu.memory_space<semaphore_mem>>)
        %dma_wait3A = arith.constant 0 : i32
        %dma_wait3A_973 = tpu.memref_slice %arg3[%add3A_267, %dma_wait3A] : memref<2560x128xi32, #tpu.memory_space<hbm>> -> memref<40x128xi32, #tpu.memory_space<hbm>>
        %dma_wait3A_974 = arith.constant 0 : i32
        %dma_wait3A_975 = tpu.memref_slice %arg3[%add3A_267, %dma_wait3A_974] : memref<2560x128xi32, #tpu.memory_space<hbm>> -> memref<40x128xi32, #tpu.memory_space<hbm>>
        tpu.wait_dma2 semaphore(%run_scoped3A : memref<!tpu.dma_semaphore, #tpu.memory_space<semaphore_mem>>) src(%dma_wait3A_975 : memref<40x128xi32, #tpu.memory_space<hbm>>) dst(%arg6 : memref<40x128xi32, #tpu.memory_space<vmem>>)
        tpu.yield
      }) : () -> ()
      "tpu.region"() ({
        %run_scoped3A = tpu.sem_alloc : memref<!tpu.dma_semaphore, #tpu.memory_space<semaphore_mem>>
        %dma_start3A_969 = arith.constant 0 : i32
        %dma_start3A_970 = tpu.memref_slice %arg4[%add3A_267, %dma_start3A_969] : memref<2560x128xi32, #tpu.memory_space<hbm>> -> memref<40x128xi32, #tpu.memory_space<hbm>>
        %dma_start3A_971 = arith.constant 0 : i32
        %dma_start3A_972 = tpu.memref_slice %arg4[%add3A_267, %dma_start3A_971] : memref<2560x128xi32, #tpu.memory_space<hbm>> -> memref<40x128xi32, #tpu.memory_space<hbm>>
        tpu.enqueue_dma source(%dma_start3A_972 : memref<40x128xi32, #tpu.memory_space<hbm>>) target(%arg7 : memref<40x128xi32, #tpu.memory_space<vmem>>) target_semaphore(%run_scoped3A : memref<!tpu.dma_semaphore, #tpu.memory_space<semaphore_mem>>)
        %dma_wait3A = arith.constant 0 : i32
        %dma_wait3A_973 = tpu.memref_slice %arg4[%add3A_267, %dma_wait3A] : memref<2560x128xi32, #tpu.memory_space<hbm>> -> memref<40x128xi32, #tpu.memory_space<hbm>>
        %dma_wait3A_974 = arith.constant 0 : i32
        %dma_wait3A_975 = tpu.memref_slice %arg4[%add3A_267, %dma_wait3A_974] : memref<2560x128xi32, #tpu.memory_space<hbm>> -> memref<40x128xi32, #tpu.memory_space<hbm>>
        tpu.wait_dma2 semaphore(%run_scoped3A : memref<!tpu.dma_semaphore, #tpu.memory_space<semaphore_mem>>) src(%dma_wait3A_975 : memref<40x128xi32, #tpu.memory_space<hbm>>) dst(%arg7 : memref<40x128xi32, #tpu.memory_space<vmem>>)
        tpu.yield
      }) : () -> ()
      %get3A_268 = arith.constant 0 : i32
      %get3A_269 = arith.index_cast %get3A_268 : i32 to index
      %get3A_270 = arith.constant 0 : index
      %get3A_271 = tpu.vector_load %arg6[%get3A_269, %get3A_270] {strides = array<i32>} : memref<40x128xi32, #tpu.memory_space<vmem>>, vector<1x16xi32>,
      %get3A_272 = vector.shape_cast %get3A_271 : vector<1x16xi32> to vector<16xi32>
      %add3A_273 = vector.broadcast %mul3A_26 : i32 to vector<16xi32>
      %add3A_274 = arith.addi %get3A_272, %add3A_273 : vector<16xi32>
      %swap3A_275 = arith.constant 0 : i32
      %swap3A_276 = arith.index_cast %swap3A_275 : i32 to index
      %swap3A_277 = arith.constant 0 : index
      %swap3A_278 = tpu.vector_load %arg8[%swap3A_276, %swap3A_277] {strides = array<i32>} : memref<2x128xi32, #tpu.memory_space<vmem>>, vector<1x16xi32>,
      %swap3A_279 = vector.shape_cast %swap3A_278 : vector<1x16xi32> to vector<16xi32>
      %swap3A_280 = vector.shape_cast %add3A_274 : vector<16xi32> to vector<1x16xi32>
      tpu.vector_store %arg8[%swap3A_276, %swap3A_277], %swap3A_280 {strides = array<i32>} : memref<2x128xi32, #tpu.memory_space<vmem>>, vector<1x16xi32>,
      %get3A_281 = arith.constant 0 : i32
      %get3A_282 = arith.index_cast %get3A_281 : i32 to index
      %get3A_283 = arith.constant 16 : index
      %get3A_284 = tpu.vector_load %arg6[%get3A_282, %get3A_283] {strides = array<i32>} : memref<40x128xi32, #tpu.memory_space<vmem>>, vector<1x16xi32>,
      %get3A_285 = vector.shape_cast %get3A_284 : vector<1x16xi32> to vector<16xi32>
      %add3A_286 = vector.broadcast %mul3A_26 : i32 to vector<16xi32>
      %add3A_287 = arith.addi %get3A_285, %add3A_286 : vector<16xi32>
      %swap3A_288 = arith.constant 0 : i32
      %swap3A_289 = arith.index_cast %swap3A_288 : i32 to index
      %swap3A_290 = arith.constant 16 : index
      %swap3A_291 = tpu.vector_load %arg8[%swap3A_289, %swap3A_290] {strides = array<i32>} : memref<2x128xi32, #tpu.memory_space<vmem>>, vector<1x16xi32>,
      %swap3A_292 = vector.shape_cast %swap3A_291 : vector<1x16xi32> to vector<16xi32>
      %swap3A_293 = vector.shape_cast %add3A_287 : vector<16xi32> to vector<1x16xi32>
      tpu.vector_store %arg8[%swap3A_289, %swap3A_290], %swap3A_293 {strides = array<i32>} : memref<2x128xi32, #tpu.memory_space<vmem>>, vector<1x16xi32>,
      %get3A_294 = arith.constant 0 : i32
      %get3A_295 = arith.index_cast %get3A_294 : i32 to index
      %get3A_296 = arith.constant 32 : index
      %get3A_297 = tpu.vector_load %arg6[%get3A_295, %get3A_296] {strides = array<i32>} : memref<40x128xi32, #tpu.memory_space<vmem>>, vector<1x16xi32>,
      %get3A_298 = vector.shape_cast %get3A_297 : vector<1x16xi32> to vector<16xi32>
      %add3A_299 = vector.broadcast %mul3A_26 : i32 to vector<16xi32>
      %add3A_300 = arith.addi %get3A_298, %add3A_299 : vector<16xi32>
      %swap3A_301 = arith.constant 0 : i32
      %swap3A_302 = arith.index_cast %swap3A_301 : i32 to index
      %swap3A_303 = arith.constant 32 : index
      %swap3A_304 = tpu.vector_load %arg8[%swap3A_302, %swap3A_303] {strides = array<i32>} : memref<2x128xi32, #tpu.memory_space<vmem>>, vector<1x16xi32>,
      %swap3A_305 = vector.shape_cast %swap3A_304 : vector<1x16xi32> to vector<16xi32>
      %swap3A_306 = vector.shape_cast %add3A_300 : vector<16xi32> to vector<1x16xi32>
      tpu.vector_store %arg8[%swap3A_302, %swap3A_303], %swap3A_306 {strides = array<i32>} : memref<2x128xi32, #tpu.memory_space<vmem>>, vector<1x16xi32>,
      %get3A_307 = arith.constant 0 : i32
      %get3A_308 = arith.index_cast %get3A_307 : i32 to index
      %get3A_309 = arith.constant 48 : index
      %get3A_310 = tpu.vector_load %arg6[%get3A_308, %get3A_309] {strides = array<i32>} : memref<40x128xi32, #tpu.memory_space<vmem>>, vector<1x16xi32>,
      %get3A_311 = vector.shape_cast %get3A_310 : vector<1x16xi32> to vector<16xi32>
      %add3A_312 = vector.broadcast %mul3A_26 : i32 to vector<16xi32>
      %add3A_313 = arith.addi %get3A_311, %add3A_312 : vector<16xi32>
      %swap3A_314 = arith.constant 0 : i32
      %swap3A_315 = arith.index_cast %swap3A_314 : i32 to index
      %swap3A_316 = arith.constant 48 : index
      %swap3A_317 = tpu.vector_load %arg8[%swap3A_315, %swap3A_316] {strides = array<i32>} : memref<2x128xi32, #tpu.memory_space<vmem>>, vector<1x16xi32>,
      %swap3A_318 = vector.shape_cast %swap3A_317 : vector<1x16xi32> to vector<16xi32>
      %swap3A_319 = vector.shape_cast %add3A_313 : vector<16xi32> to vector<1x16xi32>
      tpu.vector_store %arg8[%swap3A_315, %swap3A_316], %swap3A_319 {strides = array<i32>} : memref<2x128xi32, #tpu.memory_space<vmem>>, vector<1x16xi32>,
      %get3A_320 = arith.constant 0 : i32
      %get3A_321 = arith.index_cast %get3A_320 : i32 to index
      %get3A_322 = arith.constant 64 : index
      %get3A_323 = tpu.vector_load %arg6[%get3A_321, %get3A_322] {strides = array<i32>} : memref<40x128xi32, #tpu.memory_space<vmem>>, vector<1x16xi32>,
      %get3A_324 = vector.shape_cast %get3A_323 : vector<1x16xi32> to vector<16xi32>
      %add3A_325 = vector.broadcast %mul3A_26 : i32 to vector<16xi32>
      %add3A_326 = arith.addi %get3A_324, %add3A_325 : vector<16xi32>
      %swap3A_327 = arith.constant 0 : i32
      %swap3A_328 = arith.index_cast %swap3A_327 : i32 to index
      %swap3A_329 = arith.constant 64 : index
      %swap3A_330 = tpu.vector_load %arg8[%swap3A_328, %swap3A_329] {strides = array<i32>} : memref<2x128xi32, #tpu.memory_space<vmem>>, vector<1x16xi32>,
      %swap3A_331 = vector.shape_cast %swap3A_330 : vector<1x16xi32> to vector<16xi32>
      %swap3A_332 = vector.shape_cast %add3A_326 : vector<16xi32> to vector<1x16xi32>
      tpu.vector_store %arg8[%swap3A_328, %swap3A_329], %swap3A_332 {strides = array<i32>} : memref<2x128xi32, #tpu.memory_space<vmem>>, vector<1x16xi32>,
      %get3A_333 = arith.constant 0 : i32
      %get3A_334 = arith.index_cast %get3A_333 : i32 to index
      %get3A_335 = arith.constant 80 : index
      %get3A_336 = tpu.vector_load %arg6[%get3A_334, %get3A_335] {strides = array<i32>} : memref<40x128xi32, #tpu.memory_space<vmem>>, vector<1x16xi32>,
      %get3A_337 = vector.shape_cast %get3A_336 : vector<1x16xi32> to vector<16xi32>
      %add3A_338 = vector.broadcast %mul3A_26 : i32 to vector<16xi32>
      %add3A_339 = arith.addi %get3A_337, %add3A_338 : vector<16xi32>
      %swap3A_340 = arith.constant 0 : i32
      %swap3A_341 = arith.index_cast %swap3A_340 : i32 to index
      %swap3A_342 = arith.constant 80 : index
      %swap3A_343 = tpu.vector_load %arg8[%swap3A_341, %swap3A_342] {strides = array<i32>} : memref<2x128xi32, #tpu.memory_space<vmem>>, vector<1x16xi32>,
      %swap3A_344 = vector.shape_cast %swap3A_343 : vector<1x16xi32> to vector<16xi32>
      %swap3A_345 = vector.shape_cast %add3A_339 : vector<16xi32> to vector<1x16xi32>
      tpu.vector_store %arg8[%swap3A_341, %swap3A_342], %swap3A_345 {strides = array<i32>} : memref<2x128xi32, #tpu.memory_space<vmem>>, vector<1x16xi32>,
      %get3A_346 = arith.constant 0 : i32
      %get3A_347 = arith.index_cast %get3A_346 : i32 to index
      %get3A_348 = arith.constant 96 : index
      %get3A_349 = tpu.vector_load %arg6[%get3A_347, %get3A_348] {strides = array<i32>} : memref<40x128xi32, #tpu.memory_space<vmem>>, vector<1x16xi32>,
      %get3A_350 = vector.shape_cast %get3A_349 : vector<1x16xi32> to vector<16xi32>
      %add3A_351 = vector.broadcast %mul3A_26 : i32 to vector<16xi32>
      %add3A_352 = arith.addi %get3A_350, %add3A_351 : vector<16xi32>
      %swap3A_353 = arith.constant 0 : i32
      %swap3A_354 = arith.index_cast %swap3A_353 : i32 to index
      %swap3A_355 = arith.constant 96 : index
      %swap3A_356 = tpu.vector_load %arg8[%swap3A_354, %swap3A_355] {strides = array<i32>} : memref<2x128xi32, #tpu.memory_space<vmem>>, vector<1x16xi32>,
      %swap3A_357 = vector.shape_cast %swap3A_356 : vector<1x16xi32> to vector<16xi32>
      %swap3A_358 = vector.shape_cast %add3A_352 : vector<16xi32> to vector<1x16xi32>
      tpu.vector_store %arg8[%swap3A_354, %swap3A_355], %swap3A_358 {strides = array<i32>} : memref<2x128xi32, #tpu.memory_space<vmem>>, vector<1x16xi32>,
      %get3A_359 = arith.constant 0 : i32
      %get3A_360 = arith.index_cast %get3A_359 : i32 to index
      %get3A_361 = arith.constant 112 : index
      %get3A_362 = tpu.vector_load %arg6[%get3A_360, %get3A_361] {strides = array<i32>} : memref<40x128xi32, #tpu.memory_space<vmem>>, vector<1x16xi32>,
      %get3A_363 = vector.shape_cast %get3A_362 : vector<1x16xi32> to vector<16xi32>
      %add3A_364 = vector.broadcast %mul3A_26 : i32 to vector<16xi32>
      %add3A_365 = arith.addi %get3A_363, %add3A_364 : vector<16xi32>
      %swap3A_366 = arith.constant 0 : i32
      %swap3A_367 = arith.index_cast %swap3A_366 : i32 to index
      %swap3A_368 = arith.constant 112 : index
      %swap3A_369 = tpu.vector_load %arg8[%swap3A_367, %swap3A_368] {strides = array<i32>} : memref<2x128xi32, #tpu.memory_space<vmem>>, vector<1x16xi32>,
      %swap3A_370 = vector.shape_cast %swap3A_369 : vector<1x16xi32> to vector<16xi32>
      %swap3A_371 = vector.shape_cast %add3A_365 : vector<16xi32> to vector<1x16xi32>
      tpu.vector_store %arg8[%swap3A_367, %swap3A_368], %swap3A_371 {strides = array<i32>} : memref<2x128xi32, #tpu.memory_space<vmem>>, vector<1x16xi32>,
      %dma_start3A_372 = arith.constant 0 : i32
      %dma_start3A_373 = arith.constant 0 : i32
      %dma_start3A_374 = tpu.memref_slice %arg8[%dma_start3A_372, %dma_start3A_373] : memref<2x128xi32, #tpu.memory_space<vmem>> -> memref<1x128xi32, #tpu.memory_space<vmem>>
      %dma_start3A_375 = tpu.memref_squeeze %dma_start3A_374 : memref<1x128xi32, #tpu.memory_space<vmem>> -> memref<128xi32, #tpu.memory_space<vmem>>
      %dma_start3A_376 = arith.constant 0 : i32
      %dma_start3A_377 = arith.constant 0 : i32
      %dma_start3A_378 = tpu.memref_slice %arg2[%dma_start3A_376, %dma_start3A_377] : memref<60000x128xf32, #tpu.memory_space<hbm>> -> memref<60000x128xf32, #tpu.memory_space<hbm>>
      tpu.enqueue_indirect_dma source(%dma_start3A_378 : memref<60000x128xf32, #tpu.memory_space<hbm>>) target(%arg9 : memref<128x128xf32, #tpu.memory_space<vmem>>) offsets(%dma_start3A_375 : memref<128xi32, #tpu.memory_space<vmem>>) semaphore(%arg13 : memref<!tpu.dma_semaphore, #tpu.memory_space<semaphore_mem>>)
      %get3A_379 = arith.constant 1 : i32
      %get3A_380 = arith.index_cast %get3A_379 : i32 to index
      %get3A_381 = arith.constant 0 : index
      %get3A_382 = tpu.vector_load %arg6[%get3A_380, %get3A_381] {strides = array<i32>} : memref<40x128xi32, #tpu.memory_space<vmem>>, vector<1x16xi32>,
      %get3A_383 = vector.shape_cast %get3A_382 : vector<1x16xi32> to vector<16xi32>
      %add3A_384 = vector.broadcast %mul3A_26 : i32 to vector<16xi32>
      %add3A_385 = arith.addi %get3A_383, %add3A_384 : vector<16xi32>
      %swap3A_386 = arith.constant 1 : i32
      %swap3A_387 = arith.index_cast %swap3A_386 : i32 to index
      %swap3A_388 = arith.constant 0 : index
      %swap3A_389 = tpu.vector_load %arg8[%swap3A_387, %swap3A_388] {strides = array<i32>} : memref<2x128xi32, #tpu.memory_space<vmem>>, vector<1x16xi32>,
      %swap3A_390 = vector.shape_cast %swap3A_389 : vector<1x16xi32> to vector<16xi32>
      %swap3A_391 = vector.shape_cast %add3A_385 : vector<16xi32> to vector<1x16xi32>
      tpu.vector_store %arg8[%swap3A_387, %swap3A_388], %swap3A_391 {strides = array<i32>} : memref<2x128xi32, #tpu.memory_space<vmem>>, vector<1x16xi32>,
      %get3A_392 = arith.constant 1 : i32
      %get3A_393 = arith.index_cast %get3A_392 : i32 to index
      %get3A_394 = arith.constant 16 : index
      %get3A_395 = tpu.vector_load %arg6[%get3A_393, %get3A_394] {strides = array<i32>} : memref<40x128xi32, #tpu.memory_space<vmem>>, vector<1x16xi32>,
      %get3A_396 = vector.shape_cast %get3A_395 : vector<1x16xi32> to vector<16xi32>
      %add3A_397 = vector.broadcast %mul3A_26 : i32 to vector<16xi32>
      %add3A_398 = arith.addi %get3A_396, %add3A_397 : vector<16xi32>
      %swap3A_399 = arith.constant 1 : i32
      %swap3A_400 = arith.index_cast %swap3A_399 : i32 to index
      %swap3A_401 = arith.constant 16 : index
      %swap3A_402 = tpu.vector_load %arg8[%swap3A_400, %swap3A_401] {strides = array<i32>} : memref<2x128xi32, #tpu.memory_space<vmem>>, vector<1x16xi32>,
      %swap3A_403 = vector.shape_cast %swap3A_402 : vector<1x16xi32> to vector<16xi32>
      %swap3A_404 = vector.shape_cast %add3A_398 : vector<16xi32> to vector<1x16xi32>
      tpu.vector_store %arg8[%swap3A_400, %swap3A_401], %swap3A_404 {strides = array<i32>} : memref<2x128xi32, #tpu.memory_space<vmem>>, vector<1x16xi32>,
      %get3A_405 = arith.constant 1 : i32
      %get3A_406 = arith.index_cast %get3A_405 : i32 to index
      %get3A_407 = arith.constant 32 : index
      %get3A_408 = tpu.vector_load %arg6[%get3A_406, %get3A_407] {strides = array<i32>} : memref<40x128xi32, #tpu.memory_space<vmem>>, vector<1x16xi32>,
      %get3A_409 = vector.shape_cast %get3A_408 : vector<1x16xi32> to vector<16xi32>
      %add3A_410 = vector.broadcast %mul3A_26 : i32 to vector<16xi32>
      %add3A_411 = arith.addi %get3A_409, %add3A_410 : vector<16xi32>
      %swap3A_412 = arith.constant 1 : i32
      %swap3A_413 = arith.index_cast %swap3A_412 : i32 to index
      %swap3A_414 = arith.constant 32 : index
      %swap3A_415 = tpu.vector_load %arg8[%swap3A_413, %swap3A_414] {strides = array<i32>} : memref<2x128xi32, #tpu.memory_space<vmem>>, vector<1x16xi32>,
      %swap3A_416 = vector.shape_cast %swap3A_415 : vector<1x16xi32> to vector<16xi32>
      %swap3A_417 = vector.shape_cast %add3A_411 : vector<16xi32> to vector<1x16xi32>
      tpu.vector_store %arg8[%swap3A_413, %swap3A_414], %swap3A_417 {strides = array<i32>} : memref<2x128xi32, #tpu.memory_space<vmem>>, vector<1x16xi32>,
      %get3A_418 = arith.constant 1 : i32
      %get3A_419 = arith.index_cast %get3A_418 : i32 to index
      %get3A_420 = arith.constant 48 : index
      %get3A_421 = tpu.vector_load %arg6[%get3A_419, %get3A_420] {strides = array<i32>} : memref<40x128xi32, #tpu.memory_space<vmem>>, vector<1x16xi32>,
      %get3A_422 = vector.shape_cast %get3A_421 : vector<1x16xi32> to vector<16xi32>
      %add3A_423 = vector.broadcast %mul3A_26 : i32 to vector<16xi32>
      %add3A_424 = arith.addi %get3A_422, %add3A_423 : vector<16xi32>
      %swap3A_425 = arith.constant 1 : i32
      %swap3A_426 = arith.index_cast %swap3A_425 : i32 to index
      %swap3A_427 = arith.constant 48 : index
      %swap3A_428 = tpu.vector_load %arg8[%swap3A_426, %swap3A_427] {strides = array<i32>} : memref<2x128xi32, #tpu.memory_space<vmem>>, vector<1x16xi32>,
      %swap3A_429 = vector.shape_cast %swap3A_428 : vector<1x16xi32> to vector<16xi32>
      %swap3A_430 = vector.shape_cast %add3A_424 : vector<16xi32> to vector<1x16xi32>
      tpu.vector_store %arg8[%swap3A_426, %swap3A_427], %swap3A_430 {strides = array<i32>} : memref<2x128xi32, #tpu.memory_space<vmem>>, vector<1x16xi32>,
      %get3A_431 = arith.constant 1 : i32
      %get3A_432 = arith.index_cast %get3A_431 : i32 to index
      %get3A_433 = arith.constant 64 : index
      %get3A_434 = tpu.vector_load %arg6[%get3A_432, %get3A_433] {strides = array<i32>} : memref<40x128xi32, #tpu.memory_space<vmem>>, vector<1x16xi32>,
      %get3A_435 = vector.shape_cast %get3A_434 : vector<1x16xi32> to vector<16xi32>
      %add3A_436 = vector.broadcast %mul3A_26 : i32 to vector<16xi32>
      %add3A_437 = arith.addi %get3A_435, %add3A_436 : vector<16xi32>
      %swap3A_438 = arith.constant 1 : i32
      %swap3A_439 = arith.index_cast %swap3A_438 : i32 to index
      %swap3A_440 = arith.constant 64 : index
      %swap3A_441 = tpu.vector_load %arg8[%swap3A_439, %swap3A_440] {strides = array<i32>} : memref<2x128xi32, #tpu.memory_space<vmem>>, vector<1x16xi32>,
      %swap3A_442 = vector.shape_cast %swap3A_441 : vector<1x16xi32> to vector<16xi32>
      %swap3A_443 = vector.shape_cast %add3A_437 : vector<16xi32> to vector<1x16xi32>
      tpu.vector_store %arg8[%swap3A_439, %swap3A_440], %swap3A_443 {strides = array<i32>} : memref<2x128xi32, #tpu.memory_space<vmem>>, vector<1x16xi32>,
      %get3A_444 = arith.constant 1 : i32
      %get3A_445 = arith.index_cast %get3A_444 : i32 to index
      %get3A_446 = arith.constant 80 : index
      %get3A_447 = tpu.vector_load %arg6[%get3A_445, %get3A_446] {strides = array<i32>} : memref<40x128xi32, #tpu.memory_space<vmem>>, vector<1x16xi32>,
      %get3A_448 = vector.shape_cast %get3A_447 : vector<1x16xi32> to vector<16xi32>
      %add3A_449 = vector.broadcast %mul3A_26 : i32 to vector<16xi32>
      %add3A_450 = arith.addi %get3A_448, %add3A_449 : vector<16xi32>
      %swap3A_451 = arith.constant 1 : i32
      %swap3A_452 = arith.index_cast %swap3A_451 : i32 to index
      %swap3A_453 = arith.constant 80 : index
      %swap3A_454 = tpu.vector_load %arg8[%swap3A_452, %swap3A_453] {strides = array<i32>} : memref<2x128xi32, #tpu.memory_space<vmem>>, vector<1x16xi32>,
      %swap3A_455 = vector.shape_cast %swap3A_454 : vector<1x16xi32> to vector<16xi32>
      %swap3A_456 = vector.shape_cast %add3A_450 : vector<16xi32> to vector<1x16xi32>
      tpu.vector_store %arg8[%swap3A_452, %swap3A_453], %swap3A_456 {strides = array<i32>} : memref<2x128xi32, #tpu.memory_space<vmem>>, vector<1x16xi32>,
      %get3A_457 = arith.constant 1 : i32
      %get3A_458 = arith.index_cast %get3A_457 : i32 to index
      %get3A_459 = arith.constant 96 : index
      %get3A_460 = tpu.vector_load %arg6[%get3A_458, %get3A_459] {strides = array<i32>} : memref<40x128xi32, #tpu.memory_space<vmem>>, vector<1x16xi32>,
      %get3A_461 = vector.shape_cast %get3A_460 : vector<1x16xi32> to vector<16xi32>
      %add3A_462 = vector.broadcast %mul3A_26 : i32 to vector<16xi32>
      %add3A_463 = arith.addi %get3A_461, %add3A_462 : vector<16xi32>
      %swap3A_464 = arith.constant 1 : i32
      %swap3A_465 = arith.index_cast %swap3A_464 : i32 to index
      %swap3A_466 = arith.constant 96 : index
      %swap3A_467 = tpu.vector_load %arg8[%swap3A_465, %swap3A_466] {strides = array<i32>} : memref<2x128xi32, #tpu.memory_space<vmem>>, vector<1x16xi32>,
      %swap3A_468 = vector.shape_cast %swap3A_467 : vector<1x16xi32> to vector<16xi32>
      %swap3A_469 = vector.shape_cast %add3A_463 : vector<16xi32> to vector<1x16xi32>
      tpu.vector_store %arg8[%swap3A_465, %swap3A_466], %swap3A_469 {strides = array<i32>} : memref<2x128xi32, #tpu.memory_space<vmem>>, vector<1x16xi32>,
      %get3A_470 = arith.constant 1 : i32
      %get3A_471 = arith.index_cast %get3A_470 : i32 to index
      %get3A_472 = arith.constant 112 : index
      %get3A_473 = tpu.vector_load %arg6[%get3A_471, %get3A_472] {strides = array<i32>} : memref<40x128xi32, #tpu.memory_space<vmem>>, vector<1x16xi32>,
      %get3A_474 = vector.shape_cast %get3A_473 : vector<1x16xi32> to vector<16xi32>
      %add3A_475 = vector.broadcast %mul3A_26 : i32 to vector<16xi32>
      %add3A_476 = arith.addi %get3A_474, %add3A_475 : vector<16xi32>
      %swap3A_477 = arith.constant 1 : i32
      %swap3A_478 = arith.index_cast %swap3A_477 : i32 to index
      %swap3A_479 = arith.constant 112 : index
      %swap3A_480 = tpu.vector_load %arg8[%swap3A_478, %swap3A_479] {strides = array<i32>} : memref<2x128xi32, #tpu.memory_space<vmem>>, vector<1x16xi32>,
      %swap3A_481 = vector.shape_cast %swap3A_480 : vector<1x16xi32> to vector<16xi32>
      %swap3A_482 = vector.shape_cast %add3A_476 : vector<16xi32> to vector<1x16xi32>
      tpu.vector_store %arg8[%swap3A_478, %swap3A_479], %swap3A_482 {strides = array<i32>} : memref<2x128xi32, #tpu.memory_space<vmem>>, vector<1x16xi32>,
      %dma_start3A_483 = arith.constant 1 : i32
      %dma_start3A_484 = arith.constant 0 : i32
      %dma_start3A_485 = tpu.memref_slice %arg8[%dma_start3A_483, %dma_start3A_484] : memref<2x128xi32, #tpu.memory_space<vmem>> -> memref<1x128xi32, #tpu.memory_space<vmem>>
      %dma_start3A_486 = tpu.memref_squeeze %dma_start3A_485 : memref<1x128xi32, #tpu.memory_space<vmem>> -> memref<128xi32, #tpu.memory_space<vmem>>
      %dma_start3A_487 = arith.constant 0 : i32
      %dma_start3A_488 = arith.constant 0 : i32
      %dma_start3A_489 = tpu.memref_slice %arg2[%dma_start3A_487, %dma_start3A_488] : memref<60000x128xf32, #tpu.memory_space<hbm>> -> memref<60000x128xf32, #tpu.memory_space<hbm>>
      tpu.enqueue_indirect_dma source(%dma_start3A_489 : memref<60000x128xf32, #tpu.memory_space<hbm>>) target(%arg10 : memref<128x128xf32, #tpu.memory_space<vmem>>) offsets(%dma_start3A_486 : memref<128xi32, #tpu.memory_space<vmem>>) semaphore(%arg14 : memref<!tpu.dma_semaphore, #tpu.memory_space<semaphore_mem>>)
      %scan3A_490 = arith.constant 0 : i32
      %scan3A_491 = arith.constant 0 : i32
      %scan3A_492 = arith.constant 20 : i32
      %scan3A_493 = arith.addi %scan3A_491, %scan3A_492 : i32
      %scan3A_494 = arith.constant 1 : i32
      %scan3A_495 = scf.for %scan3A_969 = %scan3A_491 to %scan3A_493 step %scan3A_494 iter_args(%scan3A_970 = %scan3A_490) -> (i32)  : i32 {
        %mul3A_971 = arith.constant 2 : i32
        %mul3A_972 = arith.muli %mul3A_971, %scan3A_969 : i32
        %add3A_973 = arith.constant 0 : i32
        %add3A_974 = arith.addi %mul3A_972, %add3A_973 : i32
        %dma_wait3A = arith.constant 0 : i32
        %dma_wait3A_975 = arith.constant 0 : i32
        %dma_wait3A_976 = tpu.memref_slice %arg8[%dma_wait3A, %dma_wait3A_975] : memref<2x128xi32, #tpu.memory_space<vmem>> -> memref<1x128xi32, #tpu.memory_space<vmem>>
        %dma_wait3A_977 = tpu.memref_squeeze %dma_wait3A_976 : memref<1x128xi32, #tpu.memory_space<vmem>> -> memref<128xi32, #tpu.memory_space<vmem>>
        %dma_wait3A_978 = arith.constant 0 : i32
        %dma_wait3A_979 = arith.constant 0 : i32
        %dma_wait3A_980 = tpu.memref_slice %arg2[%dma_wait3A_978, %dma_wait3A_979] : memref<60000x128xf32, #tpu.memory_space<hbm>> -> memref<60000x128xf32, #tpu.memory_space<hbm>>
        tpu.wait_indirect_dma semaphore(%arg13 : memref<!tpu.dma_semaphore, #tpu.memory_space<semaphore_mem>>) src(%dma_wait3A_980 : memref<60000x128xf32, #tpu.memory_space<hbm>>) dst(%arg9 : memref<128x128xf32, #tpu.memory_space<vmem>>)
        %dma_start3A_981 = arith.constant 0 : i32
        %dma_start3A_982 = tpu.memref_slice %arg7[%add3A_974, %dma_start3A_981] : memref<40x128xi32, #tpu.memory_space<vmem>> -> memref<1x128xi32, #tpu.memory_space<vmem>>
        %dma_start3A_983 = tpu.memref_squeeze %dma_start3A_982 : memref<1x128xi32, #tpu.memory_space<vmem>> -> memref<128xi32, #tpu.memory_space<vmem>>
        %dma_start3A_984 = arith.constant 0 : i32
        %dma_start3A_985 = arith.constant 0 : i32
        %dma_start3A_986 = tpu.memref_slice %arg12[%dma_start3A_984, %dma_start3A_985] : memref<10240x128xf32, #tpu.memory_space<vmem_shared>> -> memref<10240x128xf32, #tpu.memory_space<vmem_shared>>
        tpu.enqueue_indirect_dma source(%arg9 : memref<128x128xf32, #tpu.memory_space<vmem>>) target(%dma_start3A_986 : memref<10240x128xf32, #tpu.memory_space<vmem_shared>>) offsets(%dma_start3A_983 : memref<128xi32, #tpu.memory_space<vmem>>) semaphore(%arg15 : memref<!tpu.dma_semaphore, #tpu.memory_space<semaphore_mem>>) {add = true}
        %add3A_987 = arith.constant 2 : i32
        %add3A_988 = arith.addi %add3A_974, %add3A_987 : i32
        %lt3A = arith.constant 40 : i32
        %lt3A_989 = arith.cmpi slt, %add3A_988, %lt3A : i32
        %convert_element_type3A = arith.extui %lt3A_989 : i1 to i32
        %cond3A = arith.constant 0 : i32
        %cond3A_990 = arith.cmpi ne, %convert_element_type3A, %cond3A : i32
        scf.if %cond3A_990 {
          %add3A_1042 = arith.constant 2 : i32
          %add3A_1043 = arith.addi %add3A_974, %add3A_1042 : i32
          %get3A_1044 = arith.index_cast %add3A_1043 : i32 to index
          %get3A_1045 = arith.constant 0 : index
          %get3A_1046 = tpu.vector_load %arg6[%get3A_1044, %get3A_1045] {strides = array<i32>} : memref<40x128xi32, #tpu.memory_space<vmem>>, vector<1x16xi32>,
          %get3A_1047 = vector.shape_cast %get3A_1046 : vector<1x16xi32> to vector<16xi32>
          %add3A_1048 = vector.broadcast %mul3A_26 : i32 to vector<16xi32>
          %add3A_1049 = arith.addi %get3A_1047, %add3A_1048 : vector<16xi32>
          %swap3A_1050 = arith.constant 0 : i32
          %swap3A_1051 = arith.index_cast %swap3A_1050 : i32 to index
          %swap3A_1052 = arith.constant 0 : index
          %swap3A_1053 = tpu.vector_load %arg8[%swap3A_1051, %swap3A_1052] {strides = array<i32>} : memref<2x128xi32, #tpu.memory_space<vmem>>, vector<1x16xi32>,
          %swap3A_1054 = vector.shape_cast %swap3A_1053 : vector<1x16xi32> to vector<16xi32>
          %swap3A_1055 = vector.shape_cast %add3A_1049 : vector<16xi32> to vector<1x16xi32>
          tpu.vector_store %arg8[%swap3A_1051, %swap3A_1052], %swap3A_1055 {strides = array<i32>} : memref<2x128xi32, #tpu.memory_space<vmem>>, vector<1x16xi32>,
          %get3A_1056 = arith.index_cast %add3A_1043 : i32 to index
          %get3A_1057 = arith.constant 16 : index
          %get3A_1058 = tpu.vector_load %arg6[%get3A_1056, %get3A_1057] {strides = array<i32>} : memref<40x128xi32, #tpu.memory_space<vmem>>, vector<1x16xi32>,
          %get3A_1059 = vector.shape_cast %get3A_1058 : vector<1x16xi32> to vector<16xi32>
          %add3A_1060 = vector.broadcast %mul3A_26 : i32 to vector<16xi32>
          %add3A_1061 = arith.addi %get3A_1059, %add3A_1060 : vector<16xi32>
          %swap3A_1062 = arith.constant 0 : i32
          %swap3A_1063 = arith.index_cast %swap3A_1062 : i32 to index
          %swap3A_1064 = arith.constant 16 : index
          %swap3A_1065 = tpu.vector_load %arg8[%swap3A_1063, %swap3A_1064] {strides = array<i32>} : memref<2x128xi32, #tpu.memory_space<vmem>>, vector<1x16xi32>,
          %swap3A_1066 = vector.shape_cast %swap3A_1065 : vector<1x16xi32> to vector<16xi32>
          %swap3A_1067 = vector.shape_cast %add3A_1061 : vector<16xi32> to vector<1x16xi32>
          tpu.vector_store %arg8[%swap3A_1063, %swap3A_1064], %swap3A_1067 {strides = array<i32>} : memref<2x128xi32, #tpu.memory_space<vmem>>, vector<1x16xi32>,
          %get3A_1068 = arith.index_cast %add3A_1043 : i32 to index
          %get3A_1069 = arith.constant 32 : index
          %get3A_1070 = tpu.vector_load %arg6[%get3A_1068, %get3A_1069] {strides = array<i32>} : memref<40x128xi32, #tpu.memory_space<vmem>>, vector<1x16xi32>,
          %get3A_1071 = vector.shape_cast %get3A_1070 : vector<1x16xi32> to vector<16xi32>
          %add3A_1072 = vector.broadcast %mul3A_26 : i32 to vector<16xi32>
          %add3A_1073 = arith.addi %get3A_1071, %add3A_1072 : vector<16xi32>
          %swap3A_1074 = arith.constant 0 : i32
          %swap3A_1075 = arith.index_cast %swap3A_1074 : i32 to index
          %swap3A_1076 = arith.constant 32 : index
          %swap3A_1077 = tpu.vector_load %arg8[%swap3A_1075, %swap3A_1076] {strides = array<i32>} : memref<2x128xi32, #tpu.memory_space<vmem>>, vector<1x16xi32>,
          %swap3A_1078 = vector.shape_cast %swap3A_1077 : vector<1x16xi32> to vector<16xi32>
          %swap3A_1079 = vector.shape_cast %add3A_1073 : vector<16xi32> to vector<1x16xi32>
          tpu.vector_store %arg8[%swap3A_1075, %swap3A_1076], %swap3A_1079 {strides = array<i32>} : memref<2x128xi32, #tpu.memory_space<vmem>>, vector<1x16xi32>,
          %get3A_1080 = arith.index_cast %add3A_1043 : i32 to index
          %get3A_1081 = arith.constant 48 : index
          %get3A_1082 = tpu.vector_load %arg6[%get3A_1080, %get3A_1081] {strides = array<i32>} : memref<40x128xi32, #tpu.memory_space<vmem>>, vector<1x16xi32>,
          %get3A_1083 = vector.shape_cast %get3A_1082 : vector<1x16xi32> to vector<16xi32>
          %add3A_1084 = vector.broadcast %mul3A_26 : i32 to vector<16xi32>
          %add3A_1085 = arith.addi %get3A_1083, %add3A_1084 : vector<16xi32>
          %swap3A_1086 = arith.constant 0 : i32
          %swap3A_1087 = arith.index_cast %swap3A_1086 : i32 to index
          %swap3A_1088 = arith.constant 48 : index
          %swap3A_1089 = tpu.vector_load %arg8[%swap3A_1087, %swap3A_1088] {strides = array<i32>} : memref<2x128xi32, #tpu.memory_space<vmem>>, vector<1x16xi32>,
          %swap3A_1090 = vector.shape_cast %swap3A_1089 : vector<1x16xi32> to vector<16xi32>
          %swap3A_1091 = vector.shape_cast %add3A_1085 : vector<16xi32> to vector<1x16xi32>
          tpu.vector_store %arg8[%swap3A_1087, %swap3A_1088], %swap3A_1091 {strides = array<i32>} : memref<2x128xi32, #tpu.memory_space<vmem>>, vector<1x16xi32>,
          %get3A_1092 = arith.index_cast %add3A_1043 : i32 to index
          %get3A_1093 = arith.constant 64 : index
          %get3A_1094 = tpu.vector_load %arg6[%get3A_1092, %get3A_1093] {strides = array<i32>} : memref<40x128xi32, #tpu.memory_space<vmem>>, vector<1x16xi32>,
          %get3A_1095 = vector.shape_cast %get3A_1094 : vector<1x16xi32> to vector<16xi32>
          %add3A_1096 = vector.broadcast %mul3A_26 : i32 to vector<16xi32>
          %add3A_1097 = arith.addi %get3A_1095, %add3A_1096 : vector<16xi32>
          %swap3A_1098 = arith.constant 0 : i32
          %swap3A_1099 = arith.index_cast %swap3A_1098 : i32 to index
          %swap3A_1100 = arith.constant 64 : index
          %swap3A_1101 = tpu.vector_load %arg8[%swap3A_1099, %swap3A_1100] {strides = array<i32>} : memref<2x128xi32, #tpu.memory_space<vmem>>, vector<1x16xi32>,
          %swap3A_1102 = vector.shape_cast %swap3A_1101 : vector<1x16xi32> to vector<16xi32>
          %swap3A_1103 = vector.shape_cast %add3A_1097 : vector<16xi32> to vector<1x16xi32>
          tpu.vector_store %arg8[%swap3A_1099, %swap3A_1100], %swap3A_1103 {strides = array<i32>} : memref<2x128xi32, #tpu.memory_space<vmem>>, vector<1x16xi32>,
          %get3A_1104 = arith.index_cast %add3A_1043 : i32 to index
          %get3A_1105 = arith.constant 80 : index
          %get3A_1106 = tpu.vector_load %arg6[%get3A_1104, %get3A_1105] {strides = array<i32>} : memref<40x128xi32, #tpu.memory_space<vmem>>, vector<1x16xi32>,
          %get3A_1107 = vector.shape_cast %get3A_1106 : vector<1x16xi32> to vector<16xi32>
          %add3A_1108 = vector.broadcast %mul3A_26 : i32 to vector<16xi32>
          %add3A_1109 = arith.addi %get3A_1107, %add3A_1108 : vector<16xi32>
          %swap3A_1110 = arith.constant 0 : i32
          %swap3A_1111 = arith.index_cast %swap3A_1110 : i32 to index
          %swap3A_1112 = arith.constant 80 : index
          %swap3A_1113 = tpu.vector_load %arg8[%swap3A_1111, %swap3A_1112] {strides = array<i32>} : memref<2x128xi32, #tpu.memory_space<vmem>>, vector<1x16xi32>,
          %swap3A_1114 = vector.shape_cast %swap3A_1113 : vector<1x16xi32> to vector<16xi32>
          %swap3A_1115 = vector.shape_cast %add3A_1109 : vector<16xi32> to vector<1x16xi32>
          tpu.vector_store %arg8[%swap3A_1111, %swap3A_1112], %swap3A_1115 {strides = array<i32>} : memref<2x128xi32, #tpu.memory_space<vmem>>, vector<1x16xi32>,
          %get3A_1116 = arith.index_cast %add3A_1043 : i32 to index
          %get3A_1117 = arith.constant 96 : index
          %get3A_1118 = tpu.vector_load %arg6[%get3A_1116, %get3A_1117] {strides = array<i32>} : memref<40x128xi32, #tpu.memory_space<vmem>>, vector<1x16xi32>,
          %get3A_1119 = vector.shape_cast %get3A_1118 : vector<1x16xi32> to vector<16xi32>
          %add3A_1120 = vector.broadcast %mul3A_26 : i32 to vector<16xi32>
          %add3A_1121 = arith.addi %get3A_1119, %add3A_1120 : vector<16xi32>
          %swap3A_1122 = arith.constant 0 : i32
          %swap3A_1123 = arith.index_cast %swap3A_1122 : i32 to index
          %swap3A_1124 = arith.constant 96 : index
          %swap3A_1125 = tpu.vector_load %arg8[%swap3A_1123, %swap3A_1124] {strides = array<i32>} : memref<2x128xi32, #tpu.memory_space<vmem>>, vector<1x16xi32>,
          %swap3A_1126 = vector.shape_cast %swap3A_1125 : vector<1x16xi32> to vector<16xi32>
          %swap3A_1127 = vector.shape_cast %add3A_1121 : vector<16xi32> to vector<1x16xi32>
          tpu.vector_store %arg8[%swap3A_1123, %swap3A_1124], %swap3A_1127 {strides = array<i32>} : memref<2x128xi32, #tpu.memory_space<vmem>>, vector<1x16xi32>,
          %get3A_1128 = arith.index_cast %add3A_1043 : i32 to index
          %get3A_1129 = arith.constant 112 : index
          %get3A_1130 = tpu.vector_load %arg6[%get3A_1128, %get3A_1129] {strides = array<i32>} : memref<40x128xi32, #tpu.memory_space<vmem>>, vector<1x16xi32>,
          %get3A_1131 = vector.shape_cast %get3A_1130 : vector<1x16xi32> to vector<16xi32>
          %add3A_1132 = vector.broadcast %mul3A_26 : i32 to vector<16xi32>
          %add3A_1133 = arith.addi %get3A_1131, %add3A_1132 : vector<16xi32>
          %swap3A_1134 = arith.constant 0 : i32
          %swap3A_1135 = arith.index_cast %swap3A_1134 : i32 to index
          %swap3A_1136 = arith.constant 112 : index
          %swap3A_1137 = tpu.vector_load %arg8[%swap3A_1135, %swap3A_1136] {strides = array<i32>} : memref<2x128xi32, #tpu.memory_space<vmem>>, vector<1x16xi32>,
          %swap3A_1138 = vector.shape_cast %swap3A_1137 : vector<1x16xi32> to vector<16xi32>
          %swap3A_1139 = vector.shape_cast %add3A_1133 : vector<16xi32> to vector<1x16xi32>
          tpu.vector_store %arg8[%swap3A_1135, %swap3A_1136], %swap3A_1139 {strides = array<i32>} : memref<2x128xi32, #tpu.memory_space<vmem>>, vector<1x16xi32>,
        } else {
        }
        %dma_wait3A_991 = arith.constant 0 : i32
        %dma_wait3A_992 = tpu.memref_slice %arg7[%add3A_974, %dma_wait3A_991] : memref<40x128xi32, #tpu.memory_space<vmem>> -> memref<1x128xi32, #tpu.memory_space<vmem>>
        %dma_wait3A_993 = tpu.memref_squeeze %dma_wait3A_992 : memref<1x128xi32, #tpu.memory_space<vmem>> -> memref<128xi32, #tpu.memory_space<vmem>>
        %dma_wait3A_994 = arith.constant 0 : i32
        %dma_wait3A_995 = arith.constant 0 : i32
        %dma_wait3A_996 = tpu.memref_slice %arg12[%dma_wait3A_994, %dma_wait3A_995] : memref<10240x128xf32, #tpu.memory_space<vmem_shared>> -> memref<10240x128xf32, #tpu.memory_space<vmem_shared>>
        tpu.wait_indirect_dma semaphore(%arg15 : memref<!tpu.dma_semaphore, #tpu.memory_space<semaphore_mem>>) src(%arg9 : memref<128x128xf32, #tpu.memory_space<vmem>>) dst(%dma_wait3A_996 : memref<10240x128xf32, #tpu.memory_space<vmem_shared>>)
        %add3A_997 = arith.constant 2 : i32
        %add3A_998 = arith.addi %add3A_974, %add3A_997 : i32
        %lt3A_999 = arith.constant 40 : i32
        %lt3A_1000 = arith.cmpi slt, %add3A_998, %lt3A_999 : i32
        %convert_element_type3A_1001 = arith.extui %lt3A_1000 : i1 to i32
        %cond3A_1002 = arith.constant 0 : i32
        %cond3A_1003 = arith.cmpi ne, %convert_element_type3A_1001, %cond3A_1002 : i32
        scf.if %cond3A_1003 {
          %dma_start3A_1042 = arith.constant 0 : i32
          %dma_start3A_1043 = arith.constant 0 : i32
          %dma_start3A_1044 = tpu.memref_slice %arg8[%dma_start3A_1042, %dma_start3A_1043] : memref<2x128xi32, #tpu.memory_space<vmem>> -> memref<1x128xi32, #tpu.memory_space<vmem>>
          %dma_start3A_1045 = tpu.memref_squeeze %dma_start3A_1044 : memref<1x128xi32, #tpu.memory_space<vmem>> -> memref<128xi32, #tpu.memory_space<vmem>>
          %dma_start3A_1046 = arith.constant 0 : i32
          %dma_start3A_1047 = arith.constant 0 : i32
          %dma_start3A_1048 = tpu.memref_slice %arg2[%dma_start3A_1046, %dma_start3A_1047] : memref<60000x128xf32, #tpu.memory_space<hbm>> -> memref<60000x128xf32, #tpu.memory_space<hbm>>
          tpu.enqueue_indirect_dma source(%dma_start3A_1048 : memref<60000x128xf32, #tpu.memory_space<hbm>>) target(%arg9 : memref<128x128xf32, #tpu.memory_space<vmem>>) offsets(%dma_start3A_1045 : memref<128xi32, #tpu.memory_space<vmem>>) semaphore(%arg13 : memref<!tpu.dma_semaphore, #tpu.memory_space<semaphore_mem>>)
        } else {
        }
        %mul3A_1004 = arith.constant 2 : i32
        %mul3A_1005 = arith.muli %mul3A_1004, %scan3A_969 : i32
        %add3A_1006 = arith.constant 1 : i32
        %add3A_1007 = arith.addi %mul3A_1005, %add3A_1006 : i32
        %dma_wait3A_1008 = arith.constant 1 : i32
        %dma_wait3A_1009 = arith.constant 0 : i32
        %dma_wait3A_1010 = tpu.memref_slice %arg8[%dma_wait3A_1008, %dma_wait3A_1009] : memref<2x128xi32, #tpu.memory_space<vmem>> -> memref<1x128xi32, #tpu.memory_space<vmem>>
        %dma_wait3A_1011 = tpu.memref_squeeze %dma_wait3A_1010 : memref<1x128xi32, #tpu.memory_space<vmem>> -> memref<128xi32, #tpu.memory_space<vmem>>
        %dma_wait3A_1012 = arith.constant 0 : i32
        %dma_wait3A_1013 = arith.constant 0 : i32
        %dma_wait3A_1014 = tpu.memref_slice %arg2[%dma_wait3A_1012, %dma_wait3A_1013] : memref<60000x128xf32, #tpu.memory_space<hbm>> -> memref<60000x128xf32, #tpu.memory_space<hbm>>
        tpu.wait_indirect_dma semaphore(%arg14 : memref<!tpu.dma_semaphore, #tpu.memory_space<semaphore_mem>>) src(%dma_wait3A_1014 : memref<60000x128xf32, #tpu.memory_space<hbm>>) dst(%arg10 : memref<128x128xf32, #tpu.memory_space<vmem>>)
        %dma_start3A_1015 = arith.constant 0 : i32
        %dma_start3A_1016 = tpu.memref_slice %arg7[%add3A_1007, %dma_start3A_1015] : memref<40x128xi32, #tpu.memory_space<vmem>> -> memref<1x128xi32, #tpu.memory_space<vmem>>
        %dma_start3A_1017 = tpu.memref_squeeze %dma_start3A_1016 : memref<1x128xi32, #tpu.memory_space<vmem>> -> memref<128xi32, #tpu.memory_space<vmem>>
        %dma_start3A_1018 = arith.constant 0 : i32
        %dma_start3A_1019 = arith.constant 0 : i32
        %dma_start3A_1020 = tpu.memref_slice %arg12[%dma_start3A_1018, %dma_start3A_1019] : memref<10240x128xf32, #tpu.memory_space<vmem_shared>> -> memref<10240x128xf32, #tpu.memory_space<vmem_shared>>
        tpu.enqueue_indirect_dma source(%arg10 : memref<128x128xf32, #tpu.memory_space<vmem>>) target(%dma_start3A_1020 : memref<10240x128xf32, #tpu.memory_space<vmem_shared>>) offsets(%dma_start3A_1017 : memref<128xi32, #tpu.memory_space<vmem>>) semaphore(%arg16 : memref<!tpu.dma_semaphore, #tpu.memory_space<semaphore_mem>>) {add = true}
        %add3A_1021 = arith.constant 2 : i32
        %add3A_1022 = arith.addi %add3A_1007, %add3A_1021 : i32
        %lt3A_1023 = arith.constant 40 : i32
        %lt3A_1024 = arith.cmpi slt, %add3A_1022, %lt3A_1023 : i32
        %convert_element_type3A_1025 = arith.extui %lt3A_1024 : i1 to i32
        %cond3A_1026 = arith.constant 0 : i32
        %cond3A_1027 = arith.cmpi ne, %convert_element_type3A_1025, %cond3A_1026 : i32
        scf.if %cond3A_1027 {
          %add3A_1042 = arith.constant 2 : i32
          %add3A_1043 = arith.addi %add3A_1007, %add3A_1042 : i32
          %get3A_1044 = arith.index_cast %add3A_1043 : i32 to index
          %get3A_1045 = arith.constant 0 : index
          %get3A_1046 = tpu.vector_load %arg6[%get3A_1044, %get3A_1045] {strides = array<i32>} : memref<40x128xi32, #tpu.memory_space<vmem>>, vector<1x16xi32>,
          %get3A_1047 = vector.shape_cast %get3A_1046 : vector<1x16xi32> to vector<16xi32>
          %add3A_1048 = vector.broadcast %mul3A_26 : i32 to vector<16xi32>
          %add3A_1049 = arith.addi %get3A_1047, %add3A_1048 : vector<16xi32>
          %swap3A_1050 = arith.constant 1 : i32
          %swap3A_1051 = arith.index_cast %swap3A_1050 : i32 to index
          %swap3A_1052 = arith.constant 0 : index
          %swap3A_1053 = tpu.vector_load %arg8[%swap3A_1051, %swap3A_1052] {strides = array<i32>} : memref<2x128xi32, #tpu.memory_space<vmem>>, vector<1x16xi32>,
          %swap3A_1054 = vector.shape_cast %swap3A_1053 : vector<1x16xi32> to vector<16xi32>
          %swap3A_1055 = vector.shape_cast %add3A_1049 : vector<16xi32> to vector<1x16xi32>
          tpu.vector_store %arg8[%swap3A_1051, %swap3A_1052], %swap3A_1055 {strides = array<i32>} : memref<2x128xi32, #tpu.memory_space<vmem>>, vector<1x16xi32>,
          %get3A_1056 = arith.index_cast %add3A_1043 : i32 to index
          %get3A_1057 = arith.constant 16 : index
          %get3A_1058 = tpu.vector_load %arg6[%get3A_1056, %get3A_1057] {strides = array<i32>} : memref<40x128xi32, #tpu.memory_space<vmem>>, vector<1x16xi32>,
          %get3A_1059 = vector.shape_cast %get3A_1058 : vector<1x16xi32> to vector<16xi32>
          %add3A_1060 = vector.broadcast %mul3A_26 : i32 to vector<16xi32>
          %add3A_1061 = arith.addi %get3A_1059, %add3A_1060 : vector<16xi32>
          %swap3A_1062 = arith.constant 1 : i32
          %swap3A_1063 = arith.index_cast %swap3A_1062 : i32 to index
          %swap3A_1064 = arith.constant 16 : index
          %swap3A_1065 = tpu.vector_load %arg8[%swap3A_1063, %swap3A_1064] {strides = array<i32>} : memref<2x128xi32, #tpu.memory_space<vmem>>, vector<1x16xi32>,
          %swap3A_1066 = vector.shape_cast %swap3A_1065 : vector<1x16xi32> to vector<16xi32>
          %swap3A_1067 = vector.shape_cast %add3A_1061 : vector<16xi32> to vector<1x16xi32>
          tpu.vector_store %arg8[%swap3A_1063, %swap3A_1064], %swap3A_1067 {strides = array<i32>} : memref<2x128xi32, #tpu.memory_space<vmem>>, vector<1x16xi32>,
          %get3A_1068 = arith.index_cast %add3A_1043 : i32 to index
          %get3A_1069 = arith.constant 32 : index
          %get3A_1070 = tpu.vector_load %arg6[%get3A_1068, %get3A_1069] {strides = array<i32>} : memref<40x128xi32, #tpu.memory_space<vmem>>, vector<1x16xi32>,
          %get3A_1071 = vector.shape_cast %get3A_1070 : vector<1x16xi32> to vector<16xi32>
          %add3A_1072 = vector.broadcast %mul3A_26 : i32 to vector<16xi32>
          %add3A_1073 = arith.addi %get3A_1071, %add3A_1072 : vector<16xi32>
          %swap3A_1074 = arith.constant 1 : i32
          %swap3A_1075 = arith.index_cast %swap3A_1074 : i32 to index
          %swap3A_1076 = arith.constant 32 : index
          %swap3A_1077 = tpu.vector_load %arg8[%swap3A_1075, %swap3A_1076] {strides = array<i32>} : memref<2x128xi32, #tpu.memory_space<vmem>>, vector<1x16xi32>,
          %swap3A_1078 = vector.shape_cast %swap3A_1077 : vector<1x16xi32> to vector<16xi32>
          %swap3A_1079 = vector.shape_cast %add3A_1073 : vector<16xi32> to vector<1x16xi32>
          tpu.vector_store %arg8[%swap3A_1075, %swap3A_1076], %swap3A_1079 {strides = array<i32>} : memref<2x128xi32, #tpu.memory_space<vmem>>, vector<1x16xi32>,
          %get3A_1080 = arith.index_cast %add3A_1043 : i32 to index
          %get3A_1081 = arith.constant 48 : index
          %get3A_1082 = tpu.vector_load %arg6[%get3A_1080, %get3A_1081] {strides = array<i32>} : memref<40x128xi32, #tpu.memory_space<vmem>>, vector<1x16xi32>,
          %get3A_1083 = vector.shape_cast %get3A_1082 : vector<1x16xi32> to vector<16xi32>
          %add3A_1084 = vector.broadcast %mul3A_26 : i32 to vector<16xi32>
          %add3A_1085 = arith.addi %get3A_1083, %add3A_1084 : vector<16xi32>
          %swap3A_1086 = arith.constant 1 : i32
          %swap3A_1087 = arith.index_cast %swap3A_1086 : i32 to index
          %swap3A_1088 = arith.constant 48 : index
          %swap3A_1089 = tpu.vector_load %arg8[%swap3A_1087, %swap3A_1088] {strides = array<i32>} : memref<2x128xi32, #tpu.memory_space<vmem>>, vector<1x16xi32>,
          %swap3A_1090 = vector.shape_cast %swap3A_1089 : vector<1x16xi32> to vector<16xi32>
          %swap3A_1091 = vector.shape_cast %add3A_1085 : vector<16xi32> to vector<1x16xi32>
          tpu.vector_store %arg8[%swap3A_1087, %swap3A_1088], %swap3A_1091 {strides = array<i32>} : memref<2x128xi32, #tpu.memory_space<vmem>>, vector<1x16xi32>,
          %get3A_1092 = arith.index_cast %add3A_1043 : i32 to index
          %get3A_1093 = arith.constant 64 : index
          %get3A_1094 = tpu.vector_load %arg6[%get3A_1092, %get3A_1093] {strides = array<i32>} : memref<40x128xi32, #tpu.memory_space<vmem>>, vector<1x16xi32>,
          %get3A_1095 = vector.shape_cast %get3A_1094 : vector<1x16xi32> to vector<16xi32>
          %add3A_1096 = vector.broadcast %mul3A_26 : i32 to vector<16xi32>
          %add3A_1097 = arith.addi %get3A_1095, %add3A_1096 : vector<16xi32>
          %swap3A_1098 = arith.constant 1 : i32
          %swap3A_1099 = arith.index_cast %swap3A_1098 : i32 to index
          %swap3A_1100 = arith.constant 64 : index
          %swap3A_1101 = tpu.vector_load %arg8[%swap3A_1099, %swap3A_1100] {strides = array<i32>} : memref<2x128xi32, #tpu.memory_space<vmem>>, vector<1x16xi32>,
          %swap3A_1102 = vector.shape_cast %swap3A_1101 : vector<1x16xi32> to vector<16xi32>
          %swap3A_1103 = vector.shape_cast %add3A_1097 : vector<16xi32> to vector<1x16xi32>
          tpu.vector_store %arg8[%swap3A_1099, %swap3A_1100], %swap3A_1103 {strides = array<i32>} : memref<2x128xi32, #tpu.memory_space<vmem>>, vector<1x16xi32>,
          %get3A_1104 = arith.index_cast %add3A_1043 : i32 to index
          %get3A_1105 = arith.constant 80 : index
          %get3A_1106 = tpu.vector_load %arg6[%get3A_1104, %get3A_1105] {strides = array<i32>} : memref<40x128xi32, #tpu.memory_space<vmem>>, vector<1x16xi32>,
          %get3A_1107 = vector.shape_cast %get3A_1106 : vector<1x16xi32> to vector<16xi32>
          %add3A_1108 = vector.broadcast %mul3A_26 : i32 to vector<16xi32>
          %add3A_1109 = arith.addi %get3A_1107, %add3A_1108 : vector<16xi32>
          %swap3A_1110 = arith.constant 1 : i32
          %swap3A_1111 = arith.index_cast %swap3A_1110 : i32 to index
          %swap3A_1112 = arith.constant 80 : index
          %swap3A_1113 = tpu.vector_load %arg8[%swap3A_1111, %swap3A_1112] {strides = array<i32>} : memref<2x128xi32, #tpu.memory_space<vmem>>, vector<1x16xi32>,
          %swap3A_1114 = vector.shape_cast %swap3A_1113 : vector<1x16xi32> to vector<16xi32>
          %swap3A_1115 = vector.shape_cast %add3A_1109 : vector<16xi32> to vector<1x16xi32>
          tpu.vector_store %arg8[%swap3A_1111, %swap3A_1112], %swap3A_1115 {strides = array<i32>} : memref<2x128xi32, #tpu.memory_space<vmem>>, vector<1x16xi32>,
          %get3A_1116 = arith.index_cast %add3A_1043 : i32 to index
          %get3A_1117 = arith.constant 96 : index
          %get3A_1118 = tpu.vector_load %arg6[%get3A_1116, %get3A_1117] {strides = array<i32>} : memref<40x128xi32, #tpu.memory_space<vmem>>, vector<1x16xi32>,
          %get3A_1119 = vector.shape_cast %get3A_1118 : vector<1x16xi32> to vector<16xi32>
          %add3A_1120 = vector.broadcast %mul3A_26 : i32 to vector<16xi32>
          %add3A_1121 = arith.addi %get3A_1119, %add3A_1120 : vector<16xi32>
          %swap3A_1122 = arith.constant 1 : i32
          %swap3A_1123 = arith.index_cast %swap3A_1122 : i32 to index
          %swap3A_1124 = arith.constant 96 : index
          %swap3A_1125 = tpu.vector_load %arg8[%swap3A_1123, %swap3A_1124] {strides = array<i32>} : memref<2x128xi32, #tpu.memory_space<vmem>>, vector<1x16xi32>,
          %swap3A_1126 = vector.shape_cast %swap3A_1125 : vector<1x16xi32> to vector<16xi32>
          %swap3A_1127 = vector.shape_cast %add3A_1121 : vector<16xi32> to vector<1x16xi32>
          tpu.vector_store %arg8[%swap3A_1123, %swap3A_1124], %swap3A_1127 {strides = array<i32>} : memref<2x128xi32, #tpu.memory_space<vmem>>, vector<1x16xi32>,
          %get3A_1128 = arith.index_cast %add3A_1043 : i32 to index
          %get3A_1129 = arith.constant 112 : index
          %get3A_1130 = tpu.vector_load %arg6[%get3A_1128, %get3A_1129] {strides = array<i32>} : memref<40x128xi32, #tpu.memory_space<vmem>>, vector<1x16xi32>,
          %get3A_1131 = vector.shape_cast %get3A_1130 : vector<1x16xi32> to vector<16xi32>
          %add3A_1132 = vector.broadcast %mul3A_26 : i32 to vector<16xi32>
          %add3A_1133 = arith.addi %get3A_1131, %add3A_1132 : vector<16xi32>
          %swap3A_1134 = arith.constant 1 : i32
          %swap3A_1135 = arith.index_cast %swap3A_1134 : i32 to index
          %swap3A_1136 = arith.constant 112 : index
          %swap3A_1137 = tpu.vector_load %arg8[%swap3A_1135, %swap3A_1136] {strides = array<i32>} : memref<2x128xi32, #tpu.memory_space<vmem>>, vector<1x16xi32>,
          %swap3A_1138 = vector.shape_cast %swap3A_1137 : vector<1x16xi32> to vector<16xi32>
          %swap3A_1139 = vector.shape_cast %add3A_1133 : vector<16xi32> to vector<1x16xi32>
          tpu.vector_store %arg8[%swap3A_1135, %swap3A_1136], %swap3A_1139 {strides = array<i32>} : memref<2x128xi32, #tpu.memory_space<vmem>>, vector<1x16xi32>,
        } else {
        }
        %dma_wait3A_1028 = arith.constant 0 : i32
        %dma_wait3A_1029 = tpu.memref_slice %arg7[%add3A_1007, %dma_wait3A_1028] : memref<40x128xi32, #tpu.memory_space<vmem>> -> memref<1x128xi32, #tpu.memory_space<vmem>>
        %dma_wait3A_1030 = tpu.memref_squeeze %dma_wait3A_1029 : memref<1x128xi32, #tpu.memory_space<vmem>> -> memref<128xi32, #tpu.memory_space<vmem>>
        %dma_wait3A_1031 = arith.constant 0 : i32
        %dma_wait3A_1032 = arith.constant 0 : i32
        %dma_wait3A_1033 = tpu.memref_slice %arg12[%dma_wait3A_1031, %dma_wait3A_1032] : memref<10240x128xf32, #tpu.memory_space<vmem_shared>> -> memref<10240x128xf32, #tpu.memory_space<vmem_shared>>
        tpu.wait_indirect_dma semaphore(%arg16 : memref<!tpu.dma_semaphore, #tpu.memory_space<semaphore_mem>>) src(%arg10 : memref<128x128xf32, #tpu.memory_space<vmem>>) dst(%dma_wait3A_1033 : memref<10240x128xf32, #tpu.memory_space<vmem_shared>>)
        %add3A_1034 = arith.constant 2 : i32
        %add3A_1035 = arith.addi %add3A_1007, %add3A_1034 : i32
        %lt3A_1036 = arith.constant 40 : i32
        %lt3A_1037 = arith.cmpi slt, %add3A_1035, %lt3A_1036 : i32
        %convert_element_type3A_1038 = arith.extui %lt3A_1037 : i1 to i32
        %cond3A_1039 = arith.constant 0 : i32
        %cond3A_1040 = arith.cmpi ne, %convert_element_type3A_1038, %cond3A_1039 : i32
        scf.if %cond3A_1040 {
          %dma_start3A_1042 = arith.constant 1 : i32
          %dma_start3A_1043 = arith.constant 0 : i32
          %dma_start3A_1044 = tpu.memref_slice %arg8[%dma_start3A_1042, %dma_start3A_1043] : memref<2x128xi32, #tpu.memory_space<vmem>> -> memref<1x128xi32, #tpu.memory_space<vmem>>
          %dma_start3A_1045 = tpu.memref_squeeze %dma_start3A_1044 : memref<1x128xi32, #tpu.memory_space<vmem>> -> memref<128xi32, #tpu.memory_space<vmem>>
          %dma_start3A_1046 = arith.constant 0 : i32
          %dma_start3A_1047 = arith.constant 0 : i32
          %dma_start3A_1048 = tpu.memref_slice %arg2[%dma_start3A_1046, %dma_start3A_1047] : memref<60000x128xf32, #tpu.memory_space<hbm>> -> memref<60000x128xf32, #tpu.memory_space<hbm>>
          tpu.enqueue_indirect_dma source(%dma_start3A_1048 : memref<60000x128xf32, #tpu.memory_space<hbm>>) target(%arg10 : memref<128x128xf32, #tpu.memory_space<vmem>>) offsets(%dma_start3A_1045 : memref<128xi32, #tpu.memory_space<vmem>>) semaphore(%arg14 : memref<!tpu.dma_semaphore, #tpu.memory_space<semaphore_mem>>)
        } else {
        }
        %scan3A_1041 = arith.constant 0 : i32
        scf.yield %scan3A_1041 : i32
      }
      %scan3A_496 = arith.constant 20 : i32
      %mul3A_497 = arith.constant 160 : i32
      %mul3A_498 = arith.muli %arg1, %mul3A_497 : i32
      %add3A_499 = arith.constant 80 : i32
      %add3A_500 = arith.addi %mul3A_498, %add3A_499 : i32
      "tpu.region"() ({
        %run_scoped3A = tpu.sem_alloc : memref<!tpu.dma_semaphore, #tpu.memory_space<semaphore_mem>>
        %dma_start3A_969 = arith.constant 0 : i32
        %dma_start3A_970 = tpu.memref_slice %arg3[%add3A_500, %dma_start3A_969] : memref<2560x128xi32, #tpu.memory_space<hbm>> -> memref<40x128xi32, #tpu.memory_space<hbm>>
        %dma_start3A_971 = arith.constant 0 : i32
        %dma_start3A_972 = tpu.memref_slice %arg3[%add3A_500, %dma_start3A_971] : memref<2560x128xi32, #tpu.memory_space<hbm>> -> memref<40x128xi32, #tpu.memory_space<hbm>>
        tpu.enqueue_dma source(%dma_start3A_972 : memref<40x128xi32, #tpu.memory_space<hbm>>) target(%arg6 : memref<40x128xi32, #tpu.memory_space<vmem>>) target_semaphore(%run_scoped3A : memref<!tpu.dma_semaphore, #tpu.memory_space<semaphore_mem>>)
        %dma_wait3A = arith.constant 0 : i32
        %dma_wait3A_973 = tpu.memref_slice %arg3[%add3A_500, %dma_wait3A] : memref<2560x128xi32, #tpu.memory_space<hbm>> -> memref<40x128xi32, #tpu.memory_space<hbm>>
        %dma_wait3A_974 = arith.constant 0 : i32
        %dma_wait3A_975 = tpu.memref_slice %arg3[%add3A_500, %dma_wait3A_974] : memref<2560x128xi32, #tpu.memory_space<hbm>> -> memref<40x128xi32, #tpu.memory_space<hbm>>
        tpu.wait_dma2 semaphore(%run_scoped3A : memref<!tpu.dma_semaphore, #tpu.memory_space<semaphore_mem>>) src(%dma_wait3A_975 : memref<40x128xi32, #tpu.memory_space<hbm>>) dst(%arg6 : memref<40x128xi32, #tpu.memory_space<vmem>>)
        tpu.yield
      }) : () -> ()
      "tpu.region"() ({
        %run_scoped3A = tpu.sem_alloc : memref<!tpu.dma_semaphore, #tpu.memory_space<semaphore_mem>>
        %dma_start3A_969 = arith.constant 0 : i32
        %dma_start3A_970 = tpu.memref_slice %arg4[%add3A_500, %dma_start3A_969] : memref<2560x128xi32, #tpu.memory_space<hbm>> -> memref<40x128xi32, #tpu.memory_space<hbm>>
        %dma_start3A_971 = arith.constant 0 : i32
        %dma_start3A_972 = tpu.memref_slice %arg4[%add3A_500, %dma_start3A_971] : memref<2560x128xi32, #tpu.memory_space<hbm>> -> memref<40x128xi32, #tpu.memory_space<hbm>>
        tpu.enqueue_dma source(%dma_start3A_972 : memref<40x128xi32, #tpu.memory_space<hbm>>) target(%arg7 : memref<40x128xi32, #tpu.memory_space<vmem>>) target_semaphore(%run_scoped3A : memref<!tpu.dma_semaphore, #tpu.memory_space<semaphore_mem>>)
        %dma_wait3A = arith.constant 0 : i32
        %dma_wait3A_973 = tpu.memref_slice %arg4[%add3A_500, %dma_wait3A] : memref<2560x128xi32, #tpu.memory_space<hbm>> -> memref<40x128xi32, #tpu.memory_space<hbm>>
        %dma_wait3A_974 = arith.constant 0 : i32
        %dma_wait3A_975 = tpu.memref_slice %arg4[%add3A_500, %dma_wait3A_974] : memref<2560x128xi32, #tpu.memory_space<hbm>> -> memref<40x128xi32, #tpu.memory_space<hbm>>
        tpu.wait_dma2 semaphore(%run_scoped3A : memref<!tpu.dma_semaphore, #tpu.memory_space<semaphore_mem>>) src(%dma_wait3A_975 : memref<40x128xi32, #tpu.memory_space<hbm>>) dst(%arg7 : memref<40x128xi32, #tpu.memory_space<vmem>>)
        tpu.yield
      }) : () -> ()
      %get3A_501 = arith.constant 0 : i32
      %get3A_502 = arith.index_cast %get3A_501 : i32 to index
      %get3A_503 = arith.constant 0 : index
      %get3A_504 = tpu.vector_load %arg6[%get3A_502, %get3A_503] {strides = array<i32>} : memref<40x128xi32, #tpu.memory_space<vmem>>, vector<1x16xi32>,
      %get3A_505 = vector.shape_cast %get3A_504 : vector<1x16xi32> to vector<16xi32>
      %add3A_506 = vector.broadcast %mul3A_26 : i32 to vector<16xi32>
      %add3A_507 = arith.addi %get3A_505, %add3A_506 : vector<16xi32>
      %swap3A_508 = arith.constant 0 : i32
      %swap3A_509 = arith.index_cast %swap3A_508 : i32 to index
      %swap3A_510 = arith.constant 0 : index
      %swap3A_511 = tpu.vector_load %arg8[%swap3A_509, %swap3A_510] {strides = array<i32>} : memref<2x128xi32, #tpu.memory_space<vmem>>, vector<1x16xi32>,
      %swap3A_512 = vector.shape_cast %swap3A_511 : vector<1x16xi32> to vector<16xi32>
      %swap3A_513 = vector.shape_cast %add3A_507 : vector<16xi32> to vector<1x16xi32>
      tpu.vector_store %arg8[%swap3A_509, %swap3A_510], %swap3A_513 {strides = array<i32>} : memref<2x128xi32, #tpu.memory_space<vmem>>, vector<1x16xi32>,
      %get3A_514 = arith.constant 0 : i32
      %get3A_515 = arith.index_cast %get3A_514 : i32 to index
      %get3A_516 = arith.constant 16 : index
      %get3A_517 = tpu.vector_load %arg6[%get3A_515, %get3A_516] {strides = array<i32>} : memref<40x128xi32, #tpu.memory_space<vmem>>, vector<1x16xi32>,
      %get3A_518 = vector.shape_cast %get3A_517 : vector<1x16xi32> to vector<16xi32>
      %add3A_519 = vector.broadcast %mul3A_26 : i32 to vector<16xi32>
      %add3A_520 = arith.addi %get3A_518, %add3A_519 : vector<16xi32>
      %swap3A_521 = arith.constant 0 : i32
      %swap3A_522 = arith.index_cast %swap3A_521 : i32 to index
      %swap3A_523 = arith.constant 16 : index
      %swap3A_524 = tpu.vector_load %arg8[%swap3A_522, %swap3A_523] {strides = array<i32>} : memref<2x128xi32, #tpu.memory_space<vmem>>, vector<1x16xi32>,
      %swap3A_525 = vector.shape_cast %swap3A_524 : vector<1x16xi32> to vector<16xi32>
      %swap3A_526 = vector.shape_cast %add3A_520 : vector<16xi32> to vector<1x16xi32>
      tpu.vector_store %arg8[%swap3A_522, %swap3A_523], %swap3A_526 {strides = array<i32>} : memref<2x128xi32, #tpu.memory_space<vmem>>, vector<1x16xi32>,
      %get3A_527 = arith.constant 0 : i32
      %get3A_528 = arith.index_cast %get3A_527 : i32 to index
      %get3A_529 = arith.constant 32 : index
      %get3A_530 = tpu.vector_load %arg6[%get3A_528, %get3A_529] {strides = array<i32>} : memref<40x128xi32, #tpu.memory_space<vmem>>, vector<1x16xi32>,
      %get3A_531 = vector.shape_cast %get3A_530 : vector<1x16xi32> to vector<16xi32>
      %add3A_532 = vector.broadcast %mul3A_26 : i32 to vector<16xi32>
      %add3A_533 = arith.addi %get3A_531, %add3A_532 : vector<16xi32>
      %swap3A_534 = arith.constant 0 : i32
      %swap3A_535 = arith.index_cast %swap3A_534 : i32 to index
      %swap3A_536 = arith.constant 32 : index
      %swap3A_537 = tpu.vector_load %arg8[%swap3A_535, %swap3A_536] {strides = array<i32>} : memref<2x128xi32, #tpu.memory_space<vmem>>, vector<1x16xi32>,
      %swap3A_538 = vector.shape_cast %swap3A_537 : vector<1x16xi32> to vector<16xi32>
      %swap3A_539 = vector.shape_cast %add3A_533 : vector<16xi32> to vector<1x16xi32>
      tpu.vector_store %arg8[%swap3A_535, %swap3A_536], %swap3A_539 {strides = array<i32>} : memref<2x128xi32, #tpu.memory_space<vmem>>, vector<1x16xi32>,
      %get3A_540 = arith.constant 0 : i32
      %get3A_541 = arith.index_cast %get3A_540 : i32 to index
      %get3A_542 = arith.constant 48 : index
      %get3A_543 = tpu.vector_load %arg6[%get3A_541, %get3A_542] {strides = array<i32>} : memref<40x128xi32, #tpu.memory_space<vmem>>, vector<1x16xi32>,
      %get3A_544 = vector.shape_cast %get3A_543 : vector<1x16xi32> to vector<16xi32>
      %add3A_545 = vector.broadcast %mul3A_26 : i32 to vector<16xi32>
      %add3A_546 = arith.addi %get3A_544, %add3A_545 : vector<16xi32>
      %swap3A_547 = arith.constant 0 : i32
      %swap3A_548 = arith.index_cast %swap3A_547 : i32 to index
      %swap3A_549 = arith.constant 48 : index
      %swap3A_550 = tpu.vector_load %arg8[%swap3A_548, %swap3A_549] {strides = array<i32>} : memref<2x128xi32, #tpu.memory_space<vmem>>, vector<1x16xi32>,
      %swap3A_551 = vector.shape_cast %swap3A_550 : vector<1x16xi32> to vector<16xi32>
      %swap3A_552 = vector.shape_cast %add3A_546 : vector<16xi32> to vector<1x16xi32>
      tpu.vector_store %arg8[%swap3A_548, %swap3A_549], %swap3A_552 {strides = array<i32>} : memref<2x128xi32, #tpu.memory_space<vmem>>, vector<1x16xi32>,
      %get3A_553 = arith.constant 0 : i32
      %get3A_554 = arith.index_cast %get3A_553 : i32 to index
      %get3A_555 = arith.constant 64 : index
      %get3A_556 = tpu.vector_load %arg6[%get3A_554, %get3A_555] {strides = array<i32>} : memref<40x128xi32, #tpu.memory_space<vmem>>, vector<1x16xi32>,
      %get3A_557 = vector.shape_cast %get3A_556 : vector<1x16xi32> to vector<16xi32>
      %add3A_558 = vector.broadcast %mul3A_26 : i32 to vector<16xi32>
      %add3A_559 = arith.addi %get3A_557, %add3A_558 : vector<16xi32>
      %swap3A_560 = arith.constant 0 : i32
      %swap3A_561 = arith.index_cast %swap3A_560 : i32 to index
      %swap3A_562 = arith.constant 64 : index
      %swap3A_563 = tpu.vector_load %arg8[%swap3A_561, %swap3A_562] {strides = array<i32>} : memref<2x128xi32, #tpu.memory_space<vmem>>, vector<1x16xi32>,
      %swap3A_564 = vector.shape_cast %swap3A_563 : vector<1x16xi32> to vector<16xi32>
      %swap3A_565 = vector.shape_cast %add3A_559 : vector<16xi32> to vector<1x16xi32>
      tpu.vector_store %arg8[%swap3A_561, %swap3A_562], %swap3A_565 {strides = array<i32>} : memref<2x128xi32, #tpu.memory_space<vmem>>, vector<1x16xi32>,
      %get3A_566 = arith.constant 0 : i32
      %get3A_567 = arith.index_cast %get3A_566 : i32 to index
      %get3A_568 = arith.constant 80 : index
      %get3A_569 = tpu.vector_load %arg6[%get3A_567, %get3A_568] {strides = array<i32>} : memref<40x128xi32, #tpu.memory_space<vmem>>, vector<1x16xi32>,
      %get3A_570 = vector.shape_cast %get3A_569 : vector<1x16xi32> to vector<16xi32>
      %add3A_571 = vector.broadcast %mul3A_26 : i32 to vector<16xi32>
      %add3A_572 = arith.addi %get3A_570, %add3A_571 : vector<16xi32>
      %swap3A_573 = arith.constant 0 : i32
      %swap3A_574 = arith.index_cast %swap3A_573 : i32 to index
      %swap3A_575 = arith.constant 80 : index
      %swap3A_576 = tpu.vector_load %arg8[%swap3A_574, %swap3A_575] {strides = array<i32>} : memref<2x128xi32, #tpu.memory_space<vmem>>, vector<1x16xi32>,
      %swap3A_577 = vector.shape_cast %swap3A_576 : vector<1x16xi32> to vector<16xi32>
      %swap3A_578 = vector.shape_cast %add3A_572 : vector<16xi32> to vector<1x16xi32>
      tpu.vector_store %arg8[%swap3A_574, %swap3A_575], %swap3A_578 {strides = array<i32>} : memref<2x128xi32, #tpu.memory_space<vmem>>, vector<1x16xi32>,
      %get3A_579 = arith.constant 0 : i32
      %get3A_580 = arith.index_cast %get3A_579 : i32 to index
      %get3A_581 = arith.constant 96 : index
      %get3A_582 = tpu.vector_load %arg6[%get3A_580, %get3A_581] {strides = array<i32>} : memref<40x128xi32, #tpu.memory_space<vmem>>, vector<1x16xi32>,
      %get3A_583 = vector.shape_cast %get3A_582 : vector<1x16xi32> to vector<16xi32>
      %add3A_584 = vector.broadcast %mul3A_26 : i32 to vector<16xi32>
      %add3A_585 = arith.addi %get3A_583, %add3A_584 : vector<16xi32>
      %swap3A_586 = arith.constant 0 : i32
      %swap3A_587 = arith.index_cast %swap3A_586 : i32 to index
      %swap3A_588 = arith.constant 96 : index
      %swap3A_589 = tpu.vector_load %arg8[%swap3A_587, %swap3A_588] {strides = array<i32>} : memref<2x128xi32, #tpu.memory_space<vmem>>, vector<1x16xi32>,
      %swap3A_590 = vector.shape_cast %swap3A_589 : vector<1x16xi32> to vector<16xi32>
      %swap3A_591 = vector.shape_cast %add3A_585 : vector<16xi32> to vector<1x16xi32>
      tpu.vector_store %arg8[%swap3A_587, %swap3A_588], %swap3A_591 {strides = array<i32>} : memref<2x128xi32, #tpu.memory_space<vmem>>, vector<1x16xi32>,
      %get3A_592 = arith.constant 0 : i32
      %get3A_593 = arith.index_cast %get3A_592 : i32 to index
      %get3A_594 = arith.constant 112 : index
      %get3A_595 = tpu.vector_load %arg6[%get3A_593, %get3A_594] {strides = array<i32>} : memref<40x128xi32, #tpu.memory_space<vmem>>, vector<1x16xi32>,
      %get3A_596 = vector.shape_cast %get3A_595 : vector<1x16xi32> to vector<16xi32>
      %add3A_597 = vector.broadcast %mul3A_26 : i32 to vector<16xi32>
      %add3A_598 = arith.addi %get3A_596, %add3A_597 : vector<16xi32>
      %swap3A_599 = arith.constant 0 : i32
      %swap3A_600 = arith.index_cast %swap3A_599 : i32 to index
      %swap3A_601 = arith.constant 112 : index
      %swap3A_602 = tpu.vector_load %arg8[%swap3A_600, %swap3A_601] {strides = array<i32>} : memref<2x128xi32, #tpu.memory_space<vmem>>, vector<1x16xi32>,
      %swap3A_603 = vector.shape_cast %swap3A_602 : vector<1x16xi32> to vector<16xi32>
      %swap3A_604 = vector.shape_cast %add3A_598 : vector<16xi32> to vector<1x16xi32>
      tpu.vector_store %arg8[%swap3A_600, %swap3A_601], %swap3A_604 {strides = array<i32>} : memref<2x128xi32, #tpu.memory_space<vmem>>, vector<1x16xi32>,
      %dma_start3A_605 = arith.constant 0 : i32
      %dma_start3A_606 = arith.constant 0 : i32
      %dma_start3A_607 = tpu.memref_slice %arg8[%dma_start3A_605, %dma_start3A_606] : memref<2x128xi32, #tpu.memory_space<vmem>> -> memref<1x128xi32, #tpu.memory_space<vmem>>
      %dma_start3A_608 = tpu.memref_squeeze %dma_start3A_607 : memref<1x128xi32, #tpu.memory_space<vmem>> -> memref<128xi32, #tpu.memory_space<vmem>>
      %dma_start3A_609 = arith.constant 0 : i32
      %dma_start3A_610 = arith.constant 0 : i32
      %dma_start3A_611 = tpu.memref_slice %arg2[%dma_start3A_609, %dma_start3A_610] : memref<60000x128xf32, #tpu.memory_space<hbm>> -> memref<60000x128xf32, #tpu.memory_space<hbm>>
      tpu.enqueue_indirect_dma source(%dma_start3A_611 : memref<60000x128xf32, #tpu.memory_space<hbm>>) target(%arg9 : memref<128x128xf32, #tpu.memory_space<vmem>>) offsets(%dma_start3A_608 : memref<128xi32, #tpu.memory_space<vmem>>) semaphore(%arg13 : memref<!tpu.dma_semaphore, #tpu.memory_space<semaphore_mem>>)
      %get3A_612 = arith.constant 1 : i32
      %get3A_613 = arith.index_cast %get3A_612 : i32 to index
      %get3A_614 = arith.constant 0 : index
      %get3A_615 = tpu.vector_load %arg6[%get3A_613, %get3A_614] {strides = array<i32>} : memref<40x128xi32, #tpu.memory_space<vmem>>, vector<1x16xi32>,
      %get3A_616 = vector.shape_cast %get3A_615 : vector<1x16xi32> to vector<16xi32>
      %add3A_617 = vector.broadcast %mul3A_26 : i32 to vector<16xi32>
      %add3A_618 = arith.addi %get3A_616, %add3A_617 : vector<16xi32>
      %swap3A_619 = arith.constant 1 : i32
      %swap3A_620 = arith.index_cast %swap3A_619 : i32 to index
      %swap3A_621 = arith.constant 0 : index
      %swap3A_622 = tpu.vector_load %arg8[%swap3A_620, %swap3A_621] {strides = array<i32>} : memref<2x128xi32, #tpu.memory_space<vmem>>, vector<1x16xi32>,
      %swap3A_623 = vector.shape_cast %swap3A_622 : vector<1x16xi32> to vector<16xi32>
      %swap3A_624 = vector.shape_cast %add3A_618 : vector<16xi32> to vector<1x16xi32>
      tpu.vector_store %arg8[%swap3A_620, %swap3A_621], %swap3A_624 {strides = array<i32>} : memref<2x128xi32, #tpu.memory_space<vmem>>, vector<1x16xi32>,
      %get3A_625 = arith.constant 1 : i32
      %get3A_626 = arith.index_cast %get3A_625 : i32 to index
      %get3A_627 = arith.constant 16 : index
      %get3A_628 = tpu.vector_load %arg6[%get3A_626, %get3A_627] {strides = array<i32>} : memref<40x128xi32, #tpu.memory_space<vmem>>, vector<1x16xi32>,
      %get3A_629 = vector.shape_cast %get3A_628 : vector<1x16xi32> to vector<16xi32>
      %add3A_630 = vector.broadcast %mul3A_26 : i32 to vector<16xi32>
      %add3A_631 = arith.addi %get3A_629, %add3A_630 : vector<16xi32>
      %swap3A_632 = arith.constant 1 : i32
      %swap3A_633 = arith.index_cast %swap3A_632 : i32 to index
      %swap3A_634 = arith.constant 16 : index
      %swap3A_635 = tpu.vector_load %arg8[%swap3A_633, %swap3A_634] {strides = array<i32>} : memref<2x128xi32, #tpu.memory_space<vmem>>, vector<1x16xi32>,
      %swap3A_636 = vector.shape_cast %swap3A_635 : vector<1x16xi32> to vector<16xi32>
      %swap3A_637 = vector.shape_cast %add3A_631 : vector<16xi32> to vector<1x16xi32>
      tpu.vector_store %arg8[%swap3A_633, %swap3A_634], %swap3A_637 {strides = array<i32>} : memref<2x128xi32, #tpu.memory_space<vmem>>, vector<1x16xi32>,
      %get3A_638 = arith.constant 1 : i32
      %get3A_639 = arith.index_cast %get3A_638 : i32 to index
      %get3A_640 = arith.constant 32 : index
      %get3A_641 = tpu.vector_load %arg6[%get3A_639, %get3A_640] {strides = array<i32>} : memref<40x128xi32, #tpu.memory_space<vmem>>, vector<1x16xi32>,
      %get3A_642 = vector.shape_cast %get3A_641 : vector<1x16xi32> to vector<16xi32>
      %add3A_643 = vector.broadcast %mul3A_26 : i32 to vector<16xi32>
      %add3A_644 = arith.addi %get3A_642, %add3A_643 : vector<16xi32>
      %swap3A_645 = arith.constant 1 : i32
      %swap3A_646 = arith.index_cast %swap3A_645 : i32 to index
      %swap3A_647 = arith.constant 32 : index
      %swap3A_648 = tpu.vector_load %arg8[%swap3A_646, %swap3A_647] {strides = array<i32>} : memref<2x128xi32, #tpu.memory_space<vmem>>, vector<1x16xi32>,
      %swap3A_649 = vector.shape_cast %swap3A_648 : vector<1x16xi32> to vector<16xi32>
      %swap3A_650 = vector.shape_cast %add3A_644 : vector<16xi32> to vector<1x16xi32>
      tpu.vector_store %arg8[%swap3A_646, %swap3A_647], %swap3A_650 {strides = array<i32>} : memref<2x128xi32, #tpu.memory_space<vmem>>, vector<1x16xi32>,
      %get3A_651 = arith.constant 1 : i32
      %get3A_652 = arith.index_cast %get3A_651 : i32 to index
      %get3A_653 = arith.constant 48 : index
      %get3A_654 = tpu.vector_load %arg6[%get3A_652, %get3A_653] {strides = array<i32>} : memref<40x128xi32, #tpu.memory_space<vmem>>, vector<1x16xi32>,
      %get3A_655 = vector.shape_cast %get3A_654 : vector<1x16xi32> to vector<16xi32>
      %add3A_656 = vector.broadcast %mul3A_26 : i32 to vector<16xi32>
      %add3A_657 = arith.addi %get3A_655, %add3A_656 : vector<16xi32>
      %swap3A_658 = arith.constant 1 : i32
      %swap3A_659 = arith.index_cast %swap3A_658 : i32 to index
      %swap3A_660 = arith.constant 48 : index
      %swap3A_661 = tpu.vector_load %arg8[%swap3A_659, %swap3A_660] {strides = array<i32>} : memref<2x128xi32, #tpu.memory_space<vmem>>, vector<1x16xi32>,
      %swap3A_662 = vector.shape_cast %swap3A_661 : vector<1x16xi32> to vector<16xi32>
      %swap3A_663 = vector.shape_cast %add3A_657 : vector<16xi32> to vector<1x16xi32>
      tpu.vector_store %arg8[%swap3A_659, %swap3A_660], %swap3A_663 {strides = array<i32>} : memref<2x128xi32, #tpu.memory_space<vmem>>, vector<1x16xi32>,
      %get3A_664 = arith.constant 1 : i32
      %get3A_665 = arith.index_cast %get3A_664 : i32 to index
      %get3A_666 = arith.constant 64 : index
      %get3A_667 = tpu.vector_load %arg6[%get3A_665, %get3A_666] {strides = array<i32>} : memref<40x128xi32, #tpu.memory_space<vmem>>, vector<1x16xi32>,
      %get3A_668 = vector.shape_cast %get3A_667 : vector<1x16xi32> to vector<16xi32>
      %add3A_669 = vector.broadcast %mul3A_26 : i32 to vector<16xi32>
      %add3A_670 = arith.addi %get3A_668, %add3A_669 : vector<16xi32>
      %swap3A_671 = arith.constant 1 : i32
      %swap3A_672 = arith.index_cast %swap3A_671 : i32 to index
      %swap3A_673 = arith.constant 64 : index
      %swap3A_674 = tpu.vector_load %arg8[%swap3A_672, %swap3A_673] {strides = array<i32>} : memref<2x128xi32, #tpu.memory_space<vmem>>, vector<1x16xi32>,
      %swap3A_675 = vector.shape_cast %swap3A_674 : vector<1x16xi32> to vector<16xi32>
      %swap3A_676 = vector.shape_cast %add3A_670 : vector<16xi32> to vector<1x16xi32>
      tpu.vector_store %arg8[%swap3A_672, %swap3A_673], %swap3A_676 {strides = array<i32>} : memref<2x128xi32, #tpu.memory_space<vmem>>, vector<1x16xi32>,
      %get3A_677 = arith.constant 1 : i32
      %get3A_678 = arith.index_cast %get3A_677 : i32 to index
      %get3A_679 = arith.constant 80 : index
      %get3A_680 = tpu.vector_load %arg6[%get3A_678, %get3A_679] {strides = array<i32>} : memref<40x128xi32, #tpu.memory_space<vmem>>, vector<1x16xi32>,
      %get3A_681 = vector.shape_cast %get3A_680 : vector<1x16xi32> to vector<16xi32>
      %add3A_682 = vector.broadcast %mul3A_26 : i32 to vector<16xi32>
      %add3A_683 = arith.addi %get3A_681, %add3A_682 : vector<16xi32>
      %swap3A_684 = arith.constant 1 : i32
      %swap3A_685 = arith.index_cast %swap3A_684 : i32 to index
      %swap3A_686 = arith.constant 80 : index
      %swap3A_687 = tpu.vector_load %arg8[%swap3A_685, %swap3A_686] {strides = array<i32>} : memref<2x128xi32, #tpu.memory_space<vmem>>, vector<1x16xi32>,
      %swap3A_688 = vector.shape_cast %swap3A_687 : vector<1x16xi32> to vector<16xi32>
      %swap3A_689 = vector.shape_cast %add3A_683 : vector<16xi32> to vector<1x16xi32>
      tpu.vector_store %arg8[%swap3A_685, %swap3A_686], %swap3A_689 {strides = array<i32>} : memref<2x128xi32, #tpu.memory_space<vmem>>, vector<1x16xi32>,
      %get3A_690 = arith.constant 1 : i32
      %get3A_691 = arith.index_cast %get3A_690 : i32 to index
      %get3A_692 = arith.constant 96 : index
      %get3A_693 = tpu.vector_load %arg6[%get3A_691, %get3A_692] {strides = array<i32>} : memref<40x128xi32, #tpu.memory_space<vmem>>, vector<1x16xi32>,
      %get3A_694 = vector.shape_cast %get3A_693 : vector<1x16xi32> to vector<16xi32>
      %add3A_695 = vector.broadcast %mul3A_26 : i32 to vector<16xi32>
      %add3A_696 = arith.addi %get3A_694, %add3A_695 : vector<16xi32>
      %swap3A_697 = arith.constant 1 : i32
      %swap3A_698 = arith.index_cast %swap3A_697 : i32 to index
      %swap3A_699 = arith.constant 96 : index
      %swap3A_700 = tpu.vector_load %arg8[%swap3A_698, %swap3A_699] {strides = array<i32>} : memref<2x128xi32, #tpu.memory_space<vmem>>, vector<1x16xi32>,
      %swap3A_701 = vector.shape_cast %swap3A_700 : vector<1x16xi32> to vector<16xi32>
      %swap3A_702 = vector.shape_cast %add3A_696 : vector<16xi32> to vector<1x16xi32>
      tpu.vector_store %arg8[%swap3A_698, %swap3A_699], %swap3A_702 {strides = array<i32>} : memref<2x128xi32, #tpu.memory_space<vmem>>, vector<1x16xi32>,
      %get3A_703 = arith.constant 1 : i32
      %get3A_704 = arith.index_cast %get3A_703 : i32 to index
      %get3A_705 = arith.constant 112 : index
      %get3A_706 = tpu.vector_load %arg6[%get3A_704, %get3A_705] {strides = array<i32>} : memref<40x128xi32, #tpu.memory_space<vmem>>, vector<1x16xi32>,
      %get3A_707 = vector.shape_cast %get3A_706 : vector<1x16xi32> to vector<16xi32>
      %add3A_708 = vector.broadcast %mul3A_26 : i32 to vector<16xi32>
      %add3A_709 = arith.addi %get3A_707, %add3A_708 : vector<16xi32>
      %swap3A_710 = arith.constant 1 : i32
      %swap3A_711 = arith.index_cast %swap3A_710 : i32 to index
      %swap3A_712 = arith.constant 112 : index
      %swap3A_713 = tpu.vector_load %arg8[%swap3A_711, %swap3A_712] {strides = array<i32>} : memref<2x128xi32, #tpu.memory_space<vmem>>, vector<1x16xi32>,
      %swap3A_714 = vector.shape_cast %swap3A_713 : vector<1x16xi32> to vector<16xi32>
      %swap3A_715 = vector.shape_cast %add3A_709 : vector<16xi32> to vector<1x16xi32>
      tpu.vector_store %arg8[%swap3A_711, %swap3A_712], %swap3A_715 {strides = array<i32>} : memref<2x128xi32, #tpu.memory_space<vmem>>, vector<1x16xi32>,
      %dma_start3A_716 = arith.constant 1 : i32
      %dma_start3A_717 = arith.constant 0 : i32
      %dma_start3A_718 = tpu.memref_slice %arg8[%dma_start3A_716, %dma_start3A_717] : memref<2x128xi32, #tpu.memory_space<vmem>> -> memref<1x128xi32, #tpu.memory_space<vmem>>
      %dma_start3A_719 = tpu.memref_squeeze %dma_start3A_718 : memref<1x128xi32, #tpu.memory_space<vmem>> -> memref<128xi32, #tpu.memory_space<vmem>>
      %dma_start3A_720 = arith.constant 0 : i32
      %dma_start3A_721 = arith.constant 0 : i32
      %dma_start3A_722 = tpu.memref_slice %arg2[%dma_start3A_720, %dma_start3A_721] : memref<60000x128xf32, #tpu.memory_space<hbm>> -> memref<60000x128xf32, #tpu.memory_space<hbm>>
      tpu.enqueue_indirect_dma source(%dma_start3A_722 : memref<60000x128xf32, #tpu.memory_space<hbm>>) target(%arg10 : memref<128x128xf32, #tpu.memory_space<vmem>>) offsets(%dma_start3A_719 : memref<128xi32, #tpu.memory_space<vmem>>) semaphore(%arg14 : memref<!tpu.dma_semaphore, #tpu.memory_space<semaphore_mem>>)
      %scan3A_723 = arith.constant 0 : i32
      %scan3A_724 = arith.constant 0 : i32
      %scan3A_725 = arith.constant 20 : i32
      %scan3A_726 = arith.addi %scan3A_724, %scan3A_725 : i32
      %scan3A_727 = arith.constant 1 : i32
      %scan3A_728 = scf.for %scan3A_969 = %scan3A_724 to %scan3A_726 step %scan3A_727 iter_args(%scan3A_970 = %scan3A_723) -> (i32)  : i32 {
        %mul3A_971 = arith.constant 2 : i32
        %mul3A_972 = arith.muli %mul3A_971, %scan3A_969 : i32
        %add3A_973 = arith.constant 0 : i32
        %add3A_974 = arith.addi %mul3A_972, %add3A_973 : i32
        %dma_wait3A = arith.constant 0 : i32
        %dma_wait3A_975 = arith.constant 0 : i32
        %dma_wait3A_976 = tpu.memref_slice %arg8[%dma_wait3A, %dma_wait3A_975] : memref<2x128xi32, #tpu.memory_space<vmem>> -> memref<1x128xi32, #tpu.memory_space<vmem>>
        %dma_wait3A_977 = tpu.memref_squeeze %dma_wait3A_976 : memref<1x128xi32, #tpu.memory_space<vmem>> -> memref<128xi32, #tpu.memory_space<vmem>>
        %dma_wait3A_978 = arith.constant 0 : i32
        %dma_wait3A_979 = arith.constant 0 : i32
        %dma_wait3A_980 = tpu.memref_slice %arg2[%dma_wait3A_978, %dma_wait3A_979] : memref<60000x128xf32, #tpu.memory_space<hbm>> -> memref<60000x128xf32, #tpu.memory_space<hbm>>
        tpu.wait_indirect_dma semaphore(%arg13 : memref<!tpu.dma_semaphore, #tpu.memory_space<semaphore_mem>>) src(%dma_wait3A_980 : memref<60000x128xf32, #tpu.memory_space<hbm>>) dst(%arg9 : memref<128x128xf32, #tpu.memory_space<vmem>>)
        %dma_start3A_981 = arith.constant 0 : i32
        %dma_start3A_982 = tpu.memref_slice %arg7[%add3A_974, %dma_start3A_981] : memref<40x128xi32, #tpu.memory_space<vmem>> -> memref<1x128xi32, #tpu.memory_space<vmem>>
        %dma_start3A_983 = tpu.memref_squeeze %dma_start3A_982 : memref<1x128xi32, #tpu.memory_space<vmem>> -> memref<128xi32, #tpu.memory_space<vmem>>
        %dma_start3A_984 = arith.constant 0 : i32
        %dma_start3A_985 = arith.constant 0 : i32
        %dma_start3A_986 = tpu.memref_slice %arg12[%dma_start3A_984, %dma_start3A_985] : memref<10240x128xf32, #tpu.memory_space<vmem_shared>> -> memref<10240x128xf32, #tpu.memory_space<vmem_shared>>
        tpu.enqueue_indirect_dma source(%arg9 : memref<128x128xf32, #tpu.memory_space<vmem>>) target(%dma_start3A_986 : memref<10240x128xf32, #tpu.memory_space<vmem_shared>>) offsets(%dma_start3A_983 : memref<128xi32, #tpu.memory_space<vmem>>) semaphore(%arg15 : memref<!tpu.dma_semaphore, #tpu.memory_space<semaphore_mem>>) {add = true}
        %add3A_987 = arith.constant 2 : i32
        %add3A_988 = arith.addi %add3A_974, %add3A_987 : i32
        %lt3A = arith.constant 40 : i32
        %lt3A_989 = arith.cmpi slt, %add3A_988, %lt3A : i32
        %convert_element_type3A = arith.extui %lt3A_989 : i1 to i32
        %cond3A = arith.constant 0 : i32
        %cond3A_990 = arith.cmpi ne, %convert_element_type3A, %cond3A : i32
        scf.if %cond3A_990 {
          %add3A_1042 = arith.constant 2 : i32
          %add3A_1043 = arith.addi %add3A_974, %add3A_1042 : i32
          %get3A_1044 = arith.index_cast %add3A_1043 : i32 to index
          %get3A_1045 = arith.constant 0 : index
          %get3A_1046 = tpu.vector_load %arg6[%get3A_1044, %get3A_1045] {strides = array<i32>} : memref<40x128xi32, #tpu.memory_space<vmem>>, vector<1x16xi32>,
          %get3A_1047 = vector.shape_cast %get3A_1046 : vector<1x16xi32> to vector<16xi32>
          %add3A_1048 = vector.broadcast %mul3A_26 : i32 to vector<16xi32>
          %add3A_1049 = arith.addi %get3A_1047, %add3A_1048 : vector<16xi32>
          %swap3A_1050 = arith.constant 0 : i32
          %swap3A_1051 = arith.index_cast %swap3A_1050 : i32 to index
          %swap3A_1052 = arith.constant 0 : index
          %swap3A_1053 = tpu.vector_load %arg8[%swap3A_1051, %swap3A_1052] {strides = array<i32>} : memref<2x128xi32, #tpu.memory_space<vmem>>, vector<1x16xi32>,
          %swap3A_1054 = vector.shape_cast %swap3A_1053 : vector<1x16xi32> to vector<16xi32>
          %swap3A_1055 = vector.shape_cast %add3A_1049 : vector<16xi32> to vector<1x16xi32>
          tpu.vector_store %arg8[%swap3A_1051, %swap3A_1052], %swap3A_1055 {strides = array<i32>} : memref<2x128xi32, #tpu.memory_space<vmem>>, vector<1x16xi32>,
          %get3A_1056 = arith.index_cast %add3A_1043 : i32 to index
          %get3A_1057 = arith.constant 16 : index
          %get3A_1058 = tpu.vector_load %arg6[%get3A_1056, %get3A_1057] {strides = array<i32>} : memref<40x128xi32, #tpu.memory_space<vmem>>, vector<1x16xi32>,
          %get3A_1059 = vector.shape_cast %get3A_1058 : vector<1x16xi32> to vector<16xi32>
          %add3A_1060 = vector.broadcast %mul3A_26 : i32 to vector<16xi32>
          %add3A_1061 = arith.addi %get3A_1059, %add3A_1060 : vector<16xi32>
          %swap3A_1062 = arith.constant 0 : i32
          %swap3A_1063 = arith.index_cast %swap3A_1062 : i32 to index
          %swap3A_1064 = arith.constant 16 : index
          %swap3A_1065 = tpu.vector_load %arg8[%swap3A_1063, %swap3A_1064] {strides = array<i32>} : memref<2x128xi32, #tpu.memory_space<vmem>>, vector<1x16xi32>,
          %swap3A_1066 = vector.shape_cast %swap3A_1065 : vector<1x16xi32> to vector<16xi32>
          %swap3A_1067 = vector.shape_cast %add3A_1061 : vector<16xi32> to vector<1x16xi32>
          tpu.vector_store %arg8[%swap3A_1063, %swap3A_1064], %swap3A_1067 {strides = array<i32>} : memref<2x128xi32, #tpu.memory_space<vmem>>, vector<1x16xi32>,
          %get3A_1068 = arith.index_cast %add3A_1043 : i32 to index
          %get3A_1069 = arith.constant 32 : index
          %get3A_1070 = tpu.vector_load %arg6[%get3A_1068, %get3A_1069] {strides = array<i32>} : memref<40x128xi32, #tpu.memory_space<vmem>>, vector<1x16xi32>,
          %get3A_1071 = vector.shape_cast %get3A_1070 : vector<1x16xi32> to vector<16xi32>
          %add3A_1072 = vector.broadcast %mul3A_26 : i32 to vector<16xi32>
          %add3A_1073 = arith.addi %get3A_1071, %add3A_1072 : vector<16xi32>
          %swap3A_1074 = arith.constant 0 : i32
          %swap3A_1075 = arith.index_cast %swap3A_1074 : i32 to index
          %swap3A_1076 = arith.constant 32 : index
          %swap3A_1077 = tpu.vector_load %arg8[%swap3A_1075, %swap3A_1076] {strides = array<i32>} : memref<2x128xi32, #tpu.memory_space<vmem>>, vector<1x16xi32>,
          %swap3A_1078 = vector.shape_cast %swap3A_1077 : vector<1x16xi32> to vector<16xi32>
          %swap3A_1079 = vector.shape_cast %add3A_1073 : vector<16xi32> to vector<1x16xi32>
          tpu.vector_store %arg8[%swap3A_1075, %swap3A_1076], %swap3A_1079 {strides = array<i32>} : memref<2x128xi32, #tpu.memory_space<vmem>>, vector<1x16xi32>,
          %get3A_1080 = arith.index_cast %add3A_1043 : i32 to index
          %get3A_1081 = arith.constant 48 : index
          %get3A_1082 = tpu.vector_load %arg6[%get3A_1080, %get3A_1081] {strides = array<i32>} : memref<40x128xi32, #tpu.memory_space<vmem>>, vector<1x16xi32>,
          %get3A_1083 = vector.shape_cast %get3A_1082 : vector<1x16xi32> to vector<16xi32>
          %add3A_1084 = vector.broadcast %mul3A_26 : i32 to vector<16xi32>
          %add3A_1085 = arith.addi %get3A_1083, %add3A_1084 : vector<16xi32>
          %swap3A_1086 = arith.constant 0 : i32
          %swap3A_1087 = arith.index_cast %swap3A_1086 : i32 to index
          %swap3A_1088 = arith.constant 48 : index
          %swap3A_1089 = tpu.vector_load %arg8[%swap3A_1087, %swap3A_1088] {strides = array<i32>} : memref<2x128xi32, #tpu.memory_space<vmem>>, vector<1x16xi32>,
          %swap3A_1090 = vector.shape_cast %swap3A_1089 : vector<1x16xi32> to vector<16xi32>
          %swap3A_1091 = vector.shape_cast %add3A_1085 : vector<16xi32> to vector<1x16xi32>
          tpu.vector_store %arg8[%swap3A_1087, %swap3A_1088], %swap3A_1091 {strides = array<i32>} : memref<2x128xi32, #tpu.memory_space<vmem>>, vector<1x16xi32>,
          %get3A_1092 = arith.index_cast %add3A_1043 : i32 to index
          %get3A_1093 = arith.constant 64 : index
          %get3A_1094 = tpu.vector_load %arg6[%get3A_1092, %get3A_1093] {strides = array<i32>} : memref<40x128xi32, #tpu.memory_space<vmem>>, vector<1x16xi32>,
          %get3A_1095 = vector.shape_cast %get3A_1094 : vector<1x16xi32> to vector<16xi32>
          %add3A_1096 = vector.broadcast %mul3A_26 : i32 to vector<16xi32>
          %add3A_1097 = arith.addi %get3A_1095, %add3A_1096 : vector<16xi32>
          %swap3A_1098 = arith.constant 0 : i32
          %swap3A_1099 = arith.index_cast %swap3A_1098 : i32 to index
          %swap3A_1100 = arith.constant 64 : index
          %swap3A_1101 = tpu.vector_load %arg8[%swap3A_1099, %swap3A_1100] {strides = array<i32>} : memref<2x128xi32, #tpu.memory_space<vmem>>, vector<1x16xi32>,
          %swap3A_1102 = vector.shape_cast %swap3A_1101 : vector<1x16xi32> to vector<16xi32>
          %swap3A_1103 = vector.shape_cast %add3A_1097 : vector<16xi32> to vector<1x16xi32>
          tpu.vector_store %arg8[%swap3A_1099, %swap3A_1100], %swap3A_1103 {strides = array<i32>} : memref<2x128xi32, #tpu.memory_space<vmem>>, vector<1x16xi32>,
          %get3A_1104 = arith.index_cast %add3A_1043 : i32 to index
          %get3A_1105 = arith.constant 80 : index
          %get3A_1106 = tpu.vector_load %arg6[%get3A_1104, %get3A_1105] {strides = array<i32>} : memref<40x128xi32, #tpu.memory_space<vmem>>, vector<1x16xi32>,
          %get3A_1107 = vector.shape_cast %get3A_1106 : vector<1x16xi32> to vector<16xi32>
          %add3A_1108 = vector.broadcast %mul3A_26 : i32 to vector<16xi32>
          %add3A_1109 = arith.addi %get3A_1107, %add3A_1108 : vector<16xi32>
          %swap3A_1110 = arith.constant 0 : i32
          %swap3A_1111 = arith.index_cast %swap3A_1110 : i32 to index
          %swap3A_1112 = arith.constant 80 : index
          %swap3A_1113 = tpu.vector_load %arg8[%swap3A_1111, %swap3A_1112] {strides = array<i32>} : memref<2x128xi32, #tpu.memory_space<vmem>>, vector<1x16xi32>,
          %swap3A_1114 = vector.shape_cast %swap3A_1113 : vector<1x16xi32> to vector<16xi32>
          %swap3A_1115 = vector.shape_cast %add3A_1109 : vector<16xi32> to vector<1x16xi32>
          tpu.vector_store %arg8[%swap3A_1111, %swap3A_1112], %swap3A_1115 {strides = array<i32>} : memref<2x128xi32, #tpu.memory_space<vmem>>, vector<1x16xi32>,
          %get3A_1116 = arith.index_cast %add3A_1043 : i32 to index
          %get3A_1117 = arith.constant 96 : index
          %get3A_1118 = tpu.vector_load %arg6[%get3A_1116, %get3A_1117] {strides = array<i32>} : memref<40x128xi32, #tpu.memory_space<vmem>>, vector<1x16xi32>,
          %get3A_1119 = vector.shape_cast %get3A_1118 : vector<1x16xi32> to vector<16xi32>
          %add3A_1120 = vector.broadcast %mul3A_26 : i32 to vector<16xi32>
          %add3A_1121 = arith.addi %get3A_1119, %add3A_1120 : vector<16xi32>
          %swap3A_1122 = arith.constant 0 : i32
          %swap3A_1123 = arith.index_cast %swap3A_1122 : i32 to index
          %swap3A_1124 = arith.constant 96 : index
          %swap3A_1125 = tpu.vector_load %arg8[%swap3A_1123, %swap3A_1124] {strides = array<i32>} : memref<2x128xi32, #tpu.memory_space<vmem>>, vector<1x16xi32>,
          %swap3A_1126 = vector.shape_cast %swap3A_1125 : vector<1x16xi32> to vector<16xi32>
          %swap3A_1127 = vector.shape_cast %add3A_1121 : vector<16xi32> to vector<1x16xi32>
          tpu.vector_store %arg8[%swap3A_1123, %swap3A_1124], %swap3A_1127 {strides = array<i32>} : memref<2x128xi32, #tpu.memory_space<vmem>>, vector<1x16xi32>,
          %get3A_1128 = arith.index_cast %add3A_1043 : i32 to index
          %get3A_1129 = arith.constant 112 : index
          %get3A_1130 = tpu.vector_load %arg6[%get3A_1128, %get3A_1129] {strides = array<i32>} : memref<40x128xi32, #tpu.memory_space<vmem>>, vector<1x16xi32>,
          %get3A_1131 = vector.shape_cast %get3A_1130 : vector<1x16xi32> to vector<16xi32>
          %add3A_1132 = vector.broadcast %mul3A_26 : i32 to vector<16xi32>
          %add3A_1133 = arith.addi %get3A_1131, %add3A_1132 : vector<16xi32>
          %swap3A_1134 = arith.constant 0 : i32
          %swap3A_1135 = arith.index_cast %swap3A_1134 : i32 to index
          %swap3A_1136 = arith.constant 112 : index
          %swap3A_1137 = tpu.vector_load %arg8[%swap3A_1135, %swap3A_1136] {strides = array<i32>} : memref<2x128xi32, #tpu.memory_space<vmem>>, vector<1x16xi32>,
          %swap3A_1138 = vector.shape_cast %swap3A_1137 : vector<1x16xi32> to vector<16xi32>
          %swap3A_1139 = vector.shape_cast %add3A_1133 : vector<16xi32> to vector<1x16xi32>
          tpu.vector_store %arg8[%swap3A_1135, %swap3A_1136], %swap3A_1139 {strides = array<i32>} : memref<2x128xi32, #tpu.memory_space<vmem>>, vector<1x16xi32>,
        } else {
        }
        %dma_wait3A_991 = arith.constant 0 : i32
        %dma_wait3A_992 = tpu.memref_slice %arg7[%add3A_974, %dma_wait3A_991] : memref<40x128xi32, #tpu.memory_space<vmem>> -> memref<1x128xi32, #tpu.memory_space<vmem>>
        %dma_wait3A_993 = tpu.memref_squeeze %dma_wait3A_992 : memref<1x128xi32, #tpu.memory_space<vmem>> -> memref<128xi32, #tpu.memory_space<vmem>>
        %dma_wait3A_994 = arith.constant 0 : i32
        %dma_wait3A_995 = arith.constant 0 : i32
        %dma_wait3A_996 = tpu.memref_slice %arg12[%dma_wait3A_994, %dma_wait3A_995] : memref<10240x128xf32, #tpu.memory_space<vmem_shared>> -> memref<10240x128xf32, #tpu.memory_space<vmem_shared>>
        tpu.wait_indirect_dma semaphore(%arg15 : memref<!tpu.dma_semaphore, #tpu.memory_space<semaphore_mem>>) src(%arg9 : memref<128x128xf32, #tpu.memory_space<vmem>>) dst(%dma_wait3A_996 : memref<10240x128xf32, #tpu.memory_space<vmem_shared>>)
        %add3A_997 = arith.constant 2 : i32
        %add3A_998 = arith.addi %add3A_974, %add3A_997 : i32
        %lt3A_999 = arith.constant 40 : i32
        %lt3A_1000 = arith.cmpi slt, %add3A_998, %lt3A_999 : i32
        %convert_element_type3A_1001 = arith.extui %lt3A_1000 : i1 to i32
        %cond3A_1002 = arith.constant 0 : i32
        %cond3A_1003 = arith.cmpi ne, %convert_element_type3A_1001, %cond3A_1002 : i32
        scf.if %cond3A_1003 {
          %dma_start3A_1042 = arith.constant 0 : i32
          %dma_start3A_1043 = arith.constant 0 : i32
          %dma_start3A_1044 = tpu.memref_slice %arg8[%dma_start3A_1042, %dma_start3A_1043] : memref<2x128xi32, #tpu.memory_space<vmem>> -> memref<1x128xi32, #tpu.memory_space<vmem>>
          %dma_start3A_1045 = tpu.memref_squeeze %dma_start3A_1044 : memref<1x128xi32, #tpu.memory_space<vmem>> -> memref<128xi32, #tpu.memory_space<vmem>>
          %dma_start3A_1046 = arith.constant 0 : i32
          %dma_start3A_1047 = arith.constant 0 : i32
          %dma_start3A_1048 = tpu.memref_slice %arg2[%dma_start3A_1046, %dma_start3A_1047] : memref<60000x128xf32, #tpu.memory_space<hbm>> -> memref<60000x128xf32, #tpu.memory_space<hbm>>
          tpu.enqueue_indirect_dma source(%dma_start3A_1048 : memref<60000x128xf32, #tpu.memory_space<hbm>>) target(%arg9 : memref<128x128xf32, #tpu.memory_space<vmem>>) offsets(%dma_start3A_1045 : memref<128xi32, #tpu.memory_space<vmem>>) semaphore(%arg13 : memref<!tpu.dma_semaphore, #tpu.memory_space<semaphore_mem>>)
        } else {
        }
        %mul3A_1004 = arith.constant 2 : i32
        %mul3A_1005 = arith.muli %mul3A_1004, %scan3A_969 : i32
        %add3A_1006 = arith.constant 1 : i32
        %add3A_1007 = arith.addi %mul3A_1005, %add3A_1006 : i32
        %dma_wait3A_1008 = arith.constant 1 : i32
        %dma_wait3A_1009 = arith.constant 0 : i32
        %dma_wait3A_1010 = tpu.memref_slice %arg8[%dma_wait3A_1008, %dma_wait3A_1009] : memref<2x128xi32, #tpu.memory_space<vmem>> -> memref<1x128xi32, #tpu.memory_space<vmem>>
        %dma_wait3A_1011 = tpu.memref_squeeze %dma_wait3A_1010 : memref<1x128xi32, #tpu.memory_space<vmem>> -> memref<128xi32, #tpu.memory_space<vmem>>
        %dma_wait3A_1012 = arith.constant 0 : i32
        %dma_wait3A_1013 = arith.constant 0 : i32
        %dma_wait3A_1014 = tpu.memref_slice %arg2[%dma_wait3A_1012, %dma_wait3A_1013] : memref<60000x128xf32, #tpu.memory_space<hbm>> -> memref<60000x128xf32, #tpu.memory_space<hbm>>
        tpu.wait_indirect_dma semaphore(%arg14 : memref<!tpu.dma_semaphore, #tpu.memory_space<semaphore_mem>>) src(%dma_wait3A_1014 : memref<60000x128xf32, #tpu.memory_space<hbm>>) dst(%arg10 : memref<128x128xf32, #tpu.memory_space<vmem>>)
        %dma_start3A_1015 = arith.constant 0 : i32
        %dma_start3A_1016 = tpu.memref_slice %arg7[%add3A_1007, %dma_start3A_1015] : memref<40x128xi32, #tpu.memory_space<vmem>> -> memref<1x128xi32, #tpu.memory_space<vmem>>
        %dma_start3A_1017 = tpu.memref_squeeze %dma_start3A_1016 : memref<1x128xi32, #tpu.memory_space<vmem>> -> memref<128xi32, #tpu.memory_space<vmem>>
        %dma_start3A_1018 = arith.constant 0 : i32
        %dma_start3A_1019 = arith.constant 0 : i32
        %dma_start3A_1020 = tpu.memref_slice %arg12[%dma_start3A_1018, %dma_start3A_1019] : memref<10240x128xf32, #tpu.memory_space<vmem_shared>> -> memref<10240x128xf32, #tpu.memory_space<vmem_shared>>
        tpu.enqueue_indirect_dma source(%arg10 : memref<128x128xf32, #tpu.memory_space<vmem>>) target(%dma_start3A_1020 : memref<10240x128xf32, #tpu.memory_space<vmem_shared>>) offsets(%dma_start3A_1017 : memref<128xi32, #tpu.memory_space<vmem>>) semaphore(%arg16 : memref<!tpu.dma_semaphore, #tpu.memory_space<semaphore_mem>>) {add = true}
        %add3A_1021 = arith.constant 2 : i32
        %add3A_1022 = arith.addi %add3A_1007, %add3A_1021 : i32
        %lt3A_1023 = arith.constant 40 : i32
        %lt3A_1024 = arith.cmpi slt, %add3A_1022, %lt3A_1023 : i32
        %convert_element_type3A_1025 = arith.extui %lt3A_1024 : i1 to i32
        %cond3A_1026 = arith.constant 0 : i32
        %cond3A_1027 = arith.cmpi ne, %convert_element_type3A_1025, %cond3A_1026 : i32
        scf.if %cond3A_1027 {
          %add3A_1042 = arith.constant 2 : i32
          %add3A_1043 = arith.addi %add3A_1007, %add3A_1042 : i32
          %get3A_1044 = arith.index_cast %add3A_1043 : i32 to index
          %get3A_1045 = arith.constant 0 : index
          %get3A_1046 = tpu.vector_load %arg6[%get3A_1044, %get3A_1045] {strides = array<i32>} : memref<40x128xi32, #tpu.memory_space<vmem>>, vector<1x16xi32>,
          %get3A_1047 = vector.shape_cast %get3A_1046 : vector<1x16xi32> to vector<16xi32>
          %add3A_1048 = vector.broadcast %mul3A_26 : i32 to vector<16xi32>
          %add3A_1049 = arith.addi %get3A_1047, %add3A_1048 : vector<16xi32>
          %swap3A_1050 = arith.constant 1 : i32
          %swap3A_1051 = arith.index_cast %swap3A_1050 : i32 to index
          %swap3A_1052 = arith.constant 0 : index
          %swap3A_1053 = tpu.vector_load %arg8[%swap3A_1051, %swap3A_1052] {strides = array<i32>} : memref<2x128xi32, #tpu.memory_space<vmem>>, vector<1x16xi32>,
          %swap3A_1054 = vector.shape_cast %swap3A_1053 : vector<1x16xi32> to vector<16xi32>
          %swap3A_1055 = vector.shape_cast %add3A_1049 : vector<16xi32> to vector<1x16xi32>
          tpu.vector_store %arg8[%swap3A_1051, %swap3A_1052], %swap3A_1055 {strides = array<i32>} : memref<2x128xi32, #tpu.memory_space<vmem>>, vector<1x16xi32>,
          %get3A_1056 = arith.index_cast %add3A_1043 : i32 to index
          %get3A_1057 = arith.constant 16 : index
          %get3A_1058 = tpu.vector_load %arg6[%get3A_1056, %get3A_1057] {strides = array<i32>} : memref<40x128xi32, #tpu.memory_space<vmem>>, vector<1x16xi32>,
          %get3A_1059 = vector.shape_cast %get3A_1058 : vector<1x16xi32> to vector<16xi32>
          %add3A_1060 = vector.broadcast %mul3A_26 : i32 to vector<16xi32>
          %add3A_1061 = arith.addi %get3A_1059, %add3A_1060 : vector<16xi32>
          %swap3A_1062 = arith.constant 1 : i32
          %swap3A_1063 = arith.index_cast %swap3A_1062 : i32 to index
          %swap3A_1064 = arith.constant 16 : index
          %swap3A_1065 = tpu.vector_load %arg8[%swap3A_1063, %swap3A_1064] {strides = array<i32>} : memref<2x128xi32, #tpu.memory_space<vmem>>, vector<1x16xi32>,
          %swap3A_1066 = vector.shape_cast %swap3A_1065 : vector<1x16xi32> to vector<16xi32>
          %swap3A_1067 = vector.shape_cast %add3A_1061 : vector<16xi32> to vector<1x16xi32>
          tpu.vector_store %arg8[%swap3A_1063, %swap3A_1064], %swap3A_1067 {strides = array<i32>} : memref<2x128xi32, #tpu.memory_space<vmem>>, vector<1x16xi32>,
          %get3A_1068 = arith.index_cast %add3A_1043 : i32 to index
          %get3A_1069 = arith.constant 32 : index
          %get3A_1070 = tpu.vector_load %arg6[%get3A_1068, %get3A_1069] {strides = array<i32>} : memref<40x128xi32, #tpu.memory_space<vmem>>, vector<1x16xi32>,
          %get3A_1071 = vector.shape_cast %get3A_1070 : vector<1x16xi32> to vector<16xi32>
          %add3A_1072 = vector.broadcast %mul3A_26 : i32 to vector<16xi32>
          %add3A_1073 = arith.addi %get3A_1071, %add3A_1072 : vector<16xi32>
          %swap3A_1074 = arith.constant 1 : i32
          %swap3A_1075 = arith.index_cast %swap3A_1074 : i32 to index
          %swap3A_1076 = arith.constant 32 : index
          %swap3A_1077 = tpu.vector_load %arg8[%swap3A_1075, %swap3A_1076] {strides = array<i32>} : memref<2x128xi32, #tpu.memory_space<vmem>>, vector<1x16xi32>,
          %swap3A_1078 = vector.shape_cast %swap3A_1077 : vector<1x16xi32> to vector<16xi32>
          %swap3A_1079 = vector.shape_cast %add3A_1073 : vector<16xi32> to vector<1x16xi32>
          tpu.vector_store %arg8[%swap3A_1075, %swap3A_1076], %swap3A_1079 {strides = array<i32>} : memref<2x128xi32, #tpu.memory_space<vmem>>, vector<1x16xi32>,
          %get3A_1080 = arith.index_cast %add3A_1043 : i32 to index
          %get3A_1081 = arith.constant 48 : index
          %get3A_1082 = tpu.vector_load %arg6[%get3A_1080, %get3A_1081] {strides = array<i32>} : memref<40x128xi32, #tpu.memory_space<vmem>>, vector<1x16xi32>,
          %get3A_1083 = vector.shape_cast %get3A_1082 : vector<1x16xi32> to vector<16xi32>
          %add3A_1084 = vector.broadcast %mul3A_26 : i32 to vector<16xi32>
          %add3A_1085 = arith.addi %get3A_1083, %add3A_1084 : vector<16xi32>
          %swap3A_1086 = arith.constant 1 : i32
          %swap3A_1087 = arith.index_cast %swap3A_1086 : i32 to index
          %swap3A_1088 = arith.constant 48 : index
          %swap3A_1089 = tpu.vector_load %arg8[%swap3A_1087, %swap3A_1088] {strides = array<i32>} : memref<2x128xi32, #tpu.memory_space<vmem>>, vector<1x16xi32>,
          %swap3A_1090 = vector.shape_cast %swap3A_1089 : vector<1x16xi32> to vector<16xi32>
          %swap3A_1091 = vector.shape_cast %add3A_1085 : vector<16xi32> to vector<1x16xi32>
          tpu.vector_store %arg8[%swap3A_1087, %swap3A_1088], %swap3A_1091 {strides = array<i32>} : memref<2x128xi32, #tpu.memory_space<vmem>>, vector<1x16xi32>,
          %get3A_1092 = arith.index_cast %add3A_1043 : i32 to index
          %get3A_1093 = arith.constant 64 : index
          %get3A_1094 = tpu.vector_load %arg6[%get3A_1092, %get3A_1093] {strides = array<i32>} : memref<40x128xi32, #tpu.memory_space<vmem>>, vector<1x16xi32>,
          %get3A_1095 = vector.shape_cast %get3A_1094 : vector<1x16xi32> to vector<16xi32>
          %add3A_1096 = vector.broadcast %mul3A_26 : i32 to vector<16xi32>
          %add3A_1097 = arith.addi %get3A_1095, %add3A_1096 : vector<16xi32>
          %swap3A_1098 = arith.constant 1 : i32
          %swap3A_1099 = arith.index_cast %swap3A_1098 : i32 to index
          %swap3A_1100 = arith.constant 64 : index
          %swap3A_1101 = tpu.vector_load %arg8[%swap3A_1099, %swap3A_1100] {strides = array<i32>} : memref<2x128xi32, #tpu.memory_space<vmem>>, vector<1x16xi32>,
          %swap3A_1102 = vector.shape_cast %swap3A_1101 : vector<1x16xi32> to vector<16xi32>
          %swap3A_1103 = vector.shape_cast %add3A_1097 : vector<16xi32> to vector<1x16xi32>
          tpu.vector_store %arg8[%swap3A_1099, %swap3A_1100], %swap3A_1103 {strides = array<i32>} : memref<2x128xi32, #tpu.memory_space<vmem>>, vector<1x16xi32>,
          %get3A_1104 = arith.index_cast %add3A_1043 : i32 to index
          %get3A_1105 = arith.constant 80 : index
          %get3A_1106 = tpu.vector_load %arg6[%get3A_1104, %get3A_1105] {strides = array<i32>} : memref<40x128xi32, #tpu.memory_space<vmem>>, vector<1x16xi32>,
          %get3A_1107 = vector.shape_cast %get3A_1106 : vector<1x16xi32> to vector<16xi32>
          %add3A_1108 = vector.broadcast %mul3A_26 : i32 to vector<16xi32>
          %add3A_1109 = arith.addi %get3A_1107, %add3A_1108 : vector<16xi32>
          %swap3A_1110 = arith.constant 1 : i32
          %swap3A_1111 = arith.index_cast %swap3A_1110 : i32 to index
          %swap3A_1112 = arith.constant 80 : index
          %swap3A_1113 = tpu.vector_load %arg8[%swap3A_1111, %swap3A_1112] {strides = array<i32>} : memref<2x128xi32, #tpu.memory_space<vmem>>, vector<1x16xi32>,
          %swap3A_1114 = vector.shape_cast %swap3A_1113 : vector<1x16xi32> to vector<16xi32>
          %swap3A_1115 = vector.shape_cast %add3A_1109 : vector<16xi32> to vector<1x16xi32>
          tpu.vector_store %arg8[%swap3A_1111, %swap3A_1112], %swap3A_1115 {strides = array<i32>} : memref<2x128xi32, #tpu.memory_space<vmem>>, vector<1x16xi32>,
          %get3A_1116 = arith.index_cast %add3A_1043 : i32 to index
          %get3A_1117 = arith.constant 96 : index
          %get3A_1118 = tpu.vector_load %arg6[%get3A_1116, %get3A_1117] {strides = array<i32>} : memref<40x128xi32, #tpu.memory_space<vmem>>, vector<1x16xi32>,
          %get3A_1119 = vector.shape_cast %get3A_1118 : vector<1x16xi32> to vector<16xi32>
          %add3A_1120 = vector.broadcast %mul3A_26 : i32 to vector<16xi32>
          %add3A_1121 = arith.addi %get3A_1119, %add3A_1120 : vector<16xi32>
          %swap3A_1122 = arith.constant 1 : i32
          %swap3A_1123 = arith.index_cast %swap3A_1122 : i32 to index
          %swap3A_1124 = arith.constant 96 : index
          %swap3A_1125 = tpu.vector_load %arg8[%swap3A_1123, %swap3A_1124] {strides = array<i32>} : memref<2x128xi32, #tpu.memory_space<vmem>>, vector<1x16xi32>,
          %swap3A_1126 = vector.shape_cast %swap3A_1125 : vector<1x16xi32> to vector<16xi32>
          %swap3A_1127 = vector.shape_cast %add3A_1121 : vector<16xi32> to vector<1x16xi32>
          tpu.vector_store %arg8[%swap3A_1123, %swap3A_1124], %swap3A_1127 {strides = array<i32>} : memref<2x128xi32, #tpu.memory_space<vmem>>, vector<1x16xi32>,
          %get3A_1128 = arith.index_cast %add3A_1043 : i32 to index
          %get3A_1129 = arith.constant 112 : index
          %get3A_1130 = tpu.vector_load %arg6[%get3A_1128, %get3A_1129] {strides = array<i32>} : memref<40x128xi32, #tpu.memory_space<vmem>>, vector<1x16xi32>,
          %get3A_1131 = vector.shape_cast %get3A_1130 : vector<1x16xi32> to vector<16xi32>
          %add3A_1132 = vector.broadcast %mul3A_26 : i32 to vector<16xi32>
          %add3A_1133 = arith.addi %get3A_1131, %add3A_1132 : vector<16xi32>
          %swap3A_1134 = arith.constant 1 : i32
          %swap3A_1135 = arith.index_cast %swap3A_1134 : i32 to index
          %swap3A_1136 = arith.constant 112 : index
          %swap3A_1137 = tpu.vector_load %arg8[%swap3A_1135, %swap3A_1136] {strides = array<i32>} : memref<2x128xi32, #tpu.memory_space<vmem>>, vector<1x16xi32>,
          %swap3A_1138 = vector.shape_cast %swap3A_1137 : vector<1x16xi32> to vector<16xi32>
          %swap3A_1139 = vector.shape_cast %add3A_1133 : vector<16xi32> to vector<1x16xi32>
          tpu.vector_store %arg8[%swap3A_1135, %swap3A_1136], %swap3A_1139 {strides = array<i32>} : memref<2x128xi32, #tpu.memory_space<vmem>>, vector<1x16xi32>,
        } else {
        }
        %dma_wait3A_1028 = arith.constant 0 : i32
        %dma_wait3A_1029 = tpu.memref_slice %arg7[%add3A_1007, %dma_wait3A_1028] : memref<40x128xi32, #tpu.memory_space<vmem>> -> memref<1x128xi32, #tpu.memory_space<vmem>>
        %dma_wait3A_1030 = tpu.memref_squeeze %dma_wait3A_1029 : memref<1x128xi32, #tpu.memory_space<vmem>> -> memref<128xi32, #tpu.memory_space<vmem>>
        %dma_wait3A_1031 = arith.constant 0 : i32
        %dma_wait3A_1032 = arith.constant 0 : i32
        %dma_wait3A_1033 = tpu.memref_slice %arg12[%dma_wait3A_1031, %dma_wait3A_1032] : memref<10240x128xf32, #tpu.memory_space<vmem_shared>> -> memref<10240x128xf32, #tpu.memory_space<vmem_shared>>
        tpu.wait_indirect_dma semaphore(%arg16 : memref<!tpu.dma_semaphore, #tpu.memory_space<semaphore_mem>>) src(%arg10 : memref<128x128xf32, #tpu.memory_space<vmem>>) dst(%dma_wait3A_1033 : memref<10240x128xf32, #tpu.memory_space<vmem_shared>>)
        %add3A_1034 = arith.constant 2 : i32
        %add3A_1035 = arith.addi %add3A_1007, %add3A_1034 : i32
        %lt3A_1036 = arith.constant 40 : i32
        %lt3A_1037 = arith.cmpi slt, %add3A_1035, %lt3A_1036 : i32
        %convert_element_type3A_1038 = arith.extui %lt3A_1037 : i1 to i32
        %cond3A_1039 = arith.constant 0 : i32
        %cond3A_1040 = arith.cmpi ne, %convert_element_type3A_1038, %cond3A_1039 : i32
        scf.if %cond3A_1040 {
          %dma_start3A_1042 = arith.constant 1 : i32
          %dma_start3A_1043 = arith.constant 0 : i32
          %dma_start3A_1044 = tpu.memref_slice %arg8[%dma_start3A_1042, %dma_start3A_1043] : memref<2x128xi32, #tpu.memory_space<vmem>> -> memref<1x128xi32, #tpu.memory_space<vmem>>
          %dma_start3A_1045 = tpu.memref_squeeze %dma_start3A_1044 : memref<1x128xi32, #tpu.memory_space<vmem>> -> memref<128xi32, #tpu.memory_space<vmem>>
          %dma_start3A_1046 = arith.constant 0 : i32
          %dma_start3A_1047 = arith.constant 0 : i32
          %dma_start3A_1048 = tpu.memref_slice %arg2[%dma_start3A_1046, %dma_start3A_1047] : memref<60000x128xf32, #tpu.memory_space<hbm>> -> memref<60000x128xf32, #tpu.memory_space<hbm>>
          tpu.enqueue_indirect_dma source(%dma_start3A_1048 : memref<60000x128xf32, #tpu.memory_space<hbm>>) target(%arg10 : memref<128x128xf32, #tpu.memory_space<vmem>>) offsets(%dma_start3A_1045 : memref<128xi32, #tpu.memory_space<vmem>>) semaphore(%arg14 : memref<!tpu.dma_semaphore, #tpu.memory_space<semaphore_mem>>)
        } else {
        }
        %scan3A_1041 = arith.constant 0 : i32
        scf.yield %scan3A_1041 : i32
      }
      %scan3A_729 = arith.constant 20 : i32
      %mul3A_730 = arith.constant 160 : i32
      %mul3A_731 = arith.muli %arg1, %mul3A_730 : i32
      %add3A_732 = arith.constant 120 : i32
      %add3A_733 = arith.addi %mul3A_731, %add3A_732 : i32
      "tpu.region"() ({
        %run_scoped3A = tpu.sem_alloc : memref<!tpu.dma_semaphore, #tpu.memory_space<semaphore_mem>>
        %dma_start3A_969 = arith.constant 0 : i32
        %dma_start3A_970 = tpu.memref_slice %arg3[%add3A_733, %dma_start3A_969] : memref<2560x128xi32, #tpu.memory_space<hbm>> -> memref<40x128xi32, #tpu.memory_space<hbm>>
        %dma_start3A_971 = arith.constant 0 : i32
        %dma_start3A_972 = tpu.memref_slice %arg3[%add3A_733, %dma_start3A_971] : memref<2560x128xi32, #tpu.memory_space<hbm>> -> memref<40x128xi32, #tpu.memory_space<hbm>>
        tpu.enqueue_dma source(%dma_start3A_972 : memref<40x128xi32, #tpu.memory_space<hbm>>) target(%arg6 : memref<40x128xi32, #tpu.memory_space<vmem>>) target_semaphore(%run_scoped3A : memref<!tpu.dma_semaphore, #tpu.memory_space<semaphore_mem>>)
        %dma_wait3A = arith.constant 0 : i32
        %dma_wait3A_973 = tpu.memref_slice %arg3[%add3A_733, %dma_wait3A] : memref<2560x128xi32, #tpu.memory_space<hbm>> -> memref<40x128xi32, #tpu.memory_space<hbm>>
        %dma_wait3A_974 = arith.constant 0 : i32
        %dma_wait3A_975 = tpu.memref_slice %arg3[%add3A_733, %dma_wait3A_974] : memref<2560x128xi32, #tpu.memory_space<hbm>> -> memref<40x128xi32, #tpu.memory_space<hbm>>
        tpu.wait_dma2 semaphore(%run_scoped3A : memref<!tpu.dma_semaphore, #tpu.memory_space<semaphore_mem>>) src(%dma_wait3A_975 : memref<40x128xi32, #tpu.memory_space<hbm>>) dst(%arg6 : memref<40x128xi32, #tpu.memory_space<vmem>>)
        tpu.yield
      }) : () -> ()
      "tpu.region"() ({
        %run_scoped3A = tpu.sem_alloc : memref<!tpu.dma_semaphore, #tpu.memory_space<semaphore_mem>>
        %dma_start3A_969 = arith.constant 0 : i32
        %dma_start3A_970 = tpu.memref_slice %arg4[%add3A_733, %dma_start3A_969] : memref<2560x128xi32, #tpu.memory_space<hbm>> -> memref<40x128xi32, #tpu.memory_space<hbm>>
        %dma_start3A_971 = arith.constant 0 : i32
        %dma_start3A_972 = tpu.memref_slice %arg4[%add3A_733, %dma_start3A_971] : memref<2560x128xi32, #tpu.memory_space<hbm>> -> memref<40x128xi32, #tpu.memory_space<hbm>>
        tpu.enqueue_dma source(%dma_start3A_972 : memref<40x128xi32, #tpu.memory_space<hbm>>) target(%arg7 : memref<40x128xi32, #tpu.memory_space<vmem>>) target_semaphore(%run_scoped3A : memref<!tpu.dma_semaphore, #tpu.memory_space<semaphore_mem>>)
        %dma_wait3A = arith.constant 0 : i32
        %dma_wait3A_973 = tpu.memref_slice %arg4[%add3A_733, %dma_wait3A] : memref<2560x128xi32, #tpu.memory_space<hbm>> -> memref<40x128xi32, #tpu.memory_space<hbm>>
        %dma_wait3A_974 = arith.constant 0 : i32
        %dma_wait3A_975 = tpu.memref_slice %arg4[%add3A_733, %dma_wait3A_974] : memref<2560x128xi32, #tpu.memory_space<hbm>> -> memref<40x128xi32, #tpu.memory_space<hbm>>
        tpu.wait_dma2 semaphore(%run_scoped3A : memref<!tpu.dma_semaphore, #tpu.memory_space<semaphore_mem>>) src(%dma_wait3A_975 : memref<40x128xi32, #tpu.memory_space<hbm>>) dst(%arg7 : memref<40x128xi32, #tpu.memory_space<vmem>>)
        tpu.yield
      }) : () -> ()
      %get3A_734 = arith.constant 0 : i32
      %get3A_735 = arith.index_cast %get3A_734 : i32 to index
      %get3A_736 = arith.constant 0 : index
      %get3A_737 = tpu.vector_load %arg6[%get3A_735, %get3A_736] {strides = array<i32>} : memref<40x128xi32, #tpu.memory_space<vmem>>, vector<1x16xi32>,
      %get3A_738 = vector.shape_cast %get3A_737 : vector<1x16xi32> to vector<16xi32>
      %add3A_739 = vector.broadcast %mul3A_26 : i32 to vector<16xi32>
      %add3A_740 = arith.addi %get3A_738, %add3A_739 : vector<16xi32>
      %swap3A_741 = arith.constant 0 : i32
      %swap3A_742 = arith.index_cast %swap3A_741 : i32 to index
      %swap3A_743 = arith.constant 0 : index
      %swap3A_744 = tpu.vector_load %arg8[%swap3A_742, %swap3A_743] {strides = array<i32>} : memref<2x128xi32, #tpu.memory_space<vmem>>, vector<1x16xi32>,
      %swap3A_745 = vector.shape_cast %swap3A_744 : vector<1x16xi32> to vector<16xi32>
      %swap3A_746 = vector.shape_cast %add3A_740 : vector<16xi32> to vector<1x16xi32>
      tpu.vector_store %arg8[%swap3A_742, %swap3A_743], %swap3A_746 {strides = array<i32>} : memref<2x128xi32, #tpu.memory_space<vmem>>, vector<1x16xi32>,
      %get3A_747 = arith.constant 0 : i32
      %get3A_748 = arith.index_cast %get3A_747 : i32 to index
      %get3A_749 = arith.constant 16 : index
      %get3A_750 = tpu.vector_load %arg6[%get3A_748, %get3A_749] {strides = array<i32>} : memref<40x128xi32, #tpu.memory_space<vmem>>, vector<1x16xi32>,
      %get3A_751 = vector.shape_cast %get3A_750 : vector<1x16xi32> to vector<16xi32>
      %add3A_752 = vector.broadcast %mul3A_26 : i32 to vector<16xi32>
      %add3A_753 = arith.addi %get3A_751, %add3A_752 : vector<16xi32>
      %swap3A_754 = arith.constant 0 : i32
      %swap3A_755 = arith.index_cast %swap3A_754 : i32 to index
      %swap3A_756 = arith.constant 16 : index
      %swap3A_757 = tpu.vector_load %arg8[%swap3A_755, %swap3A_756] {strides = array<i32>} : memref<2x128xi32, #tpu.memory_space<vmem>>, vector<1x16xi32>,
      %swap3A_758 = vector.shape_cast %swap3A_757 : vector<1x16xi32> to vector<16xi32>
      %swap3A_759 = vector.shape_cast %add3A_753 : vector<16xi32> to vector<1x16xi32>
      tpu.vector_store %arg8[%swap3A_755, %swap3A_756], %swap3A_759 {strides = array<i32>} : memref<2x128xi32, #tpu.memory_space<vmem>>, vector<1x16xi32>,
      %get3A_760 = arith.constant 0 : i32
      %get3A_761 = arith.index_cast %get3A_760 : i32 to index
      %get3A_762 = arith.constant 32 : index
      %get3A_763 = tpu.vector_load %arg6[%get3A_761, %get3A_762] {strides = array<i32>} : memref<40x128xi32, #tpu.memory_space<vmem>>, vector<1x16xi32>,
      %get3A_764 = vector.shape_cast %get3A_763 : vector<1x16xi32> to vector<16xi32>
      %add3A_765 = vector.broadcast %mul3A_26 : i32 to vector<16xi32>
      %add3A_766 = arith.addi %get3A_764, %add3A_765 : vector<16xi32>
      %swap3A_767 = arith.constant 0 : i32
      %swap3A_768 = arith.index_cast %swap3A_767 : i32 to index
      %swap3A_769 = arith.constant 32 : index
      %swap3A_770 = tpu.vector_load %arg8[%swap3A_768, %swap3A_769] {strides = array<i32>} : memref<2x128xi32, #tpu.memory_space<vmem>>, vector<1x16xi32>,
      %swap3A_771 = vector.shape_cast %swap3A_770 : vector<1x16xi32> to vector<16xi32>
      %swap3A_772 = vector.shape_cast %add3A_766 : vector<16xi32> to vector<1x16xi32>
      tpu.vector_store %arg8[%swap3A_768, %swap3A_769], %swap3A_772 {strides = array<i32>} : memref<2x128xi32, #tpu.memory_space<vmem>>, vector<1x16xi32>,
      %get3A_773 = arith.constant 0 : i32
      %get3A_774 = arith.index_cast %get3A_773 : i32 to index
      %get3A_775 = arith.constant 48 : index
      %get3A_776 = tpu.vector_load %arg6[%get3A_774, %get3A_775] {strides = array<i32>} : memref<40x128xi32, #tpu.memory_space<vmem>>, vector<1x16xi32>,
      %get3A_777 = vector.shape_cast %get3A_776 : vector<1x16xi32> to vector<16xi32>
      %add3A_778 = vector.broadcast %mul3A_26 : i32 to vector<16xi32>
      %add3A_779 = arith.addi %get3A_777, %add3A_778 : vector<16xi32>
      %swap3A_780 = arith.constant 0 : i32
      %swap3A_781 = arith.index_cast %swap3A_780 : i32 to index
      %swap3A_782 = arith.constant 48 : index
      %swap3A_783 = tpu.vector_load %arg8[%swap3A_781, %swap3A_782] {strides = array<i32>} : memref<2x128xi32, #tpu.memory_space<vmem>>, vector<1x16xi32>,
      %swap3A_784 = vector.shape_cast %swap3A_783 : vector<1x16xi32> to vector<16xi32>
      %swap3A_785 = vector.shape_cast %add3A_779 : vector<16xi32> to vector<1x16xi32>
      tpu.vector_store %arg8[%swap3A_781, %swap3A_782], %swap3A_785 {strides = array<i32>} : memref<2x128xi32, #tpu.memory_space<vmem>>, vector<1x16xi32>,
      %get3A_786 = arith.constant 0 : i32
      %get3A_787 = arith.index_cast %get3A_786 : i32 to index
      %get3A_788 = arith.constant 64 : index
      %get3A_789 = tpu.vector_load %arg6[%get3A_787, %get3A_788] {strides = array<i32>} : memref<40x128xi32, #tpu.memory_space<vmem>>, vector<1x16xi32>,
      %get3A_790 = vector.shape_cast %get3A_789 : vector<1x16xi32> to vector<16xi32>
      %add3A_791 = vector.broadcast %mul3A_26 : i32 to vector<16xi32>
      %add3A_792 = arith.addi %get3A_790, %add3A_791 : vector<16xi32>
      %swap3A_793 = arith.constant 0 : i32
      %swap3A_794 = arith.index_cast %swap3A_793 : i32 to index
      %swap3A_795 = arith.constant 64 : index
      %swap3A_796 = tpu.vector_load %arg8[%swap3A_794, %swap3A_795] {strides = array<i32>} : memref<2x128xi32, #tpu.memory_space<vmem>>, vector<1x16xi32>,
      %swap3A_797 = vector.shape_cast %swap3A_796 : vector<1x16xi32> to vector<16xi32>
      %swap3A_798 = vector.shape_cast %add3A_792 : vector<16xi32> to vector<1x16xi32>
      tpu.vector_store %arg8[%swap3A_794, %swap3A_795], %swap3A_798 {strides = array<i32>} : memref<2x128xi32, #tpu.memory_space<vmem>>, vector<1x16xi32>,
      %get3A_799 = arith.constant 0 : i32
      %get3A_800 = arith.index_cast %get3A_799 : i32 to index
      %get3A_801 = arith.constant 80 : index
      %get3A_802 = tpu.vector_load %arg6[%get3A_800, %get3A_801] {strides = array<i32>} : memref<40x128xi32, #tpu.memory_space<vmem>>, vector<1x16xi32>,
      %get3A_803 = vector.shape_cast %get3A_802 : vector<1x16xi32> to vector<16xi32>
      %add3A_804 = vector.broadcast %mul3A_26 : i32 to vector<16xi32>
      %add3A_805 = arith.addi %get3A_803, %add3A_804 : vector<16xi32>
      %swap3A_806 = arith.constant 0 : i32
      %swap3A_807 = arith.index_cast %swap3A_806 : i32 to index
      %swap3A_808 = arith.constant 80 : index
      %swap3A_809 = tpu.vector_load %arg8[%swap3A_807, %swap3A_808] {strides = array<i32>} : memref<2x128xi32, #tpu.memory_space<vmem>>, vector<1x16xi32>,
      %swap3A_810 = vector.shape_cast %swap3A_809 : vector<1x16xi32> to vector<16xi32>
      %swap3A_811 = vector.shape_cast %add3A_805 : vector<16xi32> to vector<1x16xi32>
      tpu.vector_store %arg8[%swap3A_807, %swap3A_808], %swap3A_811 {strides = array<i32>} : memref<2x128xi32, #tpu.memory_space<vmem>>, vector<1x16xi32>,
      %get3A_812 = arith.constant 0 : i32
      %get3A_813 = arith.index_cast %get3A_812 : i32 to index
      %get3A_814 = arith.constant 96 : index
      %get3A_815 = tpu.vector_load %arg6[%get3A_813, %get3A_814] {strides = array<i32>} : memref<40x128xi32, #tpu.memory_space<vmem>>, vector<1x16xi32>,
      %get3A_816 = vector.shape_cast %get3A_815 : vector<1x16xi32> to vector<16xi32>
      %add3A_817 = vector.broadcast %mul3A_26 : i32 to vector<16xi32>
      %add3A_818 = arith.addi %get3A_816, %add3A_817 : vector<16xi32>
      %swap3A_819 = arith.constant 0 : i32
      %swap3A_820 = arith.index_cast %swap3A_819 : i32 to index
      %swap3A_821 = arith.constant 96 : index
      %swap3A_822 = tpu.vector_load %arg8[%swap3A_820, %swap3A_821] {strides = array<i32>} : memref<2x128xi32, #tpu.memory_space<vmem>>, vector<1x16xi32>,
      %swap3A_823 = vector.shape_cast %swap3A_822 : vector<1x16xi32> to vector<16xi32>
      %swap3A_824 = vector.shape_cast %add3A_818 : vector<16xi32> to vector<1x16xi32>
      tpu.vector_store %arg8[%swap3A_820, %swap3A_821], %swap3A_824 {strides = array<i32>} : memref<2x128xi32, #tpu.memory_space<vmem>>, vector<1x16xi32>,
      %get3A_825 = arith.constant 0 : i32
      %get3A_826 = arith.index_cast %get3A_825 : i32 to index
      %get3A_827 = arith.constant 112 : index
      %get3A_828 = tpu.vector_load %arg6[%get3A_826, %get3A_827] {strides = array<i32>} : memref<40x128xi32, #tpu.memory_space<vmem>>, vector<1x16xi32>,
      %get3A_829 = vector.shape_cast %get3A_828 : vector<1x16xi32> to vector<16xi32>
      %add3A_830 = vector.broadcast %mul3A_26 : i32 to vector<16xi32>
      %add3A_831 = arith.addi %get3A_829, %add3A_830 : vector<16xi32>
      %swap3A_832 = arith.constant 0 : i32
      %swap3A_833 = arith.index_cast %swap3A_832 : i32 to index
      %swap3A_834 = arith.constant 112 : index
      %swap3A_835 = tpu.vector_load %arg8[%swap3A_833, %swap3A_834] {strides = array<i32>} : memref<2x128xi32, #tpu.memory_space<vmem>>, vector<1x16xi32>,
      %swap3A_836 = vector.shape_cast %swap3A_835 : vector<1x16xi32> to vector<16xi32>
      %swap3A_837 = vector.shape_cast %add3A_831 : vector<16xi32> to vector<1x16xi32>
      tpu.vector_store %arg8[%swap3A_833, %swap3A_834], %swap3A_837 {strides = array<i32>} : memref<2x128xi32, #tpu.memory_space<vmem>>, vector<1x16xi32>,
      %dma_start3A_838 = arith.constant 0 : i32
      %dma_start3A_839 = arith.constant 0 : i32
      %dma_start3A_840 = tpu.memref_slice %arg8[%dma_start3A_838, %dma_start3A_839] : memref<2x128xi32, #tpu.memory_space<vmem>> -> memref<1x128xi32, #tpu.memory_space<vmem>>
      %dma_start3A_841 = tpu.memref_squeeze %dma_start3A_840 : memref<1x128xi32, #tpu.memory_space<vmem>> -> memref<128xi32, #tpu.memory_space<vmem>>
      %dma_start3A_842 = arith.constant 0 : i32
      %dma_start3A_843 = arith.constant 0 : i32
      %dma_start3A_844 = tpu.memref_slice %arg2[%dma_start3A_842, %dma_start3A_843] : memref<60000x128xf32, #tpu.memory_space<hbm>> -> memref<60000x128xf32, #tpu.memory_space<hbm>>
      tpu.enqueue_indirect_dma source(%dma_start3A_844 : memref<60000x128xf32, #tpu.memory_space<hbm>>) target(%arg9 : memref<128x128xf32, #tpu.memory_space<vmem>>) offsets(%dma_start3A_841 : memref<128xi32, #tpu.memory_space<vmem>>) semaphore(%arg13 : memref<!tpu.dma_semaphore, #tpu.memory_space<semaphore_mem>>)
      %get3A_845 = arith.constant 1 : i32
      %get3A_846 = arith.index_cast %get3A_845 : i32 to index
      %get3A_847 = arith.constant 0 : index
      %get3A_848 = tpu.vector_load %arg6[%get3A_846, %get3A_847] {strides = array<i32>} : memref<40x128xi32, #tpu.memory_space<vmem>>, vector<1x16xi32>,
      %get3A_849 = vector.shape_cast %get3A_848 : vector<1x16xi32> to vector<16xi32>
      %add3A_850 = vector.broadcast %mul3A_26 : i32 to vector<16xi32>
      %add3A_851 = arith.addi %get3A_849, %add3A_850 : vector<16xi32>
      %swap3A_852 = arith.constant 1 : i32
      %swap3A_853 = arith.index_cast %swap3A_852 : i32 to index
      %swap3A_854 = arith.constant 0 : index
      %swap3A_855 = tpu.vector_load %arg8[%swap3A_853, %swap3A_854] {strides = array<i32>} : memref<2x128xi32, #tpu.memory_space<vmem>>, vector<1x16xi32>,
      %swap3A_856 = vector.shape_cast %swap3A_855 : vector<1x16xi32> to vector<16xi32>
      %swap3A_857 = vector.shape_cast %add3A_851 : vector<16xi32> to vector<1x16xi32>
      tpu.vector_store %arg8[%swap3A_853, %swap3A_854], %swap3A_857 {strides = array<i32>} : memref<2x128xi32, #tpu.memory_space<vmem>>, vector<1x16xi32>,
      %get3A_858 = arith.constant 1 : i32
      %get3A_859 = arith.index_cast %get3A_858 : i32 to index
      %get3A_860 = arith.constant 16 : index
      %get3A_861 = tpu.vector_load %arg6[%get3A_859, %get3A_860] {strides = array<i32>} : memref<40x128xi32, #tpu.memory_space<vmem>>, vector<1x16xi32>,
      %get3A_862 = vector.shape_cast %get3A_861 : vector<1x16xi32> to vector<16xi32>
      %add3A_863 = vector.broadcast %mul3A_26 : i32 to vector<16xi32>
      %add3A_864 = arith.addi %get3A_862, %add3A_863 : vector<16xi32>
      %swap3A_865 = arith.constant 1 : i32
      %swap3A_866 = arith.index_cast %swap3A_865 : i32 to index
      %swap3A_867 = arith.constant 16 : index
      %swap3A_868 = tpu.vector_load %arg8[%swap3A_866, %swap3A_867] {strides = array<i32>} : memref<2x128xi32, #tpu.memory_space<vmem>>, vector<1x16xi32>,
      %swap3A_869 = vector.shape_cast %swap3A_868 : vector<1x16xi32> to vector<16xi32>
      %swap3A_870 = vector.shape_cast %add3A_864 : vector<16xi32> to vector<1x16xi32>
      tpu.vector_store %arg8[%swap3A_866, %swap3A_867], %swap3A_870 {strides = array<i32>} : memref<2x128xi32, #tpu.memory_space<vmem>>, vector<1x16xi32>,
      %get3A_871 = arith.constant 1 : i32
      %get3A_872 = arith.index_cast %get3A_871 : i32 to index
      %get3A_873 = arith.constant 32 : index
      %get3A_874 = tpu.vector_load %arg6[%get3A_872, %get3A_873] {strides = array<i32>} : memref<40x128xi32, #tpu.memory_space<vmem>>, vector<1x16xi32>,
      %get3A_875 = vector.shape_cast %get3A_874 : vector<1x16xi32> to vector<16xi32>
      %add3A_876 = vector.broadcast %mul3A_26 : i32 to vector<16xi32>
      %add3A_877 = arith.addi %get3A_875, %add3A_876 : vector<16xi32>
      %swap3A_878 = arith.constant 1 : i32
      %swap3A_879 = arith.index_cast %swap3A_878 : i32 to index
      %swap3A_880 = arith.constant 32 : index
      %swap3A_881 = tpu.vector_load %arg8[%swap3A_879, %swap3A_880] {strides = array<i32>} : memref<2x128xi32, #tpu.memory_space<vmem>>, vector<1x16xi32>,
      %swap3A_882 = vector.shape_cast %swap3A_881 : vector<1x16xi32> to vector<16xi32>
      %swap3A_883 = vector.shape_cast %add3A_877 : vector<16xi32> to vector<1x16xi32>
      tpu.vector_store %arg8[%swap3A_879, %swap3A_880], %swap3A_883 {strides = array<i32>} : memref<2x128xi32, #tpu.memory_space<vmem>>, vector<1x16xi32>,
      %get3A_884 = arith.constant 1 : i32
      %get3A_885 = arith.index_cast %get3A_884 : i32 to index
      %get3A_886 = arith.constant 48 : index
      %get3A_887 = tpu.vector_load %arg6[%get3A_885, %get3A_886] {strides = array<i32>} : memref<40x128xi32, #tpu.memory_space<vmem>>, vector<1x16xi32>,
      %get3A_888 = vector.shape_cast %get3A_887 : vector<1x16xi32> to vector<16xi32>
      %add3A_889 = vector.broadcast %mul3A_26 : i32 to vector<16xi32>
      %add3A_890 = arith.addi %get3A_888, %add3A_889 : vector<16xi32>
      %swap3A_891 = arith.constant 1 : i32
      %swap3A_892 = arith.index_cast %swap3A_891 : i32 to index
      %swap3A_893 = arith.constant 48 : index
      %swap3A_894 = tpu.vector_load %arg8[%swap3A_892, %swap3A_893] {strides = array<i32>} : memref<2x128xi32, #tpu.memory_space<vmem>>, vector<1x16xi32>,
      %swap3A_895 = vector.shape_cast %swap3A_894 : vector<1x16xi32> to vector<16xi32>
      %swap3A_896 = vector.shape_cast %add3A_890 : vector<16xi32> to vector<1x16xi32>
      tpu.vector_store %arg8[%swap3A_892, %swap3A_893], %swap3A_896 {strides = array<i32>} : memref<2x128xi32, #tpu.memory_space<vmem>>, vector<1x16xi32>,
      %get3A_897 = arith.constant 1 : i32
      %get3A_898 = arith.index_cast %get3A_897 : i32 to index
      %get3A_899 = arith.constant 64 : index
      %get3A_900 = tpu.vector_load %arg6[%get3A_898, %get3A_899] {strides = array<i32>} : memref<40x128xi32, #tpu.memory_space<vmem>>, vector<1x16xi32>,
      %get3A_901 = vector.shape_cast %get3A_900 : vector<1x16xi32> to vector<16xi32>
      %add3A_902 = vector.broadcast %mul3A_26 : i32 to vector<16xi32>
      %add3A_903 = arith.addi %get3A_901, %add3A_902 : vector<16xi32>
      %swap3A_904 = arith.constant 1 : i32
      %swap3A_905 = arith.index_cast %swap3A_904 : i32 to index
      %swap3A_906 = arith.constant 64 : index
      %swap3A_907 = tpu.vector_load %arg8[%swap3A_905, %swap3A_906] {strides = array<i32>} : memref<2x128xi32, #tpu.memory_space<vmem>>, vector<1x16xi32>,
      %swap3A_908 = vector.shape_cast %swap3A_907 : vector<1x16xi32> to vector<16xi32>
      %swap3A_909 = vector.shape_cast %add3A_903 : vector<16xi32> to vector<1x16xi32>
      tpu.vector_store %arg8[%swap3A_905, %swap3A_906], %swap3A_909 {strides = array<i32>} : memref<2x128xi32, #tpu.memory_space<vmem>>, vector<1x16xi32>,
      %get3A_910 = arith.constant 1 : i32
      %get3A_911 = arith.index_cast %get3A_910 : i32 to index
      %get3A_912 = arith.constant 80 : index
      %get3A_913 = tpu.vector_load %arg6[%get3A_911, %get3A_912] {strides = array<i32>} : memref<40x128xi32, #tpu.memory_space<vmem>>, vector<1x16xi32>,
      %get3A_914 = vector.shape_cast %get3A_913 : vector<1x16xi32> to vector<16xi32>
      %add3A_915 = vector.broadcast %mul3A_26 : i32 to vector<16xi32>
      %add3A_916 = arith.addi %get3A_914, %add3A_915 : vector<16xi32>
      %swap3A_917 = arith.constant 1 : i32
      %swap3A_918 = arith.index_cast %swap3A_917 : i32 to index
      %swap3A_919 = arith.constant 80 : index
      %swap3A_920 = tpu.vector_load %arg8[%swap3A_918, %swap3A_919] {strides = array<i32>} : memref<2x128xi32, #tpu.memory_space<vmem>>, vector<1x16xi32>,
      %swap3A_921 = vector.shape_cast %swap3A_920 : vector<1x16xi32> to vector<16xi32>
      %swap3A_922 = vector.shape_cast %add3A_916 : vector<16xi32> to vector<1x16xi32>
      tpu.vector_store %arg8[%swap3A_918, %swap3A_919], %swap3A_922 {strides = array<i32>} : memref<2x128xi32, #tpu.memory_space<vmem>>, vector<1x16xi32>,
      %get3A_923 = arith.constant 1 : i32
      %get3A_924 = arith.index_cast %get3A_923 : i32 to index
      %get3A_925 = arith.constant 96 : index
      %get3A_926 = tpu.vector_load %arg6[%get3A_924, %get3A_925] {strides = array<i32>} : memref<40x128xi32, #tpu.memory_space<vmem>>, vector<1x16xi32>,
      %get3A_927 = vector.shape_cast %get3A_926 : vector<1x16xi32> to vector<16xi32>
      %add3A_928 = vector.broadcast %mul3A_26 : i32 to vector<16xi32>
      %add3A_929 = arith.addi %get3A_927, %add3A_928 : vector<16xi32>
      %swap3A_930 = arith.constant 1 : i32
      %swap3A_931 = arith.index_cast %swap3A_930 : i32 to index
      %swap3A_932 = arith.constant 96 : index
      %swap3A_933 = tpu.vector_load %arg8[%swap3A_931, %swap3A_932] {strides = array<i32>} : memref<2x128xi32, #tpu.memory_space<vmem>>, vector<1x16xi32>,
      %swap3A_934 = vector.shape_cast %swap3A_933 : vector<1x16xi32> to vector<16xi32>
      %swap3A_935 = vector.shape_cast %add3A_929 : vector<16xi32> to vector<1x16xi32>
      tpu.vector_store %arg8[%swap3A_931, %swap3A_932], %swap3A_935 {strides = array<i32>} : memref<2x128xi32, #tpu.memory_space<vmem>>, vector<1x16xi32>,
      %get3A_936 = arith.constant 1 : i32
      %get3A_937 = arith.index_cast %get3A_936 : i32 to index
      %get3A_938 = arith.constant 112 : index
      %get3A_939 = tpu.vector_load %arg6[%get3A_937, %get3A_938] {strides = array<i32>} : memref<40x128xi32, #tpu.memory_space<vmem>>, vector<1x16xi32>,
      %get3A_940 = vector.shape_cast %get3A_939 : vector<1x16xi32> to vector<16xi32>
      %add3A_941 = vector.broadcast %mul3A_26 : i32 to vector<16xi32>
      %add3A_942 = arith.addi %get3A_940, %add3A_941 : vector<16xi32>
      %swap3A_943 = arith.constant 1 : i32
      %swap3A_944 = arith.index_cast %swap3A_943 : i32 to index
      %swap3A_945 = arith.constant 112 : index
      %swap3A_946 = tpu.vector_load %arg8[%swap3A_944, %swap3A_945] {strides = array<i32>} : memref<2x128xi32, #tpu.memory_space<vmem>>, vector<1x16xi32>,
      %swap3A_947 = vector.shape_cast %swap3A_946 : vector<1x16xi32> to vector<16xi32>
      %swap3A_948 = vector.shape_cast %add3A_942 : vector<16xi32> to vector<1x16xi32>
      tpu.vector_store %arg8[%swap3A_944, %swap3A_945], %swap3A_948 {strides = array<i32>} : memref<2x128xi32, #tpu.memory_space<vmem>>, vector<1x16xi32>,
      %dma_start3A_949 = arith.constant 1 : i32
      %dma_start3A_950 = arith.constant 0 : i32
      %dma_start3A_951 = tpu.memref_slice %arg8[%dma_start3A_949, %dma_start3A_950] : memref<2x128xi32, #tpu.memory_space<vmem>> -> memref<1x128xi32, #tpu.memory_space<vmem>>
      %dma_start3A_952 = tpu.memref_squeeze %dma_start3A_951 : memref<1x128xi32, #tpu.memory_space<vmem>> -> memref<128xi32, #tpu.memory_space<vmem>>
      %dma_start3A_953 = arith.constant 0 : i32
      %dma_start3A_954 = arith.constant 0 : i32
      %dma_start3A_955 = tpu.memref_slice %arg2[%dma_start3A_953, %dma_start3A_954] : memref<60000x128xf32, #tpu.memory_space<hbm>> -> memref<60000x128xf32, #tpu.memory_space<hbm>>
      tpu.enqueue_indirect_dma source(%dma_start3A_955 : memref<60000x128xf32, #tpu.memory_space<hbm>>) target(%arg10 : memref<128x128xf32, #tpu.memory_space<vmem>>) offsets(%dma_start3A_952 : memref<128xi32, #tpu.memory_space<vmem>>) semaphore(%arg14 : memref<!tpu.dma_semaphore, #tpu.memory_space<semaphore_mem>>)
      %scan3A_956 = arith.constant 0 : i32
      %scan3A_957 = arith.constant 0 : i32
      %scan3A_958 = arith.constant 20 : i32
      %scan3A_959 = arith.addi %scan3A_957, %scan3A_958 : i32
      %scan3A_960 = arith.constant 1 : i32
      %scan3A_961 = scf.for %scan3A_969 = %scan3A_957 to %scan3A_959 step %scan3A_960 iter_args(%scan3A_970 = %scan3A_956) -> (i32)  : i32 {
        %mul3A_971 = arith.constant 2 : i32
        %mul3A_972 = arith.muli %mul3A_971, %scan3A_969 : i32
        %add3A_973 = arith.constant 0 : i32
        %add3A_974 = arith.addi %mul3A_972, %add3A_973 : i32
        %dma_wait3A = arith.constant 0 : i32
        %dma_wait3A_975 = arith.constant 0 : i32
        %dma_wait3A_976 = tpu.memref_slice %arg8[%dma_wait3A, %dma_wait3A_975] : memref<2x128xi32, #tpu.memory_space<vmem>> -> memref<1x128xi32, #tpu.memory_space<vmem>>
        %dma_wait3A_977 = tpu.memref_squeeze %dma_wait3A_976 : memref<1x128xi32, #tpu.memory_space<vmem>> -> memref<128xi32, #tpu.memory_space<vmem>>
        %dma_wait3A_978 = arith.constant 0 : i32
        %dma_wait3A_979 = arith.constant 0 : i32
        %dma_wait3A_980 = tpu.memref_slice %arg2[%dma_wait3A_978, %dma_wait3A_979] : memref<60000x128xf32, #tpu.memory_space<hbm>> -> memref<60000x128xf32, #tpu.memory_space<hbm>>
        tpu.wait_indirect_dma semaphore(%arg13 : memref<!tpu.dma_semaphore, #tpu.memory_space<semaphore_mem>>) src(%dma_wait3A_980 : memref<60000x128xf32, #tpu.memory_space<hbm>>) dst(%arg9 : memref<128x128xf32, #tpu.memory_space<vmem>>)
        %dma_start3A_981 = arith.constant 0 : i32
        %dma_start3A_982 = tpu.memref_slice %arg7[%add3A_974, %dma_start3A_981] : memref<40x128xi32, #tpu.memory_space<vmem>> -> memref<1x128xi32, #tpu.memory_space<vmem>>
        %dma_start3A_983 = tpu.memref_squeeze %dma_start3A_982 : memref<1x128xi32, #tpu.memory_space<vmem>> -> memref<128xi32, #tpu.memory_space<vmem>>
        %dma_start3A_984 = arith.constant 0 : i32
        %dma_start3A_985 = arith.constant 0 : i32
        %dma_start3A_986 = tpu.memref_slice %arg12[%dma_start3A_984, %dma_start3A_985] : memref<10240x128xf32, #tpu.memory_space<vmem_shared>> -> memref<10240x128xf32, #tpu.memory_space<vmem_shared>>
        tpu.enqueue_indirect_dma source(%arg9 : memref<128x128xf32, #tpu.memory_space<vmem>>) target(%dma_start3A_986 : memref<10240x128xf32, #tpu.memory_space<vmem_shared>>) offsets(%dma_start3A_983 : memref<128xi32, #tpu.memory_space<vmem>>) semaphore(%arg15 : memref<!tpu.dma_semaphore, #tpu.memory_space<semaphore_mem>>) {add = true}
        %add3A_987 = arith.constant 2 : i32
        %add3A_988 = arith.addi %add3A_974, %add3A_987 : i32
        %lt3A = arith.constant 40 : i32
        %lt3A_989 = arith.cmpi slt, %add3A_988, %lt3A : i32
        %convert_element_type3A = arith.extui %lt3A_989 : i1 to i32
        %cond3A = arith.constant 0 : i32
        %cond3A_990 = arith.cmpi ne, %convert_element_type3A, %cond3A : i32
        scf.if %cond3A_990 {
          %add3A_1042 = arith.constant 2 : i32
          %add3A_1043 = arith.addi %add3A_974, %add3A_1042 : i32
          %get3A_1044 = arith.index_cast %add3A_1043 : i32 to index
          %get3A_1045 = arith.constant 0 : index
          %get3A_1046 = tpu.vector_load %arg6[%get3A_1044, %get3A_1045] {strides = array<i32>} : memref<40x128xi32, #tpu.memory_space<vmem>>, vector<1x16xi32>,
          %get3A_1047 = vector.shape_cast %get3A_1046 : vector<1x16xi32> to vector<16xi32>
          %add3A_1048 = vector.broadcast %mul3A_26 : i32 to vector<16xi32>
          %add3A_1049 = arith.addi %get3A_1047, %add3A_1048 : vector<16xi32>
          %swap3A_1050 = arith.constant 0 : i32
          %swap3A_1051 = arith.index_cast %swap3A_1050 : i32 to index
          %swap3A_1052 = arith.constant 0 : index
          %swap3A_1053 = tpu.vector_load %arg8[%swap3A_1051, %swap3A_1052] {strides = array<i32>} : memref<2x128xi32, #tpu.memory_space<vmem>>, vector<1x16xi32>,
          %swap3A_1054 = vector.shape_cast %swap3A_1053 : vector<1x16xi32> to vector<16xi32>
          %swap3A_1055 = vector.shape_cast %add3A_1049 : vector<16xi32> to vector<1x16xi32>
          tpu.vector_store %arg8[%swap3A_1051, %swap3A_1052], %swap3A_1055 {strides = array<i32>} : memref<2x128xi32, #tpu.memory_space<vmem>>, vector<1x16xi32>,
          %get3A_1056 = arith.index_cast %add3A_1043 : i32 to index
          %get3A_1057 = arith.constant 16 : index
          %get3A_1058 = tpu.vector_load %arg6[%get3A_1056, %get3A_1057] {strides = array<i32>} : memref<40x128xi32, #tpu.memory_space<vmem>>, vector<1x16xi32>,
          %get3A_1059 = vector.shape_cast %get3A_1058 : vector<1x16xi32> to vector<16xi32>
          %add3A_1060 = vector.broadcast %mul3A_26 : i32 to vector<16xi32>
          %add3A_1061 = arith.addi %get3A_1059, %add3A_1060 : vector<16xi32>
          %swap3A_1062 = arith.constant 0 : i32
          %swap3A_1063 = arith.index_cast %swap3A_1062 : i32 to index
          %swap3A_1064 = arith.constant 16 : index
          %swap3A_1065 = tpu.vector_load %arg8[%swap3A_1063, %swap3A_1064] {strides = array<i32>} : memref<2x128xi32, #tpu.memory_space<vmem>>, vector<1x16xi32>,
          %swap3A_1066 = vector.shape_cast %swap3A_1065 : vector<1x16xi32> to vector<16xi32>
          %swap3A_1067 = vector.shape_cast %add3A_1061 : vector<16xi32> to vector<1x16xi32>
          tpu.vector_store %arg8[%swap3A_1063, %swap3A_1064], %swap3A_1067 {strides = array<i32>} : memref<2x128xi32, #tpu.memory_space<vmem>>, vector<1x16xi32>,
          %get3A_1068 = arith.index_cast %add3A_1043 : i32 to index
          %get3A_1069 = arith.constant 32 : index
          %get3A_1070 = tpu.vector_load %arg6[%get3A_1068, %get3A_1069] {strides = array<i32>} : memref<40x128xi32, #tpu.memory_space<vmem>>, vector<1x16xi32>,
          %get3A_1071 = vector.shape_cast %get3A_1070 : vector<1x16xi32> to vector<16xi32>
          %add3A_1072 = vector.broadcast %mul3A_26 : i32 to vector<16xi32>
          %add3A_1073 = arith.addi %get3A_1071, %add3A_1072 : vector<16xi32>
          %swap3A_1074 = arith.constant 0 : i32
          %swap3A_1075 = arith.index_cast %swap3A_1074 : i32 to index
          %swap3A_1076 = arith.constant 32 : index
          %swap3A_1077 = tpu.vector_load %arg8[%swap3A_1075, %swap3A_1076] {strides = array<i32>} : memref<2x128xi32, #tpu.memory_space<vmem>>, vector<1x16xi32>,
          %swap3A_1078 = vector.shape_cast %swap3A_1077 : vector<1x16xi32> to vector<16xi32>
          %swap3A_1079 = vector.shape_cast %add3A_1073 : vector<16xi32> to vector<1x16xi32>
          tpu.vector_store %arg8[%swap3A_1075, %swap3A_1076], %swap3A_1079 {strides = array<i32>} : memref<2x128xi32, #tpu.memory_space<vmem>>, vector<1x16xi32>,
          %get3A_1080 = arith.index_cast %add3A_1043 : i32 to index
          %get3A_1081 = arith.constant 48 : index
          %get3A_1082 = tpu.vector_load %arg6[%get3A_1080, %get3A_1081] {strides = array<i32>} : memref<40x128xi32, #tpu.memory_space<vmem>>, vector<1x16xi32>,
          %get3A_1083 = vector.shape_cast %get3A_1082 : vector<1x16xi32> to vector<16xi32>
          %add3A_1084 = vector.broadcast %mul3A_26 : i32 to vector<16xi32>
          %add3A_1085 = arith.addi %get3A_1083, %add3A_1084 : vector<16xi32>
          %swap3A_1086 = arith.constant 0 : i32
          %swap3A_1087 = arith.index_cast %swap3A_1086 : i32 to index
          %swap3A_1088 = arith.constant 48 : index
          %swap3A_1089 = tpu.vector_load %arg8[%swap3A_1087, %swap3A_1088] {strides = array<i32>} : memref<2x128xi32, #tpu.memory_space<vmem>>, vector<1x16xi32>,
          %swap3A_1090 = vector.shape_cast %swap3A_1089 : vector<1x16xi32> to vector<16xi32>
          %swap3A_1091 = vector.shape_cast %add3A_1085 : vector<16xi32> to vector<1x16xi32>
          tpu.vector_store %arg8[%swap3A_1087, %swap3A_1088], %swap3A_1091 {strides = array<i32>} : memref<2x128xi32, #tpu.memory_space<vmem>>, vector<1x16xi32>,
          %get3A_1092 = arith.index_cast %add3A_1043 : i32 to index
          %get3A_1093 = arith.constant 64 : index
          %get3A_1094 = tpu.vector_load %arg6[%get3A_1092, %get3A_1093] {strides = array<i32>} : memref<40x128xi32, #tpu.memory_space<vmem>>, vector<1x16xi32>,
          %get3A_1095 = vector.shape_cast %get3A_1094 : vector<1x16xi32> to vector<16xi32>
          %add3A_1096 = vector.broadcast %mul3A_26 : i32 to vector<16xi32>
          %add3A_1097 = arith.addi %get3A_1095, %add3A_1096 : vector<16xi32>
          %swap3A_1098 = arith.constant 0 : i32
          %swap3A_1099 = arith.index_cast %swap3A_1098 : i32 to index
          %swap3A_1100 = arith.constant 64 : index
          %swap3A_1101 = tpu.vector_load %arg8[%swap3A_1099, %swap3A_1100] {strides = array<i32>} : memref<2x128xi32, #tpu.memory_space<vmem>>, vector<1x16xi32>,
          %swap3A_1102 = vector.shape_cast %swap3A_1101 : vector<1x16xi32> to vector<16xi32>
          %swap3A_1103 = vector.shape_cast %add3A_1097 : vector<16xi32> to vector<1x16xi32>
          tpu.vector_store %arg8[%swap3A_1099, %swap3A_1100], %swap3A_1103 {strides = array<i32>} : memref<2x128xi32, #tpu.memory_space<vmem>>, vector<1x16xi32>,
          %get3A_1104 = arith.index_cast %add3A_1043 : i32 to index
          %get3A_1105 = arith.constant 80 : index
          %get3A_1106 = tpu.vector_load %arg6[%get3A_1104, %get3A_1105] {strides = array<i32>} : memref<40x128xi32, #tpu.memory_space<vmem>>, vector<1x16xi32>,
          %get3A_1107 = vector.shape_cast %get3A_1106 : vector<1x16xi32> to vector<16xi32>
          %add3A_1108 = vector.broadcast %mul3A_26 : i32 to vector<16xi32>
          %add3A_1109 = arith.addi %get3A_1107, %add3A_1108 : vector<16xi32>
          %swap3A_1110 = arith.constant 0 : i32
          %swap3A_1111 = arith.index_cast %swap3A_1110 : i32 to index
          %swap3A_1112 = arith.constant 80 : index
          %swap3A_1113 = tpu.vector_load %arg8[%swap3A_1111, %swap3A_1112] {strides = array<i32>} : memref<2x128xi32, #tpu.memory_space<vmem>>, vector<1x16xi32>,
          %swap3A_1114 = vector.shape_cast %swap3A_1113 : vector<1x16xi32> to vector<16xi32>
          %swap3A_1115 = vector.shape_cast %add3A_1109 : vector<16xi32> to vector<1x16xi32>
          tpu.vector_store %arg8[%swap3A_1111, %swap3A_1112], %swap3A_1115 {strides = array<i32>} : memref<2x128xi32, #tpu.memory_space<vmem>>, vector<1x16xi32>,
          %get3A_1116 = arith.index_cast %add3A_1043 : i32 to index
          %get3A_1117 = arith.constant 96 : index
          %get3A_1118 = tpu.vector_load %arg6[%get3A_1116, %get3A_1117] {strides = array<i32>} : memref<40x128xi32, #tpu.memory_space<vmem>>, vector<1x16xi32>,
          %get3A_1119 = vector.shape_cast %get3A_1118 : vector<1x16xi32> to vector<16xi32>
          %add3A_1120 = vector.broadcast %mul3A_26 : i32 to vector<16xi32>
          %add3A_1121 = arith.addi %get3A_1119, %add3A_1120 : vector<16xi32>
          %swap3A_1122 = arith.constant 0 : i32
          %swap3A_1123 = arith.index_cast %swap3A_1122 : i32 to index
          %swap3A_1124 = arith.constant 96 : index
          %swap3A_1125 = tpu.vector_load %arg8[%swap3A_1123, %swap3A_1124] {strides = array<i32>} : memref<2x128xi32, #tpu.memory_space<vmem>>, vector<1x16xi32>,
          %swap3A_1126 = vector.shape_cast %swap3A_1125 : vector<1x16xi32> to vector<16xi32>
          %swap3A_1127 = vector.shape_cast %add3A_1121 : vector<16xi32> to vector<1x16xi32>
          tpu.vector_store %arg8[%swap3A_1123, %swap3A_1124], %swap3A_1127 {strides = array<i32>} : memref<2x128xi32, #tpu.memory_space<vmem>>, vector<1x16xi32>,
          %get3A_1128 = arith.index_cast %add3A_1043 : i32 to index
          %get3A_1129 = arith.constant 112 : index
          %get3A_1130 = tpu.vector_load %arg6[%get3A_1128, %get3A_1129] {strides = array<i32>} : memref<40x128xi32, #tpu.memory_space<vmem>>, vector<1x16xi32>,
          %get3A_1131 = vector.shape_cast %get3A_1130 : vector<1x16xi32> to vector<16xi32>
          %add3A_1132 = vector.broadcast %mul3A_26 : i32 to vector<16xi32>
          %add3A_1133 = arith.addi %get3A_1131, %add3A_1132 : vector<16xi32>
          %swap3A_1134 = arith.constant 0 : i32
          %swap3A_1135 = arith.index_cast %swap3A_1134 : i32 to index
          %swap3A_1136 = arith.constant 112 : index
          %swap3A_1137 = tpu.vector_load %arg8[%swap3A_1135, %swap3A_1136] {strides = array<i32>} : memref<2x128xi32, #tpu.memory_space<vmem>>, vector<1x16xi32>,
          %swap3A_1138 = vector.shape_cast %swap3A_1137 : vector<1x16xi32> to vector<16xi32>
          %swap3A_1139 = vector.shape_cast %add3A_1133 : vector<16xi32> to vector<1x16xi32>
          tpu.vector_store %arg8[%swap3A_1135, %swap3A_1136], %swap3A_1139 {strides = array<i32>} : memref<2x128xi32, #tpu.memory_space<vmem>>, vector<1x16xi32>,
        } else {
        }
        %dma_wait3A_991 = arith.constant 0 : i32
        %dma_wait3A_992 = tpu.memref_slice %arg7[%add3A_974, %dma_wait3A_991] : memref<40x128xi32, #tpu.memory_space<vmem>> -> memref<1x128xi32, #tpu.memory_space<vmem>>
        %dma_wait3A_993 = tpu.memref_squeeze %dma_wait3A_992 : memref<1x128xi32, #tpu.memory_space<vmem>> -> memref<128xi32, #tpu.memory_space<vmem>>
        %dma_wait3A_994 = arith.constant 0 : i32
        %dma_wait3A_995 = arith.constant 0 : i32
        %dma_wait3A_996 = tpu.memref_slice %arg12[%dma_wait3A_994, %dma_wait3A_995] : memref<10240x128xf32, #tpu.memory_space<vmem_shared>> -> memref<10240x128xf32, #tpu.memory_space<vmem_shared>>
        tpu.wait_indirect_dma semaphore(%arg15 : memref<!tpu.dma_semaphore, #tpu.memory_space<semaphore_mem>>) src(%arg9 : memref<128x128xf32, #tpu.memory_space<vmem>>) dst(%dma_wait3A_996 : memref<10240x128xf32, #tpu.memory_space<vmem_shared>>)
        %add3A_997 = arith.constant 2 : i32
        %add3A_998 = arith.addi %add3A_974, %add3A_997 : i32
        %lt3A_999 = arith.constant 40 : i32
        %lt3A_1000 = arith.cmpi slt, %add3A_998, %lt3A_999 : i32
        %convert_element_type3A_1001 = arith.extui %lt3A_1000 : i1 to i32
        %cond3A_1002 = arith.constant 0 : i32
        %cond3A_1003 = arith.cmpi ne, %convert_element_type3A_1001, %cond3A_1002 : i32
        scf.if %cond3A_1003 {
          %dma_start3A_1042 = arith.constant 0 : i32
          %dma_start3A_1043 = arith.constant 0 : i32
          %dma_start3A_1044 = tpu.memref_slice %arg8[%dma_start3A_1042, %dma_start3A_1043] : memref<2x128xi32, #tpu.memory_space<vmem>> -> memref<1x128xi32, #tpu.memory_space<vmem>>
          %dma_start3A_1045 = tpu.memref_squeeze %dma_start3A_1044 : memref<1x128xi32, #tpu.memory_space<vmem>> -> memref<128xi32, #tpu.memory_space<vmem>>
          %dma_start3A_1046 = arith.constant 0 : i32
          %dma_start3A_1047 = arith.constant 0 : i32
          %dma_start3A_1048 = tpu.memref_slice %arg2[%dma_start3A_1046, %dma_start3A_1047] : memref<60000x128xf32, #tpu.memory_space<hbm>> -> memref<60000x128xf32, #tpu.memory_space<hbm>>
          tpu.enqueue_indirect_dma source(%dma_start3A_1048 : memref<60000x128xf32, #tpu.memory_space<hbm>>) target(%arg9 : memref<128x128xf32, #tpu.memory_space<vmem>>) offsets(%dma_start3A_1045 : memref<128xi32, #tpu.memory_space<vmem>>) semaphore(%arg13 : memref<!tpu.dma_semaphore, #tpu.memory_space<semaphore_mem>>)
        } else {
        }
        %mul3A_1004 = arith.constant 2 : i32
        %mul3A_1005 = arith.muli %mul3A_1004, %scan3A_969 : i32
        %add3A_1006 = arith.constant 1 : i32
        %add3A_1007 = arith.addi %mul3A_1005, %add3A_1006 : i32
        %dma_wait3A_1008 = arith.constant 1 : i32
        %dma_wait3A_1009 = arith.constant 0 : i32
        %dma_wait3A_1010 = tpu.memref_slice %arg8[%dma_wait3A_1008, %dma_wait3A_1009] : memref<2x128xi32, #tpu.memory_space<vmem>> -> memref<1x128xi32, #tpu.memory_space<vmem>>
        %dma_wait3A_1011 = tpu.memref_squeeze %dma_wait3A_1010 : memref<1x128xi32, #tpu.memory_space<vmem>> -> memref<128xi32, #tpu.memory_space<vmem>>
        %dma_wait3A_1012 = arith.constant 0 : i32
        %dma_wait3A_1013 = arith.constant 0 : i32
        %dma_wait3A_1014 = tpu.memref_slice %arg2[%dma_wait3A_1012, %dma_wait3A_1013] : memref<60000x128xf32, #tpu.memory_space<hbm>> -> memref<60000x128xf32, #tpu.memory_space<hbm>>
        tpu.wait_indirect_dma semaphore(%arg14 : memref<!tpu.dma_semaphore, #tpu.memory_space<semaphore_mem>>) src(%dma_wait3A_1014 : memref<60000x128xf32, #tpu.memory_space<hbm>>) dst(%arg10 : memref<128x128xf32, #tpu.memory_space<vmem>>)
        %dma_start3A_1015 = arith.constant 0 : i32
        %dma_start3A_1016 = tpu.memref_slice %arg7[%add3A_1007, %dma_start3A_1015] : memref<40x128xi32, #tpu.memory_space<vmem>> -> memref<1x128xi32, #tpu.memory_space<vmem>>
        %dma_start3A_1017 = tpu.memref_squeeze %dma_start3A_1016 : memref<1x128xi32, #tpu.memory_space<vmem>> -> memref<128xi32, #tpu.memory_space<vmem>>
        %dma_start3A_1018 = arith.constant 0 : i32
        %dma_start3A_1019 = arith.constant 0 : i32
        %dma_start3A_1020 = tpu.memref_slice %arg12[%dma_start3A_1018, %dma_start3A_1019] : memref<10240x128xf32, #tpu.memory_space<vmem_shared>> -> memref<10240x128xf32, #tpu.memory_space<vmem_shared>>
        tpu.enqueue_indirect_dma source(%arg10 : memref<128x128xf32, #tpu.memory_space<vmem>>) target(%dma_start3A_1020 : memref<10240x128xf32, #tpu.memory_space<vmem_shared>>) offsets(%dma_start3A_1017 : memref<128xi32, #tpu.memory_space<vmem>>) semaphore(%arg16 : memref<!tpu.dma_semaphore, #tpu.memory_space<semaphore_mem>>) {add = true}
        %add3A_1021 = arith.constant 2 : i32
        %add3A_1022 = arith.addi %add3A_1007, %add3A_1021 : i32
        %lt3A_1023 = arith.constant 40 : i32
        %lt3A_1024 = arith.cmpi slt, %add3A_1022, %lt3A_1023 : i32
        %convert_element_type3A_1025 = arith.extui %lt3A_1024 : i1 to i32
        %cond3A_1026 = arith.constant 0 : i32
        %cond3A_1027 = arith.cmpi ne, %convert_element_type3A_1025, %cond3A_1026 : i32
        scf.if %cond3A_1027 {
          %add3A_1042 = arith.constant 2 : i32
          %add3A_1043 = arith.addi %add3A_1007, %add3A_1042 : i32
          %get3A_1044 = arith.index_cast %add3A_1043 : i32 to index
          %get3A_1045 = arith.constant 0 : index
          %get3A_1046 = tpu.vector_load %arg6[%get3A_1044, %get3A_1045] {strides = array<i32>} : memref<40x128xi32, #tpu.memory_space<vmem>>, vector<1x16xi32>,
          %get3A_1047 = vector.shape_cast %get3A_1046 : vector<1x16xi32> to vector<16xi32>
          %add3A_1048 = vector.broadcast %mul3A_26 : i32 to vector<16xi32>
          %add3A_1049 = arith.addi %get3A_1047, %add3A_1048 : vector<16xi32>
          %swap3A_1050 = arith.constant 1 : i32
          %swap3A_1051 = arith.index_cast %swap3A_1050 : i32 to index
          %swap3A_1052 = arith.constant 0 : index
          %swap3A_1053 = tpu.vector_load %arg8[%swap3A_1051, %swap3A_1052] {strides = array<i32>} : memref<2x128xi32, #tpu.memory_space<vmem>>, vector<1x16xi32>,
          %swap3A_1054 = vector.shape_cast %swap3A_1053 : vector<1x16xi32> to vector<16xi32>
          %swap3A_1055 = vector.shape_cast %add3A_1049 : vector<16xi32> to vector<1x16xi32>
          tpu.vector_store %arg8[%swap3A_1051, %swap3A_1052], %swap3A_1055 {strides = array<i32>} : memref<2x128xi32, #tpu.memory_space<vmem>>, vector<1x16xi32>,
          %get3A_1056 = arith.index_cast %add3A_1043 : i32 to index
          %get3A_1057 = arith.constant 16 : index
          %get3A_1058 = tpu.vector_load %arg6[%get3A_1056, %get3A_1057] {strides = array<i32>} : memref<40x128xi32, #tpu.memory_space<vmem>>, vector<1x16xi32>,
          %get3A_1059 = vector.shape_cast %get3A_1058 : vector<1x16xi32> to vector<16xi32>
          %add3A_1060 = vector.broadcast %mul3A_26 : i32 to vector<16xi32>
          %add3A_1061 = arith.addi %get3A_1059, %add3A_1060 : vector<16xi32>
          %swap3A_1062 = arith.constant 1 : i32
          %swap3A_1063 = arith.index_cast %swap3A_1062 : i32 to index
          %swap3A_1064 = arith.constant 16 : index
          %swap3A_1065 = tpu.vector_load %arg8[%swap3A_1063, %swap3A_1064] {strides = array<i32>} : memref<2x128xi32, #tpu.memory_space<vmem>>, vector<1x16xi32>,
          %swap3A_1066 = vector.shape_cast %swap3A_1065 : vector<1x16xi32> to vector<16xi32>
          %swap3A_1067 = vector.shape_cast %add3A_1061 : vector<16xi32> to vector<1x16xi32>
          tpu.vector_store %arg8[%swap3A_1063, %swap3A_1064], %swap3A_1067 {strides = array<i32>} : memref<2x128xi32, #tpu.memory_space<vmem>>, vector<1x16xi32>,
          %get3A_1068 = arith.index_cast %add3A_1043 : i32 to index
          %get3A_1069 = arith.constant 32 : index
          %get3A_1070 = tpu.vector_load %arg6[%get3A_1068, %get3A_1069] {strides = array<i32>} : memref<40x128xi32, #tpu.memory_space<vmem>>, vector<1x16xi32>,
          %get3A_1071 = vector.shape_cast %get3A_1070 : vector<1x16xi32> to vector<16xi32>
          %add3A_1072 = vector.broadcast %mul3A_26 : i32 to vector<16xi32>
          %add3A_1073 = arith.addi %get3A_1071, %add3A_1072 : vector<16xi32>
          %swap3A_1074 = arith.constant 1 : i32
          %swap3A_1075 = arith.index_cast %swap3A_1074 : i32 to index
          %swap3A_1076 = arith.constant 32 : index
          %swap3A_1077 = tpu.vector_load %arg8[%swap3A_1075, %swap3A_1076] {strides = array<i32>} : memref<2x128xi32, #tpu.memory_space<vmem>>, vector<1x16xi32>,
          %swap3A_1078 = vector.shape_cast %swap3A_1077 : vector<1x16xi32> to vector<16xi32>
          %swap3A_1079 = vector.shape_cast %add3A_1073 : vector<16xi32> to vector<1x16xi32>
          tpu.vector_store %arg8[%swap3A_1075, %swap3A_1076], %swap3A_1079 {strides = array<i32>} : memref<2x128xi32, #tpu.memory_space<vmem>>, vector<1x16xi32>,
          %get3A_1080 = arith.index_cast %add3A_1043 : i32 to index
          %get3A_1081 = arith.constant 48 : index
          %get3A_1082 = tpu.vector_load %arg6[%get3A_1080, %get3A_1081] {strides = array<i32>} : memref<40x128xi32, #tpu.memory_space<vmem>>, vector<1x16xi32>,
          %get3A_1083 = vector.shape_cast %get3A_1082 : vector<1x16xi32> to vector<16xi32>
          %add3A_1084 = vector.broadcast %mul3A_26 : i32 to vector<16xi32>
          %add3A_1085 = arith.addi %get3A_1083, %add3A_1084 : vector<16xi32>
          %swap3A_1086 = arith.constant 1 : i32
          %swap3A_1087 = arith.index_cast %swap3A_1086 : i32 to index
          %swap3A_1088 = arith.constant 48 : index
          %swap3A_1089 = tpu.vector_load %arg8[%swap3A_1087, %swap3A_1088] {strides = array<i32>} : memref<2x128xi32, #tpu.memory_space<vmem>>, vector<1x16xi32>,
          %swap3A_1090 = vector.shape_cast %swap3A_1089 : vector<1x16xi32> to vector<16xi32>
          %swap3A_1091 = vector.shape_cast %add3A_1085 : vector<16xi32> to vector<1x16xi32>
          tpu.vector_store %arg8[%swap3A_1087, %swap3A_1088], %swap3A_1091 {strides = array<i32>} : memref<2x128xi32, #tpu.memory_space<vmem>>, vector<1x16xi32>,
          %get3A_1092 = arith.index_cast %add3A_1043 : i32 to index
          %get3A_1093 = arith.constant 64 : index
          %get3A_1094 = tpu.vector_load %arg6[%get3A_1092, %get3A_1093] {strides = array<i32>} : memref<40x128xi32, #tpu.memory_space<vmem>>, vector<1x16xi32>,
          %get3A_1095 = vector.shape_cast %get3A_1094 : vector<1x16xi32> to vector<16xi32>
          %add3A_1096 = vector.broadcast %mul3A_26 : i32 to vector<16xi32>
          %add3A_1097 = arith.addi %get3A_1095, %add3A_1096 : vector<16xi32>
          %swap3A_1098 = arith.constant 1 : i32
          %swap3A_1099 = arith.index_cast %swap3A_1098 : i32 to index
          %swap3A_1100 = arith.constant 64 : index
          %swap3A_1101 = tpu.vector_load %arg8[%swap3A_1099, %swap3A_1100] {strides = array<i32>} : memref<2x128xi32, #tpu.memory_space<vmem>>, vector<1x16xi32>,
          %swap3A_1102 = vector.shape_cast %swap3A_1101 : vector<1x16xi32> to vector<16xi32>
          %swap3A_1103 = vector.shape_cast %add3A_1097 : vector<16xi32> to vector<1x16xi32>
          tpu.vector_store %arg8[%swap3A_1099, %swap3A_1100], %swap3A_1103 {strides = array<i32>} : memref<2x128xi32, #tpu.memory_space<vmem>>, vector<1x16xi32>,
          %get3A_1104 = arith.index_cast %add3A_1043 : i32 to index
          %get3A_1105 = arith.constant 80 : index
          %get3A_1106 = tpu.vector_load %arg6[%get3A_1104, %get3A_1105] {strides = array<i32>} : memref<40x128xi32, #tpu.memory_space<vmem>>, vector<1x16xi32>,
          %get3A_1107 = vector.shape_cast %get3A_1106 : vector<1x16xi32> to vector<16xi32>
          %add3A_1108 = vector.broadcast %mul3A_26 : i32 to vector<16xi32>
          %add3A_1109 = arith.addi %get3A_1107, %add3A_1108 : vector<16xi32>
          %swap3A_1110 = arith.constant 1 : i32
          %swap3A_1111 = arith.index_cast %swap3A_1110 : i32 to index
          %swap3A_1112 = arith.constant 80 : index
          %swap3A_1113 = tpu.vector_load %arg8[%swap3A_1111, %swap3A_1112] {strides = array<i32>} : memref<2x128xi32, #tpu.memory_space<vmem>>, vector<1x16xi32>,
          %swap3A_1114 = vector.shape_cast %swap3A_1113 : vector<1x16xi32> to vector<16xi32>
          %swap3A_1115 = vector.shape_cast %add3A_1109 : vector<16xi32> to vector<1x16xi32>
          tpu.vector_store %arg8[%swap3A_1111, %swap3A_1112], %swap3A_1115 {strides = array<i32>} : memref<2x128xi32, #tpu.memory_space<vmem>>, vector<1x16xi32>,
          %get3A_1116 = arith.index_cast %add3A_1043 : i32 to index
          %get3A_1117 = arith.constant 96 : index
          %get3A_1118 = tpu.vector_load %arg6[%get3A_1116, %get3A_1117] {strides = array<i32>} : memref<40x128xi32, #tpu.memory_space<vmem>>, vector<1x16xi32>,
          %get3A_1119 = vector.shape_cast %get3A_1118 : vector<1x16xi32> to vector<16xi32>
          %add3A_1120 = vector.broadcast %mul3A_26 : i32 to vector<16xi32>
          %add3A_1121 = arith.addi %get3A_1119, %add3A_1120 : vector<16xi32>
          %swap3A_1122 = arith.constant 1 : i32
          %swap3A_1123 = arith.index_cast %swap3A_1122 : i32 to index
          %swap3A_1124 = arith.constant 96 : index
          %swap3A_1125 = tpu.vector_load %arg8[%swap3A_1123, %swap3A_1124] {strides = array<i32>} : memref<2x128xi32, #tpu.memory_space<vmem>>, vector<1x16xi32>,
          %swap3A_1126 = vector.shape_cast %swap3A_1125 : vector<1x16xi32> to vector<16xi32>
          %swap3A_1127 = vector.shape_cast %add3A_1121 : vector<16xi32> to vector<1x16xi32>
          tpu.vector_store %arg8[%swap3A_1123, %swap3A_1124], %swap3A_1127 {strides = array<i32>} : memref<2x128xi32, #tpu.memory_space<vmem>>, vector<1x16xi32>,
          %get3A_1128 = arith.index_cast %add3A_1043 : i32 to index
          %get3A_1129 = arith.constant 112 : index
          %get3A_1130 = tpu.vector_load %arg6[%get3A_1128, %get3A_1129] {strides = array<i32>} : memref<40x128xi32, #tpu.memory_space<vmem>>, vector<1x16xi32>,
          %get3A_1131 = vector.shape_cast %get3A_1130 : vector<1x16xi32> to vector<16xi32>
          %add3A_1132 = vector.broadcast %mul3A_26 : i32 to vector<16xi32>
          %add3A_1133 = arith.addi %get3A_1131, %add3A_1132 : vector<16xi32>
          %swap3A_1134 = arith.constant 1 : i32
          %swap3A_1135 = arith.index_cast %swap3A_1134 : i32 to index
          %swap3A_1136 = arith.constant 112 : index
          %swap3A_1137 = tpu.vector_load %arg8[%swap3A_1135, %swap3A_1136] {strides = array<i32>} : memref<2x128xi32, #tpu.memory_space<vmem>>, vector<1x16xi32>,
          %swap3A_1138 = vector.shape_cast %swap3A_1137 : vector<1x16xi32> to vector<16xi32>
          %swap3A_1139 = vector.shape_cast %add3A_1133 : vector<16xi32> to vector<1x16xi32>
          tpu.vector_store %arg8[%swap3A_1135, %swap3A_1136], %swap3A_1139 {strides = array<i32>} : memref<2x128xi32, #tpu.memory_space<vmem>>, vector<1x16xi32>,
        } else {
        }
        %dma_wait3A_1028 = arith.constant 0 : i32
        %dma_wait3A_1029 = tpu.memref_slice %arg7[%add3A_1007, %dma_wait3A_1028] : memref<40x128xi32, #tpu.memory_space<vmem>> -> memref<1x128xi32, #tpu.memory_space<vmem>>
        %dma_wait3A_1030 = tpu.memref_squeeze %dma_wait3A_1029 : memref<1x128xi32, #tpu.memory_space<vmem>> -> memref<128xi32, #tpu.memory_space<vmem>>
        %dma_wait3A_1031 = arith.constant 0 : i32
        %dma_wait3A_1032 = arith.constant 0 : i32
        %dma_wait3A_1033 = tpu.memref_slice %arg12[%dma_wait3A_1031, %dma_wait3A_1032] : memref<10240x128xf32, #tpu.memory_space<vmem_shared>> -> memref<10240x128xf32, #tpu.memory_space<vmem_shared>>
        tpu.wait_indirect_dma semaphore(%arg16 : memref<!tpu.dma_semaphore, #tpu.memory_space<semaphore_mem>>) src(%arg10 : memref<128x128xf32, #tpu.memory_space<vmem>>) dst(%dma_wait3A_1033 : memref<10240x128xf32, #tpu.memory_space<vmem_shared>>)
        %add3A_1034 = arith.constant 2 : i32
        %add3A_1035 = arith.addi %add3A_1007, %add3A_1034 : i32
        %lt3A_1036 = arith.constant 40 : i32
        %lt3A_1037 = arith.cmpi slt, %add3A_1035, %lt3A_1036 : i32
        %convert_element_type3A_1038 = arith.extui %lt3A_1037 : i1 to i32
        %cond3A_1039 = arith.constant 0 : i32
        %cond3A_1040 = arith.cmpi ne, %convert_element_type3A_1038, %cond3A_1039 : i32
        scf.if %cond3A_1040 {
          %dma_start3A_1042 = arith.constant 1 : i32
          %dma_start3A_1043 = arith.constant 0 : i32
          %dma_start3A_1044 = tpu.memref_slice %arg8[%dma_start3A_1042, %dma_start3A_1043] : memref<2x128xi32, #tpu.memory_space<vmem>> -> memref<1x128xi32, #tpu.memory_space<vmem>>
          %dma_start3A_1045 = tpu.memref_squeeze %dma_start3A_1044 : memref<1x128xi32, #tpu.memory_space<vmem>> -> memref<128xi32, #tpu.memory_space<vmem>>
          %dma_start3A_1046 = arith.constant 0 : i32
          %dma_start3A_1047 = arith.constant 0 : i32
          %dma_start3A_1048 = tpu.memref_slice %arg2[%dma_start3A_1046, %dma_start3A_1047] : memref<60000x128xf32, #tpu.memory_space<hbm>> -> memref<60000x128xf32, #tpu.memory_space<hbm>>
          tpu.enqueue_indirect_dma source(%dma_start3A_1048 : memref<60000x128xf32, #tpu.memory_space<hbm>>) target(%arg10 : memref<128x128xf32, #tpu.memory_space<vmem>>) offsets(%dma_start3A_1045 : memref<128xi32, #tpu.memory_space<vmem>>) semaphore(%arg14 : memref<!tpu.dma_semaphore, #tpu.memory_space<semaphore_mem>>)
        } else {
        }
        %scan3A_1041 = arith.constant 0 : i32
        scf.yield %scan3A_1041 : i32
      }
      %scan3A_962 = arith.constant 20 : i32
      %barrier3A_963 = arith.constant 0 : index
      tpu.barrier barrier_id(%barrier3A_963)
      %mul3A_964 = arith.constant 640 : i32
      %mul3A_965 = arith.muli %arg1, %mul3A_964 : i32
      %mul3A_966 = arith.constant 640 : i32
      %mul3A_967 = arith.muli %arg1, %mul3A_966 : i32
      "tpu.region"() ({
        %run_scoped3A = tpu.sem_alloc : memref<!tpu.dma_semaphore, #tpu.memory_space<semaphore_mem>>
        %dma_start3A_969 = arith.constant 0 : i32
        %dma_start3A_970 = tpu.memref_slice %arg5[%add3A, %mul3A_967, %dma_start3A_969] : memref<6x10240x128xf32, #tpu.memory_space<hbm>> -> memref<1x640x128xf32, #tpu.memory_space<hbm>>
        %dma_start3A_971 = tpu.memref_squeeze %dma_start3A_970 : memref<1x640x128xf32, #tpu.memory_space<hbm>> -> memref<640x128xf32, #tpu.memory_space<hbm>>
        %dma_start3A_972 = arith.constant 0 : i32
        %dma_start3A_973 = tpu.memref_slice %arg12[%mul3A_965, %dma_start3A_972] : memref<10240x128xf32, #tpu.memory_space<vmem_shared>> -> memref<640x128xf32, #tpu.memory_space<vmem_shared>>
        tpu.enqueue_dma source(%dma_start3A_973 : memref<640x128xf32, #tpu.memory_space<vmem_shared>>) target(%dma_start3A_971 : memref<640x128xf32, #tpu.memory_space<hbm>>) target_semaphore(%run_scoped3A : memref<!tpu.dma_semaphore, #tpu.memory_space<semaphore_mem>>)
        %dma_wait3A = arith.constant 0 : i32
        %dma_wait3A_974 = tpu.memref_slice %arg5[%add3A, %mul3A_967, %dma_wait3A] : memref<6x10240x128xf32, #tpu.memory_space<hbm>> -> memref<1x640x128xf32, #tpu.memory_space<hbm>>
        %dma_wait3A_975 = tpu.memref_squeeze %dma_wait3A_974 : memref<1x640x128xf32, #tpu.memory_space<hbm>> -> memref<640x128xf32, #tpu.memory_space<hbm>>
        %dma_wait3A_976 = arith.constant 0 : i32
        %dma_wait3A_977 = tpu.memref_slice %arg12[%mul3A_965, %dma_wait3A_976] : memref<10240x128xf32, #tpu.memory_space<vmem_shared>> -> memref<640x128xf32, #tpu.memory_space<vmem_shared>>
        tpu.wait_dma2 semaphore(%run_scoped3A : memref<!tpu.dma_semaphore, #tpu.memory_space<semaphore_mem>>) src(%dma_wait3A_977 : memref<640x128xf32, #tpu.memory_space<vmem_shared>>) dst(%dma_wait3A_975 : memref<640x128xf32, #tpu.memory_space<hbm>>)
        tpu.yield
      }) : () -> ()
      %while3A_968 = arith.constant 0 : i32
      scf.yield %while3A_968 : i32
    }
    %while3A_22 = arith.constant 1 : i32
    %while3A_23 = scf.for %while3A_24 = %while3A_19 to %while3A_15 step %while3A_22 iter_args(%while3A_25 = %while3A_21) -> (i32)  : i32 {
      %add3A = arith.addi %select_n3A_12, %while3A_24 : i32
      %mul3A = arith.constant 10000 : i32
      %mul3A_26 = arith.muli %add3A, %mul3A : i32
      %scan3A_27 = arith.constant 0 : i32
      %scan3A_28 = arith.constant 0 : i32
      %scan3A_29 = arith.constant 20 : i32
      %scan3A_30 = arith.addi %scan3A_28, %scan3A_29 : i32
      %scan3A_31 = arith.constant 1 : i32
      %scan3A_32 = scf.for %scan3A_969 = %scan3A_28 to %scan3A_30 step %scan3A_31 iter_args(%scan3A_970 = %scan3A_27) -> (i32)  : i32 {
        %mul3A_971 = arith.constant 640 : i32
        %mul3A_972 = arith.muli %arg1, %mul3A_971 : i32
        %mul3A_973 = arith.constant 32 : i32
        %mul3A_974 = arith.muli %scan3A_969, %mul3A_973 : i32
        %add3A_975 = arith.addi %mul3A_972, %mul3A_974 : i32
        "tpu.region"() ({
          %run_scoped3A = tpu.sem_alloc : memref<!tpu.dma_semaphore, #tpu.memory_space<semaphore_mem>>
          %dma_start3A_977 = arith.constant 0 : i32
          %dma_start3A_978 = tpu.memref_slice %arg12[%add3A_975, %dma_start3A_977] : memref<10240x128xf32, #tpu.memory_space<vmem_shared>> -> memref<32x128xf32, #tpu.memory_space<vmem_shared>>
          %dma_start3A_979 = arith.constant 0 : i32
          %dma_start3A_980 = tpu.memref_slice %arg12[%add3A_975, %dma_start3A_979] : memref<10240x128xf32, #tpu.memory_space<vmem_shared>> -> memref<32x128xf32, #tpu.memory_space<vmem_shared>>
          tpu.enqueue_dma source(%arg11 : memref<32x128xf32, #tpu.memory_space<vmem>>) target(%dma_start3A_980 : memref<32x128xf32, #tpu.memory_space<vmem_shared>>) target_semaphore(%run_scoped3A : memref<!tpu.dma_semaphore, #tpu.memory_space<semaphore_mem>>)
          %dma_wait3A = arith.constant 0 : i32
          %dma_wait3A_981 = tpu.memref_slice %arg12[%add3A_975, %dma_wait3A] : memref<10240x128xf32, #tpu.memory_space<vmem_shared>> -> memref<32x128xf32, #tpu.memory_space<vmem_shared>>
          %dma_wait3A_982 = arith.constant 0 : i32
          %dma_wait3A_983 = tpu.memref_slice %arg12[%add3A_975, %dma_wait3A_982] : memref<10240x128xf32, #tpu.memory_space<vmem_shared>> -> memref<32x128xf32, #tpu.memory_space<vmem_shared>>
          tpu.wait_dma2 semaphore(%run_scoped3A : memref<!tpu.dma_semaphore, #tpu.memory_space<semaphore_mem>>) src(%arg11 : memref<32x128xf32, #tpu.memory_space<vmem>>) dst(%dma_wait3A_983 : memref<32x128xf32, #tpu.memory_space<vmem_shared>>)
          tpu.yield
        }) : () -> ()
        %scan3A_976 = arith.constant 0 : i32
        scf.yield %scan3A_976 : i32
      }
      %scan3A_33 = arith.constant 20 : i32
      %barrier3A = arith.constant 0 : index
      tpu.barrier barrier_id(%barrier3A)
      %mul3A_34 = arith.constant 160 : i32
      %mul3A_35 = arith.muli %arg1, %mul3A_34 : i32
      %add3A_36 = arith.constant 0 : i32
      %add3A_37 = arith.addi %mul3A_35, %add3A_36 : i32
      "tpu.region"() ({
        %run_scoped3A = tpu.sem_alloc : memref<!tpu.dma_semaphore, #tpu.memory_space<semaphore_mem>>
        %dma_start3A_969 = arith.constant 0 : i32
        %dma_start3A_970 = tpu.memref_slice %arg3[%add3A_37, %dma_start3A_969] : memref<2560x128xi32, #tpu.memory_space<hbm>> -> memref<40x128xi32, #tpu.memory_space<hbm>>
        %dma_start3A_971 = arith.constant 0 : i32
        %dma_start3A_972 = tpu.memref_slice %arg3[%add3A_37, %dma_start3A_971] : memref<2560x128xi32, #tpu.memory_space<hbm>> -> memref<40x128xi32, #tpu.memory_space<hbm>>
        tpu.enqueue_dma source(%dma_start3A_972 : memref<40x128xi32, #tpu.memory_space<hbm>>) target(%arg6 : memref<40x128xi32, #tpu.memory_space<vmem>>) target_semaphore(%run_scoped3A : memref<!tpu.dma_semaphore, #tpu.memory_space<semaphore_mem>>)
        %dma_wait3A = arith.constant 0 : i32
        %dma_wait3A_973 = tpu.memref_slice %arg3[%add3A_37, %dma_wait3A] : memref<2560x128xi32, #tpu.memory_space<hbm>> -> memref<40x128xi32, #tpu.memory_space<hbm>>
        %dma_wait3A_974 = arith.constant 0 : i32
        %dma_wait3A_975 = tpu.memref_slice %arg3[%add3A_37, %dma_wait3A_974] : memref<2560x128xi32, #tpu.memory_space<hbm>> -> memref<40x128xi32, #tpu.memory_space<hbm>>
        tpu.wait_dma2 semaphore(%run_scoped3A : memref<!tpu.dma_semaphore, #tpu.memory_space<semaphore_mem>>) src(%dma_wait3A_975 : memref<40x128xi32, #tpu.memory_space<hbm>>) dst(%arg6 : memref<40x128xi32, #tpu.memory_space<vmem>>)
        tpu.yield
      }) : () -> ()
      "tpu.region"() ({
        %run_scoped3A = tpu.sem_alloc : memref<!tpu.dma_semaphore, #tpu.memory_space<semaphore_mem>>
        %dma_start3A_969 = arith.constant 0 : i32
        %dma_start3A_970 = tpu.memref_slice %arg4[%add3A_37, %dma_start3A_969] : memref<2560x128xi32, #tpu.memory_space<hbm>> -> memref<40x128xi32, #tpu.memory_space<hbm>>
        %dma_start3A_971 = arith.constant 0 : i32
        %dma_start3A_972 = tpu.memref_slice %arg4[%add3A_37, %dma_start3A_971] : memref<2560x128xi32, #tpu.memory_space<hbm>> -> memref<40x128xi32, #tpu.memory_space<hbm>>
        tpu.enqueue_dma source(%dma_start3A_972 : memref<40x128xi32, #tpu.memory_space<hbm>>) target(%arg7 : memref<40x128xi32, #tpu.memory_space<vmem>>) target_semaphore(%run_scoped3A : memref<!tpu.dma_semaphore, #tpu.memory_space<semaphore_mem>>)
        %dma_wait3A = arith.constant 0 : i32
        %dma_wait3A_973 = tpu.memref_slice %arg4[%add3A_37, %dma_wait3A] : memref<2560x128xi32, #tpu.memory_space<hbm>> -> memref<40x128xi32, #tpu.memory_space<hbm>>
        %dma_wait3A_974 = arith.constant 0 : i32
        %dma_wait3A_975 = tpu.memref_slice %arg4[%add3A_37, %dma_wait3A_974] : memref<2560x128xi32, #tpu.memory_space<hbm>> -> memref<40x128xi32, #tpu.memory_space<hbm>>
        tpu.wait_dma2 semaphore(%run_scoped3A : memref<!tpu.dma_semaphore, #tpu.memory_space<semaphore_mem>>) src(%dma_wait3A_975 : memref<40x128xi32, #tpu.memory_space<hbm>>) dst(%arg7 : memref<40x128xi32, #tpu.memory_space<vmem>>)
        tpu.yield
      }) : () -> ()
      %get3A = arith.constant 0 : i32
      %get3A_38 = arith.index_cast %get3A : i32 to index
      %get3A_39 = arith.constant 0 : index
      %get3A_40 = tpu.vector_load %arg6[%get3A_38, %get3A_39] {strides = array<i32>} : memref<40x128xi32, #tpu.memory_space<vmem>>, vector<1x16xi32>,
      %get3A_41 = vector.shape_cast %get3A_40 : vector<1x16xi32> to vector<16xi32>
      %add3A_42 = vector.broadcast %mul3A_26 : i32 to vector<16xi32>
      %add3A_43 = arith.addi %get3A_41, %add3A_42 : vector<16xi32>
      %swap3A = arith.constant 0 : i32
      %swap3A_44 = arith.index_cast %swap3A : i32 to index
      %swap3A_45 = arith.constant 0 : index
      %swap3A_46 = tpu.vector_load %arg8[%swap3A_44, %swap3A_45] {strides = array<i32>} : memref<2x128xi32, #tpu.memory_space<vmem>>, vector<1x16xi32>,
      %swap3A_47 = vector.shape_cast %swap3A_46 : vector<1x16xi32> to vector<16xi32>
      %swap3A_48 = vector.shape_cast %add3A_43 : vector<16xi32> to vector<1x16xi32>
      tpu.vector_store %arg8[%swap3A_44, %swap3A_45], %swap3A_48 {strides = array<i32>} : memref<2x128xi32, #tpu.memory_space<vmem>>, vector<1x16xi32>,
      %get3A_49 = arith.constant 0 : i32
      %get3A_50 = arith.index_cast %get3A_49 : i32 to index
      %get3A_51 = arith.constant 16 : index
      %get3A_52 = tpu.vector_load %arg6[%get3A_50, %get3A_51] {strides = array<i32>} : memref<40x128xi32, #tpu.memory_space<vmem>>, vector<1x16xi32>,
      %get3A_53 = vector.shape_cast %get3A_52 : vector<1x16xi32> to vector<16xi32>
      %add3A_54 = vector.broadcast %mul3A_26 : i32 to vector<16xi32>
      %add3A_55 = arith.addi %get3A_53, %add3A_54 : vector<16xi32>
      %swap3A_56 = arith.constant 0 : i32
      %swap3A_57 = arith.index_cast %swap3A_56 : i32 to index
      %swap3A_58 = arith.constant 16 : index
      %swap3A_59 = tpu.vector_load %arg8[%swap3A_57, %swap3A_58] {strides = array<i32>} : memref<2x128xi32, #tpu.memory_space<vmem>>, vector<1x16xi32>,
      %swap3A_60 = vector.shape_cast %swap3A_59 : vector<1x16xi32> to vector<16xi32>
      %swap3A_61 = vector.shape_cast %add3A_55 : vector<16xi32> to vector<1x16xi32>
      tpu.vector_store %arg8[%swap3A_57, %swap3A_58], %swap3A_61 {strides = array<i32>} : memref<2x128xi32, #tpu.memory_space<vmem>>, vector<1x16xi32>,
      %get3A_62 = arith.constant 0 : i32
      %get3A_63 = arith.index_cast %get3A_62 : i32 to index
      %get3A_64 = arith.constant 32 : index
      %get3A_65 = tpu.vector_load %arg6[%get3A_63, %get3A_64] {strides = array<i32>} : memref<40x128xi32, #tpu.memory_space<vmem>>, vector<1x16xi32>,
      %get3A_66 = vector.shape_cast %get3A_65 : vector<1x16xi32> to vector<16xi32>
      %add3A_67 = vector.broadcast %mul3A_26 : i32 to vector<16xi32>
      %add3A_68 = arith.addi %get3A_66, %add3A_67 : vector<16xi32>
      %swap3A_69 = arith.constant 0 : i32
      %swap3A_70 = arith.index_cast %swap3A_69 : i32 to index
      %swap3A_71 = arith.constant 32 : index
      %swap3A_72 = tpu.vector_load %arg8[%swap3A_70, %swap3A_71] {strides = array<i32>} : memref<2x128xi32, #tpu.memory_space<vmem>>, vector<1x16xi32>,
      %swap3A_73 = vector.shape_cast %swap3A_72 : vector<1x16xi32> to vector<16xi32>
      %swap3A_74 = vector.shape_cast %add3A_68 : vector<16xi32> to vector<1x16xi32>
      tpu.vector_store %arg8[%swap3A_70, %swap3A_71], %swap3A_74 {strides = array<i32>} : memref<2x128xi32, #tpu.memory_space<vmem>>, vector<1x16xi32>,
      %get3A_75 = arith.constant 0 : i32
      %get3A_76 = arith.index_cast %get3A_75 : i32 to index
      %get3A_77 = arith.constant 48 : index
      %get3A_78 = tpu.vector_load %arg6[%get3A_76, %get3A_77] {strides = array<i32>} : memref<40x128xi32, #tpu.memory_space<vmem>>, vector<1x16xi32>,
      %get3A_79 = vector.shape_cast %get3A_78 : vector<1x16xi32> to vector<16xi32>
      %add3A_80 = vector.broadcast %mul3A_26 : i32 to vector<16xi32>
      %add3A_81 = arith.addi %get3A_79, %add3A_80 : vector<16xi32>
      %swap3A_82 = arith.constant 0 : i32
      %swap3A_83 = arith.index_cast %swap3A_82 : i32 to index
      %swap3A_84 = arith.constant 48 : index
      %swap3A_85 = tpu.vector_load %arg8[%swap3A_83, %swap3A_84] {strides = array<i32>} : memref<2x128xi32, #tpu.memory_space<vmem>>, vector<1x16xi32>,
      %swap3A_86 = vector.shape_cast %swap3A_85 : vector<1x16xi32> to vector<16xi32>
      %swap3A_87 = vector.shape_cast %add3A_81 : vector<16xi32> to vector<1x16xi32>
      tpu.vector_store %arg8[%swap3A_83, %swap3A_84], %swap3A_87 {strides = array<i32>} : memref<2x128xi32, #tpu.memory_space<vmem>>, vector<1x16xi32>,
      %get3A_88 = arith.constant 0 : i32
      %get3A_89 = arith.index_cast %get3A_88 : i32 to index
      %get3A_90 = arith.constant 64 : index
      %get3A_91 = tpu.vector_load %arg6[%get3A_89, %get3A_90] {strides = array<i32>} : memref<40x128xi32, #tpu.memory_space<vmem>>, vector<1x16xi32>,
      %get3A_92 = vector.shape_cast %get3A_91 : vector<1x16xi32> to vector<16xi32>
      %add3A_93 = vector.broadcast %mul3A_26 : i32 to vector<16xi32>
      %add3A_94 = arith.addi %get3A_92, %add3A_93 : vector<16xi32>
      %swap3A_95 = arith.constant 0 : i32
      %swap3A_96 = arith.index_cast %swap3A_95 : i32 to index
      %swap3A_97 = arith.constant 64 : index
      %swap3A_98 = tpu.vector_load %arg8[%swap3A_96, %swap3A_97] {strides = array<i32>} : memref<2x128xi32, #tpu.memory_space<vmem>>, vector<1x16xi32>,
      %swap3A_99 = vector.shape_cast %swap3A_98 : vector<1x16xi32> to vector<16xi32>
      %swap3A_100 = vector.shape_cast %add3A_94 : vector<16xi32> to vector<1x16xi32>
      tpu.vector_store %arg8[%swap3A_96, %swap3A_97], %swap3A_100 {strides = array<i32>} : memref<2x128xi32, #tpu.memory_space<vmem>>, vector<1x16xi32>,
      %get3A_101 = arith.constant 0 : i32
      %get3A_102 = arith.index_cast %get3A_101 : i32 to index
      %get3A_103 = arith.constant 80 : index
      %get3A_104 = tpu.vector_load %arg6[%get3A_102, %get3A_103] {strides = array<i32>} : memref<40x128xi32, #tpu.memory_space<vmem>>, vector<1x16xi32>,
      %get3A_105 = vector.shape_cast %get3A_104 : vector<1x16xi32> to vector<16xi32>
      %add3A_106 = vector.broadcast %mul3A_26 : i32 to vector<16xi32>
      %add3A_107 = arith.addi %get3A_105, %add3A_106 : vector<16xi32>
      %swap3A_108 = arith.constant 0 : i32
      %swap3A_109 = arith.index_cast %swap3A_108 : i32 to index
      %swap3A_110 = arith.constant 80 : index
      %swap3A_111 = tpu.vector_load %arg8[%swap3A_109, %swap3A_110] {strides = array<i32>} : memref<2x128xi32, #tpu.memory_space<vmem>>, vector<1x16xi32>,
      %swap3A_112 = vector.shape_cast %swap3A_111 : vector<1x16xi32> to vector<16xi32>
      %swap3A_113 = vector.shape_cast %add3A_107 : vector<16xi32> to vector<1x16xi32>
      tpu.vector_store %arg8[%swap3A_109, %swap3A_110], %swap3A_113 {strides = array<i32>} : memref<2x128xi32, #tpu.memory_space<vmem>>, vector<1x16xi32>,
      %get3A_114 = arith.constant 0 : i32
      %get3A_115 = arith.index_cast %get3A_114 : i32 to index
      %get3A_116 = arith.constant 96 : index
      %get3A_117 = tpu.vector_load %arg6[%get3A_115, %get3A_116] {strides = array<i32>} : memref<40x128xi32, #tpu.memory_space<vmem>>, vector<1x16xi32>,
      %get3A_118 = vector.shape_cast %get3A_117 : vector<1x16xi32> to vector<16xi32>
      %add3A_119 = vector.broadcast %mul3A_26 : i32 to vector<16xi32>
      %add3A_120 = arith.addi %get3A_118, %add3A_119 : vector<16xi32>
      %swap3A_121 = arith.constant 0 : i32
      %swap3A_122 = arith.index_cast %swap3A_121 : i32 to index
      %swap3A_123 = arith.constant 96 : index
      %swap3A_124 = tpu.vector_load %arg8[%swap3A_122, %swap3A_123] {strides = array<i32>} : memref<2x128xi32, #tpu.memory_space<vmem>>, vector<1x16xi32>,
      %swap3A_125 = vector.shape_cast %swap3A_124 : vector<1x16xi32> to vector<16xi32>
      %swap3A_126 = vector.shape_cast %add3A_120 : vector<16xi32> to vector<1x16xi32>
      tpu.vector_store %arg8[%swap3A_122, %swap3A_123], %swap3A_126 {strides = array<i32>} : memref<2x128xi32, #tpu.memory_space<vmem>>, vector<1x16xi32>,
      %get3A_127 = arith.constant 0 : i32
      %get3A_128 = arith.index_cast %get3A_127 : i32 to index
      %get3A_129 = arith.constant 112 : index
      %get3A_130 = tpu.vector_load %arg6[%get3A_128, %get3A_129] {strides = array<i32>} : memref<40x128xi32, #tpu.memory_space<vmem>>, vector<1x16xi32>,
      %get3A_131 = vector.shape_cast %get3A_130 : vector<1x16xi32> to vector<16xi32>
      %add3A_132 = vector.broadcast %mul3A_26 : i32 to vector<16xi32>
      %add3A_133 = arith.addi %get3A_131, %add3A_132 : vector<16xi32>
      %swap3A_134 = arith.constant 0 : i32
      %swap3A_135 = arith.index_cast %swap3A_134 : i32 to index
      %swap3A_136 = arith.constant 112 : index
      %swap3A_137 = tpu.vector_load %arg8[%swap3A_135, %swap3A_136] {strides = array<i32>} : memref<2x128xi32, #tpu.memory_space<vmem>>, vector<1x16xi32>,
      %swap3A_138 = vector.shape_cast %swap3A_137 : vector<1x16xi32> to vector<16xi32>
      %swap3A_139 = vector.shape_cast %add3A_133 : vector<16xi32> to vector<1x16xi32>
      tpu.vector_store %arg8[%swap3A_135, %swap3A_136], %swap3A_139 {strides = array<i32>} : memref<2x128xi32, #tpu.memory_space<vmem>>, vector<1x16xi32>,
      %dma_start3A = arith.constant 0 : i32
      %dma_start3A_140 = arith.constant 0 : i32
      %dma_start3A_141 = tpu.memref_slice %arg8[%dma_start3A, %dma_start3A_140] : memref<2x128xi32, #tpu.memory_space<vmem>> -> memref<1x128xi32, #tpu.memory_space<vmem>>
      %dma_start3A_142 = tpu.memref_squeeze %dma_start3A_141 : memref<1x128xi32, #tpu.memory_space<vmem>> -> memref<128xi32, #tpu.memory_space<vmem>>
      %dma_start3A_143 = arith.constant 0 : i32
      %dma_start3A_144 = arith.constant 0 : i32
      %dma_start3A_145 = tpu.memref_slice %arg2[%dma_start3A_143, %dma_start3A_144] : memref<60000x128xf32, #tpu.memory_space<hbm>> -> memref<60000x128xf32, #tpu.memory_space<hbm>>
      tpu.enqueue_indirect_dma source(%dma_start3A_145 : memref<60000x128xf32, #tpu.memory_space<hbm>>) target(%arg9 : memref<128x128xf32, #tpu.memory_space<vmem>>) offsets(%dma_start3A_142 : memref<128xi32, #tpu.memory_space<vmem>>) semaphore(%arg13 : memref<!tpu.dma_semaphore, #tpu.memory_space<semaphore_mem>>)
      %get3A_146 = arith.constant 1 : i32
      %get3A_147 = arith.index_cast %get3A_146 : i32 to index
      %get3A_148 = arith.constant 0 : index
      %get3A_149 = tpu.vector_load %arg6[%get3A_147, %get3A_148] {strides = array<i32>} : memref<40x128xi32, #tpu.memory_space<vmem>>, vector<1x16xi32>,
      %get3A_150 = vector.shape_cast %get3A_149 : vector<1x16xi32> to vector<16xi32>
      %add3A_151 = vector.broadcast %mul3A_26 : i32 to vector<16xi32>
      %add3A_152 = arith.addi %get3A_150, %add3A_151 : vector<16xi32>
      %swap3A_153 = arith.constant 1 : i32
      %swap3A_154 = arith.index_cast %swap3A_153 : i32 to index
      %swap3A_155 = arith.constant 0 : index
      %swap3A_156 = tpu.vector_load %arg8[%swap3A_154, %swap3A_155] {strides = array<i32>} : memref<2x128xi32, #tpu.memory_space<vmem>>, vector<1x16xi32>,
      %swap3A_157 = vector.shape_cast %swap3A_156 : vector<1x16xi32> to vector<16xi32>
      %swap3A_158 = vector.shape_cast %add3A_152 : vector<16xi32> to vector<1x16xi32>
      tpu.vector_store %arg8[%swap3A_154, %swap3A_155], %swap3A_158 {strides = array<i32>} : memref<2x128xi32, #tpu.memory_space<vmem>>, vector<1x16xi32>,
      %get3A_159 = arith.constant 1 : i32
      %get3A_160 = arith.index_cast %get3A_159 : i32 to index
      %get3A_161 = arith.constant 16 : index
      %get3A_162 = tpu.vector_load %arg6[%get3A_160, %get3A_161] {strides = array<i32>} : memref<40x128xi32, #tpu.memory_space<vmem>>, vector<1x16xi32>,
      %get3A_163 = vector.shape_cast %get3A_162 : vector<1x16xi32> to vector<16xi32>
      %add3A_164 = vector.broadcast %mul3A_26 : i32 to vector<16xi32>
      %add3A_165 = arith.addi %get3A_163, %add3A_164 : vector<16xi32>
      %swap3A_166 = arith.constant 1 : i32
      %swap3A_167 = arith.index_cast %swap3A_166 : i32 to index
      %swap3A_168 = arith.constant 16 : index
      %swap3A_169 = tpu.vector_load %arg8[%swap3A_167, %swap3A_168] {strides = array<i32>} : memref<2x128xi32, #tpu.memory_space<vmem>>, vector<1x16xi32>,
      %swap3A_170 = vector.shape_cast %swap3A_169 : vector<1x16xi32> to vector<16xi32>
      %swap3A_171 = vector.shape_cast %add3A_165 : vector<16xi32> to vector<1x16xi32>
      tpu.vector_store %arg8[%swap3A_167, %swap3A_168], %swap3A_171 {strides = array<i32>} : memref<2x128xi32, #tpu.memory_space<vmem>>, vector<1x16xi32>,
      %get3A_172 = arith.constant 1 : i32
      %get3A_173 = arith.index_cast %get3A_172 : i32 to index
      %get3A_174 = arith.constant 32 : index
      %get3A_175 = tpu.vector_load %arg6[%get3A_173, %get3A_174] {strides = array<i32>} : memref<40x128xi32, #tpu.memory_space<vmem>>, vector<1x16xi32>,
      %get3A_176 = vector.shape_cast %get3A_175 : vector<1x16xi32> to vector<16xi32>
      %add3A_177 = vector.broadcast %mul3A_26 : i32 to vector<16xi32>
      %add3A_178 = arith.addi %get3A_176, %add3A_177 : vector<16xi32>
      %swap3A_179 = arith.constant 1 : i32
      %swap3A_180 = arith.index_cast %swap3A_179 : i32 to index
      %swap3A_181 = arith.constant 32 : index
      %swap3A_182 = tpu.vector_load %arg8[%swap3A_180, %swap3A_181] {strides = array<i32>} : memref<2x128xi32, #tpu.memory_space<vmem>>, vector<1x16xi32>,
      %swap3A_183 = vector.shape_cast %swap3A_182 : vector<1x16xi32> to vector<16xi32>
      %swap3A_184 = vector.shape_cast %add3A_178 : vector<16xi32> to vector<1x16xi32>
      tpu.vector_store %arg8[%swap3A_180, %swap3A_181], %swap3A_184 {strides = array<i32>} : memref<2x128xi32, #tpu.memory_space<vmem>>, vector<1x16xi32>,
      %get3A_185 = arith.constant 1 : i32
      %get3A_186 = arith.index_cast %get3A_185 : i32 to index
      %get3A_187 = arith.constant 48 : index
      %get3A_188 = tpu.vector_load %arg6[%get3A_186, %get3A_187] {strides = array<i32>} : memref<40x128xi32, #tpu.memory_space<vmem>>, vector<1x16xi32>,
      %get3A_189 = vector.shape_cast %get3A_188 : vector<1x16xi32> to vector<16xi32>
      %add3A_190 = vector.broadcast %mul3A_26 : i32 to vector<16xi32>
      %add3A_191 = arith.addi %get3A_189, %add3A_190 : vector<16xi32>
      %swap3A_192 = arith.constant 1 : i32
      %swap3A_193 = arith.index_cast %swap3A_192 : i32 to index
      %swap3A_194 = arith.constant 48 : index
      %swap3A_195 = tpu.vector_load %arg8[%swap3A_193, %swap3A_194] {strides = array<i32>} : memref<2x128xi32, #tpu.memory_space<vmem>>, vector<1x16xi32>,
      %swap3A_196 = vector.shape_cast %swap3A_195 : vector<1x16xi32> to vector<16xi32>
      %swap3A_197 = vector.shape_cast %add3A_191 : vector<16xi32> to vector<1x16xi32>
      tpu.vector_store %arg8[%swap3A_193, %swap3A_194], %swap3A_197 {strides = array<i32>} : memref<2x128xi32, #tpu.memory_space<vmem>>, vector<1x16xi32>,
      %get3A_198 = arith.constant 1 : i32
      %get3A_199 = arith.index_cast %get3A_198 : i32 to index
      %get3A_200 = arith.constant 64 : index
      %get3A_201 = tpu.vector_load %arg6[%get3A_199, %get3A_200] {strides = array<i32>} : memref<40x128xi32, #tpu.memory_space<vmem>>, vector<1x16xi32>,
      %get3A_202 = vector.shape_cast %get3A_201 : vector<1x16xi32> to vector<16xi32>
      %add3A_203 = vector.broadcast %mul3A_26 : i32 to vector<16xi32>
      %add3A_204 = arith.addi %get3A_202, %add3A_203 : vector<16xi32>
      %swap3A_205 = arith.constant 1 : i32
      %swap3A_206 = arith.index_cast %swap3A_205 : i32 to index
      %swap3A_207 = arith.constant 64 : index
      %swap3A_208 = tpu.vector_load %arg8[%swap3A_206, %swap3A_207] {strides = array<i32>} : memref<2x128xi32, #tpu.memory_space<vmem>>, vector<1x16xi32>,
      %swap3A_209 = vector.shape_cast %swap3A_208 : vector<1x16xi32> to vector<16xi32>
      %swap3A_210 = vector.shape_cast %add3A_204 : vector<16xi32> to vector<1x16xi32>
      tpu.vector_store %arg8[%swap3A_206, %swap3A_207], %swap3A_210 {strides = array<i32>} : memref<2x128xi32, #tpu.memory_space<vmem>>, vector<1x16xi32>,
      %get3A_211 = arith.constant 1 : i32
      %get3A_212 = arith.index_cast %get3A_211 : i32 to index
      %get3A_213 = arith.constant 80 : index
      %get3A_214 = tpu.vector_load %arg6[%get3A_212, %get3A_213] {strides = array<i32>} : memref<40x128xi32, #tpu.memory_space<vmem>>, vector<1x16xi32>,
      %get3A_215 = vector.shape_cast %get3A_214 : vector<1x16xi32> to vector<16xi32>
      %add3A_216 = vector.broadcast %mul3A_26 : i32 to vector<16xi32>
      %add3A_217 = arith.addi %get3A_215, %add3A_216 : vector<16xi32>
      %swap3A_218 = arith.constant 1 : i32
      %swap3A_219 = arith.index_cast %swap3A_218 : i32 to index
      %swap3A_220 = arith.constant 80 : index
      %swap3A_221 = tpu.vector_load %arg8[%swap3A_219, %swap3A_220] {strides = array<i32>} : memref<2x128xi32, #tpu.memory_space<vmem>>, vector<1x16xi32>,
      %swap3A_222 = vector.shape_cast %swap3A_221 : vector<1x16xi32> to vector<16xi32>
      %swap3A_223 = vector.shape_cast %add3A_217 : vector<16xi32> to vector<1x16xi32>
      tpu.vector_store %arg8[%swap3A_219, %swap3A_220], %swap3A_223 {strides = array<i32>} : memref<2x128xi32, #tpu.memory_space<vmem>>, vector<1x16xi32>,
      %get3A_224 = arith.constant 1 : i32
      %get3A_225 = arith.index_cast %get3A_224 : i32 to index
      %get3A_226 = arith.constant 96 : index
      %get3A_227 = tpu.vector_load %arg6[%get3A_225, %get3A_226] {strides = array<i32>} : memref<40x128xi32, #tpu.memory_space<vmem>>, vector<1x16xi32>,
      %get3A_228 = vector.shape_cast %get3A_227 : vector<1x16xi32> to vector<16xi32>
      %add3A_229 = vector.broadcast %mul3A_26 : i32 to vector<16xi32>
      %add3A_230 = arith.addi %get3A_228, %add3A_229 : vector<16xi32>
      %swap3A_231 = arith.constant 1 : i32
      %swap3A_232 = arith.index_cast %swap3A_231 : i32 to index
      %swap3A_233 = arith.constant 96 : index
      %swap3A_234 = tpu.vector_load %arg8[%swap3A_232, %swap3A_233] {strides = array<i32>} : memref<2x128xi32, #tpu.memory_space<vmem>>, vector<1x16xi32>,
      %swap3A_235 = vector.shape_cast %swap3A_234 : vector<1x16xi32> to vector<16xi32>
      %swap3A_236 = vector.shape_cast %add3A_230 : vector<16xi32> to vector<1x16xi32>
      tpu.vector_store %arg8[%swap3A_232, %swap3A_233], %swap3A_236 {strides = array<i32>} : memref<2x128xi32, #tpu.memory_space<vmem>>, vector<1x16xi32>,
      %get3A_237 = arith.constant 1 : i32
      %get3A_238 = arith.index_cast %get3A_237 : i32 to index
      %get3A_239 = arith.constant 112 : index
      %get3A_240 = tpu.vector_load %arg6[%get3A_238, %get3A_239] {strides = array<i32>} : memref<40x128xi32, #tpu.memory_space<vmem>>, vector<1x16xi32>,
      %get3A_241 = vector.shape_cast %get3A_240 : vector<1x16xi32> to vector<16xi32>
      %add3A_242 = vector.broadcast %mul3A_26 : i32 to vector<16xi32>
      %add3A_243 = arith.addi %get3A_241, %add3A_242 : vector<16xi32>
      %swap3A_244 = arith.constant 1 : i32
      %swap3A_245 = arith.index_cast %swap3A_244 : i32 to index
      %swap3A_246 = arith.constant 112 : index
      %swap3A_247 = tpu.vector_load %arg8[%swap3A_245, %swap3A_246] {strides = array<i32>} : memref<2x128xi32, #tpu.memory_space<vmem>>, vector<1x16xi32>,
      %swap3A_248 = vector.shape_cast %swap3A_247 : vector<1x16xi32> to vector<16xi32>
      %swap3A_249 = vector.shape_cast %add3A_243 : vector<16xi32> to vector<1x16xi32>
      tpu.vector_store %arg8[%swap3A_245, %swap3A_246], %swap3A_249 {strides = array<i32>} : memref<2x128xi32, #tpu.memory_space<vmem>>, vector<1x16xi32>,
      %dma_start3A_250 = arith.constant 1 : i32
      %dma_start3A_251 = arith.constant 0 : i32
      %dma_start3A_252 = tpu.memref_slice %arg8[%dma_start3A_250, %dma_start3A_251] : memref<2x128xi32, #tpu.memory_space<vmem>> -> memref<1x128xi32, #tpu.memory_space<vmem>>
      %dma_start3A_253 = tpu.memref_squeeze %dma_start3A_252 : memref<1x128xi32, #tpu.memory_space<vmem>> -> memref<128xi32, #tpu.memory_space<vmem>>
      %dma_start3A_254 = arith.constant 0 : i32
      %dma_start3A_255 = arith.constant 0 : i32
      %dma_start3A_256 = tpu.memref_slice %arg2[%dma_start3A_254, %dma_start3A_255] : memref<60000x128xf32, #tpu.memory_space<hbm>> -> memref<60000x128xf32, #tpu.memory_space<hbm>>
      tpu.enqueue_indirect_dma source(%dma_start3A_256 : memref<60000x128xf32, #tpu.memory_space<hbm>>) target(%arg10 : memref<128x128xf32, #tpu.memory_space<vmem>>) offsets(%dma_start3A_253 : memref<128xi32, #tpu.memory_space<vmem>>) semaphore(%arg14 : memref<!tpu.dma_semaphore, #tpu.memory_space<semaphore_mem>>)
      %scan3A_257 = arith.constant 0 : i32
      %scan3A_258 = arith.constant 0 : i32
      %scan3A_259 = arith.constant 20 : i32
      %scan3A_260 = arith.addi %scan3A_258, %scan3A_259 : i32
      %scan3A_261 = arith.constant 1 : i32
      %scan3A_262 = scf.for %scan3A_969 = %scan3A_258 to %scan3A_260 step %scan3A_261 iter_args(%scan3A_970 = %scan3A_257) -> (i32)  : i32 {
        %mul3A_971 = arith.constant 2 : i32
        %mul3A_972 = arith.muli %mul3A_971, %scan3A_969 : i32
        %add3A_973 = arith.constant 0 : i32
        %add3A_974 = arith.addi %mul3A_972, %add3A_973 : i32
        %dma_wait3A = arith.constant 0 : i32
        %dma_wait3A_975 = arith.constant 0 : i32
        %dma_wait3A_976 = tpu.memref_slice %arg8[%dma_wait3A, %dma_wait3A_975] : memref<2x128xi32, #tpu.memory_space<vmem>> -> memref<1x128xi32, #tpu.memory_space<vmem>>
        %dma_wait3A_977 = tpu.memref_squeeze %dma_wait3A_976 : memref<1x128xi32, #tpu.memory_space<vmem>> -> memref<128xi32, #tpu.memory_space<vmem>>
        %dma_wait3A_978 = arith.constant 0 : i32
        %dma_wait3A_979 = arith.constant 0 : i32
        %dma_wait3A_980 = tpu.memref_slice %arg2[%dma_wait3A_978, %dma_wait3A_979] : memref<60000x128xf32, #tpu.memory_space<hbm>> -> memref<60000x128xf32, #tpu.memory_space<hbm>>
        tpu.wait_indirect_dma semaphore(%arg13 : memref<!tpu.dma_semaphore, #tpu.memory_space<semaphore_mem>>) src(%dma_wait3A_980 : memref<60000x128xf32, #tpu.memory_space<hbm>>) dst(%arg9 : memref<128x128xf32, #tpu.memory_space<vmem>>)
        %dma_start3A_981 = arith.constant 0 : i32
        %dma_start3A_982 = tpu.memref_slice %arg7[%add3A_974, %dma_start3A_981] : memref<40x128xi32, #tpu.memory_space<vmem>> -> memref<1x128xi32, #tpu.memory_space<vmem>>
        %dma_start3A_983 = tpu.memref_squeeze %dma_start3A_982 : memref<1x128xi32, #tpu.memory_space<vmem>> -> memref<128xi32, #tpu.memory_space<vmem>>
        %dma_start3A_984 = arith.constant 0 : i32
        %dma_start3A_985 = arith.constant 0 : i32
        %dma_start3A_986 = tpu.memref_slice %arg12[%dma_start3A_984, %dma_start3A_985] : memref<10240x128xf32, #tpu.memory_space<vmem_shared>> -> memref<10240x128xf32, #tpu.memory_space<vmem_shared>>
        tpu.enqueue_indirect_dma source(%arg9 : memref<128x128xf32, #tpu.memory_space<vmem>>) target(%dma_start3A_986 : memref<10240x128xf32, #tpu.memory_space<vmem_shared>>) offsets(%dma_start3A_983 : memref<128xi32, #tpu.memory_space<vmem>>) semaphore(%arg15 : memref<!tpu.dma_semaphore, #tpu.memory_space<semaphore_mem>>) {add = true}
        %add3A_987 = arith.constant 2 : i32
        %add3A_988 = arith.addi %add3A_974, %add3A_987 : i32
        %lt3A = arith.constant 40 : i32
        %lt3A_989 = arith.cmpi slt, %add3A_988, %lt3A : i32
        %convert_element_type3A = arith.extui %lt3A_989 : i1 to i32
        %cond3A = arith.constant 0 : i32
        %cond3A_990 = arith.cmpi ne, %convert_element_type3A, %cond3A : i32
        scf.if %cond3A_990 {
          %add3A_1042 = arith.constant 2 : i32
          %add3A_1043 = arith.addi %add3A_974, %add3A_1042 : i32
          %get3A_1044 = arith.index_cast %add3A_1043 : i32 to index
          %get3A_1045 = arith.constant 0 : index
          %get3A_1046 = tpu.vector_load %arg6[%get3A_1044, %get3A_1045] {strides = array<i32>} : memref<40x128xi32, #tpu.memory_space<vmem>>, vector<1x16xi32>,
          %get3A_1047 = vector.shape_cast %get3A_1046 : vector<1x16xi32> to vector<16xi32>
          %add3A_1048 = vector.broadcast %mul3A_26 : i32 to vector<16xi32>
          %add3A_1049 = arith.addi %get3A_1047, %add3A_1048 : vector<16xi32>
          %swap3A_1050 = arith.constant 0 : i32
          %swap3A_1051 = arith.index_cast %swap3A_1050 : i32 to index
          %swap3A_1052 = arith.constant 0 : index
          %swap3A_1053 = tpu.vector_load %arg8[%swap3A_1051, %swap3A_1052] {strides = array<i32>} : memref<2x128xi32, #tpu.memory_space<vmem>>, vector<1x16xi32>,
          %swap3A_1054 = vector.shape_cast %swap3A_1053 : vector<1x16xi32> to vector<16xi32>
          %swap3A_1055 = vector.shape_cast %add3A_1049 : vector<16xi32> to vector<1x16xi32>
          tpu.vector_store %arg8[%swap3A_1051, %swap3A_1052], %swap3A_1055 {strides = array<i32>} : memref<2x128xi32, #tpu.memory_space<vmem>>, vector<1x16xi32>,
          %get3A_1056 = arith.index_cast %add3A_1043 : i32 to index
          %get3A_1057 = arith.constant 16 : index
          %get3A_1058 = tpu.vector_load %arg6[%get3A_1056, %get3A_1057] {strides = array<i32>} : memref<40x128xi32, #tpu.memory_space<vmem>>, vector<1x16xi32>,
          %get3A_1059 = vector.shape_cast %get3A_1058 : vector<1x16xi32> to vector<16xi32>
          %add3A_1060 = vector.broadcast %mul3A_26 : i32 to vector<16xi32>
          %add3A_1061 = arith.addi %get3A_1059, %add3A_1060 : vector<16xi32>
          %swap3A_1062 = arith.constant 0 : i32
          %swap3A_1063 = arith.index_cast %swap3A_1062 : i32 to index
          %swap3A_1064 = arith.constant 16 : index
          %swap3A_1065 = tpu.vector_load %arg8[%swap3A_1063, %swap3A_1064] {strides = array<i32>} : memref<2x128xi32, #tpu.memory_space<vmem>>, vector<1x16xi32>,
          %swap3A_1066 = vector.shape_cast %swap3A_1065 : vector<1x16xi32> to vector<16xi32>
          %swap3A_1067 = vector.shape_cast %add3A_1061 : vector<16xi32> to vector<1x16xi32>
          tpu.vector_store %arg8[%swap3A_1063, %swap3A_1064], %swap3A_1067 {strides = array<i32>} : memref<2x128xi32, #tpu.memory_space<vmem>>, vector<1x16xi32>,
          %get3A_1068 = arith.index_cast %add3A_1043 : i32 to index
          %get3A_1069 = arith.constant 32 : index
          %get3A_1070 = tpu.vector_load %arg6[%get3A_1068, %get3A_1069] {strides = array<i32>} : memref<40x128xi32, #tpu.memory_space<vmem>>, vector<1x16xi32>,
          %get3A_1071 = vector.shape_cast %get3A_1070 : vector<1x16xi32> to vector<16xi32>
          %add3A_1072 = vector.broadcast %mul3A_26 : i32 to vector<16xi32>
          %add3A_1073 = arith.addi %get3A_1071, %add3A_1072 : vector<16xi32>
          %swap3A_1074 = arith.constant 0 : i32
          %swap3A_1075 = arith.index_cast %swap3A_1074 : i32 to index
          %swap3A_1076 = arith.constant 32 : index
          %swap3A_1077 = tpu.vector_load %arg8[%swap3A_1075, %swap3A_1076] {strides = array<i32>} : memref<2x128xi32, #tpu.memory_space<vmem>>, vector<1x16xi32>,
          %swap3A_1078 = vector.shape_cast %swap3A_1077 : vector<1x16xi32> to vector<16xi32>
          %swap3A_1079 = vector.shape_cast %add3A_1073 : vector<16xi32> to vector<1x16xi32>
          tpu.vector_store %arg8[%swap3A_1075, %swap3A_1076], %swap3A_1079 {strides = array<i32>} : memref<2x128xi32, #tpu.memory_space<vmem>>, vector<1x16xi32>,
          %get3A_1080 = arith.index_cast %add3A_1043 : i32 to index
          %get3A_1081 = arith.constant 48 : index
          %get3A_1082 = tpu.vector_load %arg6[%get3A_1080, %get3A_1081] {strides = array<i32>} : memref<40x128xi32, #tpu.memory_space<vmem>>, vector<1x16xi32>,
          %get3A_1083 = vector.shape_cast %get3A_1082 : vector<1x16xi32> to vector<16xi32>
          %add3A_1084 = vector.broadcast %mul3A_26 : i32 to vector<16xi32>
          %add3A_1085 = arith.addi %get3A_1083, %add3A_1084 : vector<16xi32>
          %swap3A_1086 = arith.constant 0 : i32
          %swap3A_1087 = arith.index_cast %swap3A_1086 : i32 to index
          %swap3A_1088 = arith.constant 48 : index
          %swap3A_1089 = tpu.vector_load %arg8[%swap3A_1087, %swap3A_1088] {strides = array<i32>} : memref<2x128xi32, #tpu.memory_space<vmem>>, vector<1x16xi32>,
          %swap3A_1090 = vector.shape_cast %swap3A_1089 : vector<1x16xi32> to vector<16xi32>
          %swap3A_1091 = vector.shape_cast %add3A_1085 : vector<16xi32> to vector<1x16xi32>
          tpu.vector_store %arg8[%swap3A_1087, %swap3A_1088], %swap3A_1091 {strides = array<i32>} : memref<2x128xi32, #tpu.memory_space<vmem>>, vector<1x16xi32>,
          %get3A_1092 = arith.index_cast %add3A_1043 : i32 to index
          %get3A_1093 = arith.constant 64 : index
          %get3A_1094 = tpu.vector_load %arg6[%get3A_1092, %get3A_1093] {strides = array<i32>} : memref<40x128xi32, #tpu.memory_space<vmem>>, vector<1x16xi32>,
          %get3A_1095 = vector.shape_cast %get3A_1094 : vector<1x16xi32> to vector<16xi32>
          %add3A_1096 = vector.broadcast %mul3A_26 : i32 to vector<16xi32>
          %add3A_1097 = arith.addi %get3A_1095, %add3A_1096 : vector<16xi32>
          %swap3A_1098 = arith.constant 0 : i32
          %swap3A_1099 = arith.index_cast %swap3A_1098 : i32 to index
          %swap3A_1100 = arith.constant 64 : index
          %swap3A_1101 = tpu.vector_load %arg8[%swap3A_1099, %swap3A_1100] {strides = array<i32>} : memref<2x128xi32, #tpu.memory_space<vmem>>, vector<1x16xi32>,
          %swap3A_1102 = vector.shape_cast %swap3A_1101 : vector<1x16xi32> to vector<16xi32>
          %swap3A_1103 = vector.shape_cast %add3A_1097 : vector<16xi32> to vector<1x16xi32>
          tpu.vector_store %arg8[%swap3A_1099, %swap3A_1100], %swap3A_1103 {strides = array<i32>} : memref<2x128xi32, #tpu.memory_space<vmem>>, vector<1x16xi32>,
          %get3A_1104 = arith.index_cast %add3A_1043 : i32 to index
          %get3A_1105 = arith.constant 80 : index
          %get3A_1106 = tpu.vector_load %arg6[%get3A_1104, %get3A_1105] {strides = array<i32>} : memref<40x128xi32, #tpu.memory_space<vmem>>, vector<1x16xi32>,
          %get3A_1107 = vector.shape_cast %get3A_1106 : vector<1x16xi32> to vector<16xi32>
          %add3A_1108 = vector.broadcast %mul3A_26 : i32 to vector<16xi32>
          %add3A_1109 = arith.addi %get3A_1107, %add3A_1108 : vector<16xi32>
          %swap3A_1110 = arith.constant 0 : i32
          %swap3A_1111 = arith.index_cast %swap3A_1110 : i32 to index
          %swap3A_1112 = arith.constant 80 : index
          %swap3A_1113 = tpu.vector_load %arg8[%swap3A_1111, %swap3A_1112] {strides = array<i32>} : memref<2x128xi32, #tpu.memory_space<vmem>>, vector<1x16xi32>,
          %swap3A_1114 = vector.shape_cast %swap3A_1113 : vector<1x16xi32> to vector<16xi32>
          %swap3A_1115 = vector.shape_cast %add3A_1109 : vector<16xi32> to vector<1x16xi32>
          tpu.vector_store %arg8[%swap3A_1111, %swap3A_1112], %swap3A_1115 {strides = array<i32>} : memref<2x128xi32, #tpu.memory_space<vmem>>, vector<1x16xi32>,
          %get3A_1116 = arith.index_cast %add3A_1043 : i32 to index
          %get3A_1117 = arith.constant 96 : index
          %get3A_1118 = tpu.vector_load %arg6[%get3A_1116, %get3A_1117] {strides = array<i32>} : memref<40x128xi32, #tpu.memory_space<vmem>>, vector<1x16xi32>,
          %get3A_1119 = vector.shape_cast %get3A_1118 : vector<1x16xi32> to vector<16xi32>
          %add3A_1120 = vector.broadcast %mul3A_26 : i32 to vector<16xi32>
          %add3A_1121 = arith.addi %get3A_1119, %add3A_1120 : vector<16xi32>
          %swap3A_1122 = arith.constant 0 : i32
          %swap3A_1123 = arith.index_cast %swap3A_1122 : i32 to index
          %swap3A_1124 = arith.constant 96 : index
          %swap3A_1125 = tpu.vector_load %arg8[%swap3A_1123, %swap3A_1124] {strides = array<i32>} : memref<2x128xi32, #tpu.memory_space<vmem>>, vector<1x16xi32>,
          %swap3A_1126 = vector.shape_cast %swap3A_1125 : vector<1x16xi32> to vector<16xi32>
          %swap3A_1127 = vector.shape_cast %add3A_1121 : vector<16xi32> to vector<1x16xi32>
          tpu.vector_store %arg8[%swap3A_1123, %swap3A_1124], %swap3A_1127 {strides = array<i32>} : memref<2x128xi32, #tpu.memory_space<vmem>>, vector<1x16xi32>,
          %get3A_1128 = arith.index_cast %add3A_1043 : i32 to index
          %get3A_1129 = arith.constant 112 : index
          %get3A_1130 = tpu.vector_load %arg6[%get3A_1128, %get3A_1129] {strides = array<i32>} : memref<40x128xi32, #tpu.memory_space<vmem>>, vector<1x16xi32>,
          %get3A_1131 = vector.shape_cast %get3A_1130 : vector<1x16xi32> to vector<16xi32>
          %add3A_1132 = vector.broadcast %mul3A_26 : i32 to vector<16xi32>
          %add3A_1133 = arith.addi %get3A_1131, %add3A_1132 : vector<16xi32>
          %swap3A_1134 = arith.constant 0 : i32
          %swap3A_1135 = arith.index_cast %swap3A_1134 : i32 to index
          %swap3A_1136 = arith.constant 112 : index
          %swap3A_1137 = tpu.vector_load %arg8[%swap3A_1135, %swap3A_1136] {strides = array<i32>} : memref<2x128xi32, #tpu.memory_space<vmem>>, vector<1x16xi32>,
          %swap3A_1138 = vector.shape_cast %swap3A_1137 : vector<1x16xi32> to vector<16xi32>
          %swap3A_1139 = vector.shape_cast %add3A_1133 : vector<16xi32> to vector<1x16xi32>
          tpu.vector_store %arg8[%swap3A_1135, %swap3A_1136], %swap3A_1139 {strides = array<i32>} : memref<2x128xi32, #tpu.memory_space<vmem>>, vector<1x16xi32>,
        } else {
        }
        %dma_wait3A_991 = arith.constant 0 : i32
        %dma_wait3A_992 = tpu.memref_slice %arg7[%add3A_974, %dma_wait3A_991] : memref<40x128xi32, #tpu.memory_space<vmem>> -> memref<1x128xi32, #tpu.memory_space<vmem>>
        %dma_wait3A_993 = tpu.memref_squeeze %dma_wait3A_992 : memref<1x128xi32, #tpu.memory_space<vmem>> -> memref<128xi32, #tpu.memory_space<vmem>>
        %dma_wait3A_994 = arith.constant 0 : i32
        %dma_wait3A_995 = arith.constant 0 : i32
        %dma_wait3A_996 = tpu.memref_slice %arg12[%dma_wait3A_994, %dma_wait3A_995] : memref<10240x128xf32, #tpu.memory_space<vmem_shared>> -> memref<10240x128xf32, #tpu.memory_space<vmem_shared>>
        tpu.wait_indirect_dma semaphore(%arg15 : memref<!tpu.dma_semaphore, #tpu.memory_space<semaphore_mem>>) src(%arg9 : memref<128x128xf32, #tpu.memory_space<vmem>>) dst(%dma_wait3A_996 : memref<10240x128xf32, #tpu.memory_space<vmem_shared>>)
        %add3A_997 = arith.constant 2 : i32
        %add3A_998 = arith.addi %add3A_974, %add3A_997 : i32
        %lt3A_999 = arith.constant 40 : i32
        %lt3A_1000 = arith.cmpi slt, %add3A_998, %lt3A_999 : i32
        %convert_element_type3A_1001 = arith.extui %lt3A_1000 : i1 to i32
        %cond3A_1002 = arith.constant 0 : i32
        %cond3A_1003 = arith.cmpi ne, %convert_element_type3A_1001, %cond3A_1002 : i32
        scf.if %cond3A_1003 {
          %dma_start3A_1042 = arith.constant 0 : i32
          %dma_start3A_1043 = arith.constant 0 : i32
          %dma_start3A_1044 = tpu.memref_slice %arg8[%dma_start3A_1042, %dma_start3A_1043] : memref<2x128xi32, #tpu.memory_space<vmem>> -> memref<1x128xi32, #tpu.memory_space<vmem>>
          %dma_start3A_1045 = tpu.memref_squeeze %dma_start3A_1044 : memref<1x128xi32, #tpu.memory_space<vmem>> -> memref<128xi32, #tpu.memory_space<vmem>>
          %dma_start3A_1046 = arith.constant 0 : i32
          %dma_start3A_1047 = arith.constant 0 : i32
          %dma_start3A_1048 = tpu.memref_slice %arg2[%dma_start3A_1046, %dma_start3A_1047] : memref<60000x128xf32, #tpu.memory_space<hbm>> -> memref<60000x128xf32, #tpu.memory_space<hbm>>
          tpu.enqueue_indirect_dma source(%dma_start3A_1048 : memref<60000x128xf32, #tpu.memory_space<hbm>>) target(%arg9 : memref<128x128xf32, #tpu.memory_space<vmem>>) offsets(%dma_start3A_1045 : memref<128xi32, #tpu.memory_space<vmem>>) semaphore(%arg13 : memref<!tpu.dma_semaphore, #tpu.memory_space<semaphore_mem>>)
        } else {
        }
        %mul3A_1004 = arith.constant 2 : i32
        %mul3A_1005 = arith.muli %mul3A_1004, %scan3A_969 : i32
        %add3A_1006 = arith.constant 1 : i32
        %add3A_1007 = arith.addi %mul3A_1005, %add3A_1006 : i32
        %dma_wait3A_1008 = arith.constant 1 : i32
        %dma_wait3A_1009 = arith.constant 0 : i32
        %dma_wait3A_1010 = tpu.memref_slice %arg8[%dma_wait3A_1008, %dma_wait3A_1009] : memref<2x128xi32, #tpu.memory_space<vmem>> -> memref<1x128xi32, #tpu.memory_space<vmem>>
        %dma_wait3A_1011 = tpu.memref_squeeze %dma_wait3A_1010 : memref<1x128xi32, #tpu.memory_space<vmem>> -> memref<128xi32, #tpu.memory_space<vmem>>
        %dma_wait3A_1012 = arith.constant 0 : i32
        %dma_wait3A_1013 = arith.constant 0 : i32
        %dma_wait3A_1014 = tpu.memref_slice %arg2[%dma_wait3A_1012, %dma_wait3A_1013] : memref<60000x128xf32, #tpu.memory_space<hbm>> -> memref<60000x128xf32, #tpu.memory_space<hbm>>
        tpu.wait_indirect_dma semaphore(%arg14 : memref<!tpu.dma_semaphore, #tpu.memory_space<semaphore_mem>>) src(%dma_wait3A_1014 : memref<60000x128xf32, #tpu.memory_space<hbm>>) dst(%arg10 : memref<128x128xf32, #tpu.memory_space<vmem>>)
        %dma_start3A_1015 = arith.constant 0 : i32
        %dma_start3A_1016 = tpu.memref_slice %arg7[%add3A_1007, %dma_start3A_1015] : memref<40x128xi32, #tpu.memory_space<vmem>> -> memref<1x128xi32, #tpu.memory_space<vmem>>
        %dma_start3A_1017 = tpu.memref_squeeze %dma_start3A_1016 : memref<1x128xi32, #tpu.memory_space<vmem>> -> memref<128xi32, #tpu.memory_space<vmem>>
        %dma_start3A_1018 = arith.constant 0 : i32
        %dma_start3A_1019 = arith.constant 0 : i32
        %dma_start3A_1020 = tpu.memref_slice %arg12[%dma_start3A_1018, %dma_start3A_1019] : memref<10240x128xf32, #tpu.memory_space<vmem_shared>> -> memref<10240x128xf32, #tpu.memory_space<vmem_shared>>
        tpu.enqueue_indirect_dma source(%arg10 : memref<128x128xf32, #tpu.memory_space<vmem>>) target(%dma_start3A_1020 : memref<10240x128xf32, #tpu.memory_space<vmem_shared>>) offsets(%dma_start3A_1017 : memref<128xi32, #tpu.memory_space<vmem>>) semaphore(%arg16 : memref<!tpu.dma_semaphore, #tpu.memory_space<semaphore_mem>>) {add = true}
        %add3A_1021 = arith.constant 2 : i32
        %add3A_1022 = arith.addi %add3A_1007, %add3A_1021 : i32
        %lt3A_1023 = arith.constant 40 : i32
        %lt3A_1024 = arith.cmpi slt, %add3A_1022, %lt3A_1023 : i32
        %convert_element_type3A_1025 = arith.extui %lt3A_1024 : i1 to i32
        %cond3A_1026 = arith.constant 0 : i32
        %cond3A_1027 = arith.cmpi ne, %convert_element_type3A_1025, %cond3A_1026 : i32
        scf.if %cond3A_1027 {
          %add3A_1042 = arith.constant 2 : i32
          %add3A_1043 = arith.addi %add3A_1007, %add3A_1042 : i32
          %get3A_1044 = arith.index_cast %add3A_1043 : i32 to index
          %get3A_1045 = arith.constant 0 : index
          %get3A_1046 = tpu.vector_load %arg6[%get3A_1044, %get3A_1045] {strides = array<i32>} : memref<40x128xi32, #tpu.memory_space<vmem>>, vector<1x16xi32>,
          %get3A_1047 = vector.shape_cast %get3A_1046 : vector<1x16xi32> to vector<16xi32>
          %add3A_1048 = vector.broadcast %mul3A_26 : i32 to vector<16xi32>
          %add3A_1049 = arith.addi %get3A_1047, %add3A_1048 : vector<16xi32>
          %swap3A_1050 = arith.constant 1 : i32
          %swap3A_1051 = arith.index_cast %swap3A_1050 : i32 to index
          %swap3A_1052 = arith.constant 0 : index
          %swap3A_1053 = tpu.vector_load %arg8[%swap3A_1051, %swap3A_1052] {strides = array<i32>} : memref<2x128xi32, #tpu.memory_space<vmem>>, vector<1x16xi32>,
          %swap3A_1054 = vector.shape_cast %swap3A_1053 : vector<1x16xi32> to vector<16xi32>
          %swap3A_1055 = vector.shape_cast %add3A_1049 : vector<16xi32> to vector<1x16xi32>
          tpu.vector_store %arg8[%swap3A_1051, %swap3A_1052], %swap3A_1055 {strides = array<i32>} : memref<2x128xi32, #tpu.memory_space<vmem>>, vector<1x16xi32>,
          %get3A_1056 = arith.index_cast %add3A_1043 : i32 to index
          %get3A_1057 = arith.constant 16 : index
          %get3A_1058 = tpu.vector_load %arg6[%get3A_1056, %get3A_1057] {strides = array<i32>} : memref<40x128xi32, #tpu.memory_space<vmem>>, vector<1x16xi32>,
          %get3A_1059 = vector.shape_cast %get3A_1058 : vector<1x16xi32> to vector<16xi32>
          %add3A_1060 = vector.broadcast %mul3A_26 : i32 to vector<16xi32>
          %add3A_1061 = arith.addi %get3A_1059, %add3A_1060 : vector<16xi32>
          %swap3A_1062 = arith.constant 1 : i32
          %swap3A_1063 = arith.index_cast %swap3A_1062 : i32 to index
          %swap3A_1064 = arith.constant 16 : index
          %swap3A_1065 = tpu.vector_load %arg8[%swap3A_1063, %swap3A_1064] {strides = array<i32>} : memref<2x128xi32, #tpu.memory_space<vmem>>, vector<1x16xi32>,
          %swap3A_1066 = vector.shape_cast %swap3A_1065 : vector<1x16xi32> to vector<16xi32>
          %swap3A_1067 = vector.shape_cast %add3A_1061 : vector<16xi32> to vector<1x16xi32>
          tpu.vector_store %arg8[%swap3A_1063, %swap3A_1064], %swap3A_1067 {strides = array<i32>} : memref<2x128xi32, #tpu.memory_space<vmem>>, vector<1x16xi32>,
          %get3A_1068 = arith.index_cast %add3A_1043 : i32 to index
          %get3A_1069 = arith.constant 32 : index
          %get3A_1070 = tpu.vector_load %arg6[%get3A_1068, %get3A_1069] {strides = array<i32>} : memref<40x128xi32, #tpu.memory_space<vmem>>, vector<1x16xi32>,
          %get3A_1071 = vector.shape_cast %get3A_1070 : vector<1x16xi32> to vector<16xi32>
          %add3A_1072 = vector.broadcast %mul3A_26 : i32 to vector<16xi32>
          %add3A_1073 = arith.addi %get3A_1071, %add3A_1072 : vector<16xi32>
          %swap3A_1074 = arith.constant 1 : i32
          %swap3A_1075 = arith.index_cast %swap3A_1074 : i32 to index
          %swap3A_1076 = arith.constant 32 : index
          %swap3A_1077 = tpu.vector_load %arg8[%swap3A_1075, %swap3A_1076] {strides = array<i32>} : memref<2x128xi32, #tpu.memory_space<vmem>>, vector<1x16xi32>,
          %swap3A_1078 = vector.shape_cast %swap3A_1077 : vector<1x16xi32> to vector<16xi32>
          %swap3A_1079 = vector.shape_cast %add3A_1073 : vector<16xi32> to vector<1x16xi32>
          tpu.vector_store %arg8[%swap3A_1075, %swap3A_1076], %swap3A_1079 {strides = array<i32>} : memref<2x128xi32, #tpu.memory_space<vmem>>, vector<1x16xi32>,
          %get3A_1080 = arith.index_cast %add3A_1043 : i32 to index
          %get3A_1081 = arith.constant 48 : index
          %get3A_1082 = tpu.vector_load %arg6[%get3A_1080, %get3A_1081] {strides = array<i32>} : memref<40x128xi32, #tpu.memory_space<vmem>>, vector<1x16xi32>,
          %get3A_1083 = vector.shape_cast %get3A_1082 : vector<1x16xi32> to vector<16xi32>
          %add3A_1084 = vector.broadcast %mul3A_26 : i32 to vector<16xi32>
          %add3A_1085 = arith.addi %get3A_1083, %add3A_1084 : vector<16xi32>
          %swap3A_1086 = arith.constant 1 : i32
          %swap3A_1087 = arith.index_cast %swap3A_1086 : i32 to index
          %swap3A_1088 = arith.constant 48 : index
          %swap3A_1089 = tpu.vector_load %arg8[%swap3A_1087, %swap3A_1088] {strides = array<i32>} : memref<2x128xi32, #tpu.memory_space<vmem>>, vector<1x16xi32>,
          %swap3A_1090 = vector.shape_cast %swap3A_1089 : vector<1x16xi32> to vector<16xi32>
          %swap3A_1091 = vector.shape_cast %add3A_1085 : vector<16xi32> to vector<1x16xi32>
          tpu.vector_store %arg8[%swap3A_1087, %swap3A_1088], %swap3A_1091 {strides = array<i32>} : memref<2x128xi32, #tpu.memory_space<vmem>>, vector<1x16xi32>,
          %get3A_1092 = arith.index_cast %add3A_1043 : i32 to index
          %get3A_1093 = arith.constant 64 : index
          %get3A_1094 = tpu.vector_load %arg6[%get3A_1092, %get3A_1093] {strides = array<i32>} : memref<40x128xi32, #tpu.memory_space<vmem>>, vector<1x16xi32>,
          %get3A_1095 = vector.shape_cast %get3A_1094 : vector<1x16xi32> to vector<16xi32>
          %add3A_1096 = vector.broadcast %mul3A_26 : i32 to vector<16xi32>
          %add3A_1097 = arith.addi %get3A_1095, %add3A_1096 : vector<16xi32>
          %swap3A_1098 = arith.constant 1 : i32
          %swap3A_1099 = arith.index_cast %swap3A_1098 : i32 to index
          %swap3A_1100 = arith.constant 64 : index
          %swap3A_1101 = tpu.vector_load %arg8[%swap3A_1099, %swap3A_1100] {strides = array<i32>} : memref<2x128xi32, #tpu.memory_space<vmem>>, vector<1x16xi32>,
          %swap3A_1102 = vector.shape_cast %swap3A_1101 : vector<1x16xi32> to vector<16xi32>
          %swap3A_1103 = vector.shape_cast %add3A_1097 : vector<16xi32> to vector<1x16xi32>
          tpu.vector_store %arg8[%swap3A_1099, %swap3A_1100], %swap3A_1103 {strides = array<i32>} : memref<2x128xi32, #tpu.memory_space<vmem>>, vector<1x16xi32>,
          %get3A_1104 = arith.index_cast %add3A_1043 : i32 to index
          %get3A_1105 = arith.constant 80 : index
          %get3A_1106 = tpu.vector_load %arg6[%get3A_1104, %get3A_1105] {strides = array<i32>} : memref<40x128xi32, #tpu.memory_space<vmem>>, vector<1x16xi32>,
          %get3A_1107 = vector.shape_cast %get3A_1106 : vector<1x16xi32> to vector<16xi32>
          %add3A_1108 = vector.broadcast %mul3A_26 : i32 to vector<16xi32>
          %add3A_1109 = arith.addi %get3A_1107, %add3A_1108 : vector<16xi32>
          %swap3A_1110 = arith.constant 1 : i32
          %swap3A_1111 = arith.index_cast %swap3A_1110 : i32 to index
          %swap3A_1112 = arith.constant 80 : index
          %swap3A_1113 = tpu.vector_load %arg8[%swap3A_1111, %swap3A_1112] {strides = array<i32>} : memref<2x128xi32, #tpu.memory_space<vmem>>, vector<1x16xi32>,
          %swap3A_1114 = vector.shape_cast %swap3A_1113 : vector<1x16xi32> to vector<16xi32>
          %swap3A_1115 = vector.shape_cast %add3A_1109 : vector<16xi32> to vector<1x16xi32>
          tpu.vector_store %arg8[%swap3A_1111, %swap3A_1112], %swap3A_1115 {strides = array<i32>} : memref<2x128xi32, #tpu.memory_space<vmem>>, vector<1x16xi32>,
          %get3A_1116 = arith.index_cast %add3A_1043 : i32 to index
          %get3A_1117 = arith.constant 96 : index
          %get3A_1118 = tpu.vector_load %arg6[%get3A_1116, %get3A_1117] {strides = array<i32>} : memref<40x128xi32, #tpu.memory_space<vmem>>, vector<1x16xi32>,
          %get3A_1119 = vector.shape_cast %get3A_1118 : vector<1x16xi32> to vector<16xi32>
          %add3A_1120 = vector.broadcast %mul3A_26 : i32 to vector<16xi32>
          %add3A_1121 = arith.addi %get3A_1119, %add3A_1120 : vector<16xi32>
          %swap3A_1122 = arith.constant 1 : i32
          %swap3A_1123 = arith.index_cast %swap3A_1122 : i32 to index
          %swap3A_1124 = arith.constant 96 : index
          %swap3A_1125 = tpu.vector_load %arg8[%swap3A_1123, %swap3A_1124] {strides = array<i32>} : memref<2x128xi32, #tpu.memory_space<vmem>>, vector<1x16xi32>,
          %swap3A_1126 = vector.shape_cast %swap3A_1125 : vector<1x16xi32> to vector<16xi32>
          %swap3A_1127 = vector.shape_cast %add3A_1121 : vector<16xi32> to vector<1x16xi32>
          tpu.vector_store %arg8[%swap3A_1123, %swap3A_1124], %swap3A_1127 {strides = array<i32>} : memref<2x128xi32, #tpu.memory_space<vmem>>, vector<1x16xi32>,
          %get3A_1128 = arith.index_cast %add3A_1043 : i32 to index
          %get3A_1129 = arith.constant 112 : index
          %get3A_1130 = tpu.vector_load %arg6[%get3A_1128, %get3A_1129] {strides = array<i32>} : memref<40x128xi32, #tpu.memory_space<vmem>>, vector<1x16xi32>,
          %get3A_1131 = vector.shape_cast %get3A_1130 : vector<1x16xi32> to vector<16xi32>
          %add3A_1132 = vector.broadcast %mul3A_26 : i32 to vector<16xi32>
          %add3A_1133 = arith.addi %get3A_1131, %add3A_1132 : vector<16xi32>
          %swap3A_1134 = arith.constant 1 : i32
          %swap3A_1135 = arith.index_cast %swap3A_1134 : i32 to index
          %swap3A_1136 = arith.constant 112 : index
          %swap3A_1137 = tpu.vector_load %arg8[%swap3A_1135, %swap3A_1136] {strides = array<i32>} : memref<2x128xi32, #tpu.memory_space<vmem>>, vector<1x16xi32>,
          %swap3A_1138 = vector.shape_cast %swap3A_1137 : vector<1x16xi32> to vector<16xi32>
          %swap3A_1139 = vector.shape_cast %add3A_1133 : vector<16xi32> to vector<1x16xi32>
          tpu.vector_store %arg8[%swap3A_1135, %swap3A_1136], %swap3A_1139 {strides = array<i32>} : memref<2x128xi32, #tpu.memory_space<vmem>>, vector<1x16xi32>,
        } else {
        }
        %dma_wait3A_1028 = arith.constant 0 : i32
        %dma_wait3A_1029 = tpu.memref_slice %arg7[%add3A_1007, %dma_wait3A_1028] : memref<40x128xi32, #tpu.memory_space<vmem>> -> memref<1x128xi32, #tpu.memory_space<vmem>>
        %dma_wait3A_1030 = tpu.memref_squeeze %dma_wait3A_1029 : memref<1x128xi32, #tpu.memory_space<vmem>> -> memref<128xi32, #tpu.memory_space<vmem>>
        %dma_wait3A_1031 = arith.constant 0 : i32
        %dma_wait3A_1032 = arith.constant 0 : i32
        %dma_wait3A_1033 = tpu.memref_slice %arg12[%dma_wait3A_1031, %dma_wait3A_1032] : memref<10240x128xf32, #tpu.memory_space<vmem_shared>> -> memref<10240x128xf32, #tpu.memory_space<vmem_shared>>
        tpu.wait_indirect_dma semaphore(%arg16 : memref<!tpu.dma_semaphore, #tpu.memory_space<semaphore_mem>>) src(%arg10 : memref<128x128xf32, #tpu.memory_space<vmem>>) dst(%dma_wait3A_1033 : memref<10240x128xf32, #tpu.memory_space<vmem_shared>>)
        %add3A_1034 = arith.constant 2 : i32
        %add3A_1035 = arith.addi %add3A_1007, %add3A_1034 : i32
        %lt3A_1036 = arith.constant 40 : i32
        %lt3A_1037 = arith.cmpi slt, %add3A_1035, %lt3A_1036 : i32
        %convert_element_type3A_1038 = arith.extui %lt3A_1037 : i1 to i32
        %cond3A_1039 = arith.constant 0 : i32
        %cond3A_1040 = arith.cmpi ne, %convert_element_type3A_1038, %cond3A_1039 : i32
        scf.if %cond3A_1040 {
          %dma_start3A_1042 = arith.constant 1 : i32
          %dma_start3A_1043 = arith.constant 0 : i32
          %dma_start3A_1044 = tpu.memref_slice %arg8[%dma_start3A_1042, %dma_start3A_1043] : memref<2x128xi32, #tpu.memory_space<vmem>> -> memref<1x128xi32, #tpu.memory_space<vmem>>
          %dma_start3A_1045 = tpu.memref_squeeze %dma_start3A_1044 : memref<1x128xi32, #tpu.memory_space<vmem>> -> memref<128xi32, #tpu.memory_space<vmem>>
          %dma_start3A_1046 = arith.constant 0 : i32
          %dma_start3A_1047 = arith.constant 0 : i32
          %dma_start3A_1048 = tpu.memref_slice %arg2[%dma_start3A_1046, %dma_start3A_1047] : memref<60000x128xf32, #tpu.memory_space<hbm>> -> memref<60000x128xf32, #tpu.memory_space<hbm>>
          tpu.enqueue_indirect_dma source(%dma_start3A_1048 : memref<60000x128xf32, #tpu.memory_space<hbm>>) target(%arg10 : memref<128x128xf32, #tpu.memory_space<vmem>>) offsets(%dma_start3A_1045 : memref<128xi32, #tpu.memory_space<vmem>>) semaphore(%arg14 : memref<!tpu.dma_semaphore, #tpu.memory_space<semaphore_mem>>)
        } else {
        }
        %scan3A_1041 = arith.constant 0 : i32
        scf.yield %scan3A_1041 : i32
      }
      %scan3A_263 = arith.constant 20 : i32
      %mul3A_264 = arith.constant 160 : i32
      %mul3A_265 = arith.muli %arg1, %mul3A_264 : i32
      %add3A_266 = arith.constant 40 : i32
      %add3A_267 = arith.addi %mul3A_265, %add3A_266 : i32
      "tpu.region"() ({
        %run_scoped3A = tpu.sem_alloc : memref<!tpu.dma_semaphore, #tpu.memory_space<semaphore_mem>>
        %dma_start3A_969 = arith.constant 0 : i32
        %dma_start3A_970 = tpu.memref_slice %arg3[%add3A_267, %dma_start3A_969] : memref<2560x128xi32, #tpu.memory_space<hbm>> -> memref<40x128xi32, #tpu.memory_space<hbm>>
        %dma_start3A_971 = arith.constant 0 : i32
        %dma_start3A_972 = tpu.memref_slice %arg3[%add3A_267, %dma_start3A_971] : memref<2560x128xi32, #tpu.memory_space<hbm>> -> memref<40x128xi32, #tpu.memory_space<hbm>>
        tpu.enqueue_dma source(%dma_start3A_972 : memref<40x128xi32, #tpu.memory_space<hbm>>) target(%arg6 : memref<40x128xi32, #tpu.memory_space<vmem>>) target_semaphore(%run_scoped3A : memref<!tpu.dma_semaphore, #tpu.memory_space<semaphore_mem>>)
        %dma_wait3A = arith.constant 0 : i32
        %dma_wait3A_973 = tpu.memref_slice %arg3[%add3A_267, %dma_wait3A] : memref<2560x128xi32, #tpu.memory_space<hbm>> -> memref<40x128xi32, #tpu.memory_space<hbm>>
        %dma_wait3A_974 = arith.constant 0 : i32
        %dma_wait3A_975 = tpu.memref_slice %arg3[%add3A_267, %dma_wait3A_974] : memref<2560x128xi32, #tpu.memory_space<hbm>> -> memref<40x128xi32, #tpu.memory_space<hbm>>
        tpu.wait_dma2 semaphore(%run_scoped3A : memref<!tpu.dma_semaphore, #tpu.memory_space<semaphore_mem>>) src(%dma_wait3A_975 : memref<40x128xi32, #tpu.memory_space<hbm>>) dst(%arg6 : memref<40x128xi32, #tpu.memory_space<vmem>>)
        tpu.yield
      }) : () -> ()
      "tpu.region"() ({
        %run_scoped3A = tpu.sem_alloc : memref<!tpu.dma_semaphore, #tpu.memory_space<semaphore_mem>>
        %dma_start3A_969 = arith.constant 0 : i32
        %dma_start3A_970 = tpu.memref_slice %arg4[%add3A_267, %dma_start3A_969] : memref<2560x128xi32, #tpu.memory_space<hbm>> -> memref<40x128xi32, #tpu.memory_space<hbm>>
        %dma_start3A_971 = arith.constant 0 : i32
        %dma_start3A_972 = tpu.memref_slice %arg4[%add3A_267, %dma_start3A_971] : memref<2560x128xi32, #tpu.memory_space<hbm>> -> memref<40x128xi32, #tpu.memory_space<hbm>>
        tpu.enqueue_dma source(%dma_start3A_972 : memref<40x128xi32, #tpu.memory_space<hbm>>) target(%arg7 : memref<40x128xi32, #tpu.memory_space<vmem>>) target_semaphore(%run_scoped3A : memref<!tpu.dma_semaphore, #tpu.memory_space<semaphore_mem>>)
        %dma_wait3A = arith.constant 0 : i32
        %dma_wait3A_973 = tpu.memref_slice %arg4[%add3A_267, %dma_wait3A] : memref<2560x128xi32, #tpu.memory_space<hbm>> -> memref<40x128xi32, #tpu.memory_space<hbm>>
        %dma_wait3A_974 = arith.constant 0 : i32
        %dma_wait3A_975 = tpu.memref_slice %arg4[%add3A_267, %dma_wait3A_974] : memref<2560x128xi32, #tpu.memory_space<hbm>> -> memref<40x128xi32, #tpu.memory_space<hbm>>
        tpu.wait_dma2 semaphore(%run_scoped3A : memref<!tpu.dma_semaphore, #tpu.memory_space<semaphore_mem>>) src(%dma_wait3A_975 : memref<40x128xi32, #tpu.memory_space<hbm>>) dst(%arg7 : memref<40x128xi32, #tpu.memory_space<vmem>>)
        tpu.yield
      }) : () -> ()
      %get3A_268 = arith.constant 0 : i32
      %get3A_269 = arith.index_cast %get3A_268 : i32 to index
      %get3A_270 = arith.constant 0 : index
      %get3A_271 = tpu.vector_load %arg6[%get3A_269, %get3A_270] {strides = array<i32>} : memref<40x128xi32, #tpu.memory_space<vmem>>, vector<1x16xi32>,
      %get3A_272 = vector.shape_cast %get3A_271 : vector<1x16xi32> to vector<16xi32>
      %add3A_273 = vector.broadcast %mul3A_26 : i32 to vector<16xi32>
      %add3A_274 = arith.addi %get3A_272, %add3A_273 : vector<16xi32>
      %swap3A_275 = arith.constant 0 : i32
      %swap3A_276 = arith.index_cast %swap3A_275 : i32 to index
      %swap3A_277 = arith.constant 0 : index
      %swap3A_278 = tpu.vector_load %arg8[%swap3A_276, %swap3A_277] {strides = array<i32>} : memref<2x128xi32, #tpu.memory_space<vmem>>, vector<1x16xi32>,
      %swap3A_279 = vector.shape_cast %swap3A_278 : vector<1x16xi32> to vector<16xi32>
      %swap3A_280 = vector.shape_cast %add3A_274 : vector<16xi32> to vector<1x16xi32>
      tpu.vector_store %arg8[%swap3A_276, %swap3A_277], %swap3A_280 {strides = array<i32>} : memref<2x128xi32, #tpu.memory_space<vmem>>, vector<1x16xi32>,
      %get3A_281 = arith.constant 0 : i32
      %get3A_282 = arith.index_cast %get3A_281 : i32 to index
      %get3A_283 = arith.constant 16 : index
      %get3A_284 = tpu.vector_load %arg6[%get3A_282, %get3A_283] {strides = array<i32>} : memref<40x128xi32, #tpu.memory_space<vmem>>, vector<1x16xi32>,
      %get3A_285 = vector.shape_cast %get3A_284 : vector<1x16xi32> to vector<16xi32>
      %add3A_286 = vector.broadcast %mul3A_26 : i32 to vector<16xi32>
      %add3A_287 = arith.addi %get3A_285, %add3A_286 : vector<16xi32>
      %swap3A_288 = arith.constant 0 : i32
      %swap3A_289 = arith.index_cast %swap3A_288 : i32 to index
      %swap3A_290 = arith.constant 16 : index
      %swap3A_291 = tpu.vector_load %arg8[%swap3A_289, %swap3A_290] {strides = array<i32>} : memref<2x128xi32, #tpu.memory_space<vmem>>, vector<1x16xi32>,
      %swap3A_292 = vector.shape_cast %swap3A_291 : vector<1x16xi32> to vector<16xi32>
      %swap3A_293 = vector.shape_cast %add3A_287 : vector<16xi32> to vector<1x16xi32>
      tpu.vector_store %arg8[%swap3A_289, %swap3A_290], %swap3A_293 {strides = array<i32>} : memref<2x128xi32, #tpu.memory_space<vmem>>, vector<1x16xi32>,
      %get3A_294 = arith.constant 0 : i32
      %get3A_295 = arith.index_cast %get3A_294 : i32 to index
      %get3A_296 = arith.constant 32 : index
      %get3A_297 = tpu.vector_load %arg6[%get3A_295, %get3A_296] {strides = array<i32>} : memref<40x128xi32, #tpu.memory_space<vmem>>, vector<1x16xi32>,
      %get3A_298 = vector.shape_cast %get3A_297 : vector<1x16xi32> to vector<16xi32>
      %add3A_299 = vector.broadcast %mul3A_26 : i32 to vector<16xi32>
      %add3A_300 = arith.addi %get3A_298, %add3A_299 : vector<16xi32>
      %swap3A_301 = arith.constant 0 : i32
      %swap3A_302 = arith.index_cast %swap3A_301 : i32 to index
      %swap3A_303 = arith.constant 32 : index
      %swap3A_304 = tpu.vector_load %arg8[%swap3A_302, %swap3A_303] {strides = array<i32>} : memref<2x128xi32, #tpu.memory_space<vmem>>, vector<1x16xi32>,
      %swap3A_305 = vector.shape_cast %swap3A_304 : vector<1x16xi32> to vector<16xi32>
      %swap3A_306 = vector.shape_cast %add3A_300 : vector<16xi32> to vector<1x16xi32>
      tpu.vector_store %arg8[%swap3A_302, %swap3A_303], %swap3A_306 {strides = array<i32>} : memref<2x128xi32, #tpu.memory_space<vmem>>, vector<1x16xi32>,
      %get3A_307 = arith.constant 0 : i32
      %get3A_308 = arith.index_cast %get3A_307 : i32 to index
      %get3A_309 = arith.constant 48 : index
      %get3A_310 = tpu.vector_load %arg6[%get3A_308, %get3A_309] {strides = array<i32>} : memref<40x128xi32, #tpu.memory_space<vmem>>, vector<1x16xi32>,
      %get3A_311 = vector.shape_cast %get3A_310 : vector<1x16xi32> to vector<16xi32>
      %add3A_312 = vector.broadcast %mul3A_26 : i32 to vector<16xi32>
      %add3A_313 = arith.addi %get3A_311, %add3A_312 : vector<16xi32>
      %swap3A_314 = arith.constant 0 : i32
      %swap3A_315 = arith.index_cast %swap3A_314 : i32 to index
      %swap3A_316 = arith.constant 48 : index
      %swap3A_317 = tpu.vector_load %arg8[%swap3A_315, %swap3A_316] {strides = array<i32>} : memref<2x128xi32, #tpu.memory_space<vmem>>, vector<1x16xi32>,
      %swap3A_318 = vector.shape_cast %swap3A_317 : vector<1x16xi32> to vector<16xi32>
      %swap3A_319 = vector.shape_cast %add3A_313 : vector<16xi32> to vector<1x16xi32>
      tpu.vector_store %arg8[%swap3A_315, %swap3A_316], %swap3A_319 {strides = array<i32>} : memref<2x128xi32, #tpu.memory_space<vmem>>, vector<1x16xi32>,
      %get3A_320 = arith.constant 0 : i32
      %get3A_321 = arith.index_cast %get3A_320 : i32 to index
      %get3A_322 = arith.constant 64 : index
      %get3A_323 = tpu.vector_load %arg6[%get3A_321, %get3A_322] {strides = array<i32>} : memref<40x128xi32, #tpu.memory_space<vmem>>, vector<1x16xi32>,
      %get3A_324 = vector.shape_cast %get3A_323 : vector<1x16xi32> to vector<16xi32>
      %add3A_325 = vector.broadcast %mul3A_26 : i32 to vector<16xi32>
      %add3A_326 = arith.addi %get3A_324, %add3A_325 : vector<16xi32>
      %swap3A_327 = arith.constant 0 : i32
      %swap3A_328 = arith.index_cast %swap3A_327 : i32 to index
      %swap3A_329 = arith.constant 64 : index
      %swap3A_330 = tpu.vector_load %arg8[%swap3A_328, %swap3A_329] {strides = array<i32>} : memref<2x128xi32, #tpu.memory_space<vmem>>, vector<1x16xi32>,
      %swap3A_331 = vector.shape_cast %swap3A_330 : vector<1x16xi32> to vector<16xi32>
      %swap3A_332 = vector.shape_cast %add3A_326 : vector<16xi32> to vector<1x16xi32>
      tpu.vector_store %arg8[%swap3A_328, %swap3A_329], %swap3A_332 {strides = array<i32>} : memref<2x128xi32, #tpu.memory_space<vmem>>, vector<1x16xi32>,
      %get3A_333 = arith.constant 0 : i32
      %get3A_334 = arith.index_cast %get3A_333 : i32 to index
      %get3A_335 = arith.constant 80 : index
      %get3A_336 = tpu.vector_load %arg6[%get3A_334, %get3A_335] {strides = array<i32>} : memref<40x128xi32, #tpu.memory_space<vmem>>, vector<1x16xi32>,
      %get3A_337 = vector.shape_cast %get3A_336 : vector<1x16xi32> to vector<16xi32>
      %add3A_338 = vector.broadcast %mul3A_26 : i32 to vector<16xi32>
      %add3A_339 = arith.addi %get3A_337, %add3A_338 : vector<16xi32>
      %swap3A_340 = arith.constant 0 : i32
      %swap3A_341 = arith.index_cast %swap3A_340 : i32 to index
      %swap3A_342 = arith.constant 80 : index
      %swap3A_343 = tpu.vector_load %arg8[%swap3A_341, %swap3A_342] {strides = array<i32>} : memref<2x128xi32, #tpu.memory_space<vmem>>, vector<1x16xi32>,
      %swap3A_344 = vector.shape_cast %swap3A_343 : vector<1x16xi32> to vector<16xi32>
      %swap3A_345 = vector.shape_cast %add3A_339 : vector<16xi32> to vector<1x16xi32>
      tpu.vector_store %arg8[%swap3A_341, %swap3A_342], %swap3A_345 {strides = array<i32>} : memref<2x128xi32, #tpu.memory_space<vmem>>, vector<1x16xi32>,
      %get3A_346 = arith.constant 0 : i32
      %get3A_347 = arith.index_cast %get3A_346 : i32 to index
      %get3A_348 = arith.constant 96 : index
      %get3A_349 = tpu.vector_load %arg6[%get3A_347, %get3A_348] {strides = array<i32>} : memref<40x128xi32, #tpu.memory_space<vmem>>, vector<1x16xi32>,
      %get3A_350 = vector.shape_cast %get3A_349 : vector<1x16xi32> to vector<16xi32>
      %add3A_351 = vector.broadcast %mul3A_26 : i32 to vector<16xi32>
      %add3A_352 = arith.addi %get3A_350, %add3A_351 : vector<16xi32>
      %swap3A_353 = arith.constant 0 : i32
      %swap3A_354 = arith.index_cast %swap3A_353 : i32 to index
      %swap3A_355 = arith.constant 96 : index
      %swap3A_356 = tpu.vector_load %arg8[%swap3A_354, %swap3A_355] {strides = array<i32>} : memref<2x128xi32, #tpu.memory_space<vmem>>, vector<1x16xi32>,
      %swap3A_357 = vector.shape_cast %swap3A_356 : vector<1x16xi32> to vector<16xi32>
      %swap3A_358 = vector.shape_cast %add3A_352 : vector<16xi32> to vector<1x16xi32>
      tpu.vector_store %arg8[%swap3A_354, %swap3A_355], %swap3A_358 {strides = array<i32>} : memref<2x128xi32, #tpu.memory_space<vmem>>, vector<1x16xi32>,
      %get3A_359 = arith.constant 0 : i32
      %get3A_360 = arith.index_cast %get3A_359 : i32 to index
      %get3A_361 = arith.constant 112 : index
      %get3A_362 = tpu.vector_load %arg6[%get3A_360, %get3A_361] {strides = array<i32>} : memref<40x128xi32, #tpu.memory_space<vmem>>, vector<1x16xi32>,
      %get3A_363 = vector.shape_cast %get3A_362 : vector<1x16xi32> to vector<16xi32>
      %add3A_364 = vector.broadcast %mul3A_26 : i32 to vector<16xi32>
      %add3A_365 = arith.addi %get3A_363, %add3A_364 : vector<16xi32>
      %swap3A_366 = arith.constant 0 : i32
      %swap3A_367 = arith.index_cast %swap3A_366 : i32 to index
      %swap3A_368 = arith.constant 112 : index
      %swap3A_369 = tpu.vector_load %arg8[%swap3A_367, %swap3A_368] {strides = array<i32>} : memref<2x128xi32, #tpu.memory_space<vmem>>, vector<1x16xi32>,
      %swap3A_370 = vector.shape_cast %swap3A_369 : vector<1x16xi32> to vector<16xi32>
      %swap3A_371 = vector.shape_cast %add3A_365 : vector<16xi32> to vector<1x16xi32>
      tpu.vector_store %arg8[%swap3A_367, %swap3A_368], %swap3A_371 {strides = array<i32>} : memref<2x128xi32, #tpu.memory_space<vmem>>, vector<1x16xi32>,
      %dma_start3A_372 = arith.constant 0 : i32
      %dma_start3A_373 = arith.constant 0 : i32
      %dma_start3A_374 = tpu.memref_slice %arg8[%dma_start3A_372, %dma_start3A_373] : memref<2x128xi32, #tpu.memory_space<vmem>> -> memref<1x128xi32, #tpu.memory_space<vmem>>
      %dma_start3A_375 = tpu.memref_squeeze %dma_start3A_374 : memref<1x128xi32, #tpu.memory_space<vmem>> -> memref<128xi32, #tpu.memory_space<vmem>>
      %dma_start3A_376 = arith.constant 0 : i32
      %dma_start3A_377 = arith.constant 0 : i32
      %dma_start3A_378 = tpu.memref_slice %arg2[%dma_start3A_376, %dma_start3A_377] : memref<60000x128xf32, #tpu.memory_space<hbm>> -> memref<60000x128xf32, #tpu.memory_space<hbm>>
      tpu.enqueue_indirect_dma source(%dma_start3A_378 : memref<60000x128xf32, #tpu.memory_space<hbm>>) target(%arg9 : memref<128x128xf32, #tpu.memory_space<vmem>>) offsets(%dma_start3A_375 : memref<128xi32, #tpu.memory_space<vmem>>) semaphore(%arg13 : memref<!tpu.dma_semaphore, #tpu.memory_space<semaphore_mem>>)
      %get3A_379 = arith.constant 1 : i32
      %get3A_380 = arith.index_cast %get3A_379 : i32 to index
      %get3A_381 = arith.constant 0 : index
      %get3A_382 = tpu.vector_load %arg6[%get3A_380, %get3A_381] {strides = array<i32>} : memref<40x128xi32, #tpu.memory_space<vmem>>, vector<1x16xi32>,
      %get3A_383 = vector.shape_cast %get3A_382 : vector<1x16xi32> to vector<16xi32>
      %add3A_384 = vector.broadcast %mul3A_26 : i32 to vector<16xi32>
      %add3A_385 = arith.addi %get3A_383, %add3A_384 : vector<16xi32>
      %swap3A_386 = arith.constant 1 : i32
      %swap3A_387 = arith.index_cast %swap3A_386 : i32 to index
      %swap3A_388 = arith.constant 0 : index
      %swap3A_389 = tpu.vector_load %arg8[%swap3A_387, %swap3A_388] {strides = array<i32>} : memref<2x128xi32, #tpu.memory_space<vmem>>, vector<1x16xi32>,
      %swap3A_390 = vector.shape_cast %swap3A_389 : vector<1x16xi32> to vector<16xi32>
      %swap3A_391 = vector.shape_cast %add3A_385 : vector<16xi32> to vector<1x16xi32>
      tpu.vector_store %arg8[%swap3A_387, %swap3A_388], %swap3A_391 {strides = array<i32>} : memref<2x128xi32, #tpu.memory_space<vmem>>, vector<1x16xi32>,
      %get3A_392 = arith.constant 1 : i32
      %get3A_393 = arith.index_cast %get3A_392 : i32 to index
      %get3A_394 = arith.constant 16 : index
      %get3A_395 = tpu.vector_load %arg6[%get3A_393, %get3A_394] {strides = array<i32>} : memref<40x128xi32, #tpu.memory_space<vmem>>, vector<1x16xi32>,
      %get3A_396 = vector.shape_cast %get3A_395 : vector<1x16xi32> to vector<16xi32>
      %add3A_397 = vector.broadcast %mul3A_26 : i32 to vector<16xi32>
      %add3A_398 = arith.addi %get3A_396, %add3A_397 : vector<16xi32>
      %swap3A_399 = arith.constant 1 : i32
      %swap3A_400 = arith.index_cast %swap3A_399 : i32 to index
      %swap3A_401 = arith.constant 16 : index
      %swap3A_402 = tpu.vector_load %arg8[%swap3A_400, %swap3A_401] {strides = array<i32>} : memref<2x128xi32, #tpu.memory_space<vmem>>, vector<1x16xi32>,
      %swap3A_403 = vector.shape_cast %swap3A_402 : vector<1x16xi32> to vector<16xi32>
      %swap3A_404 = vector.shape_cast %add3A_398 : vector<16xi32> to vector<1x16xi32>
      tpu.vector_store %arg8[%swap3A_400, %swap3A_401], %swap3A_404 {strides = array<i32>} : memref<2x128xi32, #tpu.memory_space<vmem>>, vector<1x16xi32>,
      %get3A_405 = arith.constant 1 : i32
      %get3A_406 = arith.index_cast %get3A_405 : i32 to index
      %get3A_407 = arith.constant 32 : index
      %get3A_408 = tpu.vector_load %arg6[%get3A_406, %get3A_407] {strides = array<i32>} : memref<40x128xi32, #tpu.memory_space<vmem>>, vector<1x16xi32>,
      %get3A_409 = vector.shape_cast %get3A_408 : vector<1x16xi32> to vector<16xi32>
      %add3A_410 = vector.broadcast %mul3A_26 : i32 to vector<16xi32>
      %add3A_411 = arith.addi %get3A_409, %add3A_410 : vector<16xi32>
      %swap3A_412 = arith.constant 1 : i32
      %swap3A_413 = arith.index_cast %swap3A_412 : i32 to index
      %swap3A_414 = arith.constant 32 : index
      %swap3A_415 = tpu.vector_load %arg8[%swap3A_413, %swap3A_414] {strides = array<i32>} : memref<2x128xi32, #tpu.memory_space<vmem>>, vector<1x16xi32>,
      %swap3A_416 = vector.shape_cast %swap3A_415 : vector<1x16xi32> to vector<16xi32>
      %swap3A_417 = vector.shape_cast %add3A_411 : vector<16xi32> to vector<1x16xi32>
      tpu.vector_store %arg8[%swap3A_413, %swap3A_414], %swap3A_417 {strides = array<i32>} : memref<2x128xi32, #tpu.memory_space<vmem>>, vector<1x16xi32>,
      %get3A_418 = arith.constant 1 : i32
      %get3A_419 = arith.index_cast %get3A_418 : i32 to index
      %get3A_420 = arith.constant 48 : index
      %get3A_421 = tpu.vector_load %arg6[%get3A_419, %get3A_420] {strides = array<i32>} : memref<40x128xi32, #tpu.memory_space<vmem>>, vector<1x16xi32>,
      %get3A_422 = vector.shape_cast %get3A_421 : vector<1x16xi32> to vector<16xi32>
      %add3A_423 = vector.broadcast %mul3A_26 : i32 to vector<16xi32>
      %add3A_424 = arith.addi %get3A_422, %add3A_423 : vector<16xi32>
      %swap3A_425 = arith.constant 1 : i32
      %swap3A_426 = arith.index_cast %swap3A_425 : i32 to index
      %swap3A_427 = arith.constant 48 : index
      %swap3A_428 = tpu.vector_load %arg8[%swap3A_426, %swap3A_427] {strides = array<i32>} : memref<2x128xi32, #tpu.memory_space<vmem>>, vector<1x16xi32>,
      %swap3A_429 = vector.shape_cast %swap3A_428 : vector<1x16xi32> to vector<16xi32>
      %swap3A_430 = vector.shape_cast %add3A_424 : vector<16xi32> to vector<1x16xi32>
      tpu.vector_store %arg8[%swap3A_426, %swap3A_427], %swap3A_430 {strides = array<i32>} : memref<2x128xi32, #tpu.memory_space<vmem>>, vector<1x16xi32>,
      %get3A_431 = arith.constant 1 : i32
      %get3A_432 = arith.index_cast %get3A_431 : i32 to index
      %get3A_433 = arith.constant 64 : index
      %get3A_434 = tpu.vector_load %arg6[%get3A_432, %get3A_433] {strides = array<i32>} : memref<40x128xi32, #tpu.memory_space<vmem>>, vector<1x16xi32>,
      %get3A_435 = vector.shape_cast %get3A_434 : vector<1x16xi32> to vector<16xi32>
      %add3A_436 = vector.broadcast %mul3A_26 : i32 to vector<16xi32>
      %add3A_437 = arith.addi %get3A_435, %add3A_436 : vector<16xi32>
      %swap3A_438 = arith.constant 1 : i32
      %swap3A_439 = arith.index_cast %swap3A_438 : i32 to index
      %swap3A_440 = arith.constant 64 : index
      %swap3A_441 = tpu.vector_load %arg8[%swap3A_439, %swap3A_440] {strides = array<i32>} : memref<2x128xi32, #tpu.memory_space<vmem>>, vector<1x16xi32>,
      %swap3A_442 = vector.shape_cast %swap3A_441 : vector<1x16xi32> to vector<16xi32>
      %swap3A_443 = vector.shape_cast %add3A_437 : vector<16xi32> to vector<1x16xi32>
      tpu.vector_store %arg8[%swap3A_439, %swap3A_440], %swap3A_443 {strides = array<i32>} : memref<2x128xi32, #tpu.memory_space<vmem>>, vector<1x16xi32>,
      %get3A_444 = arith.constant 1 : i32
      %get3A_445 = arith.index_cast %get3A_444 : i32 to index
      %get3A_446 = arith.constant 80 : index
      %get3A_447 = tpu.vector_load %arg6[%get3A_445, %get3A_446] {strides = array<i32>} : memref<40x128xi32, #tpu.memory_space<vmem>>, vector<1x16xi32>,
      %get3A_448 = vector.shape_cast %get3A_447 : vector<1x16xi32> to vector<16xi32>
      %add3A_449 = vector.broadcast %mul3A_26 : i32 to vector<16xi32>
      %add3A_450 = arith.addi %get3A_448, %add3A_449 : vector<16xi32>
      %swap3A_451 = arith.constant 1 : i32
      %swap3A_452 = arith.index_cast %swap3A_451 : i32 to index
      %swap3A_453 = arith.constant 80 : index
      %swap3A_454 = tpu.vector_load %arg8[%swap3A_452, %swap3A_453] {strides = array<i32>} : memref<2x128xi32, #tpu.memory_space<vmem>>, vector<1x16xi32>,
      %swap3A_455 = vector.shape_cast %swap3A_454 : vector<1x16xi32> to vector<16xi32>
      %swap3A_456 = vector.shape_cast %add3A_450 : vector<16xi32> to vector<1x16xi32>
      tpu.vector_store %arg8[%swap3A_452, %swap3A_453], %swap3A_456 {strides = array<i32>} : memref<2x128xi32, #tpu.memory_space<vmem>>, vector<1x16xi32>,
      %get3A_457 = arith.constant 1 : i32
      %get3A_458 = arith.index_cast %get3A_457 : i32 to index
      %get3A_459 = arith.constant 96 : index
      %get3A_460 = tpu.vector_load %arg6[%get3A_458, %get3A_459] {strides = array<i32>} : memref<40x128xi32, #tpu.memory_space<vmem>>, vector<1x16xi32>,
      %get3A_461 = vector.shape_cast %get3A_460 : vector<1x16xi32> to vector<16xi32>
      %add3A_462 = vector.broadcast %mul3A_26 : i32 to vector<16xi32>
      %add3A_463 = arith.addi %get3A_461, %add3A_462 : vector<16xi32>
      %swap3A_464 = arith.constant 1 : i32
      %swap3A_465 = arith.index_cast %swap3A_464 : i32 to index
      %swap3A_466 = arith.constant 96 : index
      %swap3A_467 = tpu.vector_load %arg8[%swap3A_465, %swap3A_466] {strides = array<i32>} : memref<2x128xi32, #tpu.memory_space<vmem>>, vector<1x16xi32>,
      %swap3A_468 = vector.shape_cast %swap3A_467 : vector<1x16xi32> to vector<16xi32>
      %swap3A_469 = vector.shape_cast %add3A_463 : vector<16xi32> to vector<1x16xi32>
      tpu.vector_store %arg8[%swap3A_465, %swap3A_466], %swap3A_469 {strides = array<i32>} : memref<2x128xi32, #tpu.memory_space<vmem>>, vector<1x16xi32>,
      %get3A_470 = arith.constant 1 : i32
      %get3A_471 = arith.index_cast %get3A_470 : i32 to index
      %get3A_472 = arith.constant 112 : index
      %get3A_473 = tpu.vector_load %arg6[%get3A_471, %get3A_472] {strides = array<i32>} : memref<40x128xi32, #tpu.memory_space<vmem>>, vector<1x16xi32>,
      %get3A_474 = vector.shape_cast %get3A_473 : vector<1x16xi32> to vector<16xi32>
      %add3A_475 = vector.broadcast %mul3A_26 : i32 to vector<16xi32>
      %add3A_476 = arith.addi %get3A_474, %add3A_475 : vector<16xi32>
      %swap3A_477 = arith.constant 1 : i32
      %swap3A_478 = arith.index_cast %swap3A_477 : i32 to index
      %swap3A_479 = arith.constant 112 : index
      %swap3A_480 = tpu.vector_load %arg8[%swap3A_478, %swap3A_479] {strides = array<i32>} : memref<2x128xi32, #tpu.memory_space<vmem>>, vector<1x16xi32>,
      %swap3A_481 = vector.shape_cast %swap3A_480 : vector<1x16xi32> to vector<16xi32>
      %swap3A_482 = vector.shape_cast %add3A_476 : vector<16xi32> to vector<1x16xi32>
      tpu.vector_store %arg8[%swap3A_478, %swap3A_479], %swap3A_482 {strides = array<i32>} : memref<2x128xi32, #tpu.memory_space<vmem>>, vector<1x16xi32>,
      %dma_start3A_483 = arith.constant 1 : i32
      %dma_start3A_484 = arith.constant 0 : i32
      %dma_start3A_485 = tpu.memref_slice %arg8[%dma_start3A_483, %dma_start3A_484] : memref<2x128xi32, #tpu.memory_space<vmem>> -> memref<1x128xi32, #tpu.memory_space<vmem>>
      %dma_start3A_486 = tpu.memref_squeeze %dma_start3A_485 : memref<1x128xi32, #tpu.memory_space<vmem>> -> memref<128xi32, #tpu.memory_space<vmem>>
      %dma_start3A_487 = arith.constant 0 : i32
      %dma_start3A_488 = arith.constant 0 : i32
      %dma_start3A_489 = tpu.memref_slice %arg2[%dma_start3A_487, %dma_start3A_488] : memref<60000x128xf32, #tpu.memory_space<hbm>> -> memref<60000x128xf32, #tpu.memory_space<hbm>>
      tpu.enqueue_indirect_dma source(%dma_start3A_489 : memref<60000x128xf32, #tpu.memory_space<hbm>>) target(%arg10 : memref<128x128xf32, #tpu.memory_space<vmem>>) offsets(%dma_start3A_486 : memref<128xi32, #tpu.memory_space<vmem>>) semaphore(%arg14 : memref<!tpu.dma_semaphore, #tpu.memory_space<semaphore_mem>>)
      %scan3A_490 = arith.constant 0 : i32
      %scan3A_491 = arith.constant 0 : i32
      %scan3A_492 = arith.constant 20 : i32
      %scan3A_493 = arith.addi %scan3A_491, %scan3A_492 : i32
      %scan3A_494 = arith.constant 1 : i32
      %scan3A_495 = scf.for %scan3A_969 = %scan3A_491 to %scan3A_493 step %scan3A_494 iter_args(%scan3A_970 = %scan3A_490) -> (i32)  : i32 {
        %mul3A_971 = arith.constant 2 : i32
        %mul3A_972 = arith.muli %mul3A_971, %scan3A_969 : i32
        %add3A_973 = arith.constant 0 : i32
        %add3A_974 = arith.addi %mul3A_972, %add3A_973 : i32
        %dma_wait3A = arith.constant 0 : i32
        %dma_wait3A_975 = arith.constant 0 : i32
        %dma_wait3A_976 = tpu.memref_slice %arg8[%dma_wait3A, %dma_wait3A_975] : memref<2x128xi32, #tpu.memory_space<vmem>> -> memref<1x128xi32, #tpu.memory_space<vmem>>
        %dma_wait3A_977 = tpu.memref_squeeze %dma_wait3A_976 : memref<1x128xi32, #tpu.memory_space<vmem>> -> memref<128xi32, #tpu.memory_space<vmem>>
        %dma_wait3A_978 = arith.constant 0 : i32
        %dma_wait3A_979 = arith.constant 0 : i32
        %dma_wait3A_980 = tpu.memref_slice %arg2[%dma_wait3A_978, %dma_wait3A_979] : memref<60000x128xf32, #tpu.memory_space<hbm>> -> memref<60000x128xf32, #tpu.memory_space<hbm>>
        tpu.wait_indirect_dma semaphore(%arg13 : memref<!tpu.dma_semaphore, #tpu.memory_space<semaphore_mem>>) src(%dma_wait3A_980 : memref<60000x128xf32, #tpu.memory_space<hbm>>) dst(%arg9 : memref<128x128xf32, #tpu.memory_space<vmem>>)
        %dma_start3A_981 = arith.constant 0 : i32
        %dma_start3A_982 = tpu.memref_slice %arg7[%add3A_974, %dma_start3A_981] : memref<40x128xi32, #tpu.memory_space<vmem>> -> memref<1x128xi32, #tpu.memory_space<vmem>>
        %dma_start3A_983 = tpu.memref_squeeze %dma_start3A_982 : memref<1x128xi32, #tpu.memory_space<vmem>> -> memref<128xi32, #tpu.memory_space<vmem>>
        %dma_start3A_984 = arith.constant 0 : i32
        %dma_start3A_985 = arith.constant 0 : i32
        %dma_start3A_986 = tpu.memref_slice %arg12[%dma_start3A_984, %dma_start3A_985] : memref<10240x128xf32, #tpu.memory_space<vmem_shared>> -> memref<10240x128xf32, #tpu.memory_space<vmem_shared>>
        tpu.enqueue_indirect_dma source(%arg9 : memref<128x128xf32, #tpu.memory_space<vmem>>) target(%dma_start3A_986 : memref<10240x128xf32, #tpu.memory_space<vmem_shared>>) offsets(%dma_start3A_983 : memref<128xi32, #tpu.memory_space<vmem>>) semaphore(%arg15 : memref<!tpu.dma_semaphore, #tpu.memory_space<semaphore_mem>>) {add = true}
        %add3A_987 = arith.constant 2 : i32
        %add3A_988 = arith.addi %add3A_974, %add3A_987 : i32
        %lt3A = arith.constant 40 : i32
        %lt3A_989 = arith.cmpi slt, %add3A_988, %lt3A : i32
        %convert_element_type3A = arith.extui %lt3A_989 : i1 to i32
        %cond3A = arith.constant 0 : i32
        %cond3A_990 = arith.cmpi ne, %convert_element_type3A, %cond3A : i32
        scf.if %cond3A_990 {
          %add3A_1042 = arith.constant 2 : i32
          %add3A_1043 = arith.addi %add3A_974, %add3A_1042 : i32
          %get3A_1044 = arith.index_cast %add3A_1043 : i32 to index
          %get3A_1045 = arith.constant 0 : index
          %get3A_1046 = tpu.vector_load %arg6[%get3A_1044, %get3A_1045] {strides = array<i32>} : memref<40x128xi32, #tpu.memory_space<vmem>>, vector<1x16xi32>,
          %get3A_1047 = vector.shape_cast %get3A_1046 : vector<1x16xi32> to vector<16xi32>
          %add3A_1048 = vector.broadcast %mul3A_26 : i32 to vector<16xi32>
          %add3A_1049 = arith.addi %get3A_1047, %add3A_1048 : vector<16xi32>
          %swap3A_1050 = arith.constant 0 : i32
          %swap3A_1051 = arith.index_cast %swap3A_1050 : i32 to index
          %swap3A_1052 = arith.constant 0 : index
          %swap3A_1053 = tpu.vector_load %arg8[%swap3A_1051, %swap3A_1052] {strides = array<i32>} : memref<2x128xi32, #tpu.memory_space<vmem>>, vector<1x16xi32>,
          %swap3A_1054 = vector.shape_cast %swap3A_1053 : vector<1x16xi32> to vector<16xi32>
          %swap3A_1055 = vector.shape_cast %add3A_1049 : vector<16xi32> to vector<1x16xi32>
          tpu.vector_store %arg8[%swap3A_1051, %swap3A_1052], %swap3A_1055 {strides = array<i32>} : memref<2x128xi32, #tpu.memory_space<vmem>>, vector<1x16xi32>,
          %get3A_1056 = arith.index_cast %add3A_1043 : i32 to index
          %get3A_1057 = arith.constant 16 : index
          %get3A_1058 = tpu.vector_load %arg6[%get3A_1056, %get3A_1057] {strides = array<i32>} : memref<40x128xi32, #tpu.memory_space<vmem>>, vector<1x16xi32>,
          %get3A_1059 = vector.shape_cast %get3A_1058 : vector<1x16xi32> to vector<16xi32>
          %add3A_1060 = vector.broadcast %mul3A_26 : i32 to vector<16xi32>
          %add3A_1061 = arith.addi %get3A_1059, %add3A_1060 : vector<16xi32>
          %swap3A_1062 = arith.constant 0 : i32
          %swap3A_1063 = arith.index_cast %swap3A_1062 : i32 to index
          %swap3A_1064 = arith.constant 16 : index
          %swap3A_1065 = tpu.vector_load %arg8[%swap3A_1063, %swap3A_1064] {strides = array<i32>} : memref<2x128xi32, #tpu.memory_space<vmem>>, vector<1x16xi32>,
          %swap3A_1066 = vector.shape_cast %swap3A_1065 : vector<1x16xi32> to vector<16xi32>
          %swap3A_1067 = vector.shape_cast %add3A_1061 : vector<16xi32> to vector<1x16xi32>
          tpu.vector_store %arg8[%swap3A_1063, %swap3A_1064], %swap3A_1067 {strides = array<i32>} : memref<2x128xi32, #tpu.memory_space<vmem>>, vector<1x16xi32>,
          %get3A_1068 = arith.index_cast %add3A_1043 : i32 to index
          %get3A_1069 = arith.constant 32 : index
          %get3A_1070 = tpu.vector_load %arg6[%get3A_1068, %get3A_1069] {strides = array<i32>} : memref<40x128xi32, #tpu.memory_space<vmem>>, vector<1x16xi32>,
          %get3A_1071 = vector.shape_cast %get3A_1070 : vector<1x16xi32> to vector<16xi32>
          %add3A_1072 = vector.broadcast %mul3A_26 : i32 to vector<16xi32>
          %add3A_1073 = arith.addi %get3A_1071, %add3A_1072 : vector<16xi32>
          %swap3A_1074 = arith.constant 0 : i32
          %swap3A_1075 = arith.index_cast %swap3A_1074 : i32 to index
          %swap3A_1076 = arith.constant 32 : index
          %swap3A_1077 = tpu.vector_load %arg8[%swap3A_1075, %swap3A_1076] {strides = array<i32>} : memref<2x128xi32, #tpu.memory_space<vmem>>, vector<1x16xi32>,
          %swap3A_1078 = vector.shape_cast %swap3A_1077 : vector<1x16xi32> to vector<16xi32>
          %swap3A_1079 = vector.shape_cast %add3A_1073 : vector<16xi32> to vector<1x16xi32>
          tpu.vector_store %arg8[%swap3A_1075, %swap3A_1076], %swap3A_1079 {strides = array<i32>} : memref<2x128xi32, #tpu.memory_space<vmem>>, vector<1x16xi32>,
          %get3A_1080 = arith.index_cast %add3A_1043 : i32 to index
          %get3A_1081 = arith.constant 48 : index
          %get3A_1082 = tpu.vector_load %arg6[%get3A_1080, %get3A_1081] {strides = array<i32>} : memref<40x128xi32, #tpu.memory_space<vmem>>, vector<1x16xi32>,
          %get3A_1083 = vector.shape_cast %get3A_1082 : vector<1x16xi32> to vector<16xi32>
          %add3A_1084 = vector.broadcast %mul3A_26 : i32 to vector<16xi32>
          %add3A_1085 = arith.addi %get3A_1083, %add3A_1084 : vector<16xi32>
          %swap3A_1086 = arith.constant 0 : i32
          %swap3A_1087 = arith.index_cast %swap3A_1086 : i32 to index
          %swap3A_1088 = arith.constant 48 : index
          %swap3A_1089 = tpu.vector_load %arg8[%swap3A_1087, %swap3A_1088] {strides = array<i32>} : memref<2x128xi32, #tpu.memory_space<vmem>>, vector<1x16xi32>,
          %swap3A_1090 = vector.shape_cast %swap3A_1089 : vector<1x16xi32> to vector<16xi32>
          %swap3A_1091 = vector.shape_cast %add3A_1085 : vector<16xi32> to vector<1x16xi32>
          tpu.vector_store %arg8[%swap3A_1087, %swap3A_1088], %swap3A_1091 {strides = array<i32>} : memref<2x128xi32, #tpu.memory_space<vmem>>, vector<1x16xi32>,
          %get3A_1092 = arith.index_cast %add3A_1043 : i32 to index
          %get3A_1093 = arith.constant 64 : index
          %get3A_1094 = tpu.vector_load %arg6[%get3A_1092, %get3A_1093] {strides = array<i32>} : memref<40x128xi32, #tpu.memory_space<vmem>>, vector<1x16xi32>,
          %get3A_1095 = vector.shape_cast %get3A_1094 : vector<1x16xi32> to vector<16xi32>
          %add3A_1096 = vector.broadcast %mul3A_26 : i32 to vector<16xi32>
          %add3A_1097 = arith.addi %get3A_1095, %add3A_1096 : vector<16xi32>
          %swap3A_1098 = arith.constant 0 : i32
          %swap3A_1099 = arith.index_cast %swap3A_1098 : i32 to index
          %swap3A_1100 = arith.constant 64 : index
          %swap3A_1101 = tpu.vector_load %arg8[%swap3A_1099, %swap3A_1100] {strides = array<i32>} : memref<2x128xi32, #tpu.memory_space<vmem>>, vector<1x16xi32>,
          %swap3A_1102 = vector.shape_cast %swap3A_1101 : vector<1x16xi32> to vector<16xi32>
          %swap3A_1103 = vector.shape_cast %add3A_1097 : vector<16xi32> to vector<1x16xi32>
          tpu.vector_store %arg8[%swap3A_1099, %swap3A_1100], %swap3A_1103 {strides = array<i32>} : memref<2x128xi32, #tpu.memory_space<vmem>>, vector<1x16xi32>,
          %get3A_1104 = arith.index_cast %add3A_1043 : i32 to index
          %get3A_1105 = arith.constant 80 : index
          %get3A_1106 = tpu.vector_load %arg6[%get3A_1104, %get3A_1105] {strides = array<i32>} : memref<40x128xi32, #tpu.memory_space<vmem>>, vector<1x16xi32>,
          %get3A_1107 = vector.shape_cast %get3A_1106 : vector<1x16xi32> to vector<16xi32>
          %add3A_1108 = vector.broadcast %mul3A_26 : i32 to vector<16xi32>
          %add3A_1109 = arith.addi %get3A_1107, %add3A_1108 : vector<16xi32>
          %swap3A_1110 = arith.constant 0 : i32
          %swap3A_1111 = arith.index_cast %swap3A_1110 : i32 to index
          %swap3A_1112 = arith.constant 80 : index
          %swap3A_1113 = tpu.vector_load %arg8[%swap3A_1111, %swap3A_1112] {strides = array<i32>} : memref<2x128xi32, #tpu.memory_space<vmem>>, vector<1x16xi32>,
          %swap3A_1114 = vector.shape_cast %swap3A_1113 : vector<1x16xi32> to vector<16xi32>
          %swap3A_1115 = vector.shape_cast %add3A_1109 : vector<16xi32> to vector<1x16xi32>
          tpu.vector_store %arg8[%swap3A_1111, %swap3A_1112], %swap3A_1115 {strides = array<i32>} : memref<2x128xi32, #tpu.memory_space<vmem>>, vector<1x16xi32>,
          %get3A_1116 = arith.index_cast %add3A_1043 : i32 to index
          %get3A_1117 = arith.constant 96 : index
          %get3A_1118 = tpu.vector_load %arg6[%get3A_1116, %get3A_1117] {strides = array<i32>} : memref<40x128xi32, #tpu.memory_space<vmem>>, vector<1x16xi32>,
          %get3A_1119 = vector.shape_cast %get3A_1118 : vector<1x16xi32> to vector<16xi32>
          %add3A_1120 = vector.broadcast %mul3A_26 : i32 to vector<16xi32>
          %add3A_1121 = arith.addi %get3A_1119, %add3A_1120 : vector<16xi32>
          %swap3A_1122 = arith.constant 0 : i32
          %swap3A_1123 = arith.index_cast %swap3A_1122 : i32 to index
          %swap3A_1124 = arith.constant 96 : index
          %swap3A_1125 = tpu.vector_load %arg8[%swap3A_1123, %swap3A_1124] {strides = array<i32>} : memref<2x128xi32, #tpu.memory_space<vmem>>, vector<1x16xi32>,
          %swap3A_1126 = vector.shape_cast %swap3A_1125 : vector<1x16xi32> to vector<16xi32>
          %swap3A_1127 = vector.shape_cast %add3A_1121 : vector<16xi32> to vector<1x16xi32>
          tpu.vector_store %arg8[%swap3A_1123, %swap3A_1124], %swap3A_1127 {strides = array<i32>} : memref<2x128xi32, #tpu.memory_space<vmem>>, vector<1x16xi32>,
          %get3A_1128 = arith.index_cast %add3A_1043 : i32 to index
          %get3A_1129 = arith.constant 112 : index
          %get3A_1130 = tpu.vector_load %arg6[%get3A_1128, %get3A_1129] {strides = array<i32>} : memref<40x128xi32, #tpu.memory_space<vmem>>, vector<1x16xi32>,
          %get3A_1131 = vector.shape_cast %get3A_1130 : vector<1x16xi32> to vector<16xi32>
          %add3A_1132 = vector.broadcast %mul3A_26 : i32 to vector<16xi32>
          %add3A_1133 = arith.addi %get3A_1131, %add3A_1132 : vector<16xi32>
          %swap3A_1134 = arith.constant 0 : i32
          %swap3A_1135 = arith.index_cast %swap3A_1134 : i32 to index
          %swap3A_1136 = arith.constant 112 : index
          %swap3A_1137 = tpu.vector_load %arg8[%swap3A_1135, %swap3A_1136] {strides = array<i32>} : memref<2x128xi32, #tpu.memory_space<vmem>>, vector<1x16xi32>,
          %swap3A_1138 = vector.shape_cast %swap3A_1137 : vector<1x16xi32> to vector<16xi32>
          %swap3A_1139 = vector.shape_cast %add3A_1133 : vector<16xi32> to vector<1x16xi32>
          tpu.vector_store %arg8[%swap3A_1135, %swap3A_1136], %swap3A_1139 {strides = array<i32>} : memref<2x128xi32, #tpu.memory_space<vmem>>, vector<1x16xi32>,
        } else {
        }
        %dma_wait3A_991 = arith.constant 0 : i32
        %dma_wait3A_992 = tpu.memref_slice %arg7[%add3A_974, %dma_wait3A_991] : memref<40x128xi32, #tpu.memory_space<vmem>> -> memref<1x128xi32, #tpu.memory_space<vmem>>
        %dma_wait3A_993 = tpu.memref_squeeze %dma_wait3A_992 : memref<1x128xi32, #tpu.memory_space<vmem>> -> memref<128xi32, #tpu.memory_space<vmem>>
        %dma_wait3A_994 = arith.constant 0 : i32
        %dma_wait3A_995 = arith.constant 0 : i32
        %dma_wait3A_996 = tpu.memref_slice %arg12[%dma_wait3A_994, %dma_wait3A_995] : memref<10240x128xf32, #tpu.memory_space<vmem_shared>> -> memref<10240x128xf32, #tpu.memory_space<vmem_shared>>
        tpu.wait_indirect_dma semaphore(%arg15 : memref<!tpu.dma_semaphore, #tpu.memory_space<semaphore_mem>>) src(%arg9 : memref<128x128xf32, #tpu.memory_space<vmem>>) dst(%dma_wait3A_996 : memref<10240x128xf32, #tpu.memory_space<vmem_shared>>)
        %add3A_997 = arith.constant 2 : i32
        %add3A_998 = arith.addi %add3A_974, %add3A_997 : i32
        %lt3A_999 = arith.constant 40 : i32
        %lt3A_1000 = arith.cmpi slt, %add3A_998, %lt3A_999 : i32
        %convert_element_type3A_1001 = arith.extui %lt3A_1000 : i1 to i32
        %cond3A_1002 = arith.constant 0 : i32
        %cond3A_1003 = arith.cmpi ne, %convert_element_type3A_1001, %cond3A_1002 : i32
        scf.if %cond3A_1003 {
          %dma_start3A_1042 = arith.constant 0 : i32
          %dma_start3A_1043 = arith.constant 0 : i32
          %dma_start3A_1044 = tpu.memref_slice %arg8[%dma_start3A_1042, %dma_start3A_1043] : memref<2x128xi32, #tpu.memory_space<vmem>> -> memref<1x128xi32, #tpu.memory_space<vmem>>
          %dma_start3A_1045 = tpu.memref_squeeze %dma_start3A_1044 : memref<1x128xi32, #tpu.memory_space<vmem>> -> memref<128xi32, #tpu.memory_space<vmem>>
          %dma_start3A_1046 = arith.constant 0 : i32
          %dma_start3A_1047 = arith.constant 0 : i32
          %dma_start3A_1048 = tpu.memref_slice %arg2[%dma_start3A_1046, %dma_start3A_1047] : memref<60000x128xf32, #tpu.memory_space<hbm>> -> memref<60000x128xf32, #tpu.memory_space<hbm>>
          tpu.enqueue_indirect_dma source(%dma_start3A_1048 : memref<60000x128xf32, #tpu.memory_space<hbm>>) target(%arg9 : memref<128x128xf32, #tpu.memory_space<vmem>>) offsets(%dma_start3A_1045 : memref<128xi32, #tpu.memory_space<vmem>>) semaphore(%arg13 : memref<!tpu.dma_semaphore, #tpu.memory_space<semaphore_mem>>)
        } else {
        }
        %mul3A_1004 = arith.constant 2 : i32
        %mul3A_1005 = arith.muli %mul3A_1004, %scan3A_969 : i32
        %add3A_1006 = arith.constant 1 : i32
        %add3A_1007 = arith.addi %mul3A_1005, %add3A_1006 : i32
        %dma_wait3A_1008 = arith.constant 1 : i32
        %dma_wait3A_1009 = arith.constant 0 : i32
        %dma_wait3A_1010 = tpu.memref_slice %arg8[%dma_wait3A_1008, %dma_wait3A_1009] : memref<2x128xi32, #tpu.memory_space<vmem>> -> memref<1x128xi32, #tpu.memory_space<vmem>>
        %dma_wait3A_1011 = tpu.memref_squeeze %dma_wait3A_1010 : memref<1x128xi32, #tpu.memory_space<vmem>> -> memref<128xi32, #tpu.memory_space<vmem>>
        %dma_wait3A_1012 = arith.constant 0 : i32
        %dma_wait3A_1013 = arith.constant 0 : i32
        %dma_wait3A_1014 = tpu.memref_slice %arg2[%dma_wait3A_1012, %dma_wait3A_1013] : memref<60000x128xf32, #tpu.memory_space<hbm>> -> memref<60000x128xf32, #tpu.memory_space<hbm>>
        tpu.wait_indirect_dma semaphore(%arg14 : memref<!tpu.dma_semaphore, #tpu.memory_space<semaphore_mem>>) src(%dma_wait3A_1014 : memref<60000x128xf32, #tpu.memory_space<hbm>>) dst(%arg10 : memref<128x128xf32, #tpu.memory_space<vmem>>)
        %dma_start3A_1015 = arith.constant 0 : i32
        %dma_start3A_1016 = tpu.memref_slice %arg7[%add3A_1007, %dma_start3A_1015] : memref<40x128xi32, #tpu.memory_space<vmem>> -> memref<1x128xi32, #tpu.memory_space<vmem>>
        %dma_start3A_1017 = tpu.memref_squeeze %dma_start3A_1016 : memref<1x128xi32, #tpu.memory_space<vmem>> -> memref<128xi32, #tpu.memory_space<vmem>>
        %dma_start3A_1018 = arith.constant 0 : i32
        %dma_start3A_1019 = arith.constant 0 : i32
        %dma_start3A_1020 = tpu.memref_slice %arg12[%dma_start3A_1018, %dma_start3A_1019] : memref<10240x128xf32, #tpu.memory_space<vmem_shared>> -> memref<10240x128xf32, #tpu.memory_space<vmem_shared>>
        tpu.enqueue_indirect_dma source(%arg10 : memref<128x128xf32, #tpu.memory_space<vmem>>) target(%dma_start3A_1020 : memref<10240x128xf32, #tpu.memory_space<vmem_shared>>) offsets(%dma_start3A_1017 : memref<128xi32, #tpu.memory_space<vmem>>) semaphore(%arg16 : memref<!tpu.dma_semaphore, #tpu.memory_space<semaphore_mem>>) {add = true}
        %add3A_1021 = arith.constant 2 : i32
        %add3A_1022 = arith.addi %add3A_1007, %add3A_1021 : i32
        %lt3A_1023 = arith.constant 40 : i32
        %lt3A_1024 = arith.cmpi slt, %add3A_1022, %lt3A_1023 : i32
        %convert_element_type3A_1025 = arith.extui %lt3A_1024 : i1 to i32
        %cond3A_1026 = arith.constant 0 : i32
        %cond3A_1027 = arith.cmpi ne, %convert_element_type3A_1025, %cond3A_1026 : i32
        scf.if %cond3A_1027 {
          %add3A_1042 = arith.constant 2 : i32
          %add3A_1043 = arith.addi %add3A_1007, %add3A_1042 : i32
          %get3A_1044 = arith.index_cast %add3A_1043 : i32 to index
          %get3A_1045 = arith.constant 0 : index
          %get3A_1046 = tpu.vector_load %arg6[%get3A_1044, %get3A_1045] {strides = array<i32>} : memref<40x128xi32, #tpu.memory_space<vmem>>, vector<1x16xi32>,
          %get3A_1047 = vector.shape_cast %get3A_1046 : vector<1x16xi32> to vector<16xi32>
          %add3A_1048 = vector.broadcast %mul3A_26 : i32 to vector<16xi32>
          %add3A_1049 = arith.addi %get3A_1047, %add3A_1048 : vector<16xi32>
          %swap3A_1050 = arith.constant 1 : i32
          %swap3A_1051 = arith.index_cast %swap3A_1050 : i32 to index
          %swap3A_1052 = arith.constant 0 : index
          %swap3A_1053 = tpu.vector_load %arg8[%swap3A_1051, %swap3A_1052] {strides = array<i32>} : memref<2x128xi32, #tpu.memory_space<vmem>>, vector<1x16xi32>,
          %swap3A_1054 = vector.shape_cast %swap3A_1053 : vector<1x16xi32> to vector<16xi32>
          %swap3A_1055 = vector.shape_cast %add3A_1049 : vector<16xi32> to vector<1x16xi32>
          tpu.vector_store %arg8[%swap3A_1051, %swap3A_1052], %swap3A_1055 {strides = array<i32>} : memref<2x128xi32, #tpu.memory_space<vmem>>, vector<1x16xi32>,
          %get3A_1056 = arith.index_cast %add3A_1043 : i32 to index
          %get3A_1057 = arith.constant 16 : index
          %get3A_1058 = tpu.vector_load %arg6[%get3A_1056, %get3A_1057] {strides = array<i32>} : memref<40x128xi32, #tpu.memory_space<vmem>>, vector<1x16xi32>,
          %get3A_1059 = vector.shape_cast %get3A_1058 : vector<1x16xi32> to vector<16xi32>
          %add3A_1060 = vector.broadcast %mul3A_26 : i32 to vector<16xi32>
          %add3A_1061 = arith.addi %get3A_1059, %add3A_1060 : vector<16xi32>
          %swap3A_1062 = arith.constant 1 : i32
          %swap3A_1063 = arith.index_cast %swap3A_1062 : i32 to index
          %swap3A_1064 = arith.constant 16 : index
          %swap3A_1065 = tpu.vector_load %arg8[%swap3A_1063, %swap3A_1064] {strides = array<i32>} : memref<2x128xi32, #tpu.memory_space<vmem>>, vector<1x16xi32>,
          %swap3A_1066 = vector.shape_cast %swap3A_1065 : vector<1x16xi32> to vector<16xi32>
          %swap3A_1067 = vector.shape_cast %add3A_1061 : vector<16xi32> to vector<1x16xi32>
          tpu.vector_store %arg8[%swap3A_1063, %swap3A_1064], %swap3A_1067 {strides = array<i32>} : memref<2x128xi32, #tpu.memory_space<vmem>>, vector<1x16xi32>,
          %get3A_1068 = arith.index_cast %add3A_1043 : i32 to index
          %get3A_1069 = arith.constant 32 : index
          %get3A_1070 = tpu.vector_load %arg6[%get3A_1068, %get3A_1069] {strides = array<i32>} : memref<40x128xi32, #tpu.memory_space<vmem>>, vector<1x16xi32>,
          %get3A_1071 = vector.shape_cast %get3A_1070 : vector<1x16xi32> to vector<16xi32>
          %add3A_1072 = vector.broadcast %mul3A_26 : i32 to vector<16xi32>
          %add3A_1073 = arith.addi %get3A_1071, %add3A_1072 : vector<16xi32>
          %swap3A_1074 = arith.constant 1 : i32
          %swap3A_1075 = arith.index_cast %swap3A_1074 : i32 to index
          %swap3A_1076 = arith.constant 32 : index
          %swap3A_1077 = tpu.vector_load %arg8[%swap3A_1075, %swap3A_1076] {strides = array<i32>} : memref<2x128xi32, #tpu.memory_space<vmem>>, vector<1x16xi32>,
          %swap3A_1078 = vector.shape_cast %swap3A_1077 : vector<1x16xi32> to vector<16xi32>
          %swap3A_1079 = vector.shape_cast %add3A_1073 : vector<16xi32> to vector<1x16xi32>
          tpu.vector_store %arg8[%swap3A_1075, %swap3A_1076], %swap3A_1079 {strides = array<i32>} : memref<2x128xi32, #tpu.memory_space<vmem>>, vector<1x16xi32>,
          %get3A_1080 = arith.index_cast %add3A_1043 : i32 to index
          %get3A_1081 = arith.constant 48 : index
          %get3A_1082 = tpu.vector_load %arg6[%get3A_1080, %get3A_1081] {strides = array<i32>} : memref<40x128xi32, #tpu.memory_space<vmem>>, vector<1x16xi32>,
          %get3A_1083 = vector.shape_cast %get3A_1082 : vector<1x16xi32> to vector<16xi32>
          %add3A_1084 = vector.broadcast %mul3A_26 : i32 to vector<16xi32>
          %add3A_1085 = arith.addi %get3A_1083, %add3A_1084 : vector<16xi32>
          %swap3A_1086 = arith.constant 1 : i32
          %swap3A_1087 = arith.index_cast %swap3A_1086 : i32 to index
          %swap3A_1088 = arith.constant 48 : index
          %swap3A_1089 = tpu.vector_load %arg8[%swap3A_1087, %swap3A_1088] {strides = array<i32>} : memref<2x128xi32, #tpu.memory_space<vmem>>, vector<1x16xi32>,
          %swap3A_1090 = vector.shape_cast %swap3A_1089 : vector<1x16xi32> to vector<16xi32>
          %swap3A_1091 = vector.shape_cast %add3A_1085 : vector<16xi32> to vector<1x16xi32>
          tpu.vector_store %arg8[%swap3A_1087, %swap3A_1088], %swap3A_1091 {strides = array<i32>} : memref<2x128xi32, #tpu.memory_space<vmem>>, vector<1x16xi32>,
          %get3A_1092 = arith.index_cast %add3A_1043 : i32 to index
          %get3A_1093 = arith.constant 64 : index
          %get3A_1094 = tpu.vector_load %arg6[%get3A_1092, %get3A_1093] {strides = array<i32>} : memref<40x128xi32, #tpu.memory_space<vmem>>, vector<1x16xi32>,
          %get3A_1095 = vector.shape_cast %get3A_1094 : vector<1x16xi32> to vector<16xi32>
          %add3A_1096 = vector.broadcast %mul3A_26 : i32 to vector<16xi32>
          %add3A_1097 = arith.addi %get3A_1095, %add3A_1096 : vector<16xi32>
          %swap3A_1098 = arith.constant 1 : i32
          %swap3A_1099 = arith.index_cast %swap3A_1098 : i32 to index
          %swap3A_1100 = arith.constant 64 : index
          %swap3A_1101 = tpu.vector_load %arg8[%swap3A_1099, %swap3A_1100] {strides = array<i32>} : memref<2x128xi32, #tpu.memory_space<vmem>>, vector<1x16xi32>,
          %swap3A_1102 = vector.shape_cast %swap3A_1101 : vector<1x16xi32> to vector<16xi32>
          %swap3A_1103 = vector.shape_cast %add3A_1097 : vector<16xi32> to vector<1x16xi32>
          tpu.vector_store %arg8[%swap3A_1099, %swap3A_1100], %swap3A_1103 {strides = array<i32>} : memref<2x128xi32, #tpu.memory_space<vmem>>, vector<1x16xi32>,
          %get3A_1104 = arith.index_cast %add3A_1043 : i32 to index
          %get3A_1105 = arith.constant 80 : index
          %get3A_1106 = tpu.vector_load %arg6[%get3A_1104, %get3A_1105] {strides = array<i32>} : memref<40x128xi32, #tpu.memory_space<vmem>>, vector<1x16xi32>,
          %get3A_1107 = vector.shape_cast %get3A_1106 : vector<1x16xi32> to vector<16xi32>
          %add3A_1108 = vector.broadcast %mul3A_26 : i32 to vector<16xi32>
          %add3A_1109 = arith.addi %get3A_1107, %add3A_1108 : vector<16xi32>
          %swap3A_1110 = arith.constant 1 : i32
          %swap3A_1111 = arith.index_cast %swap3A_1110 : i32 to index
          %swap3A_1112 = arith.constant 80 : index
          %swap3A_1113 = tpu.vector_load %arg8[%swap3A_1111, %swap3A_1112] {strides = array<i32>} : memref<2x128xi32, #tpu.memory_space<vmem>>, vector<1x16xi32>,
          %swap3A_1114 = vector.shape_cast %swap3A_1113 : vector<1x16xi32> to vector<16xi32>
          %swap3A_1115 = vector.shape_cast %add3A_1109 : vector<16xi32> to vector<1x16xi32>
          tpu.vector_store %arg8[%swap3A_1111, %swap3A_1112], %swap3A_1115 {strides = array<i32>} : memref<2x128xi32, #tpu.memory_space<vmem>>, vector<1x16xi32>,
          %get3A_1116 = arith.index_cast %add3A_1043 : i32 to index
          %get3A_1117 = arith.constant 96 : index
          %get3A_1118 = tpu.vector_load %arg6[%get3A_1116, %get3A_1117] {strides = array<i32>} : memref<40x128xi32, #tpu.memory_space<vmem>>, vector<1x16xi32>,
          %get3A_1119 = vector.shape_cast %get3A_1118 : vector<1x16xi32> to vector<16xi32>
          %add3A_1120 = vector.broadcast %mul3A_26 : i32 to vector<16xi32>
          %add3A_1121 = arith.addi %get3A_1119, %add3A_1120 : vector<16xi32>
          %swap3A_1122 = arith.constant 1 : i32
          %swap3A_1123 = arith.index_cast %swap3A_1122 : i32 to index
          %swap3A_1124 = arith.constant 96 : index
          %swap3A_1125 = tpu.vector_load %arg8[%swap3A_1123, %swap3A_1124] {strides = array<i32>} : memref<2x128xi32, #tpu.memory_space<vmem>>, vector<1x16xi32>,
          %swap3A_1126 = vector.shape_cast %swap3A_1125 : vector<1x16xi32> to vector<16xi32>
          %swap3A_1127 = vector.shape_cast %add3A_1121 : vector<16xi32> to vector<1x16xi32>
          tpu.vector_store %arg8[%swap3A_1123, %swap3A_1124], %swap3A_1127 {strides = array<i32>} : memref<2x128xi32, #tpu.memory_space<vmem>>, vector<1x16xi32>,
          %get3A_1128 = arith.index_cast %add3A_1043 : i32 to index
          %get3A_1129 = arith.constant 112 : index
          %get3A_1130 = tpu.vector_load %arg6[%get3A_1128, %get3A_1129] {strides = array<i32>} : memref<40x128xi32, #tpu.memory_space<vmem>>, vector<1x16xi32>,
          %get3A_1131 = vector.shape_cast %get3A_1130 : vector<1x16xi32> to vector<16xi32>
          %add3A_1132 = vector.broadcast %mul3A_26 : i32 to vector<16xi32>
          %add3A_1133 = arith.addi %get3A_1131, %add3A_1132 : vector<16xi32>
          %swap3A_1134 = arith.constant 1 : i32
          %swap3A_1135 = arith.index_cast %swap3A_1134 : i32 to index
          %swap3A_1136 = arith.constant 112 : index
          %swap3A_1137 = tpu.vector_load %arg8[%swap3A_1135, %swap3A_1136] {strides = array<i32>} : memref<2x128xi32, #tpu.memory_space<vmem>>, vector<1x16xi32>,
          %swap3A_1138 = vector.shape_cast %swap3A_1137 : vector<1x16xi32> to vector<16xi32>
          %swap3A_1139 = vector.shape_cast %add3A_1133 : vector<16xi32> to vector<1x16xi32>
          tpu.vector_store %arg8[%swap3A_1135, %swap3A_1136], %swap3A_1139 {strides = array<i32>} : memref<2x128xi32, #tpu.memory_space<vmem>>, vector<1x16xi32>,
        } else {
        }
        %dma_wait3A_1028 = arith.constant 0 : i32
        %dma_wait3A_1029 = tpu.memref_slice %arg7[%add3A_1007, %dma_wait3A_1028] : memref<40x128xi32, #tpu.memory_space<vmem>> -> memref<1x128xi32, #tpu.memory_space<vmem>>
        %dma_wait3A_1030 = tpu.memref_squeeze %dma_wait3A_1029 : memref<1x128xi32, #tpu.memory_space<vmem>> -> memref<128xi32, #tpu.memory_space<vmem>>
        %dma_wait3A_1031 = arith.constant 0 : i32
        %dma_wait3A_1032 = arith.constant 0 : i32
        %dma_wait3A_1033 = tpu.memref_slice %arg12[%dma_wait3A_1031, %dma_wait3A_1032] : memref<10240x128xf32, #tpu.memory_space<vmem_shared>> -> memref<10240x128xf32, #tpu.memory_space<vmem_shared>>
        tpu.wait_indirect_dma semaphore(%arg16 : memref<!tpu.dma_semaphore, #tpu.memory_space<semaphore_mem>>) src(%arg10 : memref<128x128xf32, #tpu.memory_space<vmem>>) dst(%dma_wait3A_1033 : memref<10240x128xf32, #tpu.memory_space<vmem_shared>>)
        %add3A_1034 = arith.constant 2 : i32
        %add3A_1035 = arith.addi %add3A_1007, %add3A_1034 : i32
        %lt3A_1036 = arith.constant 40 : i32
        %lt3A_1037 = arith.cmpi slt, %add3A_1035, %lt3A_1036 : i32
        %convert_element_type3A_1038 = arith.extui %lt3A_1037 : i1 to i32
        %cond3A_1039 = arith.constant 0 : i32
        %cond3A_1040 = arith.cmpi ne, %convert_element_type3A_1038, %cond3A_1039 : i32
        scf.if %cond3A_1040 {
          %dma_start3A_1042 = arith.constant 1 : i32
          %dma_start3A_1043 = arith.constant 0 : i32
          %dma_start3A_1044 = tpu.memref_slice %arg8[%dma_start3A_1042, %dma_start3A_1043] : memref<2x128xi32, #tpu.memory_space<vmem>> -> memref<1x128xi32, #tpu.memory_space<vmem>>
          %dma_start3A_1045 = tpu.memref_squeeze %dma_start3A_1044 : memref<1x128xi32, #tpu.memory_space<vmem>> -> memref<128xi32, #tpu.memory_space<vmem>>
          %dma_start3A_1046 = arith.constant 0 : i32
          %dma_start3A_1047 = arith.constant 0 : i32
          %dma_start3A_1048 = tpu.memref_slice %arg2[%dma_start3A_1046, %dma_start3A_1047] : memref<60000x128xf32, #tpu.memory_space<hbm>> -> memref<60000x128xf32, #tpu.memory_space<hbm>>
          tpu.enqueue_indirect_dma source(%dma_start3A_1048 : memref<60000x128xf32, #tpu.memory_space<hbm>>) target(%arg10 : memref<128x128xf32, #tpu.memory_space<vmem>>) offsets(%dma_start3A_1045 : memref<128xi32, #tpu.memory_space<vmem>>) semaphore(%arg14 : memref<!tpu.dma_semaphore, #tpu.memory_space<semaphore_mem>>)
        } else {
        }
        %scan3A_1041 = arith.constant 0 : i32
        scf.yield %scan3A_1041 : i32
      }
      %scan3A_496 = arith.constant 20 : i32
      %mul3A_497 = arith.constant 160 : i32
      %mul3A_498 = arith.muli %arg1, %mul3A_497 : i32
      %add3A_499 = arith.constant 80 : i32
      %add3A_500 = arith.addi %mul3A_498, %add3A_499 : i32
      "tpu.region"() ({
        %run_scoped3A = tpu.sem_alloc : memref<!tpu.dma_semaphore, #tpu.memory_space<semaphore_mem>>
        %dma_start3A_969 = arith.constant 0 : i32
        %dma_start3A_970 = tpu.memref_slice %arg3[%add3A_500, %dma_start3A_969] : memref<2560x128xi32, #tpu.memory_space<hbm>> -> memref<40x128xi32, #tpu.memory_space<hbm>>
        %dma_start3A_971 = arith.constant 0 : i32
        %dma_start3A_972 = tpu.memref_slice %arg3[%add3A_500, %dma_start3A_971] : memref<2560x128xi32, #tpu.memory_space<hbm>> -> memref<40x128xi32, #tpu.memory_space<hbm>>
        tpu.enqueue_dma source(%dma_start3A_972 : memref<40x128xi32, #tpu.memory_space<hbm>>) target(%arg6 : memref<40x128xi32, #tpu.memory_space<vmem>>) target_semaphore(%run_scoped3A : memref<!tpu.dma_semaphore, #tpu.memory_space<semaphore_mem>>)
        %dma_wait3A = arith.constant 0 : i32
        %dma_wait3A_973 = tpu.memref_slice %arg3[%add3A_500, %dma_wait3A] : memref<2560x128xi32, #tpu.memory_space<hbm>> -> memref<40x128xi32, #tpu.memory_space<hbm>>
        %dma_wait3A_974 = arith.constant 0 : i32
        %dma_wait3A_975 = tpu.memref_slice %arg3[%add3A_500, %dma_wait3A_974] : memref<2560x128xi32, #tpu.memory_space<hbm>> -> memref<40x128xi32, #tpu.memory_space<hbm>>
        tpu.wait_dma2 semaphore(%run_scoped3A : memref<!tpu.dma_semaphore, #tpu.memory_space<semaphore_mem>>) src(%dma_wait3A_975 : memref<40x128xi32, #tpu.memory_space<hbm>>) dst(%arg6 : memref<40x128xi32, #tpu.memory_space<vmem>>)
        tpu.yield
      }) : () -> ()
      "tpu.region"() ({
        %run_scoped3A = tpu.sem_alloc : memref<!tpu.dma_semaphore, #tpu.memory_space<semaphore_mem>>
        %dma_start3A_969 = arith.constant 0 : i32
        %dma_start3A_970 = tpu.memref_slice %arg4[%add3A_500, %dma_start3A_969] : memref<2560x128xi32, #tpu.memory_space<hbm>> -> memref<40x128xi32, #tpu.memory_space<hbm>>
        %dma_start3A_971 = arith.constant 0 : i32
        %dma_start3A_972 = tpu.memref_slice %arg4[%add3A_500, %dma_start3A_971] : memref<2560x128xi32, #tpu.memory_space<hbm>> -> memref<40x128xi32, #tpu.memory_space<hbm>>
        tpu.enqueue_dma source(%dma_start3A_972 : memref<40x128xi32, #tpu.memory_space<hbm>>) target(%arg7 : memref<40x128xi32, #tpu.memory_space<vmem>>) target_semaphore(%run_scoped3A : memref<!tpu.dma_semaphore, #tpu.memory_space<semaphore_mem>>)
        %dma_wait3A = arith.constant 0 : i32
        %dma_wait3A_973 = tpu.memref_slice %arg4[%add3A_500, %dma_wait3A] : memref<2560x128xi32, #tpu.memory_space<hbm>> -> memref<40x128xi32, #tpu.memory_space<hbm>>
        %dma_wait3A_974 = arith.constant 0 : i32
        %dma_wait3A_975 = tpu.memref_slice %arg4[%add3A_500, %dma_wait3A_974] : memref<2560x128xi32, #tpu.memory_space<hbm>> -> memref<40x128xi32, #tpu.memory_space<hbm>>
        tpu.wait_dma2 semaphore(%run_scoped3A : memref<!tpu.dma_semaphore, #tpu.memory_space<semaphore_mem>>) src(%dma_wait3A_975 : memref<40x128xi32, #tpu.memory_space<hbm>>) dst(%arg7 : memref<40x128xi32, #tpu.memory_space<vmem>>)
        tpu.yield
      }) : () -> ()
      %get3A_501 = arith.constant 0 : i32
      %get3A_502 = arith.index_cast %get3A_501 : i32 to index
      %get3A_503 = arith.constant 0 : index
      %get3A_504 = tpu.vector_load %arg6[%get3A_502, %get3A_503] {strides = array<i32>} : memref<40x128xi32, #tpu.memory_space<vmem>>, vector<1x16xi32>,
      %get3A_505 = vector.shape_cast %get3A_504 : vector<1x16xi32> to vector<16xi32>
      %add3A_506 = vector.broadcast %mul3A_26 : i32 to vector<16xi32>
      %add3A_507 = arith.addi %get3A_505, %add3A_506 : vector<16xi32>
      %swap3A_508 = arith.constant 0 : i32
      %swap3A_509 = arith.index_cast %swap3A_508 : i32 to index
      %swap3A_510 = arith.constant 0 : index
      %swap3A_511 = tpu.vector_load %arg8[%swap3A_509, %swap3A_510] {strides = array<i32>} : memref<2x128xi32, #tpu.memory_space<vmem>>, vector<1x16xi32>,
      %swap3A_512 = vector.shape_cast %swap3A_511 : vector<1x16xi32> to vector<16xi32>
      %swap3A_513 = vector.shape_cast %add3A_507 : vector<16xi32> to vector<1x16xi32>
      tpu.vector_store %arg8[%swap3A_509, %swap3A_510], %swap3A_513 {strides = array<i32>} : memref<2x128xi32, #tpu.memory_space<vmem>>, vector<1x16xi32>,
      %get3A_514 = arith.constant 0 : i32
      %get3A_515 = arith.index_cast %get3A_514 : i32 to index
      %get3A_516 = arith.constant 16 : index
      %get3A_517 = tpu.vector_load %arg6[%get3A_515, %get3A_516] {strides = array<i32>} : memref<40x128xi32, #tpu.memory_space<vmem>>, vector<1x16xi32>,
      %get3A_518 = vector.shape_cast %get3A_517 : vector<1x16xi32> to vector<16xi32>
      %add3A_519 = vector.broadcast %mul3A_26 : i32 to vector<16xi32>
      %add3A_520 = arith.addi %get3A_518, %add3A_519 : vector<16xi32>
      %swap3A_521 = arith.constant 0 : i32
      %swap3A_522 = arith.index_cast %swap3A_521 : i32 to index
      %swap3A_523 = arith.constant 16 : index
      %swap3A_524 = tpu.vector_load %arg8[%swap3A_522, %swap3A_523] {strides = array<i32>} : memref<2x128xi32, #tpu.memory_space<vmem>>, vector<1x16xi32>,
      %swap3A_525 = vector.shape_cast %swap3A_524 : vector<1x16xi32> to vector<16xi32>
      %swap3A_526 = vector.shape_cast %add3A_520 : vector<16xi32> to vector<1x16xi32>
      tpu.vector_store %arg8[%swap3A_522, %swap3A_523], %swap3A_526 {strides = array<i32>} : memref<2x128xi32, #tpu.memory_space<vmem>>, vector<1x16xi32>,
      %get3A_527 = arith.constant 0 : i32
      %get3A_528 = arith.index_cast %get3A_527 : i32 to index
      %get3A_529 = arith.constant 32 : index
      %get3A_530 = tpu.vector_load %arg6[%get3A_528, %get3A_529] {strides = array<i32>} : memref<40x128xi32, #tpu.memory_space<vmem>>, vector<1x16xi32>,
      %get3A_531 = vector.shape_cast %get3A_530 : vector<1x16xi32> to vector<16xi32>
      %add3A_532 = vector.broadcast %mul3A_26 : i32 to vector<16xi32>
      %add3A_533 = arith.addi %get3A_531, %add3A_532 : vector<16xi32>
      %swap3A_534 = arith.constant 0 : i32
      %swap3A_535 = arith.index_cast %swap3A_534 : i32 to index
      %swap3A_536 = arith.constant 32 : index
      %swap3A_537 = tpu.vector_load %arg8[%swap3A_535, %swap3A_536] {strides = array<i32>} : memref<2x128xi32, #tpu.memory_space<vmem>>, vector<1x16xi32>,
      %swap3A_538 = vector.shape_cast %swap3A_537 : vector<1x16xi32> to vector<16xi32>
      %swap3A_539 = vector.shape_cast %add3A_533 : vector<16xi32> to vector<1x16xi32>
      tpu.vector_store %arg8[%swap3A_535, %swap3A_536], %swap3A_539 {strides = array<i32>} : memref<2x128xi32, #tpu.memory_space<vmem>>, vector<1x16xi32>,
      %get3A_540 = arith.constant 0 : i32
      %get3A_541 = arith.index_cast %get3A_540 : i32 to index
      %get3A_542 = arith.constant 48 : index
      %get3A_543 = tpu.vector_load %arg6[%get3A_541, %get3A_542] {strides = array<i32>} : memref<40x128xi32, #tpu.memory_space<vmem>>, vector<1x16xi32>,
      %get3A_544 = vector.shape_cast %get3A_543 : vector<1x16xi32> to vector<16xi32>
      %add3A_545 = vector.broadcast %mul3A_26 : i32 to vector<16xi32>
      %add3A_546 = arith.addi %get3A_544, %add3A_545 : vector<16xi32>
      %swap3A_547 = arith.constant 0 : i32
      %swap3A_548 = arith.index_cast %swap3A_547 : i32 to index
      %swap3A_549 = arith.constant 48 : index
      %swap3A_550 = tpu.vector_load %arg8[%swap3A_548, %swap3A_549] {strides = array<i32>} : memref<2x128xi32, #tpu.memory_space<vmem>>, vector<1x16xi32>,
      %swap3A_551 = vector.shape_cast %swap3A_550 : vector<1x16xi32> to vector<16xi32>
      %swap3A_552 = vector.shape_cast %add3A_546 : vector<16xi32> to vector<1x16xi32>
      tpu.vector_store %arg8[%swap3A_548, %swap3A_549], %swap3A_552 {strides = array<i32>} : memref<2x128xi32, #tpu.memory_space<vmem>>, vector<1x16xi32>,
      %get3A_553 = arith.constant 0 : i32
      %get3A_554 = arith.index_cast %get3A_553 : i32 to index
      %get3A_555 = arith.constant 64 : index
      %get3A_556 = tpu.vector_load %arg6[%get3A_554, %get3A_555] {strides = array<i32>} : memref<40x128xi32, #tpu.memory_space<vmem>>, vector<1x16xi32>,
      %get3A_557 = vector.shape_cast %get3A_556 : vector<1x16xi32> to vector<16xi32>
      %add3A_558 = vector.broadcast %mul3A_26 : i32 to vector<16xi32>
      %add3A_559 = arith.addi %get3A_557, %add3A_558 : vector<16xi32>
      %swap3A_560 = arith.constant 0 : i32
      %swap3A_561 = arith.index_cast %swap3A_560 : i32 to index
      %swap3A_562 = arith.constant 64 : index
      %swap3A_563 = tpu.vector_load %arg8[%swap3A_561, %swap3A_562] {strides = array<i32>} : memref<2x128xi32, #tpu.memory_space<vmem>>, vector<1x16xi32>,
      %swap3A_564 = vector.shape_cast %swap3A_563 : vector<1x16xi32> to vector<16xi32>
      %swap3A_565 = vector.shape_cast %add3A_559 : vector<16xi32> to vector<1x16xi32>
      tpu.vector_store %arg8[%swap3A_561, %swap3A_562], %swap3A_565 {strides = array<i32>} : memref<2x128xi32, #tpu.memory_space<vmem>>, vector<1x16xi32>,
      %get3A_566 = arith.constant 0 : i32
      %get3A_567 = arith.index_cast %get3A_566 : i32 to index
      %get3A_568 = arith.constant 80 : index
      %get3A_569 = tpu.vector_load %arg6[%get3A_567, %get3A_568] {strides = array<i32>} : memref<40x128xi32, #tpu.memory_space<vmem>>, vector<1x16xi32>,
      %get3A_570 = vector.shape_cast %get3A_569 : vector<1x16xi32> to vector<16xi32>
      %add3A_571 = vector.broadcast %mul3A_26 : i32 to vector<16xi32>
      %add3A_572 = arith.addi %get3A_570, %add3A_571 : vector<16xi32>
      %swap3A_573 = arith.constant 0 : i32
      %swap3A_574 = arith.index_cast %swap3A_573 : i32 to index
      %swap3A_575 = arith.constant 80 : index
      %swap3A_576 = tpu.vector_load %arg8[%swap3A_574, %swap3A_575] {strides = array<i32>} : memref<2x128xi32, #tpu.memory_space<vmem>>, vector<1x16xi32>,
      %swap3A_577 = vector.shape_cast %swap3A_576 : vector<1x16xi32> to vector<16xi32>
      %swap3A_578 = vector.shape_cast %add3A_572 : vector<16xi32> to vector<1x16xi32>
      tpu.vector_store %arg8[%swap3A_574, %swap3A_575], %swap3A_578 {strides = array<i32>} : memref<2x128xi32, #tpu.memory_space<vmem>>, vector<1x16xi32>,
      %get3A_579 = arith.constant 0 : i32
      %get3A_580 = arith.index_cast %get3A_579 : i32 to index
      %get3A_581 = arith.constant 96 : index
      %get3A_582 = tpu.vector_load %arg6[%get3A_580, %get3A_581] {strides = array<i32>} : memref<40x128xi32, #tpu.memory_space<vmem>>, vector<1x16xi32>,
      %get3A_583 = vector.shape_cast %get3A_582 : vector<1x16xi32> to vector<16xi32>
      %add3A_584 = vector.broadcast %mul3A_26 : i32 to vector<16xi32>
      %add3A_585 = arith.addi %get3A_583, %add3A_584 : vector<16xi32>
      %swap3A_586 = arith.constant 0 : i32
      %swap3A_587 = arith.index_cast %swap3A_586 : i32 to index
      %swap3A_588 = arith.constant 96 : index
      %swap3A_589 = tpu.vector_load %arg8[%swap3A_587, %swap3A_588] {strides = array<i32>} : memref<2x128xi32, #tpu.memory_space<vmem>>, vector<1x16xi32>,
      %swap3A_590 = vector.shape_cast %swap3A_589 : vector<1x16xi32> to vector<16xi32>
      %swap3A_591 = vector.shape_cast %add3A_585 : vector<16xi32> to vector<1x16xi32>
      tpu.vector_store %arg8[%swap3A_587, %swap3A_588], %swap3A_591 {strides = array<i32>} : memref<2x128xi32, #tpu.memory_space<vmem>>, vector<1x16xi32>,
      %get3A_592 = arith.constant 0 : i32
      %get3A_593 = arith.index_cast %get3A_592 : i32 to index
      %get3A_594 = arith.constant 112 : index
      %get3A_595 = tpu.vector_load %arg6[%get3A_593, %get3A_594] {strides = array<i32>} : memref<40x128xi32, #tpu.memory_space<vmem>>, vector<1x16xi32>,
      %get3A_596 = vector.shape_cast %get3A_595 : vector<1x16xi32> to vector<16xi32>
      %add3A_597 = vector.broadcast %mul3A_26 : i32 to vector<16xi32>
      %add3A_598 = arith.addi %get3A_596, %add3A_597 : vector<16xi32>
      %swap3A_599 = arith.constant 0 : i32
      %swap3A_600 = arith.index_cast %swap3A_599 : i32 to index
      %swap3A_601 = arith.constant 112 : index
      %swap3A_602 = tpu.vector_load %arg8[%swap3A_600, %swap3A_601] {strides = array<i32>} : memref<2x128xi32, #tpu.memory_space<vmem>>, vector<1x16xi32>,
      %swap3A_603 = vector.shape_cast %swap3A_602 : vector<1x16xi32> to vector<16xi32>
      %swap3A_604 = vector.shape_cast %add3A_598 : vector<16xi32> to vector<1x16xi32>
      tpu.vector_store %arg8[%swap3A_600, %swap3A_601], %swap3A_604 {strides = array<i32>} : memref<2x128xi32, #tpu.memory_space<vmem>>, vector<1x16xi32>,
      %dma_start3A_605 = arith.constant 0 : i32
      %dma_start3A_606 = arith.constant 0 : i32
      %dma_start3A_607 = tpu.memref_slice %arg8[%dma_start3A_605, %dma_start3A_606] : memref<2x128xi32, #tpu.memory_space<vmem>> -> memref<1x128xi32, #tpu.memory_space<vmem>>
      %dma_start3A_608 = tpu.memref_squeeze %dma_start3A_607 : memref<1x128xi32, #tpu.memory_space<vmem>> -> memref<128xi32, #tpu.memory_space<vmem>>
      %dma_start3A_609 = arith.constant 0 : i32
      %dma_start3A_610 = arith.constant 0 : i32
      %dma_start3A_611 = tpu.memref_slice %arg2[%dma_start3A_609, %dma_start3A_610] : memref<60000x128xf32, #tpu.memory_space<hbm>> -> memref<60000x128xf32, #tpu.memory_space<hbm>>
      tpu.enqueue_indirect_dma source(%dma_start3A_611 : memref<60000x128xf32, #tpu.memory_space<hbm>>) target(%arg9 : memref<128x128xf32, #tpu.memory_space<vmem>>) offsets(%dma_start3A_608 : memref<128xi32, #tpu.memory_space<vmem>>) semaphore(%arg13 : memref<!tpu.dma_semaphore, #tpu.memory_space<semaphore_mem>>)
      %get3A_612 = arith.constant 1 : i32
      %get3A_613 = arith.index_cast %get3A_612 : i32 to index
      %get3A_614 = arith.constant 0 : index
      %get3A_615 = tpu.vector_load %arg6[%get3A_613, %get3A_614] {strides = array<i32>} : memref<40x128xi32, #tpu.memory_space<vmem>>, vector<1x16xi32>,
      %get3A_616 = vector.shape_cast %get3A_615 : vector<1x16xi32> to vector<16xi32>
      %add3A_617 = vector.broadcast %mul3A_26 : i32 to vector<16xi32>
      %add3A_618 = arith.addi %get3A_616, %add3A_617 : vector<16xi32>
      %swap3A_619 = arith.constant 1 : i32
      %swap3A_620 = arith.index_cast %swap3A_619 : i32 to index
      %swap3A_621 = arith.constant 0 : index
      %swap3A_622 = tpu.vector_load %arg8[%swap3A_620, %swap3A_621] {strides = array<i32>} : memref<2x128xi32, #tpu.memory_space<vmem>>, vector<1x16xi32>,
      %swap3A_623 = vector.shape_cast %swap3A_622 : vector<1x16xi32> to vector<16xi32>
      %swap3A_624 = vector.shape_cast %add3A_618 : vector<16xi32> to vector<1x16xi32>
      tpu.vector_store %arg8[%swap3A_620, %swap3A_621], %swap3A_624 {strides = array<i32>} : memref<2x128xi32, #tpu.memory_space<vmem>>, vector<1x16xi32>,
      %get3A_625 = arith.constant 1 : i32
      %get3A_626 = arith.index_cast %get3A_625 : i32 to index
      %get3A_627 = arith.constant 16 : index
      %get3A_628 = tpu.vector_load %arg6[%get3A_626, %get3A_627] {strides = array<i32>} : memref<40x128xi32, #tpu.memory_space<vmem>>, vector<1x16xi32>,
      %get3A_629 = vector.shape_cast %get3A_628 : vector<1x16xi32> to vector<16xi32>
      %add3A_630 = vector.broadcast %mul3A_26 : i32 to vector<16xi32>
      %add3A_631 = arith.addi %get3A_629, %add3A_630 : vector<16xi32>
      %swap3A_632 = arith.constant 1 : i32
      %swap3A_633 = arith.index_cast %swap3A_632 : i32 to index
      %swap3A_634 = arith.constant 16 : index
      %swap3A_635 = tpu.vector_load %arg8[%swap3A_633, %swap3A_634] {strides = array<i32>} : memref<2x128xi32, #tpu.memory_space<vmem>>, vector<1x16xi32>,
      %swap3A_636 = vector.shape_cast %swap3A_635 : vector<1x16xi32> to vector<16xi32>
      %swap3A_637 = vector.shape_cast %add3A_631 : vector<16xi32> to vector<1x16xi32>
      tpu.vector_store %arg8[%swap3A_633, %swap3A_634], %swap3A_637 {strides = array<i32>} : memref<2x128xi32, #tpu.memory_space<vmem>>, vector<1x16xi32>,
      %get3A_638 = arith.constant 1 : i32
      %get3A_639 = arith.index_cast %get3A_638 : i32 to index
      %get3A_640 = arith.constant 32 : index
      %get3A_641 = tpu.vector_load %arg6[%get3A_639, %get3A_640] {strides = array<i32>} : memref<40x128xi32, #tpu.memory_space<vmem>>, vector<1x16xi32>,
      %get3A_642 = vector.shape_cast %get3A_641 : vector<1x16xi32> to vector<16xi32>
      %add3A_643 = vector.broadcast %mul3A_26 : i32 to vector<16xi32>
      %add3A_644 = arith.addi %get3A_642, %add3A_643 : vector<16xi32>
      %swap3A_645 = arith.constant 1 : i32
      %swap3A_646 = arith.index_cast %swap3A_645 : i32 to index
      %swap3A_647 = arith.constant 32 : index
      %swap3A_648 = tpu.vector_load %arg8[%swap3A_646, %swap3A_647] {strides = array<i32>} : memref<2x128xi32, #tpu.memory_space<vmem>>, vector<1x16xi32>,
      %swap3A_649 = vector.shape_cast %swap3A_648 : vector<1x16xi32> to vector<16xi32>
      %swap3A_650 = vector.shape_cast %add3A_644 : vector<16xi32> to vector<1x16xi32>
      tpu.vector_store %arg8[%swap3A_646, %swap3A_647], %swap3A_650 {strides = array<i32>} : memref<2x128xi32, #tpu.memory_space<vmem>>, vector<1x16xi32>,
      %get3A_651 = arith.constant 1 : i32
      %get3A_652 = arith.index_cast %get3A_651 : i32 to index
      %get3A_653 = arith.constant 48 : index
      %get3A_654 = tpu.vector_load %arg6[%get3A_652, %get3A_653] {strides = array<i32>} : memref<40x128xi32, #tpu.memory_space<vmem>>, vector<1x16xi32>,
      %get3A_655 = vector.shape_cast %get3A_654 : vector<1x16xi32> to vector<16xi32>
      %add3A_656 = vector.broadcast %mul3A_26 : i32 to vector<16xi32>
      %add3A_657 = arith.addi %get3A_655, %add3A_656 : vector<16xi32>
      %swap3A_658 = arith.constant 1 : i32
      %swap3A_659 = arith.index_cast %swap3A_658 : i32 to index
      %swap3A_660 = arith.constant 48 : index
      %swap3A_661 = tpu.vector_load %arg8[%swap3A_659, %swap3A_660] {strides = array<i32>} : memref<2x128xi32, #tpu.memory_space<vmem>>, vector<1x16xi32>,
      %swap3A_662 = vector.shape_cast %swap3A_661 : vector<1x16xi32> to vector<16xi32>
      %swap3A_663 = vector.shape_cast %add3A_657 : vector<16xi32> to vector<1x16xi32>
      tpu.vector_store %arg8[%swap3A_659, %swap3A_660], %swap3A_663 {strides = array<i32>} : memref<2x128xi32, #tpu.memory_space<vmem>>, vector<1x16xi32>,
      %get3A_664 = arith.constant 1 : i32
      %get3A_665 = arith.index_cast %get3A_664 : i32 to index
      %get3A_666 = arith.constant 64 : index
      %get3A_667 = tpu.vector_load %arg6[%get3A_665, %get3A_666] {strides = array<i32>} : memref<40x128xi32, #tpu.memory_space<vmem>>, vector<1x16xi32>,
      %get3A_668 = vector.shape_cast %get3A_667 : vector<1x16xi32> to vector<16xi32>
      %add3A_669 = vector.broadcast %mul3A_26 : i32 to vector<16xi32>
      %add3A_670 = arith.addi %get3A_668, %add3A_669 : vector<16xi32>
      %swap3A_671 = arith.constant 1 : i32
      %swap3A_672 = arith.index_cast %swap3A_671 : i32 to index
      %swap3A_673 = arith.constant 64 : index
      %swap3A_674 = tpu.vector_load %arg8[%swap3A_672, %swap3A_673] {strides = array<i32>} : memref<2x128xi32, #tpu.memory_space<vmem>>, vector<1x16xi32>,
      %swap3A_675 = vector.shape_cast %swap3A_674 : vector<1x16xi32> to vector<16xi32>
      %swap3A_676 = vector.shape_cast %add3A_670 : vector<16xi32> to vector<1x16xi32>
      tpu.vector_store %arg8[%swap3A_672, %swap3A_673], %swap3A_676 {strides = array<i32>} : memref<2x128xi32, #tpu.memory_space<vmem>>, vector<1x16xi32>,
      %get3A_677 = arith.constant 1 : i32
      %get3A_678 = arith.index_cast %get3A_677 : i32 to index
      %get3A_679 = arith.constant 80 : index
      %get3A_680 = tpu.vector_load %arg6[%get3A_678, %get3A_679] {strides = array<i32>} : memref<40x128xi32, #tpu.memory_space<vmem>>, vector<1x16xi32>,
      %get3A_681 = vector.shape_cast %get3A_680 : vector<1x16xi32> to vector<16xi32>
      %add3A_682 = vector.broadcast %mul3A_26 : i32 to vector<16xi32>
      %add3A_683 = arith.addi %get3A_681, %add3A_682 : vector<16xi32>
      %swap3A_684 = arith.constant 1 : i32
      %swap3A_685 = arith.index_cast %swap3A_684 : i32 to index
      %swap3A_686 = arith.constant 80 : index
      %swap3A_687 = tpu.vector_load %arg8[%swap3A_685, %swap3A_686] {strides = array<i32>} : memref<2x128xi32, #tpu.memory_space<vmem>>, vector<1x16xi32>,
      %swap3A_688 = vector.shape_cast %swap3A_687 : vector<1x16xi32> to vector<16xi32>
      %swap3A_689 = vector.shape_cast %add3A_683 : vector<16xi32> to vector<1x16xi32>
      tpu.vector_store %arg8[%swap3A_685, %swap3A_686], %swap3A_689 {strides = array<i32>} : memref<2x128xi32, #tpu.memory_space<vmem>>, vector<1x16xi32>,
      %get3A_690 = arith.constant 1 : i32
      %get3A_691 = arith.index_cast %get3A_690 : i32 to index
      %get3A_692 = arith.constant 96 : index
      %get3A_693 = tpu.vector_load %arg6[%get3A_691, %get3A_692] {strides = array<i32>} : memref<40x128xi32, #tpu.memory_space<vmem>>, vector<1x16xi32>,
      %get3A_694 = vector.shape_cast %get3A_693 : vector<1x16xi32> to vector<16xi32>
      %add3A_695 = vector.broadcast %mul3A_26 : i32 to vector<16xi32>
      %add3A_696 = arith.addi %get3A_694, %add3A_695 : vector<16xi32>
      %swap3A_697 = arith.constant 1 : i32
      %swap3A_698 = arith.index_cast %swap3A_697 : i32 to index
      %swap3A_699 = arith.constant 96 : index
      %swap3A_700 = tpu.vector_load %arg8[%swap3A_698, %swap3A_699] {strides = array<i32>} : memref<2x128xi32, #tpu.memory_space<vmem>>, vector<1x16xi32>,
      %swap3A_701 = vector.shape_cast %swap3A_700 : vector<1x16xi32> to vector<16xi32>
      %swap3A_702 = vector.shape_cast %add3A_696 : vector<16xi32> to vector<1x16xi32>
      tpu.vector_store %arg8[%swap3A_698, %swap3A_699], %swap3A_702 {strides = array<i32>} : memref<2x128xi32, #tpu.memory_space<vmem>>, vector<1x16xi32>,
      %get3A_703 = arith.constant 1 : i32
      %get3A_704 = arith.index_cast %get3A_703 : i32 to index
      %get3A_705 = arith.constant 112 : index
      %get3A_706 = tpu.vector_load %arg6[%get3A_704, %get3A_705] {strides = array<i32>} : memref<40x128xi32, #tpu.memory_space<vmem>>, vector<1x16xi32>,
      %get3A_707 = vector.shape_cast %get3A_706 : vector<1x16xi32> to vector<16xi32>
      %add3A_708 = vector.broadcast %mul3A_26 : i32 to vector<16xi32>
      %add3A_709 = arith.addi %get3A_707, %add3A_708 : vector<16xi32>
      %swap3A_710 = arith.constant 1 : i32
      %swap3A_711 = arith.index_cast %swap3A_710 : i32 to index
      %swap3A_712 = arith.constant 112 : index
      %swap3A_713 = tpu.vector_load %arg8[%swap3A_711, %swap3A_712] {strides = array<i32>} : memref<2x128xi32, #tpu.memory_space<vmem>>, vector<1x16xi32>,
      %swap3A_714 = vector.shape_cast %swap3A_713 : vector<1x16xi32> to vector<16xi32>
      %swap3A_715 = vector.shape_cast %add3A_709 : vector<16xi32> to vector<1x16xi32>
      tpu.vector_store %arg8[%swap3A_711, %swap3A_712], %swap3A_715 {strides = array<i32>} : memref<2x128xi32, #tpu.memory_space<vmem>>, vector<1x16xi32>,
      %dma_start3A_716 = arith.constant 1 : i32
      %dma_start3A_717 = arith.constant 0 : i32
      %dma_start3A_718 = tpu.memref_slice %arg8[%dma_start3A_716, %dma_start3A_717] : memref<2x128xi32, #tpu.memory_space<vmem>> -> memref<1x128xi32, #tpu.memory_space<vmem>>
      %dma_start3A_719 = tpu.memref_squeeze %dma_start3A_718 : memref<1x128xi32, #tpu.memory_space<vmem>> -> memref<128xi32, #tpu.memory_space<vmem>>
      %dma_start3A_720 = arith.constant 0 : i32
      %dma_start3A_721 = arith.constant 0 : i32
      %dma_start3A_722 = tpu.memref_slice %arg2[%dma_start3A_720, %dma_start3A_721] : memref<60000x128xf32, #tpu.memory_space<hbm>> -> memref<60000x128xf32, #tpu.memory_space<hbm>>
      tpu.enqueue_indirect_dma source(%dma_start3A_722 : memref<60000x128xf32, #tpu.memory_space<hbm>>) target(%arg10 : memref<128x128xf32, #tpu.memory_space<vmem>>) offsets(%dma_start3A_719 : memref<128xi32, #tpu.memory_space<vmem>>) semaphore(%arg14 : memref<!tpu.dma_semaphore, #tpu.memory_space<semaphore_mem>>)
      %scan3A_723 = arith.constant 0 : i32
      %scan3A_724 = arith.constant 0 : i32
      %scan3A_725 = arith.constant 20 : i32
      %scan3A_726 = arith.addi %scan3A_724, %scan3A_725 : i32
      %scan3A_727 = arith.constant 1 : i32
      %scan3A_728 = scf.for %scan3A_969 = %scan3A_724 to %scan3A_726 step %scan3A_727 iter_args(%scan3A_970 = %scan3A_723) -> (i32)  : i32 {
        %mul3A_971 = arith.constant 2 : i32
        %mul3A_972 = arith.muli %mul3A_971, %scan3A_969 : i32
        %add3A_973 = arith.constant 0 : i32
        %add3A_974 = arith.addi %mul3A_972, %add3A_973 : i32
        %dma_wait3A = arith.constant 0 : i32
        %dma_wait3A_975 = arith.constant 0 : i32
        %dma_wait3A_976 = tpu.memref_slice %arg8[%dma_wait3A, %dma_wait3A_975] : memref<2x128xi32, #tpu.memory_space<vmem>> -> memref<1x128xi32, #tpu.memory_space<vmem>>
        %dma_wait3A_977 = tpu.memref_squeeze %dma_wait3A_976 : memref<1x128xi32, #tpu.memory_space<vmem>> -> memref<128xi32, #tpu.memory_space<vmem>>
        %dma_wait3A_978 = arith.constant 0 : i32
        %dma_wait3A_979 = arith.constant 0 : i32
        %dma_wait3A_980 = tpu.memref_slice %arg2[%dma_wait3A_978, %dma_wait3A_979] : memref<60000x128xf32, #tpu.memory_space<hbm>> -> memref<60000x128xf32, #tpu.memory_space<hbm>>
        tpu.wait_indirect_dma semaphore(%arg13 : memref<!tpu.dma_semaphore, #tpu.memory_space<semaphore_mem>>) src(%dma_wait3A_980 : memref<60000x128xf32, #tpu.memory_space<hbm>>) dst(%arg9 : memref<128x128xf32, #tpu.memory_space<vmem>>)
        %dma_start3A_981 = arith.constant 0 : i32
        %dma_start3A_982 = tpu.memref_slice %arg7[%add3A_974, %dma_start3A_981] : memref<40x128xi32, #tpu.memory_space<vmem>> -> memref<1x128xi32, #tpu.memory_space<vmem>>
        %dma_start3A_983 = tpu.memref_squeeze %dma_start3A_982 : memref<1x128xi32, #tpu.memory_space<vmem>> -> memref<128xi32, #tpu.memory_space<vmem>>
        %dma_start3A_984 = arith.constant 0 : i32
        %dma_start3A_985 = arith.constant 0 : i32
        %dma_start3A_986 = tpu.memref_slice %arg12[%dma_start3A_984, %dma_start3A_985] : memref<10240x128xf32, #tpu.memory_space<vmem_shared>> -> memref<10240x128xf32, #tpu.memory_space<vmem_shared>>
        tpu.enqueue_indirect_dma source(%arg9 : memref<128x128xf32, #tpu.memory_space<vmem>>) target(%dma_start3A_986 : memref<10240x128xf32, #tpu.memory_space<vmem_shared>>) offsets(%dma_start3A_983 : memref<128xi32, #tpu.memory_space<vmem>>) semaphore(%arg15 : memref<!tpu.dma_semaphore, #tpu.memory_space<semaphore_mem>>) {add = true}
        %add3A_987 = arith.constant 2 : i32
        %add3A_988 = arith.addi %add3A_974, %add3A_987 : i32
        %lt3A = arith.constant 40 : i32
        %lt3A_989 = arith.cmpi slt, %add3A_988, %lt3A : i32
        %convert_element_type3A = arith.extui %lt3A_989 : i1 to i32
        %cond3A = arith.constant 0 : i32
        %cond3A_990 = arith.cmpi ne, %convert_element_type3A, %cond3A : i32
        scf.if %cond3A_990 {
          %add3A_1042 = arith.constant 2 : i32
          %add3A_1043 = arith.addi %add3A_974, %add3A_1042 : i32
          %get3A_1044 = arith.index_cast %add3A_1043 : i32 to index
          %get3A_1045 = arith.constant 0 : index
          %get3A_1046 = tpu.vector_load %arg6[%get3A_1044, %get3A_1045] {strides = array<i32>} : memref<40x128xi32, #tpu.memory_space<vmem>>, vector<1x16xi32>,
          %get3A_1047 = vector.shape_cast %get3A_1046 : vector<1x16xi32> to vector<16xi32>
          %add3A_1048 = vector.broadcast %mul3A_26 : i32 to vector<16xi32>
          %add3A_1049 = arith.addi %get3A_1047, %add3A_1048 : vector<16xi32>
          %swap3A_1050 = arith.constant 0 : i32
          %swap3A_1051 = arith.index_cast %swap3A_1050 : i32 to index
          %swap3A_1052 = arith.constant 0 : index
          %swap3A_1053 = tpu.vector_load %arg8[%swap3A_1051, %swap3A_1052] {strides = array<i32>} : memref<2x128xi32, #tpu.memory_space<vmem>>, vector<1x16xi32>,
          %swap3A_1054 = vector.shape_cast %swap3A_1053 : vector<1x16xi32> to vector<16xi32>
          %swap3A_1055 = vector.shape_cast %add3A_1049 : vector<16xi32> to vector<1x16xi32>
          tpu.vector_store %arg8[%swap3A_1051, %swap3A_1052], %swap3A_1055 {strides = array<i32>} : memref<2x128xi32, #tpu.memory_space<vmem>>, vector<1x16xi32>,
          %get3A_1056 = arith.index_cast %add3A_1043 : i32 to index
          %get3A_1057 = arith.constant 16 : index
          %get3A_1058 = tpu.vector_load %arg6[%get3A_1056, %get3A_1057] {strides = array<i32>} : memref<40x128xi32, #tpu.memory_space<vmem>>, vector<1x16xi32>,
          %get3A_1059 = vector.shape_cast %get3A_1058 : vector<1x16xi32> to vector<16xi32>
          %add3A_1060 = vector.broadcast %mul3A_26 : i32 to vector<16xi32>
          %add3A_1061 = arith.addi %get3A_1059, %add3A_1060 : vector<16xi32>
          %swap3A_1062 = arith.constant 0 : i32
          %swap3A_1063 = arith.index_cast %swap3A_1062 : i32 to index
          %swap3A_1064 = arith.constant 16 : index
          %swap3A_1065 = tpu.vector_load %arg8[%swap3A_1063, %swap3A_1064] {strides = array<i32>} : memref<2x128xi32, #tpu.memory_space<vmem>>, vector<1x16xi32>,
          %swap3A_1066 = vector.shape_cast %swap3A_1065 : vector<1x16xi32> to vector<16xi32>
          %swap3A_1067 = vector.shape_cast %add3A_1061 : vector<16xi32> to vector<1x16xi32>
          tpu.vector_store %arg8[%swap3A_1063, %swap3A_1064], %swap3A_1067 {strides = array<i32>} : memref<2x128xi32, #tpu.memory_space<vmem>>, vector<1x16xi32>,
          %get3A_1068 = arith.index_cast %add3A_1043 : i32 to index
          %get3A_1069 = arith.constant 32 : index
          %get3A_1070 = tpu.vector_load %arg6[%get3A_1068, %get3A_1069] {strides = array<i32>} : memref<40x128xi32, #tpu.memory_space<vmem>>, vector<1x16xi32>,
          %get3A_1071 = vector.shape_cast %get3A_1070 : vector<1x16xi32> to vector<16xi32>
          %add3A_1072 = vector.broadcast %mul3A_26 : i32 to vector<16xi32>
          %add3A_1073 = arith.addi %get3A_1071, %add3A_1072 : vector<16xi32>
          %swap3A_1074 = arith.constant 0 : i32
          %swap3A_1075 = arith.index_cast %swap3A_1074 : i32 to index
          %swap3A_1076 = arith.constant 32 : index
          %swap3A_1077 = tpu.vector_load %arg8[%swap3A_1075, %swap3A_1076] {strides = array<i32>} : memref<2x128xi32, #tpu.memory_space<vmem>>, vector<1x16xi32>,
          %swap3A_1078 = vector.shape_cast %swap3A_1077 : vector<1x16xi32> to vector<16xi32>
          %swap3A_1079 = vector.shape_cast %add3A_1073 : vector<16xi32> to vector<1x16xi32>
          tpu.vector_store %arg8[%swap3A_1075, %swap3A_1076], %swap3A_1079 {strides = array<i32>} : memref<2x128xi32, #tpu.memory_space<vmem>>, vector<1x16xi32>,
          %get3A_1080 = arith.index_cast %add3A_1043 : i32 to index
          %get3A_1081 = arith.constant 48 : index
          %get3A_1082 = tpu.vector_load %arg6[%get3A_1080, %get3A_1081] {strides = array<i32>} : memref<40x128xi32, #tpu.memory_space<vmem>>, vector<1x16xi32>,
          %get3A_1083 = vector.shape_cast %get3A_1082 : vector<1x16xi32> to vector<16xi32>
          %add3A_1084 = vector.broadcast %mul3A_26 : i32 to vector<16xi32>
          %add3A_1085 = arith.addi %get3A_1083, %add3A_1084 : vector<16xi32>
          %swap3A_1086 = arith.constant 0 : i32
          %swap3A_1087 = arith.index_cast %swap3A_1086 : i32 to index
          %swap3A_1088 = arith.constant 48 : index
          %swap3A_1089 = tpu.vector_load %arg8[%swap3A_1087, %swap3A_1088] {strides = array<i32>} : memref<2x128xi32, #tpu.memory_space<vmem>>, vector<1x16xi32>,
          %swap3A_1090 = vector.shape_cast %swap3A_1089 : vector<1x16xi32> to vector<16xi32>
          %swap3A_1091 = vector.shape_cast %add3A_1085 : vector<16xi32> to vector<1x16xi32>
          tpu.vector_store %arg8[%swap3A_1087, %swap3A_1088], %swap3A_1091 {strides = array<i32>} : memref<2x128xi32, #tpu.memory_space<vmem>>, vector<1x16xi32>,
          %get3A_1092 = arith.index_cast %add3A_1043 : i32 to index
          %get3A_1093 = arith.constant 64 : index
          %get3A_1094 = tpu.vector_load %arg6[%get3A_1092, %get3A_1093] {strides = array<i32>} : memref<40x128xi32, #tpu.memory_space<vmem>>, vector<1x16xi32>,
          %get3A_1095 = vector.shape_cast %get3A_1094 : vector<1x16xi32> to vector<16xi32>
          %add3A_1096 = vector.broadcast %mul3A_26 : i32 to vector<16xi32>
          %add3A_1097 = arith.addi %get3A_1095, %add3A_1096 : vector<16xi32>
          %swap3A_1098 = arith.constant 0 : i32
          %swap3A_1099 = arith.index_cast %swap3A_1098 : i32 to index
          %swap3A_1100 = arith.constant 64 : index
          %swap3A_1101 = tpu.vector_load %arg8[%swap3A_1099, %swap3A_1100] {strides = array<i32>} : memref<2x128xi32, #tpu.memory_space<vmem>>, vector<1x16xi32>,
          %swap3A_1102 = vector.shape_cast %swap3A_1101 : vector<1x16xi32> to vector<16xi32>
          %swap3A_1103 = vector.shape_cast %add3A_1097 : vector<16xi32> to vector<1x16xi32>
          tpu.vector_store %arg8[%swap3A_1099, %swap3A_1100], %swap3A_1103 {strides = array<i32>} : memref<2x128xi32, #tpu.memory_space<vmem>>, vector<1x16xi32>,
          %get3A_1104 = arith.index_cast %add3A_1043 : i32 to index
          %get3A_1105 = arith.constant 80 : index
          %get3A_1106 = tpu.vector_load %arg6[%get3A_1104, %get3A_1105] {strides = array<i32>} : memref<40x128xi32, #tpu.memory_space<vmem>>, vector<1x16xi32>,
          %get3A_1107 = vector.shape_cast %get3A_1106 : vector<1x16xi32> to vector<16xi32>
          %add3A_1108 = vector.broadcast %mul3A_26 : i32 to vector<16xi32>
          %add3A_1109 = arith.addi %get3A_1107, %add3A_1108 : vector<16xi32>
          %swap3A_1110 = arith.constant 0 : i32
          %swap3A_1111 = arith.index_cast %swap3A_1110 : i32 to index
          %swap3A_1112 = arith.constant 80 : index
          %swap3A_1113 = tpu.vector_load %arg8[%swap3A_1111, %swap3A_1112] {strides = array<i32>} : memref<2x128xi32, #tpu.memory_space<vmem>>, vector<1x16xi32>,
          %swap3A_1114 = vector.shape_cast %swap3A_1113 : vector<1x16xi32> to vector<16xi32>
          %swap3A_1115 = vector.shape_cast %add3A_1109 : vector<16xi32> to vector<1x16xi32>
          tpu.vector_store %arg8[%swap3A_1111, %swap3A_1112], %swap3A_1115 {strides = array<i32>} : memref<2x128xi32, #tpu.memory_space<vmem>>, vector<1x16xi32>,
          %get3A_1116 = arith.index_cast %add3A_1043 : i32 to index
          %get3A_1117 = arith.constant 96 : index
          %get3A_1118 = tpu.vector_load %arg6[%get3A_1116, %get3A_1117] {strides = array<i32>} : memref<40x128xi32, #tpu.memory_space<vmem>>, vector<1x16xi32>,
          %get3A_1119 = vector.shape_cast %get3A_1118 : vector<1x16xi32> to vector<16xi32>
          %add3A_1120 = vector.broadcast %mul3A_26 : i32 to vector<16xi32>
          %add3A_1121 = arith.addi %get3A_1119, %add3A_1120 : vector<16xi32>
          %swap3A_1122 = arith.constant 0 : i32
          %swap3A_1123 = arith.index_cast %swap3A_1122 : i32 to index
          %swap3A_1124 = arith.constant 96 : index
          %swap3A_1125 = tpu.vector_load %arg8[%swap3A_1123, %swap3A_1124] {strides = array<i32>} : memref<2x128xi32, #tpu.memory_space<vmem>>, vector<1x16xi32>,
          %swap3A_1126 = vector.shape_cast %swap3A_1125 : vector<1x16xi32> to vector<16xi32>
          %swap3A_1127 = vector.shape_cast %add3A_1121 : vector<16xi32> to vector<1x16xi32>
          tpu.vector_store %arg8[%swap3A_1123, %swap3A_1124], %swap3A_1127 {strides = array<i32>} : memref<2x128xi32, #tpu.memory_space<vmem>>, vector<1x16xi32>,
          %get3A_1128 = arith.index_cast %add3A_1043 : i32 to index
          %get3A_1129 = arith.constant 112 : index
          %get3A_1130 = tpu.vector_load %arg6[%get3A_1128, %get3A_1129] {strides = array<i32>} : memref<40x128xi32, #tpu.memory_space<vmem>>, vector<1x16xi32>,
          %get3A_1131 = vector.shape_cast %get3A_1130 : vector<1x16xi32> to vector<16xi32>
          %add3A_1132 = vector.broadcast %mul3A_26 : i32 to vector<16xi32>
          %add3A_1133 = arith.addi %get3A_1131, %add3A_1132 : vector<16xi32>
          %swap3A_1134 = arith.constant 0 : i32
          %swap3A_1135 = arith.index_cast %swap3A_1134 : i32 to index
          %swap3A_1136 = arith.constant 112 : index
          %swap3A_1137 = tpu.vector_load %arg8[%swap3A_1135, %swap3A_1136] {strides = array<i32>} : memref<2x128xi32, #tpu.memory_space<vmem>>, vector<1x16xi32>,
          %swap3A_1138 = vector.shape_cast %swap3A_1137 : vector<1x16xi32> to vector<16xi32>
          %swap3A_1139 = vector.shape_cast %add3A_1133 : vector<16xi32> to vector<1x16xi32>
          tpu.vector_store %arg8[%swap3A_1135, %swap3A_1136], %swap3A_1139 {strides = array<i32>} : memref<2x128xi32, #tpu.memory_space<vmem>>, vector<1x16xi32>,
        } else {
        }
        %dma_wait3A_991 = arith.constant 0 : i32
        %dma_wait3A_992 = tpu.memref_slice %arg7[%add3A_974, %dma_wait3A_991] : memref<40x128xi32, #tpu.memory_space<vmem>> -> memref<1x128xi32, #tpu.memory_space<vmem>>
        %dma_wait3A_993 = tpu.memref_squeeze %dma_wait3A_992 : memref<1x128xi32, #tpu.memory_space<vmem>> -> memref<128xi32, #tpu.memory_space<vmem>>
        %dma_wait3A_994 = arith.constant 0 : i32
        %dma_wait3A_995 = arith.constant 0 : i32
        %dma_wait3A_996 = tpu.memref_slice %arg12[%dma_wait3A_994, %dma_wait3A_995] : memref<10240x128xf32, #tpu.memory_space<vmem_shared>> -> memref<10240x128xf32, #tpu.memory_space<vmem_shared>>
        tpu.wait_indirect_dma semaphore(%arg15 : memref<!tpu.dma_semaphore, #tpu.memory_space<semaphore_mem>>) src(%arg9 : memref<128x128xf32, #tpu.memory_space<vmem>>) dst(%dma_wait3A_996 : memref<10240x128xf32, #tpu.memory_space<vmem_shared>>)
        %add3A_997 = arith.constant 2 : i32
        %add3A_998 = arith.addi %add3A_974, %add3A_997 : i32
        %lt3A_999 = arith.constant 40 : i32
        %lt3A_1000 = arith.cmpi slt, %add3A_998, %lt3A_999 : i32
        %convert_element_type3A_1001 = arith.extui %lt3A_1000 : i1 to i32
        %cond3A_1002 = arith.constant 0 : i32
        %cond3A_1003 = arith.cmpi ne, %convert_element_type3A_1001, %cond3A_1002 : i32
        scf.if %cond3A_1003 {
          %dma_start3A_1042 = arith.constant 0 : i32
          %dma_start3A_1043 = arith.constant 0 : i32
          %dma_start3A_1044 = tpu.memref_slice %arg8[%dma_start3A_1042, %dma_start3A_1043] : memref<2x128xi32, #tpu.memory_space<vmem>> -> memref<1x128xi32, #tpu.memory_space<vmem>>
          %dma_start3A_1045 = tpu.memref_squeeze %dma_start3A_1044 : memref<1x128xi32, #tpu.memory_space<vmem>> -> memref<128xi32, #tpu.memory_space<vmem>>
          %dma_start3A_1046 = arith.constant 0 : i32
          %dma_start3A_1047 = arith.constant 0 : i32
          %dma_start3A_1048 = tpu.memref_slice %arg2[%dma_start3A_1046, %dma_start3A_1047] : memref<60000x128xf32, #tpu.memory_space<hbm>> -> memref<60000x128xf32, #tpu.memory_space<hbm>>
          tpu.enqueue_indirect_dma source(%dma_start3A_1048 : memref<60000x128xf32, #tpu.memory_space<hbm>>) target(%arg9 : memref<128x128xf32, #tpu.memory_space<vmem>>) offsets(%dma_start3A_1045 : memref<128xi32, #tpu.memory_space<vmem>>) semaphore(%arg13 : memref<!tpu.dma_semaphore, #tpu.memory_space<semaphore_mem>>)
        } else {
        }
        %mul3A_1004 = arith.constant 2 : i32
        %mul3A_1005 = arith.muli %mul3A_1004, %scan3A_969 : i32
        %add3A_1006 = arith.constant 1 : i32
        %add3A_1007 = arith.addi %mul3A_1005, %add3A_1006 : i32
        %dma_wait3A_1008 = arith.constant 1 : i32
        %dma_wait3A_1009 = arith.constant 0 : i32
        %dma_wait3A_1010 = tpu.memref_slice %arg8[%dma_wait3A_1008, %dma_wait3A_1009] : memref<2x128xi32, #tpu.memory_space<vmem>> -> memref<1x128xi32, #tpu.memory_space<vmem>>
        %dma_wait3A_1011 = tpu.memref_squeeze %dma_wait3A_1010 : memref<1x128xi32, #tpu.memory_space<vmem>> -> memref<128xi32, #tpu.memory_space<vmem>>
        %dma_wait3A_1012 = arith.constant 0 : i32
        %dma_wait3A_1013 = arith.constant 0 : i32
        %dma_wait3A_1014 = tpu.memref_slice %arg2[%dma_wait3A_1012, %dma_wait3A_1013] : memref<60000x128xf32, #tpu.memory_space<hbm>> -> memref<60000x128xf32, #tpu.memory_space<hbm>>
        tpu.wait_indirect_dma semaphore(%arg14 : memref<!tpu.dma_semaphore, #tpu.memory_space<semaphore_mem>>) src(%dma_wait3A_1014 : memref<60000x128xf32, #tpu.memory_space<hbm>>) dst(%arg10 : memref<128x128xf32, #tpu.memory_space<vmem>>)
        %dma_start3A_1015 = arith.constant 0 : i32
        %dma_start3A_1016 = tpu.memref_slice %arg7[%add3A_1007, %dma_start3A_1015] : memref<40x128xi32, #tpu.memory_space<vmem>> -> memref<1x128xi32, #tpu.memory_space<vmem>>
        %dma_start3A_1017 = tpu.memref_squeeze %dma_start3A_1016 : memref<1x128xi32, #tpu.memory_space<vmem>> -> memref<128xi32, #tpu.memory_space<vmem>>
        %dma_start3A_1018 = arith.constant 0 : i32
        %dma_start3A_1019 = arith.constant 0 : i32
        %dma_start3A_1020 = tpu.memref_slice %arg12[%dma_start3A_1018, %dma_start3A_1019] : memref<10240x128xf32, #tpu.memory_space<vmem_shared>> -> memref<10240x128xf32, #tpu.memory_space<vmem_shared>>
        tpu.enqueue_indirect_dma source(%arg10 : memref<128x128xf32, #tpu.memory_space<vmem>>) target(%dma_start3A_1020 : memref<10240x128xf32, #tpu.memory_space<vmem_shared>>) offsets(%dma_start3A_1017 : memref<128xi32, #tpu.memory_space<vmem>>) semaphore(%arg16 : memref<!tpu.dma_semaphore, #tpu.memory_space<semaphore_mem>>) {add = true}
        %add3A_1021 = arith.constant 2 : i32
        %add3A_1022 = arith.addi %add3A_1007, %add3A_1021 : i32
        %lt3A_1023 = arith.constant 40 : i32
        %lt3A_1024 = arith.cmpi slt, %add3A_1022, %lt3A_1023 : i32
        %convert_element_type3A_1025 = arith.extui %lt3A_1024 : i1 to i32
        %cond3A_1026 = arith.constant 0 : i32
        %cond3A_1027 = arith.cmpi ne, %convert_element_type3A_1025, %cond3A_1026 : i32
        scf.if %cond3A_1027 {
          %add3A_1042 = arith.constant 2 : i32
          %add3A_1043 = arith.addi %add3A_1007, %add3A_1042 : i32
          %get3A_1044 = arith.index_cast %add3A_1043 : i32 to index
          %get3A_1045 = arith.constant 0 : index
          %get3A_1046 = tpu.vector_load %arg6[%get3A_1044, %get3A_1045] {strides = array<i32>} : memref<40x128xi32, #tpu.memory_space<vmem>>, vector<1x16xi32>,
          %get3A_1047 = vector.shape_cast %get3A_1046 : vector<1x16xi32> to vector<16xi32>
          %add3A_1048 = vector.broadcast %mul3A_26 : i32 to vector<16xi32>
          %add3A_1049 = arith.addi %get3A_1047, %add3A_1048 : vector<16xi32>
          %swap3A_1050 = arith.constant 1 : i32
          %swap3A_1051 = arith.index_cast %swap3A_1050 : i32 to index
          %swap3A_1052 = arith.constant 0 : index
          %swap3A_1053 = tpu.vector_load %arg8[%swap3A_1051, %swap3A_1052] {strides = array<i32>} : memref<2x128xi32, #tpu.memory_space<vmem>>, vector<1x16xi32>,
          %swap3A_1054 = vector.shape_cast %swap3A_1053 : vector<1x16xi32> to vector<16xi32>
          %swap3A_1055 = vector.shape_cast %add3A_1049 : vector<16xi32> to vector<1x16xi32>
          tpu.vector_store %arg8[%swap3A_1051, %swap3A_1052], %swap3A_1055 {strides = array<i32>} : memref<2x128xi32, #tpu.memory_space<vmem>>, vector<1x16xi32>,
          %get3A_1056 = arith.index_cast %add3A_1043 : i32 to index
          %get3A_1057 = arith.constant 16 : index
          %get3A_1058 = tpu.vector_load %arg6[%get3A_1056, %get3A_1057] {strides = array<i32>} : memref<40x128xi32, #tpu.memory_space<vmem>>, vector<1x16xi32>,
          %get3A_1059 = vector.shape_cast %get3A_1058 : vector<1x16xi32> to vector<16xi32>
          %add3A_1060 = vector.broadcast %mul3A_26 : i32 to vector<16xi32>
          %add3A_1061 = arith.addi %get3A_1059, %add3A_1060 : vector<16xi32>
          %swap3A_1062 = arith.constant 1 : i32
          %swap3A_1063 = arith.index_cast %swap3A_1062 : i32 to index
          %swap3A_1064 = arith.constant 16 : index
          %swap3A_1065 = tpu.vector_load %arg8[%swap3A_1063, %swap3A_1064] {strides = array<i32>} : memref<2x128xi32, #tpu.memory_space<vmem>>, vector<1x16xi32>,
          %swap3A_1066 = vector.shape_cast %swap3A_1065 : vector<1x16xi32> to vector<16xi32>
          %swap3A_1067 = vector.shape_cast %add3A_1061 : vector<16xi32> to vector<1x16xi32>
          tpu.vector_store %arg8[%swap3A_1063, %swap3A_1064], %swap3A_1067 {strides = array<i32>} : memref<2x128xi32, #tpu.memory_space<vmem>>, vector<1x16xi32>,
          %get3A_1068 = arith.index_cast %add3A_1043 : i32 to index
          %get3A_1069 = arith.constant 32 : index
          %get3A_1070 = tpu.vector_load %arg6[%get3A_1068, %get3A_1069] {strides = array<i32>} : memref<40x128xi32, #tpu.memory_space<vmem>>, vector<1x16xi32>,
          %get3A_1071 = vector.shape_cast %get3A_1070 : vector<1x16xi32> to vector<16xi32>
          %add3A_1072 = vector.broadcast %mul3A_26 : i32 to vector<16xi32>
          %add3A_1073 = arith.addi %get3A_1071, %add3A_1072 : vector<16xi32>
          %swap3A_1074 = arith.constant 1 : i32
          %swap3A_1075 = arith.index_cast %swap3A_1074 : i32 to index
          %swap3A_1076 = arith.constant 32 : index
          %swap3A_1077 = tpu.vector_load %arg8[%swap3A_1075, %swap3A_1076] {strides = array<i32>} : memref<2x128xi32, #tpu.memory_space<vmem>>, vector<1x16xi32>,
          %swap3A_1078 = vector.shape_cast %swap3A_1077 : vector<1x16xi32> to vector<16xi32>
          %swap3A_1079 = vector.shape_cast %add3A_1073 : vector<16xi32> to vector<1x16xi32>
          tpu.vector_store %arg8[%swap3A_1075, %swap3A_1076], %swap3A_1079 {strides = array<i32>} : memref<2x128xi32, #tpu.memory_space<vmem>>, vector<1x16xi32>,
          %get3A_1080 = arith.index_cast %add3A_1043 : i32 to index
          %get3A_1081 = arith.constant 48 : index
          %get3A_1082 = tpu.vector_load %arg6[%get3A_1080, %get3A_1081] {strides = array<i32>} : memref<40x128xi32, #tpu.memory_space<vmem>>, vector<1x16xi32>,
          %get3A_1083 = vector.shape_cast %get3A_1082 : vector<1x16xi32> to vector<16xi32>
          %add3A_1084 = vector.broadcast %mul3A_26 : i32 to vector<16xi32>
          %add3A_1085 = arith.addi %get3A_1083, %add3A_1084 : vector<16xi32>
          %swap3A_1086 = arith.constant 1 : i32
          %swap3A_1087 = arith.index_cast %swap3A_1086 : i32 to index
          %swap3A_1088 = arith.constant 48 : index
          %swap3A_1089 = tpu.vector_load %arg8[%swap3A_1087, %swap3A_1088] {strides = array<i32>} : memref<2x128xi32, #tpu.memory_space<vmem>>, vector<1x16xi32>,
          %swap3A_1090 = vector.shape_cast %swap3A_1089 : vector<1x16xi32> to vector<16xi32>
          %swap3A_1091 = vector.shape_cast %add3A_1085 : vector<16xi32> to vector<1x16xi32>
          tpu.vector_store %arg8[%swap3A_1087, %swap3A_1088], %swap3A_1091 {strides = array<i32>} : memref<2x128xi32, #tpu.memory_space<vmem>>, vector<1x16xi32>,
          %get3A_1092 = arith.index_cast %add3A_1043 : i32 to index
          %get3A_1093 = arith.constant 64 : index
          %get3A_1094 = tpu.vector_load %arg6[%get3A_1092, %get3A_1093] {strides = array<i32>} : memref<40x128xi32, #tpu.memory_space<vmem>>, vector<1x16xi32>,
          %get3A_1095 = vector.shape_cast %get3A_1094 : vector<1x16xi32> to vector<16xi32>
          %add3A_1096 = vector.broadcast %mul3A_26 : i32 to vector<16xi32>
          %add3A_1097 = arith.addi %get3A_1095, %add3A_1096 : vector<16xi32>
          %swap3A_1098 = arith.constant 1 : i32
          %swap3A_1099 = arith.index_cast %swap3A_1098 : i32 to index
          %swap3A_1100 = arith.constant 64 : index
          %swap3A_1101 = tpu.vector_load %arg8[%swap3A_1099, %swap3A_1100] {strides = array<i32>} : memref<2x128xi32, #tpu.memory_space<vmem>>, vector<1x16xi32>,
          %swap3A_1102 = vector.shape_cast %swap3A_1101 : vector<1x16xi32> to vector<16xi32>
          %swap3A_1103 = vector.shape_cast %add3A_1097 : vector<16xi32> to vector<1x16xi32>
          tpu.vector_store %arg8[%swap3A_1099, %swap3A_1100], %swap3A_1103 {strides = array<i32>} : memref<2x128xi32, #tpu.memory_space<vmem>>, vector<1x16xi32>,
          %get3A_1104 = arith.index_cast %add3A_1043 : i32 to index
          %get3A_1105 = arith.constant 80 : index
          %get3A_1106 = tpu.vector_load %arg6[%get3A_1104, %get3A_1105] {strides = array<i32>} : memref<40x128xi32, #tpu.memory_space<vmem>>, vector<1x16xi32>,
          %get3A_1107 = vector.shape_cast %get3A_1106 : vector<1x16xi32> to vector<16xi32>
          %add3A_1108 = vector.broadcast %mul3A_26 : i32 to vector<16xi32>
          %add3A_1109 = arith.addi %get3A_1107, %add3A_1108 : vector<16xi32>
          %swap3A_1110 = arith.constant 1 : i32
          %swap3A_1111 = arith.index_cast %swap3A_1110 : i32 to index
          %swap3A_1112 = arith.constant 80 : index
          %swap3A_1113 = tpu.vector_load %arg8[%swap3A_1111, %swap3A_1112] {strides = array<i32>} : memref<2x128xi32, #tpu.memory_space<vmem>>, vector<1x16xi32>,
          %swap3A_1114 = vector.shape_cast %swap3A_1113 : vector<1x16xi32> to vector<16xi32>
          %swap3A_1115 = vector.shape_cast %add3A_1109 : vector<16xi32> to vector<1x16xi32>
          tpu.vector_store %arg8[%swap3A_1111, %swap3A_1112], %swap3A_1115 {strides = array<i32>} : memref<2x128xi32, #tpu.memory_space<vmem>>, vector<1x16xi32>,
          %get3A_1116 = arith.index_cast %add3A_1043 : i32 to index
          %get3A_1117 = arith.constant 96 : index
          %get3A_1118 = tpu.vector_load %arg6[%get3A_1116, %get3A_1117] {strides = array<i32>} : memref<40x128xi32, #tpu.memory_space<vmem>>, vector<1x16xi32>,
          %get3A_1119 = vector.shape_cast %get3A_1118 : vector<1x16xi32> to vector<16xi32>
          %add3A_1120 = vector.broadcast %mul3A_26 : i32 to vector<16xi32>
          %add3A_1121 = arith.addi %get3A_1119, %add3A_1120 : vector<16xi32>
          %swap3A_1122 = arith.constant 1 : i32
          %swap3A_1123 = arith.index_cast %swap3A_1122 : i32 to index
          %swap3A_1124 = arith.constant 96 : index
          %swap3A_1125 = tpu.vector_load %arg8[%swap3A_1123, %swap3A_1124] {strides = array<i32>} : memref<2x128xi32, #tpu.memory_space<vmem>>, vector<1x16xi32>,
          %swap3A_1126 = vector.shape_cast %swap3A_1125 : vector<1x16xi32> to vector<16xi32>
          %swap3A_1127 = vector.shape_cast %add3A_1121 : vector<16xi32> to vector<1x16xi32>
          tpu.vector_store %arg8[%swap3A_1123, %swap3A_1124], %swap3A_1127 {strides = array<i32>} : memref<2x128xi32, #tpu.memory_space<vmem>>, vector<1x16xi32>,
          %get3A_1128 = arith.index_cast %add3A_1043 : i32 to index
          %get3A_1129 = arith.constant 112 : index
          %get3A_1130 = tpu.vector_load %arg6[%get3A_1128, %get3A_1129] {strides = array<i32>} : memref<40x128xi32, #tpu.memory_space<vmem>>, vector<1x16xi32>,
          %get3A_1131 = vector.shape_cast %get3A_1130 : vector<1x16xi32> to vector<16xi32>
          %add3A_1132 = vector.broadcast %mul3A_26 : i32 to vector<16xi32>
          %add3A_1133 = arith.addi %get3A_1131, %add3A_1132 : vector<16xi32>
          %swap3A_1134 = arith.constant 1 : i32
          %swap3A_1135 = arith.index_cast %swap3A_1134 : i32 to index
          %swap3A_1136 = arith.constant 112 : index
          %swap3A_1137 = tpu.vector_load %arg8[%swap3A_1135, %swap3A_1136] {strides = array<i32>} : memref<2x128xi32, #tpu.memory_space<vmem>>, vector<1x16xi32>,
          %swap3A_1138 = vector.shape_cast %swap3A_1137 : vector<1x16xi32> to vector<16xi32>
          %swap3A_1139 = vector.shape_cast %add3A_1133 : vector<16xi32> to vector<1x16xi32>
          tpu.vector_store %arg8[%swap3A_1135, %swap3A_1136], %swap3A_1139 {strides = array<i32>} : memref<2x128xi32, #tpu.memory_space<vmem>>, vector<1x16xi32>,
        } else {
        }
        %dma_wait3A_1028 = arith.constant 0 : i32
        %dma_wait3A_1029 = tpu.memref_slice %arg7[%add3A_1007, %dma_wait3A_1028] : memref<40x128xi32, #tpu.memory_space<vmem>> -> memref<1x128xi32, #tpu.memory_space<vmem>>
        %dma_wait3A_1030 = tpu.memref_squeeze %dma_wait3A_1029 : memref<1x128xi32, #tpu.memory_space<vmem>> -> memref<128xi32, #tpu.memory_space<vmem>>
        %dma_wait3A_1031 = arith.constant 0 : i32
        %dma_wait3A_1032 = arith.constant 0 : i32
        %dma_wait3A_1033 = tpu.memref_slice %arg12[%dma_wait3A_1031, %dma_wait3A_1032] : memref<10240x128xf32, #tpu.memory_space<vmem_shared>> -> memref<10240x128xf32, #tpu.memory_space<vmem_shared>>
        tpu.wait_indirect_dma semaphore(%arg16 : memref<!tpu.dma_semaphore, #tpu.memory_space<semaphore_mem>>) src(%arg10 : memref<128x128xf32, #tpu.memory_space<vmem>>) dst(%dma_wait3A_1033 : memref<10240x128xf32, #tpu.memory_space<vmem_shared>>)
        %add3A_1034 = arith.constant 2 : i32
        %add3A_1035 = arith.addi %add3A_1007, %add3A_1034 : i32
        %lt3A_1036 = arith.constant 40 : i32
        %lt3A_1037 = arith.cmpi slt, %add3A_1035, %lt3A_1036 : i32
        %convert_element_type3A_1038 = arith.extui %lt3A_1037 : i1 to i32
        %cond3A_1039 = arith.constant 0 : i32
        %cond3A_1040 = arith.cmpi ne, %convert_element_type3A_1038, %cond3A_1039 : i32
        scf.if %cond3A_1040 {
          %dma_start3A_1042 = arith.constant 1 : i32
          %dma_start3A_1043 = arith.constant 0 : i32
          %dma_start3A_1044 = tpu.memref_slice %arg8[%dma_start3A_1042, %dma_start3A_1043] : memref<2x128xi32, #tpu.memory_space<vmem>> -> memref<1x128xi32, #tpu.memory_space<vmem>>
          %dma_start3A_1045 = tpu.memref_squeeze %dma_start3A_1044 : memref<1x128xi32, #tpu.memory_space<vmem>> -> memref<128xi32, #tpu.memory_space<vmem>>
          %dma_start3A_1046 = arith.constant 0 : i32
          %dma_start3A_1047 = arith.constant 0 : i32
          %dma_start3A_1048 = tpu.memref_slice %arg2[%dma_start3A_1046, %dma_start3A_1047] : memref<60000x128xf32, #tpu.memory_space<hbm>> -> memref<60000x128xf32, #tpu.memory_space<hbm>>
          tpu.enqueue_indirect_dma source(%dma_start3A_1048 : memref<60000x128xf32, #tpu.memory_space<hbm>>) target(%arg10 : memref<128x128xf32, #tpu.memory_space<vmem>>) offsets(%dma_start3A_1045 : memref<128xi32, #tpu.memory_space<vmem>>) semaphore(%arg14 : memref<!tpu.dma_semaphore, #tpu.memory_space<semaphore_mem>>)
        } else {
        }
        %scan3A_1041 = arith.constant 0 : i32
        scf.yield %scan3A_1041 : i32
      }
      %scan3A_729 = arith.constant 20 : i32
      %mul3A_730 = arith.constant 160 : i32
      %mul3A_731 = arith.muli %arg1, %mul3A_730 : i32
      %add3A_732 = arith.constant 120 : i32
      %add3A_733 = arith.addi %mul3A_731, %add3A_732 : i32
      "tpu.region"() ({
        %run_scoped3A = tpu.sem_alloc : memref<!tpu.dma_semaphore, #tpu.memory_space<semaphore_mem>>
        %dma_start3A_969 = arith.constant 0 : i32
        %dma_start3A_970 = tpu.memref_slice %arg3[%add3A_733, %dma_start3A_969] : memref<2560x128xi32, #tpu.memory_space<hbm>> -> memref<40x128xi32, #tpu.memory_space<hbm>>
        %dma_start3A_971 = arith.constant 0 : i32
        %dma_start3A_972 = tpu.memref_slice %arg3[%add3A_733, %dma_start3A_971] : memref<2560x128xi32, #tpu.memory_space<hbm>> -> memref<40x128xi32, #tpu.memory_space<hbm>>
        tpu.enqueue_dma source(%dma_start3A_972 : memref<40x128xi32, #tpu.memory_space<hbm>>) target(%arg6 : memref<40x128xi32, #tpu.memory_space<vmem>>) target_semaphore(%run_scoped3A : memref<!tpu.dma_semaphore, #tpu.memory_space<semaphore_mem>>)
        %dma_wait3A = arith.constant 0 : i32
        %dma_wait3A_973 = tpu.memref_slice %arg3[%add3A_733, %dma_wait3A] : memref<2560x128xi32, #tpu.memory_space<hbm>> -> memref<40x128xi32, #tpu.memory_space<hbm>>
        %dma_wait3A_974 = arith.constant 0 : i32
        %dma_wait3A_975 = tpu.memref_slice %arg3[%add3A_733, %dma_wait3A_974] : memref<2560x128xi32, #tpu.memory_space<hbm>> -> memref<40x128xi32, #tpu.memory_space<hbm>>
        tpu.wait_dma2 semaphore(%run_scoped3A : memref<!tpu.dma_semaphore, #tpu.memory_space<semaphore_mem>>) src(%dma_wait3A_975 : memref<40x128xi32, #tpu.memory_space<hbm>>) dst(%arg6 : memref<40x128xi32, #tpu.memory_space<vmem>>)
        tpu.yield
      }) : () -> ()
      "tpu.region"() ({
        %run_scoped3A = tpu.sem_alloc : memref<!tpu.dma_semaphore, #tpu.memory_space<semaphore_mem>>
        %dma_start3A_969 = arith.constant 0 : i32
        %dma_start3A_970 = tpu.memref_slice %arg4[%add3A_733, %dma_start3A_969] : memref<2560x128xi32, #tpu.memory_space<hbm>> -> memref<40x128xi32, #tpu.memory_space<hbm>>
        %dma_start3A_971 = arith.constant 0 : i32
        %dma_start3A_972 = tpu.memref_slice %arg4[%add3A_733, %dma_start3A_971] : memref<2560x128xi32, #tpu.memory_space<hbm>> -> memref<40x128xi32, #tpu.memory_space<hbm>>
        tpu.enqueue_dma source(%dma_start3A_972 : memref<40x128xi32, #tpu.memory_space<hbm>>) target(%arg7 : memref<40x128xi32, #tpu.memory_space<vmem>>) target_semaphore(%run_scoped3A : memref<!tpu.dma_semaphore, #tpu.memory_space<semaphore_mem>>)
        %dma_wait3A = arith.constant 0 : i32
        %dma_wait3A_973 = tpu.memref_slice %arg4[%add3A_733, %dma_wait3A] : memref<2560x128xi32, #tpu.memory_space<hbm>> -> memref<40x128xi32, #tpu.memory_space<hbm>>
        %dma_wait3A_974 = arith.constant 0 : i32
        %dma_wait3A_975 = tpu.memref_slice %arg4[%add3A_733, %dma_wait3A_974] : memref<2560x128xi32, #tpu.memory_space<hbm>> -> memref<40x128xi32, #tpu.memory_space<hbm>>
        tpu.wait_dma2 semaphore(%run_scoped3A : memref<!tpu.dma_semaphore, #tpu.memory_space<semaphore_mem>>) src(%dma_wait3A_975 : memref<40x128xi32, #tpu.memory_space<hbm>>) dst(%arg7 : memref<40x128xi32, #tpu.memory_space<vmem>>)
        tpu.yield
      }) : () -> ()
      %get3A_734 = arith.constant 0 : i32
      %get3A_735 = arith.index_cast %get3A_734 : i32 to index
      %get3A_736 = arith.constant 0 : index
      %get3A_737 = tpu.vector_load %arg6[%get3A_735, %get3A_736] {strides = array<i32>} : memref<40x128xi32, #tpu.memory_space<vmem>>, vector<1x16xi32>,
      %get3A_738 = vector.shape_cast %get3A_737 : vector<1x16xi32> to vector<16xi32>
      %add3A_739 = vector.broadcast %mul3A_26 : i32 to vector<16xi32>
      %add3A_740 = arith.addi %get3A_738, %add3A_739 : vector<16xi32>
      %swap3A_741 = arith.constant 0 : i32
      %swap3A_742 = arith.index_cast %swap3A_741 : i32 to index
      %swap3A_743 = arith.constant 0 : index
      %swap3A_744 = tpu.vector_load %arg8[%swap3A_742, %swap3A_743] {strides = array<i32>} : memref<2x128xi32, #tpu.memory_space<vmem>>, vector<1x16xi32>,
      %swap3A_745 = vector.shape_cast %swap3A_744 : vector<1x16xi32> to vector<16xi32>
      %swap3A_746 = vector.shape_cast %add3A_740 : vector<16xi32> to vector<1x16xi32>
      tpu.vector_store %arg8[%swap3A_742, %swap3A_743], %swap3A_746 {strides = array<i32>} : memref<2x128xi32, #tpu.memory_space<vmem>>, vector<1x16xi32>,
      %get3A_747 = arith.constant 0 : i32
      %get3A_748 = arith.index_cast %get3A_747 : i32 to index
      %get3A_749 = arith.constant 16 : index
      %get3A_750 = tpu.vector_load %arg6[%get3A_748, %get3A_749] {strides = array<i32>} : memref<40x128xi32, #tpu.memory_space<vmem>>, vector<1x16xi32>,
      %get3A_751 = vector.shape_cast %get3A_750 : vector<1x16xi32> to vector<16xi32>
      %add3A_752 = vector.broadcast %mul3A_26 : i32 to vector<16xi32>
      %add3A_753 = arith.addi %get3A_751, %add3A_752 : vector<16xi32>
      %swap3A_754 = arith.constant 0 : i32
      %swap3A_755 = arith.index_cast %swap3A_754 : i32 to index
      %swap3A_756 = arith.constant 16 : index
      %swap3A_757 = tpu.vector_load %arg8[%swap3A_755, %swap3A_756] {strides = array<i32>} : memref<2x128xi32, #tpu.memory_space<vmem>>, vector<1x16xi32>,
      %swap3A_758 = vector.shape_cast %swap3A_757 : vector<1x16xi32> to vector<16xi32>
      %swap3A_759 = vector.shape_cast %add3A_753 : vector<16xi32> to vector<1x16xi32>
      tpu.vector_store %arg8[%swap3A_755, %swap3A_756], %swap3A_759 {strides = array<i32>} : memref<2x128xi32, #tpu.memory_space<vmem>>, vector<1x16xi32>,
      %get3A_760 = arith.constant 0 : i32
      %get3A_761 = arith.index_cast %get3A_760 : i32 to index
      %get3A_762 = arith.constant 32 : index
      %get3A_763 = tpu.vector_load %arg6[%get3A_761, %get3A_762] {strides = array<i32>} : memref<40x128xi32, #tpu.memory_space<vmem>>, vector<1x16xi32>,
      %get3A_764 = vector.shape_cast %get3A_763 : vector<1x16xi32> to vector<16xi32>
      %add3A_765 = vector.broadcast %mul3A_26 : i32 to vector<16xi32>
      %add3A_766 = arith.addi %get3A_764, %add3A_765 : vector<16xi32>
      %swap3A_767 = arith.constant 0 : i32
      %swap3A_768 = arith.index_cast %swap3A_767 : i32 to index
      %swap3A_769 = arith.constant 32 : index
      %swap3A_770 = tpu.vector_load %arg8[%swap3A_768, %swap3A_769] {strides = array<i32>} : memref<2x128xi32, #tpu.memory_space<vmem>>, vector<1x16xi32>,
      %swap3A_771 = vector.shape_cast %swap3A_770 : vector<1x16xi32> to vector<16xi32>
      %swap3A_772 = vector.shape_cast %add3A_766 : vector<16xi32> to vector<1x16xi32>
      tpu.vector_store %arg8[%swap3A_768, %swap3A_769], %swap3A_772 {strides = array<i32>} : memref<2x128xi32, #tpu.memory_space<vmem>>, vector<1x16xi32>,
      %get3A_773 = arith.constant 0 : i32
      %get3A_774 = arith.index_cast %get3A_773 : i32 to index
      %get3A_775 = arith.constant 48 : index
      %get3A_776 = tpu.vector_load %arg6[%get3A_774, %get3A_775] {strides = array<i32>} : memref<40x128xi32, #tpu.memory_space<vmem>>, vector<1x16xi32>,
      %get3A_777 = vector.shape_cast %get3A_776 : vector<1x16xi32> to vector<16xi32>
      %add3A_778 = vector.broadcast %mul3A_26 : i32 to vector<16xi32>
      %add3A_779 = arith.addi %get3A_777, %add3A_778 : vector<16xi32>
      %swap3A_780 = arith.constant 0 : i32
      %swap3A_781 = arith.index_cast %swap3A_780 : i32 to index
      %swap3A_782 = arith.constant 48 : index
      %swap3A_783 = tpu.vector_load %arg8[%swap3A_781, %swap3A_782] {strides = array<i32>} : memref<2x128xi32, #tpu.memory_space<vmem>>, vector<1x16xi32>,
      %swap3A_784 = vector.shape_cast %swap3A_783 : vector<1x16xi32> to vector<16xi32>
      %swap3A_785 = vector.shape_cast %add3A_779 : vector<16xi32> to vector<1x16xi32>
      tpu.vector_store %arg8[%swap3A_781, %swap3A_782], %swap3A_785 {strides = array<i32>} : memref<2x128xi32, #tpu.memory_space<vmem>>, vector<1x16xi32>,
      %get3A_786 = arith.constant 0 : i32
      %get3A_787 = arith.index_cast %get3A_786 : i32 to index
      %get3A_788 = arith.constant 64 : index
      %get3A_789 = tpu.vector_load %arg6[%get3A_787, %get3A_788] {strides = array<i32>} : memref<40x128xi32, #tpu.memory_space<vmem>>, vector<1x16xi32>,
      %get3A_790 = vector.shape_cast %get3A_789 : vector<1x16xi32> to vector<16xi32>
      %add3A_791 = vector.broadcast %mul3A_26 : i32 to vector<16xi32>
      %add3A_792 = arith.addi %get3A_790, %add3A_791 : vector<16xi32>
      %swap3A_793 = arith.constant 0 : i32
      %swap3A_794 = arith.index_cast %swap3A_793 : i32 to index
      %swap3A_795 = arith.constant 64 : index
      %swap3A_796 = tpu.vector_load %arg8[%swap3A_794, %swap3A_795] {strides = array<i32>} : memref<2x128xi32, #tpu.memory_space<vmem>>, vector<1x16xi32>,
      %swap3A_797 = vector.shape_cast %swap3A_796 : vector<1x16xi32> to vector<16xi32>
      %swap3A_798 = vector.shape_cast %add3A_792 : vector<16xi32> to vector<1x16xi32>
      tpu.vector_store %arg8[%swap3A_794, %swap3A_795], %swap3A_798 {strides = array<i32>} : memref<2x128xi32, #tpu.memory_space<vmem>>, vector<1x16xi32>,
      %get3A_799 = arith.constant 0 : i32
      %get3A_800 = arith.index_cast %get3A_799 : i32 to index
      %get3A_801 = arith.constant 80 : index
      %get3A_802 = tpu.vector_load %arg6[%get3A_800, %get3A_801] {strides = array<i32>} : memref<40x128xi32, #tpu.memory_space<vmem>>, vector<1x16xi32>,
      %get3A_803 = vector.shape_cast %get3A_802 : vector<1x16xi32> to vector<16xi32>
      %add3A_804 = vector.broadcast %mul3A_26 : i32 to vector<16xi32>
      %add3A_805 = arith.addi %get3A_803, %add3A_804 : vector<16xi32>
      %swap3A_806 = arith.constant 0 : i32
      %swap3A_807 = arith.index_cast %swap3A_806 : i32 to index
      %swap3A_808 = arith.constant 80 : index
      %swap3A_809 = tpu.vector_load %arg8[%swap3A_807, %swap3A_808] {strides = array<i32>} : memref<2x128xi32, #tpu.memory_space<vmem>>, vector<1x16xi32>,
      %swap3A_810 = vector.shape_cast %swap3A_809 : vector<1x16xi32> to vector<16xi32>
      %swap3A_811 = vector.shape_cast %add3A_805 : vector<16xi32> to vector<1x16xi32>
      tpu.vector_store %arg8[%swap3A_807, %swap3A_808], %swap3A_811 {strides = array<i32>} : memref<2x128xi32, #tpu.memory_space<vmem>>, vector<1x16xi32>,
      %get3A_812 = arith.constant 0 : i32
      %get3A_813 = arith.index_cast %get3A_812 : i32 to index
      %get3A_814 = arith.constant 96 : index
      %get3A_815 = tpu.vector_load %arg6[%get3A_813, %get3A_814] {strides = array<i32>} : memref<40x128xi32, #tpu.memory_space<vmem>>, vector<1x16xi32>,
      %get3A_816 = vector.shape_cast %get3A_815 : vector<1x16xi32> to vector<16xi32>
      %add3A_817 = vector.broadcast %mul3A_26 : i32 to vector<16xi32>
      %add3A_818 = arith.addi %get3A_816, %add3A_817 : vector<16xi32>
      %swap3A_819 = arith.constant 0 : i32
      %swap3A_820 = arith.index_cast %swap3A_819 : i32 to index
      %swap3A_821 = arith.constant 96 : index
      %swap3A_822 = tpu.vector_load %arg8[%swap3A_820, %swap3A_821] {strides = array<i32>} : memref<2x128xi32, #tpu.memory_space<vmem>>, vector<1x16xi32>,
      %swap3A_823 = vector.shape_cast %swap3A_822 : vector<1x16xi32> to vector<16xi32>
      %swap3A_824 = vector.shape_cast %add3A_818 : vector<16xi32> to vector<1x16xi32>
      tpu.vector_store %arg8[%swap3A_820, %swap3A_821], %swap3A_824 {strides = array<i32>} : memref<2x128xi32, #tpu.memory_space<vmem>>, vector<1x16xi32>,
      %get3A_825 = arith.constant 0 : i32
      %get3A_826 = arith.index_cast %get3A_825 : i32 to index
      %get3A_827 = arith.constant 112 : index
      %get3A_828 = tpu.vector_load %arg6[%get3A_826, %get3A_827] {strides = array<i32>} : memref<40x128xi32, #tpu.memory_space<vmem>>, vector<1x16xi32>,
      %get3A_829 = vector.shape_cast %get3A_828 : vector<1x16xi32> to vector<16xi32>
      %add3A_830 = vector.broadcast %mul3A_26 : i32 to vector<16xi32>
      %add3A_831 = arith.addi %get3A_829, %add3A_830 : vector<16xi32>
      %swap3A_832 = arith.constant 0 : i32
      %swap3A_833 = arith.index_cast %swap3A_832 : i32 to index
      %swap3A_834 = arith.constant 112 : index
      %swap3A_835 = tpu.vector_load %arg8[%swap3A_833, %swap3A_834] {strides = array<i32>} : memref<2x128xi32, #tpu.memory_space<vmem>>, vector<1x16xi32>,
      %swap3A_836 = vector.shape_cast %swap3A_835 : vector<1x16xi32> to vector<16xi32>
      %swap3A_837 = vector.shape_cast %add3A_831 : vector<16xi32> to vector<1x16xi32>
      tpu.vector_store %arg8[%swap3A_833, %swap3A_834], %swap3A_837 {strides = array<i32>} : memref<2x128xi32, #tpu.memory_space<vmem>>, vector<1x16xi32>,
      %dma_start3A_838 = arith.constant 0 : i32
      %dma_start3A_839 = arith.constant 0 : i32
      %dma_start3A_840 = tpu.memref_slice %arg8[%dma_start3A_838, %dma_start3A_839] : memref<2x128xi32, #tpu.memory_space<vmem>> -> memref<1x128xi32, #tpu.memory_space<vmem>>
      %dma_start3A_841 = tpu.memref_squeeze %dma_start3A_840 : memref<1x128xi32, #tpu.memory_space<vmem>> -> memref<128xi32, #tpu.memory_space<vmem>>
      %dma_start3A_842 = arith.constant 0 : i32
      %dma_start3A_843 = arith.constant 0 : i32
      %dma_start3A_844 = tpu.memref_slice %arg2[%dma_start3A_842, %dma_start3A_843] : memref<60000x128xf32, #tpu.memory_space<hbm>> -> memref<60000x128xf32, #tpu.memory_space<hbm>>
      tpu.enqueue_indirect_dma source(%dma_start3A_844 : memref<60000x128xf32, #tpu.memory_space<hbm>>) target(%arg9 : memref<128x128xf32, #tpu.memory_space<vmem>>) offsets(%dma_start3A_841 : memref<128xi32, #tpu.memory_space<vmem>>) semaphore(%arg13 : memref<!tpu.dma_semaphore, #tpu.memory_space<semaphore_mem>>)
      %get3A_845 = arith.constant 1 : i32
      %get3A_846 = arith.index_cast %get3A_845 : i32 to index
      %get3A_847 = arith.constant 0 : index
      %get3A_848 = tpu.vector_load %arg6[%get3A_846, %get3A_847] {strides = array<i32>} : memref<40x128xi32, #tpu.memory_space<vmem>>, vector<1x16xi32>,
      %get3A_849 = vector.shape_cast %get3A_848 : vector<1x16xi32> to vector<16xi32>
      %add3A_850 = vector.broadcast %mul3A_26 : i32 to vector<16xi32>
      %add3A_851 = arith.addi %get3A_849, %add3A_850 : vector<16xi32>
      %swap3A_852 = arith.constant 1 : i32
      %swap3A_853 = arith.index_cast %swap3A_852 : i32 to index
      %swap3A_854 = arith.constant 0 : index
      %swap3A_855 = tpu.vector_load %arg8[%swap3A_853, %swap3A_854] {strides = array<i32>} : memref<2x128xi32, #tpu.memory_space<vmem>>, vector<1x16xi32>,
      %swap3A_856 = vector.shape_cast %swap3A_855 : vector<1x16xi32> to vector<16xi32>
      %swap3A_857 = vector.shape_cast %add3A_851 : vector<16xi32> to vector<1x16xi32>
      tpu.vector_store %arg8[%swap3A_853, %swap3A_854], %swap3A_857 {strides = array<i32>} : memref<2x128xi32, #tpu.memory_space<vmem>>, vector<1x16xi32>,
      %get3A_858 = arith.constant 1 : i32
      %get3A_859 = arith.index_cast %get3A_858 : i32 to index
      %get3A_860 = arith.constant 16 : index
      %get3A_861 = tpu.vector_load %arg6[%get3A_859, %get3A_860] {strides = array<i32>} : memref<40x128xi32, #tpu.memory_space<vmem>>, vector<1x16xi32>,
      %get3A_862 = vector.shape_cast %get3A_861 : vector<1x16xi32> to vector<16xi32>
      %add3A_863 = vector.broadcast %mul3A_26 : i32 to vector<16xi32>
      %add3A_864 = arith.addi %get3A_862, %add3A_863 : vector<16xi32>
      %swap3A_865 = arith.constant 1 : i32
      %swap3A_866 = arith.index_cast %swap3A_865 : i32 to index
      %swap3A_867 = arith.constant 16 : index
      %swap3A_868 = tpu.vector_load %arg8[%swap3A_866, %swap3A_867] {strides = array<i32>} : memref<2x128xi32, #tpu.memory_space<vmem>>, vector<1x16xi32>,
      %swap3A_869 = vector.shape_cast %swap3A_868 : vector<1x16xi32> to vector<16xi32>
      %swap3A_870 = vector.shape_cast %add3A_864 : vector<16xi32> to vector<1x16xi32>
      tpu.vector_store %arg8[%swap3A_866, %swap3A_867], %swap3A_870 {strides = array<i32>} : memref<2x128xi32, #tpu.memory_space<vmem>>, vector<1x16xi32>,
      %get3A_871 = arith.constant 1 : i32
      %get3A_872 = arith.index_cast %get3A_871 : i32 to index
      %get3A_873 = arith.constant 32 : index
      %get3A_874 = tpu.vector_load %arg6[%get3A_872, %get3A_873] {strides = array<i32>} : memref<40x128xi32, #tpu.memory_space<vmem>>, vector<1x16xi32>,
      %get3A_875 = vector.shape_cast %get3A_874 : vector<1x16xi32> to vector<16xi32>
      %add3A_876 = vector.broadcast %mul3A_26 : i32 to vector<16xi32>
      %add3A_877 = arith.addi %get3A_875, %add3A_876 : vector<16xi32>
      %swap3A_878 = arith.constant 1 : i32
      %swap3A_879 = arith.index_cast %swap3A_878 : i32 to index
      %swap3A_880 = arith.constant 32 : index
      %swap3A_881 = tpu.vector_load %arg8[%swap3A_879, %swap3A_880] {strides = array<i32>} : memref<2x128xi32, #tpu.memory_space<vmem>>, vector<1x16xi32>,
      %swap3A_882 = vector.shape_cast %swap3A_881 : vector<1x16xi32> to vector<16xi32>
      %swap3A_883 = vector.shape_cast %add3A_877 : vector<16xi32> to vector<1x16xi32>
      tpu.vector_store %arg8[%swap3A_879, %swap3A_880], %swap3A_883 {strides = array<i32>} : memref<2x128xi32, #tpu.memory_space<vmem>>, vector<1x16xi32>,
      %get3A_884 = arith.constant 1 : i32
      %get3A_885 = arith.index_cast %get3A_884 : i32 to index
      %get3A_886 = arith.constant 48 : index
      %get3A_887 = tpu.vector_load %arg6[%get3A_885, %get3A_886] {strides = array<i32>} : memref<40x128xi32, #tpu.memory_space<vmem>>, vector<1x16xi32>,
      %get3A_888 = vector.shape_cast %get3A_887 : vector<1x16xi32> to vector<16xi32>
      %add3A_889 = vector.broadcast %mul3A_26 : i32 to vector<16xi32>
      %add3A_890 = arith.addi %get3A_888, %add3A_889 : vector<16xi32>
      %swap3A_891 = arith.constant 1 : i32
      %swap3A_892 = arith.index_cast %swap3A_891 : i32 to index
      %swap3A_893 = arith.constant 48 : index
      %swap3A_894 = tpu.vector_load %arg8[%swap3A_892, %swap3A_893] {strides = array<i32>} : memref<2x128xi32, #tpu.memory_space<vmem>>, vector<1x16xi32>,
      %swap3A_895 = vector.shape_cast %swap3A_894 : vector<1x16xi32> to vector<16xi32>
      %swap3A_896 = vector.shape_cast %add3A_890 : vector<16xi32> to vector<1x16xi32>
      tpu.vector_store %arg8[%swap3A_892, %swap3A_893], %swap3A_896 {strides = array<i32>} : memref<2x128xi32, #tpu.memory_space<vmem>>, vector<1x16xi32>,
      %get3A_897 = arith.constant 1 : i32
      %get3A_898 = arith.index_cast %get3A_897 : i32 to index
      %get3A_899 = arith.constant 64 : index
      %get3A_900 = tpu.vector_load %arg6[%get3A_898, %get3A_899] {strides = array<i32>} : memref<40x128xi32, #tpu.memory_space<vmem>>, vector<1x16xi32>,
      %get3A_901 = vector.shape_cast %get3A_900 : vector<1x16xi32> to vector<16xi32>
      %add3A_902 = vector.broadcast %mul3A_26 : i32 to vector<16xi32>
      %add3A_903 = arith.addi %get3A_901, %add3A_902 : vector<16xi32>
      %swap3A_904 = arith.constant 1 : i32
      %swap3A_905 = arith.index_cast %swap3A_904 : i32 to index
      %swap3A_906 = arith.constant 64 : index
      %swap3A_907 = tpu.vector_load %arg8[%swap3A_905, %swap3A_906] {strides = array<i32>} : memref<2x128xi32, #tpu.memory_space<vmem>>, vector<1x16xi32>,
      %swap3A_908 = vector.shape_cast %swap3A_907 : vector<1x16xi32> to vector<16xi32>
      %swap3A_909 = vector.shape_cast %add3A_903 : vector<16xi32> to vector<1x16xi32>
      tpu.vector_store %arg8[%swap3A_905, %swap3A_906], %swap3A_909 {strides = array<i32>} : memref<2x128xi32, #tpu.memory_space<vmem>>, vector<1x16xi32>,
      %get3A_910 = arith.constant 1 : i32
      %get3A_911 = arith.index_cast %get3A_910 : i32 to index
      %get3A_912 = arith.constant 80 : index
      %get3A_913 = tpu.vector_load %arg6[%get3A_911, %get3A_912] {strides = array<i32>} : memref<40x128xi32, #tpu.memory_space<vmem>>, vector<1x16xi32>,
      %get3A_914 = vector.shape_cast %get3A_913 : vector<1x16xi32> to vector<16xi32>
      %add3A_915 = vector.broadcast %mul3A_26 : i32 to vector<16xi32>
      %add3A_916 = arith.addi %get3A_914, %add3A_915 : vector<16xi32>
      %swap3A_917 = arith.constant 1 : i32
      %swap3A_918 = arith.index_cast %swap3A_917 : i32 to index
      %swap3A_919 = arith.constant 80 : index
      %swap3A_920 = tpu.vector_load %arg8[%swap3A_918, %swap3A_919] {strides = array<i32>} : memref<2x128xi32, #tpu.memory_space<vmem>>, vector<1x16xi32>,
      %swap3A_921 = vector.shape_cast %swap3A_920 : vector<1x16xi32> to vector<16xi32>
      %swap3A_922 = vector.shape_cast %add3A_916 : vector<16xi32> to vector<1x16xi32>
      tpu.vector_store %arg8[%swap3A_918, %swap3A_919], %swap3A_922 {strides = array<i32>} : memref<2x128xi32, #tpu.memory_space<vmem>>, vector<1x16xi32>,
      %get3A_923 = arith.constant 1 : i32
      %get3A_924 = arith.index_cast %get3A_923 : i32 to index
      %get3A_925 = arith.constant 96 : index
      %get3A_926 = tpu.vector_load %arg6[%get3A_924, %get3A_925] {strides = array<i32>} : memref<40x128xi32, #tpu.memory_space<vmem>>, vector<1x16xi32>,
      %get3A_927 = vector.shape_cast %get3A_926 : vector<1x16xi32> to vector<16xi32>
      %add3A_928 = vector.broadcast %mul3A_26 : i32 to vector<16xi32>
      %add3A_929 = arith.addi %get3A_927, %add3A_928 : vector<16xi32>
      %swap3A_930 = arith.constant 1 : i32
      %swap3A_931 = arith.index_cast %swap3A_930 : i32 to index
      %swap3A_932 = arith.constant 96 : index
      %swap3A_933 = tpu.vector_load %arg8[%swap3A_931, %swap3A_932] {strides = array<i32>} : memref<2x128xi32, #tpu.memory_space<vmem>>, vector<1x16xi32>,
      %swap3A_934 = vector.shape_cast %swap3A_933 : vector<1x16xi32> to vector<16xi32>
      %swap3A_935 = vector.shape_cast %add3A_929 : vector<16xi32> to vector<1x16xi32>
      tpu.vector_store %arg8[%swap3A_931, %swap3A_932], %swap3A_935 {strides = array<i32>} : memref<2x128xi32, #tpu.memory_space<vmem>>, vector<1x16xi32>,
      %get3A_936 = arith.constant 1 : i32
      %get3A_937 = arith.index_cast %get3A_936 : i32 to index
      %get3A_938 = arith.constant 112 : index
      %get3A_939 = tpu.vector_load %arg6[%get3A_937, %get3A_938] {strides = array<i32>} : memref<40x128xi32, #tpu.memory_space<vmem>>, vector<1x16xi32>,
      %get3A_940 = vector.shape_cast %get3A_939 : vector<1x16xi32> to vector<16xi32>
      %add3A_941 = vector.broadcast %mul3A_26 : i32 to vector<16xi32>
      %add3A_942 = arith.addi %get3A_940, %add3A_941 : vector<16xi32>
      %swap3A_943 = arith.constant 1 : i32
      %swap3A_944 = arith.index_cast %swap3A_943 : i32 to index
      %swap3A_945 = arith.constant 112 : index
      %swap3A_946 = tpu.vector_load %arg8[%swap3A_944, %swap3A_945] {strides = array<i32>} : memref<2x128xi32, #tpu.memory_space<vmem>>, vector<1x16xi32>,
      %swap3A_947 = vector.shape_cast %swap3A_946 : vector<1x16xi32> to vector<16xi32>
      %swap3A_948 = vector.shape_cast %add3A_942 : vector<16xi32> to vector<1x16xi32>
      tpu.vector_store %arg8[%swap3A_944, %swap3A_945], %swap3A_948 {strides = array<i32>} : memref<2x128xi32, #tpu.memory_space<vmem>>, vector<1x16xi32>,
      %dma_start3A_949 = arith.constant 1 : i32
      %dma_start3A_950 = arith.constant 0 : i32
      %dma_start3A_951 = tpu.memref_slice %arg8[%dma_start3A_949, %dma_start3A_950] : memref<2x128xi32, #tpu.memory_space<vmem>> -> memref<1x128xi32, #tpu.memory_space<vmem>>
      %dma_start3A_952 = tpu.memref_squeeze %dma_start3A_951 : memref<1x128xi32, #tpu.memory_space<vmem>> -> memref<128xi32, #tpu.memory_space<vmem>>
      %dma_start3A_953 = arith.constant 0 : i32
      %dma_start3A_954 = arith.constant 0 : i32
      %dma_start3A_955 = tpu.memref_slice %arg2[%dma_start3A_953, %dma_start3A_954] : memref<60000x128xf32, #tpu.memory_space<hbm>> -> memref<60000x128xf32, #tpu.memory_space<hbm>>
      tpu.enqueue_indirect_dma source(%dma_start3A_955 : memref<60000x128xf32, #tpu.memory_space<hbm>>) target(%arg10 : memref<128x128xf32, #tpu.memory_space<vmem>>) offsets(%dma_start3A_952 : memref<128xi32, #tpu.memory_space<vmem>>) semaphore(%arg14 : memref<!tpu.dma_semaphore, #tpu.memory_space<semaphore_mem>>)
      %scan3A_956 = arith.constant 0 : i32
      %scan3A_957 = arith.constant 0 : i32
      %scan3A_958 = arith.constant 20 : i32
      %scan3A_959 = arith.addi %scan3A_957, %scan3A_958 : i32
      %scan3A_960 = arith.constant 1 : i32
      %scan3A_961 = scf.for %scan3A_969 = %scan3A_957 to %scan3A_959 step %scan3A_960 iter_args(%scan3A_970 = %scan3A_956) -> (i32)  : i32 {
        %mul3A_971 = arith.constant 2 : i32
        %mul3A_972 = arith.muli %mul3A_971, %scan3A_969 : i32
        %add3A_973 = arith.constant 0 : i32
        %add3A_974 = arith.addi %mul3A_972, %add3A_973 : i32
        %dma_wait3A = arith.constant 0 : i32
        %dma_wait3A_975 = arith.constant 0 : i32
        %dma_wait3A_976 = tpu.memref_slice %arg8[%dma_wait3A, %dma_wait3A_975] : memref<2x128xi32, #tpu.memory_space<vmem>> -> memref<1x128xi32, #tpu.memory_space<vmem>>
        %dma_wait3A_977 = tpu.memref_squeeze %dma_wait3A_976 : memref<1x128xi32, #tpu.memory_space<vmem>> -> memref<128xi32, #tpu.memory_space<vmem>>
        %dma_wait3A_978 = arith.constant 0 : i32
        %dma_wait3A_979 = arith.constant 0 : i32
        %dma_wait3A_980 = tpu.memref_slice %arg2[%dma_wait3A_978, %dma_wait3A_979] : memref<60000x128xf32, #tpu.memory_space<hbm>> -> memref<60000x128xf32, #tpu.memory_space<hbm>>
        tpu.wait_indirect_dma semaphore(%arg13 : memref<!tpu.dma_semaphore, #tpu.memory_space<semaphore_mem>>) src(%dma_wait3A_980 : memref<60000x128xf32, #tpu.memory_space<hbm>>) dst(%arg9 : memref<128x128xf32, #tpu.memory_space<vmem>>)
        %dma_start3A_981 = arith.constant 0 : i32
        %dma_start3A_982 = tpu.memref_slice %arg7[%add3A_974, %dma_start3A_981] : memref<40x128xi32, #tpu.memory_space<vmem>> -> memref<1x128xi32, #tpu.memory_space<vmem>>
        %dma_start3A_983 = tpu.memref_squeeze %dma_start3A_982 : memref<1x128xi32, #tpu.memory_space<vmem>> -> memref<128xi32, #tpu.memory_space<vmem>>
        %dma_start3A_984 = arith.constant 0 : i32
        %dma_start3A_985 = arith.constant 0 : i32
        %dma_start3A_986 = tpu.memref_slice %arg12[%dma_start3A_984, %dma_start3A_985] : memref<10240x128xf32, #tpu.memory_space<vmem_shared>> -> memref<10240x128xf32, #tpu.memory_space<vmem_shared>>
        tpu.enqueue_indirect_dma source(%arg9 : memref<128x128xf32, #tpu.memory_space<vmem>>) target(%dma_start3A_986 : memref<10240x128xf32, #tpu.memory_space<vmem_shared>>) offsets(%dma_start3A_983 : memref<128xi32, #tpu.memory_space<vmem>>) semaphore(%arg15 : memref<!tpu.dma_semaphore, #tpu.memory_space<semaphore_mem>>) {add = true}
        %add3A_987 = arith.constant 2 : i32
        %add3A_988 = arith.addi %add3A_974, %add3A_987 : i32
        %lt3A = arith.constant 40 : i32
        %lt3A_989 = arith.cmpi slt, %add3A_988, %lt3A : i32
        %convert_element_type3A = arith.extui %lt3A_989 : i1 to i32
        %cond3A = arith.constant 0 : i32
        %cond3A_990 = arith.cmpi ne, %convert_element_type3A, %cond3A : i32
        scf.if %cond3A_990 {
          %add3A_1042 = arith.constant 2 : i32
          %add3A_1043 = arith.addi %add3A_974, %add3A_1042 : i32
          %get3A_1044 = arith.index_cast %add3A_1043 : i32 to index
          %get3A_1045 = arith.constant 0 : index
          %get3A_1046 = tpu.vector_load %arg6[%get3A_1044, %get3A_1045] {strides = array<i32>} : memref<40x128xi32, #tpu.memory_space<vmem>>, vector<1x16xi32>,
          %get3A_1047 = vector.shape_cast %get3A_1046 : vector<1x16xi32> to vector<16xi32>
          %add3A_1048 = vector.broadcast %mul3A_26 : i32 to vector<16xi32>
          %add3A_1049 = arith.addi %get3A_1047, %add3A_1048 : vector<16xi32>
          %swap3A_1050 = arith.constant 0 : i32
          %swap3A_1051 = arith.index_cast %swap3A_1050 : i32 to index
          %swap3A_1052 = arith.constant 0 : index
          %swap3A_1053 = tpu.vector_load %arg8[%swap3A_1051, %swap3A_1052] {strides = array<i32>} : memref<2x128xi32, #tpu.memory_space<vmem>>, vector<1x16xi32>,
          %swap3A_1054 = vector.shape_cast %swap3A_1053 : vector<1x16xi32> to vector<16xi32>
          %swap3A_1055 = vector.shape_cast %add3A_1049 : vector<16xi32> to vector<1x16xi32>
          tpu.vector_store %arg8[%swap3A_1051, %swap3A_1052], %swap3A_1055 {strides = array<i32>} : memref<2x128xi32, #tpu.memory_space<vmem>>, vector<1x16xi32>,
          %get3A_1056 = arith.index_cast %add3A_1043 : i32 to index
          %get3A_1057 = arith.constant 16 : index
          %get3A_1058 = tpu.vector_load %arg6[%get3A_1056, %get3A_1057] {strides = array<i32>} : memref<40x128xi32, #tpu.memory_space<vmem>>, vector<1x16xi32>,
          %get3A_1059 = vector.shape_cast %get3A_1058 : vector<1x16xi32> to vector<16xi32>
          %add3A_1060 = vector.broadcast %mul3A_26 : i32 to vector<16xi32>
          %add3A_1061 = arith.addi %get3A_1059, %add3A_1060 : vector<16xi32>
          %swap3A_1062 = arith.constant 0 : i32
          %swap3A_1063 = arith.index_cast %swap3A_1062 : i32 to index
          %swap3A_1064 = arith.constant 16 : index
          %swap3A_1065 = tpu.vector_load %arg8[%swap3A_1063, %swap3A_1064] {strides = array<i32>} : memref<2x128xi32, #tpu.memory_space<vmem>>, vector<1x16xi32>,
          %swap3A_1066 = vector.shape_cast %swap3A_1065 : vector<1x16xi32> to vector<16xi32>
          %swap3A_1067 = vector.shape_cast %add3A_1061 : vector<16xi32> to vector<1x16xi32>
          tpu.vector_store %arg8[%swap3A_1063, %swap3A_1064], %swap3A_1067 {strides = array<i32>} : memref<2x128xi32, #tpu.memory_space<vmem>>, vector<1x16xi32>,
          %get3A_1068 = arith.index_cast %add3A_1043 : i32 to index
          %get3A_1069 = arith.constant 32 : index
          %get3A_1070 = tpu.vector_load %arg6[%get3A_1068, %get3A_1069] {strides = array<i32>} : memref<40x128xi32, #tpu.memory_space<vmem>>, vector<1x16xi32>,
          %get3A_1071 = vector.shape_cast %get3A_1070 : vector<1x16xi32> to vector<16xi32>
          %add3A_1072 = vector.broadcast %mul3A_26 : i32 to vector<16xi32>
          %add3A_1073 = arith.addi %get3A_1071, %add3A_1072 : vector<16xi32>
          %swap3A_1074 = arith.constant 0 : i32
          %swap3A_1075 = arith.index_cast %swap3A_1074 : i32 to index
          %swap3A_1076 = arith.constant 32 : index
          %swap3A_1077 = tpu.vector_load %arg8[%swap3A_1075, %swap3A_1076] {strides = array<i32>} : memref<2x128xi32, #tpu.memory_space<vmem>>, vector<1x16xi32>,
          %swap3A_1078 = vector.shape_cast %swap3A_1077 : vector<1x16xi32> to vector<16xi32>
          %swap3A_1079 = vector.shape_cast %add3A_1073 : vector<16xi32> to vector<1x16xi32>
          tpu.vector_store %arg8[%swap3A_1075, %swap3A_1076], %swap3A_1079 {strides = array<i32>} : memref<2x128xi32, #tpu.memory_space<vmem>>, vector<1x16xi32>,
          %get3A_1080 = arith.index_cast %add3A_1043 : i32 to index
          %get3A_1081 = arith.constant 48 : index
          %get3A_1082 = tpu.vector_load %arg6[%get3A_1080, %get3A_1081] {strides = array<i32>} : memref<40x128xi32, #tpu.memory_space<vmem>>, vector<1x16xi32>,
          %get3A_1083 = vector.shape_cast %get3A_1082 : vector<1x16xi32> to vector<16xi32>
          %add3A_1084 = vector.broadcast %mul3A_26 : i32 to vector<16xi32>
          %add3A_1085 = arith.addi %get3A_1083, %add3A_1084 : vector<16xi32>
          %swap3A_1086 = arith.constant 0 : i32
          %swap3A_1087 = arith.index_cast %swap3A_1086 : i32 to index
          %swap3A_1088 = arith.constant 48 : index
          %swap3A_1089 = tpu.vector_load %arg8[%swap3A_1087, %swap3A_1088] {strides = array<i32>} : memref<2x128xi32, #tpu.memory_space<vmem>>, vector<1x16xi32>,
          %swap3A_1090 = vector.shape_cast %swap3A_1089 : vector<1x16xi32> to vector<16xi32>
          %swap3A_1091 = vector.shape_cast %add3A_1085 : vector<16xi32> to vector<1x16xi32>
          tpu.vector_store %arg8[%swap3A_1087, %swap3A_1088], %swap3A_1091 {strides = array<i32>} : memref<2x128xi32, #tpu.memory_space<vmem>>, vector<1x16xi32>,
          %get3A_1092 = arith.index_cast %add3A_1043 : i32 to index
          %get3A_1093 = arith.constant 64 : index
          %get3A_1094 = tpu.vector_load %arg6[%get3A_1092, %get3A_1093] {strides = array<i32>} : memref<40x128xi32, #tpu.memory_space<vmem>>, vector<1x16xi32>,
          %get3A_1095 = vector.shape_cast %get3A_1094 : vector<1x16xi32> to vector<16xi32>
          %add3A_1096 = vector.broadcast %mul3A_26 : i32 to vector<16xi32>
          %add3A_1097 = arith.addi %get3A_1095, %add3A_1096 : vector<16xi32>
          %swap3A_1098 = arith.constant 0 : i32
          %swap3A_1099 = arith.index_cast %swap3A_1098 : i32 to index
          %swap3A_1100 = arith.constant 64 : index
          %swap3A_1101 = tpu.vector_load %arg8[%swap3A_1099, %swap3A_1100] {strides = array<i32>} : memref<2x128xi32, #tpu.memory_space<vmem>>, vector<1x16xi32>,
          %swap3A_1102 = vector.shape_cast %swap3A_1101 : vector<1x16xi32> to vector<16xi32>
          %swap3A_1103 = vector.shape_cast %add3A_1097 : vector<16xi32> to vector<1x16xi32>
          tpu.vector_store %arg8[%swap3A_1099, %swap3A_1100], %swap3A_1103 {strides = array<i32>} : memref<2x128xi32, #tpu.memory_space<vmem>>, vector<1x16xi32>,
          %get3A_1104 = arith.index_cast %add3A_1043 : i32 to index
          %get3A_1105 = arith.constant 80 : index
          %get3A_1106 = tpu.vector_load %arg6[%get3A_1104, %get3A_1105] {strides = array<i32>} : memref<40x128xi32, #tpu.memory_space<vmem>>, vector<1x16xi32>,
          %get3A_1107 = vector.shape_cast %get3A_1106 : vector<1x16xi32> to vector<16xi32>
          %add3A_1108 = vector.broadcast %mul3A_26 : i32 to vector<16xi32>
          %add3A_1109 = arith.addi %get3A_1107, %add3A_1108 : vector<16xi32>
          %swap3A_1110 = arith.constant 0 : i32
          %swap3A_1111 = arith.index_cast %swap3A_1110 : i32 to index
          %swap3A_1112 = arith.constant 80 : index
          %swap3A_1113 = tpu.vector_load %arg8[%swap3A_1111, %swap3A_1112] {strides = array<i32>} : memref<2x128xi32, #tpu.memory_space<vmem>>, vector<1x16xi32>,
          %swap3A_1114 = vector.shape_cast %swap3A_1113 : vector<1x16xi32> to vector<16xi32>
          %swap3A_1115 = vector.shape_cast %add3A_1109 : vector<16xi32> to vector<1x16xi32>
          tpu.vector_store %arg8[%swap3A_1111, %swap3A_1112], %swap3A_1115 {strides = array<i32>} : memref<2x128xi32, #tpu.memory_space<vmem>>, vector<1x16xi32>,
          %get3A_1116 = arith.index_cast %add3A_1043 : i32 to index
          %get3A_1117 = arith.constant 96 : index
          %get3A_1118 = tpu.vector_load %arg6[%get3A_1116, %get3A_1117] {strides = array<i32>} : memref<40x128xi32, #tpu.memory_space<vmem>>, vector<1x16xi32>,
          %get3A_1119 = vector.shape_cast %get3A_1118 : vector<1x16xi32> to vector<16xi32>
          %add3A_1120 = vector.broadcast %mul3A_26 : i32 to vector<16xi32>
          %add3A_1121 = arith.addi %get3A_1119, %add3A_1120 : vector<16xi32>
          %swap3A_1122 = arith.constant 0 : i32
          %swap3A_1123 = arith.index_cast %swap3A_1122 : i32 to index
          %swap3A_1124 = arith.constant 96 : index
          %swap3A_1125 = tpu.vector_load %arg8[%swap3A_1123, %swap3A_1124] {strides = array<i32>} : memref<2x128xi32, #tpu.memory_space<vmem>>, vector<1x16xi32>,
          %swap3A_1126 = vector.shape_cast %swap3A_1125 : vector<1x16xi32> to vector<16xi32>
          %swap3A_1127 = vector.shape_cast %add3A_1121 : vector<16xi32> to vector<1x16xi32>
          tpu.vector_store %arg8[%swap3A_1123, %swap3A_1124], %swap3A_1127 {strides = array<i32>} : memref<2x128xi32, #tpu.memory_space<vmem>>, vector<1x16xi32>,
          %get3A_1128 = arith.index_cast %add3A_1043 : i32 to index
          %get3A_1129 = arith.constant 112 : index
          %get3A_1130 = tpu.vector_load %arg6[%get3A_1128, %get3A_1129] {strides = array<i32>} : memref<40x128xi32, #tpu.memory_space<vmem>>, vector<1x16xi32>,
          %get3A_1131 = vector.shape_cast %get3A_1130 : vector<1x16xi32> to vector<16xi32>
          %add3A_1132 = vector.broadcast %mul3A_26 : i32 to vector<16xi32>
          %add3A_1133 = arith.addi %get3A_1131, %add3A_1132 : vector<16xi32>
          %swap3A_1134 = arith.constant 0 : i32
          %swap3A_1135 = arith.index_cast %swap3A_1134 : i32 to index
          %swap3A_1136 = arith.constant 112 : index
          %swap3A_1137 = tpu.vector_load %arg8[%swap3A_1135, %swap3A_1136] {strides = array<i32>} : memref<2x128xi32, #tpu.memory_space<vmem>>, vector<1x16xi32>,
          %swap3A_1138 = vector.shape_cast %swap3A_1137 : vector<1x16xi32> to vector<16xi32>
          %swap3A_1139 = vector.shape_cast %add3A_1133 : vector<16xi32> to vector<1x16xi32>
          tpu.vector_store %arg8[%swap3A_1135, %swap3A_1136], %swap3A_1139 {strides = array<i32>} : memref<2x128xi32, #tpu.memory_space<vmem>>, vector<1x16xi32>,
        } else {
        }
        %dma_wait3A_991 = arith.constant 0 : i32
        %dma_wait3A_992 = tpu.memref_slice %arg7[%add3A_974, %dma_wait3A_991] : memref<40x128xi32, #tpu.memory_space<vmem>> -> memref<1x128xi32, #tpu.memory_space<vmem>>
        %dma_wait3A_993 = tpu.memref_squeeze %dma_wait3A_992 : memref<1x128xi32, #tpu.memory_space<vmem>> -> memref<128xi32, #tpu.memory_space<vmem>>
        %dma_wait3A_994 = arith.constant 0 : i32
        %dma_wait3A_995 = arith.constant 0 : i32
        %dma_wait3A_996 = tpu.memref_slice %arg12[%dma_wait3A_994, %dma_wait3A_995] : memref<10240x128xf32, #tpu.memory_space<vmem_shared>> -> memref<10240x128xf32, #tpu.memory_space<vmem_shared>>
        tpu.wait_indirect_dma semaphore(%arg15 : memref<!tpu.dma_semaphore, #tpu.memory_space<semaphore_mem>>) src(%arg9 : memref<128x128xf32, #tpu.memory_space<vmem>>) dst(%dma_wait3A_996 : memref<10240x128xf32, #tpu.memory_space<vmem_shared>>)
        %add3A_997 = arith.constant 2 : i32
        %add3A_998 = arith.addi %add3A_974, %add3A_997 : i32
        %lt3A_999 = arith.constant 40 : i32
        %lt3A_1000 = arith.cmpi slt, %add3A_998, %lt3A_999 : i32
        %convert_element_type3A_1001 = arith.extui %lt3A_1000 : i1 to i32
        %cond3A_1002 = arith.constant 0 : i32
        %cond3A_1003 = arith.cmpi ne, %convert_element_type3A_1001, %cond3A_1002 : i32
        scf.if %cond3A_1003 {
          %dma_start3A_1042 = arith.constant 0 : i32
          %dma_start3A_1043 = arith.constant 0 : i32
          %dma_start3A_1044 = tpu.memref_slice %arg8[%dma_start3A_1042, %dma_start3A_1043] : memref<2x128xi32, #tpu.memory_space<vmem>> -> memref<1x128xi32, #tpu.memory_space<vmem>>
          %dma_start3A_1045 = tpu.memref_squeeze %dma_start3A_1044 : memref<1x128xi32, #tpu.memory_space<vmem>> -> memref<128xi32, #tpu.memory_space<vmem>>
          %dma_start3A_1046 = arith.constant 0 : i32
          %dma_start3A_1047 = arith.constant 0 : i32
          %dma_start3A_1048 = tpu.memref_slice %arg2[%dma_start3A_1046, %dma_start3A_1047] : memref<60000x128xf32, #tpu.memory_space<hbm>> -> memref<60000x128xf32, #tpu.memory_space<hbm>>
          tpu.enqueue_indirect_dma source(%dma_start3A_1048 : memref<60000x128xf32, #tpu.memory_space<hbm>>) target(%arg9 : memref<128x128xf32, #tpu.memory_space<vmem>>) offsets(%dma_start3A_1045 : memref<128xi32, #tpu.memory_space<vmem>>) semaphore(%arg13 : memref<!tpu.dma_semaphore, #tpu.memory_space<semaphore_mem>>)
        } else {
        }
        %mul3A_1004 = arith.constant 2 : i32
        %mul3A_1005 = arith.muli %mul3A_1004, %scan3A_969 : i32
        %add3A_1006 = arith.constant 1 : i32
        %add3A_1007 = arith.addi %mul3A_1005, %add3A_1006 : i32
        %dma_wait3A_1008 = arith.constant 1 : i32
        %dma_wait3A_1009 = arith.constant 0 : i32
        %dma_wait3A_1010 = tpu.memref_slice %arg8[%dma_wait3A_1008, %dma_wait3A_1009] : memref<2x128xi32, #tpu.memory_space<vmem>> -> memref<1x128xi32, #tpu.memory_space<vmem>>
        %dma_wait3A_1011 = tpu.memref_squeeze %dma_wait3A_1010 : memref<1x128xi32, #tpu.memory_space<vmem>> -> memref<128xi32, #tpu.memory_space<vmem>>
        %dma_wait3A_1012 = arith.constant 0 : i32
        %dma_wait3A_1013 = arith.constant 0 : i32
        %dma_wait3A_1014 = tpu.memref_slice %arg2[%dma_wait3A_1012, %dma_wait3A_1013] : memref<60000x128xf32, #tpu.memory_space<hbm>> -> memref<60000x128xf32, #tpu.memory_space<hbm>>
        tpu.wait_indirect_dma semaphore(%arg14 : memref<!tpu.dma_semaphore, #tpu.memory_space<semaphore_mem>>) src(%dma_wait3A_1014 : memref<60000x128xf32, #tpu.memory_space<hbm>>) dst(%arg10 : memref<128x128xf32, #tpu.memory_space<vmem>>)
        %dma_start3A_1015 = arith.constant 0 : i32
        %dma_start3A_1016 = tpu.memref_slice %arg7[%add3A_1007, %dma_start3A_1015] : memref<40x128xi32, #tpu.memory_space<vmem>> -> memref<1x128xi32, #tpu.memory_space<vmem>>
        %dma_start3A_1017 = tpu.memref_squeeze %dma_start3A_1016 : memref<1x128xi32, #tpu.memory_space<vmem>> -> memref<128xi32, #tpu.memory_space<vmem>>
        %dma_start3A_1018 = arith.constant 0 : i32
        %dma_start3A_1019 = arith.constant 0 : i32
        %dma_start3A_1020 = tpu.memref_slice %arg12[%dma_start3A_1018, %dma_start3A_1019] : memref<10240x128xf32, #tpu.memory_space<vmem_shared>> -> memref<10240x128xf32, #tpu.memory_space<vmem_shared>>
        tpu.enqueue_indirect_dma source(%arg10 : memref<128x128xf32, #tpu.memory_space<vmem>>) target(%dma_start3A_1020 : memref<10240x128xf32, #tpu.memory_space<vmem_shared>>) offsets(%dma_start3A_1017 : memref<128xi32, #tpu.memory_space<vmem>>) semaphore(%arg16 : memref<!tpu.dma_semaphore, #tpu.memory_space<semaphore_mem>>) {add = true}
        %add3A_1021 = arith.constant 2 : i32
        %add3A_1022 = arith.addi %add3A_1007, %add3A_1021 : i32
        %lt3A_1023 = arith.constant 40 : i32
        %lt3A_1024 = arith.cmpi slt, %add3A_1022, %lt3A_1023 : i32
        %convert_element_type3A_1025 = arith.extui %lt3A_1024 : i1 to i32
        %cond3A_1026 = arith.constant 0 : i32
        %cond3A_1027 = arith.cmpi ne, %convert_element_type3A_1025, %cond3A_1026 : i32
        scf.if %cond3A_1027 {
          %add3A_1042 = arith.constant 2 : i32
          %add3A_1043 = arith.addi %add3A_1007, %add3A_1042 : i32
          %get3A_1044 = arith.index_cast %add3A_1043 : i32 to index
          %get3A_1045 = arith.constant 0 : index
          %get3A_1046 = tpu.vector_load %arg6[%get3A_1044, %get3A_1045] {strides = array<i32>} : memref<40x128xi32, #tpu.memory_space<vmem>>, vector<1x16xi32>,
          %get3A_1047 = vector.shape_cast %get3A_1046 : vector<1x16xi32> to vector<16xi32>
          %add3A_1048 = vector.broadcast %mul3A_26 : i32 to vector<16xi32>
          %add3A_1049 = arith.addi %get3A_1047, %add3A_1048 : vector<16xi32>
          %swap3A_1050 = arith.constant 1 : i32
          %swap3A_1051 = arith.index_cast %swap3A_1050 : i32 to index
          %swap3A_1052 = arith.constant 0 : index
          %swap3A_1053 = tpu.vector_load %arg8[%swap3A_1051, %swap3A_1052] {strides = array<i32>} : memref<2x128xi32, #tpu.memory_space<vmem>>, vector<1x16xi32>,
          %swap3A_1054 = vector.shape_cast %swap3A_1053 : vector<1x16xi32> to vector<16xi32>
          %swap3A_1055 = vector.shape_cast %add3A_1049 : vector<16xi32> to vector<1x16xi32>
          tpu.vector_store %arg8[%swap3A_1051, %swap3A_1052], %swap3A_1055 {strides = array<i32>} : memref<2x128xi32, #tpu.memory_space<vmem>>, vector<1x16xi32>,
          %get3A_1056 = arith.index_cast %add3A_1043 : i32 to index
          %get3A_1057 = arith.constant 16 : index
          %get3A_1058 = tpu.vector_load %arg6[%get3A_1056, %get3A_1057] {strides = array<i32>} : memref<40x128xi32, #tpu.memory_space<vmem>>, vector<1x16xi32>,
          %get3A_1059 = vector.shape_cast %get3A_1058 : vector<1x16xi32> to vector<16xi32>
          %add3A_1060 = vector.broadcast %mul3A_26 : i32 to vector<16xi32>
          %add3A_1061 = arith.addi %get3A_1059, %add3A_1060 : vector<16xi32>
          %swap3A_1062 = arith.constant 1 : i32
          %swap3A_1063 = arith.index_cast %swap3A_1062 : i32 to index
          %swap3A_1064 = arith.constant 16 : index
          %swap3A_1065 = tpu.vector_load %arg8[%swap3A_1063, %swap3A_1064] {strides = array<i32>} : memref<2x128xi32, #tpu.memory_space<vmem>>, vector<1x16xi32>,
          %swap3A_1066 = vector.shape_cast %swap3A_1065 : vector<1x16xi32> to vector<16xi32>
          %swap3A_1067 = vector.shape_cast %add3A_1061 : vector<16xi32> to vector<1x16xi32>
          tpu.vector_store %arg8[%swap3A_1063, %swap3A_1064], %swap3A_1067 {strides = array<i32>} : memref<2x128xi32, #tpu.memory_space<vmem>>, vector<1x16xi32>,
          %get3A_1068 = arith.index_cast %add3A_1043 : i32 to index
          %get3A_1069 = arith.constant 32 : index
          %get3A_1070 = tpu.vector_load %arg6[%get3A_1068, %get3A_1069] {strides = array<i32>} : memref<40x128xi32, #tpu.memory_space<vmem>>, vector<1x16xi32>,
          %get3A_1071 = vector.shape_cast %get3A_1070 : vector<1x16xi32> to vector<16xi32>
          %add3A_1072 = vector.broadcast %mul3A_26 : i32 to vector<16xi32>
          %add3A_1073 = arith.addi %get3A_1071, %add3A_1072 : vector<16xi32>
          %swap3A_1074 = arith.constant 1 : i32
          %swap3A_1075 = arith.index_cast %swap3A_1074 : i32 to index
          %swap3A_1076 = arith.constant 32 : index
          %swap3A_1077 = tpu.vector_load %arg8[%swap3A_1075, %swap3A_1076] {strides = array<i32>} : memref<2x128xi32, #tpu.memory_space<vmem>>, vector<1x16xi32>,
          %swap3A_1078 = vector.shape_cast %swap3A_1077 : vector<1x16xi32> to vector<16xi32>
          %swap3A_1079 = vector.shape_cast %add3A_1073 : vector<16xi32> to vector<1x16xi32>
          tpu.vector_store %arg8[%swap3A_1075, %swap3A_1076], %swap3A_1079 {strides = array<i32>} : memref<2x128xi32, #tpu.memory_space<vmem>>, vector<1x16xi32>,
          %get3A_1080 = arith.index_cast %add3A_1043 : i32 to index
          %get3A_1081 = arith.constant 48 : index
          %get3A_1082 = tpu.vector_load %arg6[%get3A_1080, %get3A_1081] {strides = array<i32>} : memref<40x128xi32, #tpu.memory_space<vmem>>, vector<1x16xi32>,
          %get3A_1083 = vector.shape_cast %get3A_1082 : vector<1x16xi32> to vector<16xi32>
          %add3A_1084 = vector.broadcast %mul3A_26 : i32 to vector<16xi32>
          %add3A_1085 = arith.addi %get3A_1083, %add3A_1084 : vector<16xi32>
          %swap3A_1086 = arith.constant 1 : i32
          %swap3A_1087 = arith.index_cast %swap3A_1086 : i32 to index
          %swap3A_1088 = arith.constant 48 : index
          %swap3A_1089 = tpu.vector_load %arg8[%swap3A_1087, %swap3A_1088] {strides = array<i32>} : memref<2x128xi32, #tpu.memory_space<vmem>>, vector<1x16xi32>,
          %swap3A_1090 = vector.shape_cast %swap3A_1089 : vector<1x16xi32> to vector<16xi32>
          %swap3A_1091 = vector.shape_cast %add3A_1085 : vector<16xi32> to vector<1x16xi32>
          tpu.vector_store %arg8[%swap3A_1087, %swap3A_1088], %swap3A_1091 {strides = array<i32>} : memref<2x128xi32, #tpu.memory_space<vmem>>, vector<1x16xi32>,
          %get3A_1092 = arith.index_cast %add3A_1043 : i32 to index
          %get3A_1093 = arith.constant 64 : index
          %get3A_1094 = tpu.vector_load %arg6[%get3A_1092, %get3A_1093] {strides = array<i32>} : memref<40x128xi32, #tpu.memory_space<vmem>>, vector<1x16xi32>,
          %get3A_1095 = vector.shape_cast %get3A_1094 : vector<1x16xi32> to vector<16xi32>
          %add3A_1096 = vector.broadcast %mul3A_26 : i32 to vector<16xi32>
          %add3A_1097 = arith.addi %get3A_1095, %add3A_1096 : vector<16xi32>
          %swap3A_1098 = arith.constant 1 : i32
          %swap3A_1099 = arith.index_cast %swap3A_1098 : i32 to index
          %swap3A_1100 = arith.constant 64 : index
          %swap3A_1101 = tpu.vector_load %arg8[%swap3A_1099, %swap3A_1100] {strides = array<i32>} : memref<2x128xi32, #tpu.memory_space<vmem>>, vector<1x16xi32>,
          %swap3A_1102 = vector.shape_cast %swap3A_1101 : vector<1x16xi32> to vector<16xi32>
          %swap3A_1103 = vector.shape_cast %add3A_1097 : vector<16xi32> to vector<1x16xi32>
          tpu.vector_store %arg8[%swap3A_1099, %swap3A_1100], %swap3A_1103 {strides = array<i32>} : memref<2x128xi32, #tpu.memory_space<vmem>>, vector<1x16xi32>,
          %get3A_1104 = arith.index_cast %add3A_1043 : i32 to index
          %get3A_1105 = arith.constant 80 : index
          %get3A_1106 = tpu.vector_load %arg6[%get3A_1104, %get3A_1105] {strides = array<i32>} : memref<40x128xi32, #tpu.memory_space<vmem>>, vector<1x16xi32>,
          %get3A_1107 = vector.shape_cast %get3A_1106 : vector<1x16xi32> to vector<16xi32>
          %add3A_1108 = vector.broadcast %mul3A_26 : i32 to vector<16xi32>
          %add3A_1109 = arith.addi %get3A_1107, %add3A_1108 : vector<16xi32>
          %swap3A_1110 = arith.constant 1 : i32
          %swap3A_1111 = arith.index_cast %swap3A_1110 : i32 to index
          %swap3A_1112 = arith.constant 80 : index
          %swap3A_1113 = tpu.vector_load %arg8[%swap3A_1111, %swap3A_1112] {strides = array<i32>} : memref<2x128xi32, #tpu.memory_space<vmem>>, vector<1x16xi32>,
          %swap3A_1114 = vector.shape_cast %swap3A_1113 : vector<1x16xi32> to vector<16xi32>
          %swap3A_1115 = vector.shape_cast %add3A_1109 : vector<16xi32> to vector<1x16xi32>
          tpu.vector_store %arg8[%swap3A_1111, %swap3A_1112], %swap3A_1115 {strides = array<i32>} : memref<2x128xi32, #tpu.memory_space<vmem>>, vector<1x16xi32>,
          %get3A_1116 = arith.index_cast %add3A_1043 : i32 to index
          %get3A_1117 = arith.constant 96 : index
          %get3A_1118 = tpu.vector_load %arg6[%get3A_1116, %get3A_1117] {strides = array<i32>} : memref<40x128xi32, #tpu.memory_space<vmem>>, vector<1x16xi32>,
          %get3A_1119 = vector.shape_cast %get3A_1118 : vector<1x16xi32> to vector<16xi32>
          %add3A_1120 = vector.broadcast %mul3A_26 : i32 to vector<16xi32>
          %add3A_1121 = arith.addi %get3A_1119, %add3A_1120 : vector<16xi32>
          %swap3A_1122 = arith.constant 1 : i32
          %swap3A_1123 = arith.index_cast %swap3A_1122 : i32 to index
          %swap3A_1124 = arith.constant 96 : index
          %swap3A_1125 = tpu.vector_load %arg8[%swap3A_1123, %swap3A_1124] {strides = array<i32>} : memref<2x128xi32, #tpu.memory_space<vmem>>, vector<1x16xi32>,
          %swap3A_1126 = vector.shape_cast %swap3A_1125 : vector<1x16xi32> to vector<16xi32>
          %swap3A_1127 = vector.shape_cast %add3A_1121 : vector<16xi32> to vector<1x16xi32>
          tpu.vector_store %arg8[%swap3A_1123, %swap3A_1124], %swap3A_1127 {strides = array<i32>} : memref<2x128xi32, #tpu.memory_space<vmem>>, vector<1x16xi32>,
          %get3A_1128 = arith.index_cast %add3A_1043 : i32 to index
          %get3A_1129 = arith.constant 112 : index
          %get3A_1130 = tpu.vector_load %arg6[%get3A_1128, %get3A_1129] {strides = array<i32>} : memref<40x128xi32, #tpu.memory_space<vmem>>, vector<1x16xi32>,
          %get3A_1131 = vector.shape_cast %get3A_1130 : vector<1x16xi32> to vector<16xi32>
          %add3A_1132 = vector.broadcast %mul3A_26 : i32 to vector<16xi32>
          %add3A_1133 = arith.addi %get3A_1131, %add3A_1132 : vector<16xi32>
          %swap3A_1134 = arith.constant 1 : i32
          %swap3A_1135 = arith.index_cast %swap3A_1134 : i32 to index
          %swap3A_1136 = arith.constant 112 : index
          %swap3A_1137 = tpu.vector_load %arg8[%swap3A_1135, %swap3A_1136] {strides = array<i32>} : memref<2x128xi32, #tpu.memory_space<vmem>>, vector<1x16xi32>,
          %swap3A_1138 = vector.shape_cast %swap3A_1137 : vector<1x16xi32> to vector<16xi32>
          %swap3A_1139 = vector.shape_cast %add3A_1133 : vector<16xi32> to vector<1x16xi32>
          tpu.vector_store %arg8[%swap3A_1135, %swap3A_1136], %swap3A_1139 {strides = array<i32>} : memref<2x128xi32, #tpu.memory_space<vmem>>, vector<1x16xi32>,
        } else {
        }
        %dma_wait3A_1028 = arith.constant 0 : i32
        %dma_wait3A_1029 = tpu.memref_slice %arg7[%add3A_1007, %dma_wait3A_1028] : memref<40x128xi32, #tpu.memory_space<vmem>> -> memref<1x128xi32, #tpu.memory_space<vmem>>
        %dma_wait3A_1030 = tpu.memref_squeeze %dma_wait3A_1029 : memref<1x128xi32, #tpu.memory_space<vmem>> -> memref<128xi32, #tpu.memory_space<vmem>>
        %dma_wait3A_1031 = arith.constant 0 : i32
        %dma_wait3A_1032 = arith.constant 0 : i32
        %dma_wait3A_1033 = tpu.memref_slice %arg12[%dma_wait3A_1031, %dma_wait3A_1032] : memref<10240x128xf32, #tpu.memory_space<vmem_shared>> -> memref<10240x128xf32, #tpu.memory_space<vmem_shared>>
        tpu.wait_indirect_dma semaphore(%arg16 : memref<!tpu.dma_semaphore, #tpu.memory_space<semaphore_mem>>) src(%arg10 : memref<128x128xf32, #tpu.memory_space<vmem>>) dst(%dma_wait3A_1033 : memref<10240x128xf32, #tpu.memory_space<vmem_shared>>)
        %add3A_1034 = arith.constant 2 : i32
        %add3A_1035 = arith.addi %add3A_1007, %add3A_1034 : i32
        %lt3A_1036 = arith.constant 40 : i32
        %lt3A_1037 = arith.cmpi slt, %add3A_1035, %lt3A_1036 : i32
        %convert_element_type3A_1038 = arith.extui %lt3A_1037 : i1 to i32
        %cond3A_1039 = arith.constant 0 : i32
        %cond3A_1040 = arith.cmpi ne, %convert_element_type3A_1038, %cond3A_1039 : i32
        scf.if %cond3A_1040 {
          %dma_start3A_1042 = arith.constant 1 : i32
          %dma_start3A_1043 = arith.constant 0 : i32
          %dma_start3A_1044 = tpu.memref_slice %arg8[%dma_start3A_1042, %dma_start3A_1043] : memref<2x128xi32, #tpu.memory_space<vmem>> -> memref<1x128xi32, #tpu.memory_space<vmem>>
          %dma_start3A_1045 = tpu.memref_squeeze %dma_start3A_1044 : memref<1x128xi32, #tpu.memory_space<vmem>> -> memref<128xi32, #tpu.memory_space<vmem>>
          %dma_start3A_1046 = arith.constant 0 : i32
          %dma_start3A_1047 = arith.constant 0 : i32
          %dma_start3A_1048 = tpu.memref_slice %arg2[%dma_start3A_1046, %dma_start3A_1047] : memref<60000x128xf32, #tpu.memory_space<hbm>> -> memref<60000x128xf32, #tpu.memory_space<hbm>>
          tpu.enqueue_indirect_dma source(%dma_start3A_1048 : memref<60000x128xf32, #tpu.memory_space<hbm>>) target(%arg10 : memref<128x128xf32, #tpu.memory_space<vmem>>) offsets(%dma_start3A_1045 : memref<128xi32, #tpu.memory_space<vmem>>) semaphore(%arg14 : memref<!tpu.dma_semaphore, #tpu.memory_space<semaphore_mem>>)
        } else {
        }
        %scan3A_1041 = arith.constant 0 : i32
        scf.yield %scan3A_1041 : i32
      }
      %scan3A_962 = arith.constant 20 : i32
      %barrier3A_963 = arith.constant 0 : index
      tpu.barrier barrier_id(%barrier3A_963)
      %mul3A_964 = arith.constant 640 : i32
      %mul3A_965 = arith.muli %arg1, %mul3A_964 : i32
      %mul3A_966 = arith.constant 640 : i32
      %mul3A_967 = arith.muli %arg1, %mul3A_966 : i32
      "tpu.region"() ({
        %run_scoped3A = tpu.sem_alloc : memref<!tpu.dma_semaphore, #tpu.memory_space<semaphore_mem>>
        %dma_start3A_969 = arith.constant 0 : i32
        %dma_start3A_970 = tpu.memref_slice %arg5[%add3A, %mul3A_967, %dma_start3A_969] : memref<6x10240x128xf32, #tpu.memory_space<hbm>> -> memref<1x640x128xf32, #tpu.memory_space<hbm>>
        %dma_start3A_971 = tpu.memref_squeeze %dma_start3A_970 : memref<1x640x128xf32, #tpu.memory_space<hbm>> -> memref<640x128xf32, #tpu.memory_space<hbm>>
        %dma_start3A_972 = arith.constant 0 : i32
        %dma_start3A_973 = tpu.memref_slice %arg12[%mul3A_965, %dma_start3A_972] : memref<10240x128xf32, #tpu.memory_space<vmem_shared>> -> memref<640x128xf32, #tpu.memory_space<vmem_shared>>
        tpu.enqueue_dma source(%dma_start3A_973 : memref<640x128xf32, #tpu.memory_space<vmem_shared>>) target(%dma_start3A_971 : memref<640x128xf32, #tpu.memory_space<hbm>>) target_semaphore(%run_scoped3A : memref<!tpu.dma_semaphore, #tpu.memory_space<semaphore_mem>>)
        %dma_wait3A = arith.constant 0 : i32
        %dma_wait3A_974 = tpu.memref_slice %arg5[%add3A, %mul3A_967, %dma_wait3A] : memref<6x10240x128xf32, #tpu.memory_space<hbm>> -> memref<1x640x128xf32, #tpu.memory_space<hbm>>
        %dma_wait3A_975 = tpu.memref_squeeze %dma_wait3A_974 : memref<1x640x128xf32, #tpu.memory_space<hbm>> -> memref<640x128xf32, #tpu.memory_space<hbm>>
        %dma_wait3A_976 = arith.constant 0 : i32
        %dma_wait3A_977 = tpu.memref_slice %arg12[%mul3A_965, %dma_wait3A_976] : memref<10240x128xf32, #tpu.memory_space<vmem_shared>> -> memref<640x128xf32, #tpu.memory_space<vmem_shared>>
        tpu.wait_dma2 semaphore(%run_scoped3A : memref<!tpu.dma_semaphore, #tpu.memory_space<semaphore_mem>>) src(%dma_wait3A_977 : memref<640x128xf32, #tpu.memory_space<vmem_shared>>) dst(%dma_wait3A_975 : memref<640x128xf32, #tpu.memory_space<hbm>>)
        tpu.yield
      }) : () -> ()
      %while3A_968 = arith.constant 0 : i32
      scf.yield %while3A_968 : i32
    }
    return
  }
}

#map = affine_map<(d0, d1) -> (0, 0, 0, 0)>
#map1 = affine_map<(d0, d1) -> (0, 0)>
module attributes {stable_mosaic.version = 14 : i64} {
  func.func @_deg_body(%arg0: i32, %arg1: i32, %arg2: memref<2x16x80x128xi32, #tpu.memory_space<hbm>>, %arg3: memref<2x10240xf32, #tpu.memory_space<hbm>>, %arg4: memref<80x128xi32, #tpu.memory_space<vmem>>, %arg5: memref<128xf32, #tpu.memory_space<vmem>>, %arg6: memref<640xf32, #tpu.memory_space<vmem>>, %arg7: memref<10240xf32, #tpu.memory_space<vmem_shared>>) attributes {dimension_semantics = [#tpu.dimension_semantics<core_parallel>, #tpu.dimension_semantics<subcore_parallel>], iteration_bounds = array<i64: 2, 16>, scalar_prefetch = 0 : i64, scratch_operands = 4 : i64, tpu.core_type = #tpu.core_type<sc_vector_subcore>, window_params = [{transform_indices = #map}, {transform_indices = #map1}]} {
    %broadcast_in_dim3A = arith.constant 1.000000e+00 : f32
    %broadcast_in_dim3A_0 = vector.broadcast %broadcast_in_dim3A : f32 to vector<16xf32>
    %swap3A = arith.constant 0 : index
    %swap3A_1 = tpu.vector_load %arg5[%swap3A] {strides = array<i32>} : memref<128xf32, #tpu.memory_space<vmem>>, vector<16xf32>,
    %swap3A_2 = vector.shape_cast %swap3A_1 : vector<16xf32> to vector<16xf32>
    %swap3A_3 = vector.shape_cast %broadcast_in_dim3A_0 : vector<16xf32> to vector<16xf32>
    tpu.vector_store %arg5[%swap3A], %swap3A_3 {strides = array<i32>} : memref<128xf32, #tpu.memory_space<vmem>>, vector<16xf32>,
    %swap3A_4 = arith.constant 16 : index
    %swap3A_5 = tpu.vector_load %arg5[%swap3A_4] {strides = array<i32>} : memref<128xf32, #tpu.memory_space<vmem>>, vector<16xf32>,
    %swap3A_6 = vector.shape_cast %swap3A_5 : vector<16xf32> to vector<16xf32>
    %swap3A_7 = vector.shape_cast %broadcast_in_dim3A_0 : vector<16xf32> to vector<16xf32>
    tpu.vector_store %arg5[%swap3A_4], %swap3A_7 {strides = array<i32>} : memref<128xf32, #tpu.memory_space<vmem>>, vector<16xf32>,
    %swap3A_8 = arith.constant 32 : index
    %swap3A_9 = tpu.vector_load %arg5[%swap3A_8] {strides = array<i32>} : memref<128xf32, #tpu.memory_space<vmem>>, vector<16xf32>,
    %swap3A_10 = vector.shape_cast %swap3A_9 : vector<16xf32> to vector<16xf32>
    %swap3A_11 = vector.shape_cast %broadcast_in_dim3A_0 : vector<16xf32> to vector<16xf32>
    tpu.vector_store %arg5[%swap3A_8], %swap3A_11 {strides = array<i32>} : memref<128xf32, #tpu.memory_space<vmem>>, vector<16xf32>,
    %swap3A_12 = arith.constant 48 : index
    %swap3A_13 = tpu.vector_load %arg5[%swap3A_12] {strides = array<i32>} : memref<128xf32, #tpu.memory_space<vmem>>, vector<16xf32>,
    %swap3A_14 = vector.shape_cast %swap3A_13 : vector<16xf32> to vector<16xf32>
    %swap3A_15 = vector.shape_cast %broadcast_in_dim3A_0 : vector<16xf32> to vector<16xf32>
    tpu.vector_store %arg5[%swap3A_12], %swap3A_15 {strides = array<i32>} : memref<128xf32, #tpu.memory_space<vmem>>, vector<16xf32>,
    %swap3A_16 = arith.constant 64 : index
    %swap3A_17 = tpu.vector_load %arg5[%swap3A_16] {strides = array<i32>} : memref<128xf32, #tpu.memory_space<vmem>>, vector<16xf32>,
    %swap3A_18 = vector.shape_cast %swap3A_17 : vector<16xf32> to vector<16xf32>
    %swap3A_19 = vector.shape_cast %broadcast_in_dim3A_0 : vector<16xf32> to vector<16xf32>
    tpu.vector_store %arg5[%swap3A_16], %swap3A_19 {strides = array<i32>} : memref<128xf32, #tpu.memory_space<vmem>>, vector<16xf32>,
    %swap3A_20 = arith.constant 80 : index
    %swap3A_21 = tpu.vector_load %arg5[%swap3A_20] {strides = array<i32>} : memref<128xf32, #tpu.memory_space<vmem>>, vector<16xf32>,
    %swap3A_22 = vector.shape_cast %swap3A_21 : vector<16xf32> to vector<16xf32>
    %swap3A_23 = vector.shape_cast %broadcast_in_dim3A_0 : vector<16xf32> to vector<16xf32>
    tpu.vector_store %arg5[%swap3A_20], %swap3A_23 {strides = array<i32>} : memref<128xf32, #tpu.memory_space<vmem>>, vector<16xf32>,
    %swap3A_24 = arith.constant 96 : index
    %swap3A_25 = tpu.vector_load %arg5[%swap3A_24] {strides = array<i32>} : memref<128xf32, #tpu.memory_space<vmem>>, vector<16xf32>,
    %swap3A_26 = vector.shape_cast %swap3A_25 : vector<16xf32> to vector<16xf32>
    %swap3A_27 = vector.shape_cast %broadcast_in_dim3A_0 : vector<16xf32> to vector<16xf32>
    tpu.vector_store %arg5[%swap3A_24], %swap3A_27 {strides = array<i32>} : memref<128xf32, #tpu.memory_space<vmem>>, vector<16xf32>,
    %swap3A_28 = arith.constant 112 : index
    %swap3A_29 = tpu.vector_load %arg5[%swap3A_28] {strides = array<i32>} : memref<128xf32, #tpu.memory_space<vmem>>, vector<16xf32>,
    %swap3A_30 = vector.shape_cast %swap3A_29 : vector<16xf32> to vector<16xf32>
    %swap3A_31 = vector.shape_cast %broadcast_in_dim3A_0 : vector<16xf32> to vector<16xf32>
    tpu.vector_store %arg5[%swap3A_28], %swap3A_31 {strides = array<i32>} : memref<128xf32, #tpu.memory_space<vmem>>, vector<16xf32>,
    %scan3A = arith.constant 0 : i32
    %scan3A_32 = arith.constant 0 : i32
    %scan3A_33 = arith.constant 40 : i32
    %scan3A_34 = arith.addi %scan3A_32, %scan3A_33 : i32
    %scan3A_35 = arith.constant 1 : i32
    %scan3A_36 = scf.for %scan3A_51 = %scan3A_32 to %scan3A_34 step %scan3A_35 iter_args(%scan3A_52 = %scan3A) -> (i32)  : i32 {
      %broadcast_in_dim3A_53 = arith.constant 0.000000e+00 : f32
      %broadcast_in_dim3A_54 = vector.broadcast %broadcast_in_dim3A_53 : f32 to vector<16xf32>
      %mul3A_55 = arith.constant 16 : i32
      %mul3A_56 = arith.muli %scan3A_51, %mul3A_55 : i32
      %swap3A_57 = arith.index_cast %mul3A_56 : i32 to index
      %swap3A_58 = tpu.vector_load %arg6[%swap3A_57] {strides = array<i32>} : memref<640xf32, #tpu.memory_space<vmem>>, vector<16xf32>,
      %swap3A_59 = vector.shape_cast %swap3A_58 : vector<16xf32> to vector<16xf32>
      %swap3A_60 = vector.shape_cast %broadcast_in_dim3A_54 : vector<16xf32> to vector<16xf32>
      tpu.vector_store %arg6[%swap3A_57], %swap3A_60 {strides = array<i32>} : memref<640xf32, #tpu.memory_space<vmem>>, vector<16xf32>,
      %scan3A_61 = arith.constant 0 : i32
      scf.yield %scan3A_61 : i32
    }
    %scan3A_37 = arith.constant 40 : i32
    "tpu.region"() ({
      %run_scoped3A = tpu.sem_alloc : memref<!tpu.dma_semaphore, #tpu.memory_space<semaphore_mem>>
      %dma_start3A = arith.constant 0 : i32
      %dma_start3A_51 = arith.constant 0 : i32
      %dma_start3A_52 = tpu.memref_slice %arg2[%arg0, %arg1, %dma_start3A, %dma_start3A_51] : memref<2x16x80x128xi32, #tpu.memory_space<hbm>> -> memref<1x1x80x128xi32, #tpu.memory_space<hbm>>
      %dma_start3A_53 = tpu.memref_squeeze %dma_start3A_52 : memref<1x1x80x128xi32, #tpu.memory_space<hbm>> -> memref<80x128xi32, #tpu.memory_space<hbm>>
      %dma_start3A_54 = arith.constant 0 : i32
      %dma_start3A_55 = arith.constant 0 : i32
      %dma_start3A_56 = tpu.memref_slice %arg2[%arg0, %arg1, %dma_start3A_54, %dma_start3A_55] : memref<2x16x80x128xi32, #tpu.memory_space<hbm>> -> memref<1x1x80x128xi32, #tpu.memory_space<hbm>>
      %dma_start3A_57 = tpu.memref_squeeze %dma_start3A_56 : memref<1x1x80x128xi32, #tpu.memory_space<hbm>> -> memref<80x128xi32, #tpu.memory_space<hbm>>
      tpu.enqueue_dma source(%dma_start3A_57 : memref<80x128xi32, #tpu.memory_space<hbm>>) target(%arg4 : memref<80x128xi32, #tpu.memory_space<vmem>>) target_semaphore(%run_scoped3A : memref<!tpu.dma_semaphore, #tpu.memory_space<semaphore_mem>>)
      %dma_wait3A = arith.constant 0 : i32
      %dma_wait3A_58 = arith.constant 0 : i32
      %dma_wait3A_59 = tpu.memref_slice %arg2[%arg0, %arg1, %dma_wait3A, %dma_wait3A_58] : memref<2x16x80x128xi32, #tpu.memory_space<hbm>> -> memref<1x1x80x128xi32, #tpu.memory_space<hbm>>
      %dma_wait3A_60 = tpu.memref_squeeze %dma_wait3A_59 : memref<1x1x80x128xi32, #tpu.memory_space<hbm>> -> memref<80x128xi32, #tpu.memory_space<hbm>>
      %dma_wait3A_61 = arith.constant 0 : i32
      %dma_wait3A_62 = arith.constant 0 : i32
      %dma_wait3A_63 = tpu.memref_slice %arg2[%arg0, %arg1, %dma_wait3A_61, %dma_wait3A_62] : memref<2x16x80x128xi32, #tpu.memory_space<hbm>> -> memref<1x1x80x128xi32, #tpu.memory_space<hbm>>
      %dma_wait3A_64 = tpu.memref_squeeze %dma_wait3A_63 : memref<1x1x80x128xi32, #tpu.memory_space<hbm>> -> memref<80x128xi32, #tpu.memory_space<hbm>>
      tpu.wait_dma2 semaphore(%run_scoped3A : memref<!tpu.dma_semaphore, #tpu.memory_space<semaphore_mem>>) src(%dma_wait3A_64 : memref<80x128xi32, #tpu.memory_space<hbm>>) dst(%arg4 : memref<80x128xi32, #tpu.memory_space<vmem>>)
      tpu.yield
    }) : () -> ()
    %mul3A = arith.constant 640 : i32
    %mul3A_38 = arith.muli %arg1, %mul3A : i32
    "tpu.region"() ({
      %run_scoped3A = tpu.sem_alloc : memref<!tpu.dma_semaphore, #tpu.memory_space<semaphore_mem>>
      %dma_start3A = tpu.memref_slice %arg7[%mul3A_38] : memref<10240xf32, #tpu.memory_space<vmem_shared>> -> memref<640xf32, #tpu.memory_space<vmem_shared>>
      %dma_start3A_51 = tpu.memref_slice %arg7[%mul3A_38] : memref<10240xf32, #tpu.memory_space<vmem_shared>> -> memref<640xf32, #tpu.memory_space<vmem_shared>>
      tpu.enqueue_dma source(%arg6 : memref<640xf32, #tpu.memory_space<vmem>>) target(%dma_start3A_51 : memref<640xf32, #tpu.memory_space<vmem_shared>>) target_semaphore(%run_scoped3A : memref<!tpu.dma_semaphore, #tpu.memory_space<semaphore_mem>>)
      %dma_wait3A = tpu.memref_slice %arg7[%mul3A_38] : memref<10240xf32, #tpu.memory_space<vmem_shared>> -> memref<640xf32, #tpu.memory_space<vmem_shared>>
      %dma_wait3A_52 = tpu.memref_slice %arg7[%mul3A_38] : memref<10240xf32, #tpu.memory_space<vmem_shared>> -> memref<640xf32, #tpu.memory_space<vmem_shared>>
      tpu.wait_dma2 semaphore(%run_scoped3A : memref<!tpu.dma_semaphore, #tpu.memory_space<semaphore_mem>>) src(%arg6 : memref<640xf32, #tpu.memory_space<vmem>>) dst(%dma_wait3A_52 : memref<640xf32, #tpu.memory_space<vmem_shared>>)
      tpu.yield
    }) : () -> ()
    %barrier3A = arith.constant 0 : index
    tpu.barrier barrier_id(%barrier3A)
    %scan3A_39 = arith.constant 0 : i32
    %scan3A_40 = arith.constant 0 : i32
    %scan3A_41 = arith.constant 80 : i32
    %scan3A_42 = arith.addi %scan3A_40, %scan3A_41 : i32
    %scan3A_43 = arith.constant 1 : i32
    %scan3A_44 = scf.for %scan3A_51 = %scan3A_40 to %scan3A_42 step %scan3A_43 iter_args(%scan3A_52 = %scan3A_39) -> (i32)  : i32 {
      "tpu.region"() ({
        %run_scoped3A = tpu.sem_alloc : memref<!tpu.dma_semaphore, #tpu.memory_space<semaphore_mem>>
        %dma_start3A = arith.constant 0 : i32
        %dma_start3A_54 = tpu.memref_slice %arg4[%scan3A_51, %dma_start3A] : memref<80x128xi32, #tpu.memory_space<vmem>> -> memref<1x128xi32, #tpu.memory_space<vmem>>
        %dma_start3A_55 = tpu.memref_squeeze %dma_start3A_54 : memref<1x128xi32, #tpu.memory_space<vmem>> -> memref<128xi32, #tpu.memory_space<vmem>>
        %dma_start3A_56 = arith.constant 0 : i32
        %dma_start3A_57 = tpu.memref_slice %arg7[%dma_start3A_56] : memref<10240xf32, #tpu.memory_space<vmem_shared>> -> memref<10240xf32, #tpu.memory_space<vmem_shared>>
        tpu.enqueue_indirect_dma source(%arg5 : memref<128xf32, #tpu.memory_space<vmem>>) target(%dma_start3A_57 : memref<10240xf32, #tpu.memory_space<vmem_shared>>) offsets(%dma_start3A_55 : memref<128xi32, #tpu.memory_space<vmem>>) semaphore(%run_scoped3A : memref<!tpu.dma_semaphore, #tpu.memory_space<semaphore_mem>>) {add = true}
        %dma_wait3A = arith.constant 0 : i32
        %dma_wait3A_58 = tpu.memref_slice %arg4[%scan3A_51, %dma_wait3A] : memref<80x128xi32, #tpu.memory_space<vmem>> -> memref<1x128xi32, #tpu.memory_space<vmem>>
        %dma_wait3A_59 = tpu.memref_squeeze %dma_wait3A_58 : memref<1x128xi32, #tpu.memory_space<vmem>> -> memref<128xi32, #tpu.memory_space<vmem>>
        %dma_wait3A_60 = arith.constant 0 : i32
        %dma_wait3A_61 = tpu.memref_slice %arg7[%dma_wait3A_60] : memref<10240xf32, #tpu.memory_space<vmem_shared>> -> memref<10240xf32, #tpu.memory_space<vmem_shared>>
        tpu.wait_indirect_dma semaphore(%run_scoped3A : memref<!tpu.dma_semaphore, #tpu.memory_space<semaphore_mem>>) src(%arg5 : memref<128xf32, #tpu.memory_space<vmem>>) dst(%dma_wait3A_61 : memref<10240xf32, #tpu.memory_space<vmem_shared>>)
        tpu.yield
      }) : () -> ()
      %scan3A_53 = arith.constant 0 : i32
      scf.yield %scan3A_53 : i32
    }
    %scan3A_45 = arith.constant 80 : i32
    %barrier3A_46 = arith.constant 0 : index
    tpu.barrier barrier_id(%barrier3A_46)
    %mul3A_47 = arith.constant 640 : i32
    %mul3A_48 = arith.muli %arg1, %mul3A_47 : i32
    %mul3A_49 = arith.constant 640 : i32
    %mul3A_50 = arith.muli %arg1, %mul3A_49 : i32
    "tpu.region"() ({
      %run_scoped3A = tpu.sem_alloc : memref<!tpu.dma_semaphore, #tpu.memory_space<semaphore_mem>>
      %dma_start3A = tpu.memref_slice %arg3[%arg0, %mul3A_50] : memref<2x10240xf32, #tpu.memory_space<hbm>> -> memref<1x640xf32, #tpu.memory_space<hbm>>
      %dma_start3A_51 = tpu.memref_squeeze %dma_start3A : memref<1x640xf32, #tpu.memory_space<hbm>> -> memref<640xf32, #tpu.memory_space<hbm>>
      %dma_start3A_52 = tpu.memref_slice %arg7[%mul3A_48] : memref<10240xf32, #tpu.memory_space<vmem_shared>> -> memref<640xf32, #tpu.memory_space<vmem_shared>>
      tpu.enqueue_dma source(%dma_start3A_52 : memref<640xf32, #tpu.memory_space<vmem_shared>>) target(%dma_start3A_51 : memref<640xf32, #tpu.memory_space<hbm>>) target_semaphore(%run_scoped3A : memref<!tpu.dma_semaphore, #tpu.memory_space<semaphore_mem>>)
      %dma_wait3A = tpu.memref_slice %arg3[%arg0, %mul3A_50] : memref<2x10240xf32, #tpu.memory_space<hbm>> -> memref<1x640xf32, #tpu.memory_space<hbm>>
      %dma_wait3A_53 = tpu.memref_squeeze %dma_wait3A : memref<1x640xf32, #tpu.memory_space<hbm>> -> memref<640xf32, #tpu.memory_space<hbm>>
      %dma_wait3A_54 = tpu.memref_slice %arg7[%mul3A_48] : memref<10240xf32, #tpu.memory_space<vmem_shared>> -> memref<640xf32, #tpu.memory_space<vmem_shared>>
      tpu.wait_dma2 semaphore(%run_scoped3A : memref<!tpu.dma_semaphore, #tpu.memory_space<semaphore_mem>>) src(%dma_wait3A_54 : memref<640xf32, #tpu.memory_space<vmem_shared>>) dst(%dma_wait3A_53 : memref<640xf32, #tpu.memory_space<hbm>>)
      tpu.yield
    }) : () -> ()
    return
  }
}

module attributes {stable_mosaic.version = 14 : i64} {
  func.func @_proj_body(%arg0: i32, %arg1: memref<6x2x200x128xf32, #tpu.memory_space<vmem>>, %arg2: memref<2x200x1xf32, #tpu.memory_space<vmem>>, %arg3: memref<128x32xf32, #tpu.memory_space<vmem>>, %arg4: memref<64x32xf32, #tpu.memory_space<vmem>>, %arg5: memref<128x32xf32, #tpu.memory_space<vmem>>, %arg6: memref<64x32xf32, #tpu.memory_space<vmem>>, %arg7: memref<6x200x128xf32, #tpu.memory_space<vmem>>) attributes {dimension_semantics = [#tpu.dimension_semantics<arbitrary>], iteration_bounds = array<i64: 50>, scalar_prefetch = 0 : i64, scratch_operands = 0 : i64, tpu.core_type = #tpu.core_type<tc>, window_params = [{transform_indices = @transform_0, window_bounds = array<i64: 6, 2, 200, 128>}, {transform_indices = @transform_1, window_bounds = array<i64: 2, 200, 1>}, {pipeline_mode = #tpu.pipeline_mode<synchronous>, transform_indices = @transform_2, window_bounds = array<i64: 128, 32>}, {pipeline_mode = #tpu.pipeline_mode<synchronous>, transform_indices = @transform_3, window_bounds = array<i64: 64, 32>}, {pipeline_mode = #tpu.pipeline_mode<synchronous>, transform_indices = @transform_4, window_bounds = array<i64: 128, 32>}, {pipeline_mode = #tpu.pipeline_mode<synchronous>, transform_indices = @transform_5, window_bounds = array<i64: 64, 32>}, {transform_indices = @transform_6, window_bounds = array<i64: 6, 200, 128>}]} {
    %get3A = arith.constant 0 : index
    %get3A_0 = arith.constant 0 : index
    %get3A_1 = vector.load %arg3[%get3A, %get3A_0] : memref<128x32xf32, #tpu.memory_space<vmem>>, vector<128x32xf32>
    %get3A_2 = arith.constant 0 : index
    %get3A_3 = arith.constant 0 : index
    %get3A_4 = vector.load %arg4[%get3A_2, %get3A_3] : memref<64x32xf32, #tpu.memory_space<vmem>>, vector<32x32xf32>
    %dot_general3A = arith.constant dense<0.000000e+00> : vector<128x32xf32>
    %dot_general3A_5 = tpu.matmul %get3A_1, %get3A_4, %dot_general3A {dimension_numbers = #tpu.dot_dimension_numbers<[1], [0], [0], [1], [0, 0, 1, 1], [], []>, transpose_lhs_hint = false} : vector<128x32xf32>, vector<32x32xf32>, vector<128x32xf32> -> vector<128x32xf32>
    %get3A_6 = arith.constant 0 : index
    %get3A_7 = arith.constant 0 : index
    %get3A_8 = vector.load %arg5[%get3A_6, %get3A_7] : memref<128x32xf32, #tpu.memory_space<vmem>>, vector<128x32xf32>
    %get3A_9 = arith.constant 0 : index
    %get3A_10 = arith.constant 0 : index
    %get3A_11 = vector.load %arg6[%get3A_9, %get3A_10] : memref<64x32xf32, #tpu.memory_space<vmem>>, vector<32x32xf32>
    %dot_general3A_12 = arith.constant dense<0.000000e+00> : vector<128x32xf32>
    %dot_general3A_13 = tpu.matmul %get3A_8, %get3A_11, %dot_general3A_12 {dimension_numbers = #tpu.dot_dimension_numbers<[1], [0], [0], [1], [0, 0, 1, 1], [], []>, transpose_lhs_hint = false} : vector<128x32xf32>, vector<32x32xf32>, vector<128x32xf32> -> vector<128x32xf32>
    %concatenate3A = tpu.concatenate %dot_general3A_5, %dot_general3A_13 in 1 : vector<128x32xf32>, vector<128x32xf32> -> vector<128x64xf32>
    %get3A_14 = arith.constant 0 : index
    %get3A_15 = arith.constant 0 : index
    %get3A_16 = arith.constant 0 : index
    %get3A_17 = arith.constant 0 : index
    %get3A_18 = vector.load %arg1[%get3A_14, %get3A_15, %get3A_16, %get3A_17] : memref<6x2x200x128xf32, #tpu.memory_space<vmem>>, vector<6x1x200x128xf32>
    %get3A_19 = vector.shape_cast %get3A_18 : vector<6x1x200x128xf32> to vector<6x200x128xf32>
    %dot_general3A_20 = arith.constant dense<0.000000e+00> : vector<6x200x64xf32>
    %dot_general3A_21 = tpu.matmul %get3A_19, %concatenate3A, %dot_general3A_20 {dimension_numbers = #tpu.dot_dimension_numbers<[2], [0], [0, 1], [1], [0, 0, 0, 1, 1, 1], [], []>, transpose_lhs_hint = false} : vector<6x200x128xf32>, vector<128x64xf32>, vector<6x200x64xf32> -> vector<6x200x64xf32>
    %get3A_22 = arith.constant 0 : index
    %get3A_23 = arith.constant 1 : index
    %get3A_24 = arith.constant 0 : index
    %get3A_25 = arith.constant 0 : index
    %get3A_26 = vector.load %arg1[%get3A_22, %get3A_23, %get3A_24, %get3A_25] : memref<6x2x200x128xf32, #tpu.memory_space<vmem>>, vector<6x1x200x128xf32>
    %get3A_27 = vector.shape_cast %get3A_26 : vector<6x1x200x128xf32> to vector<6x200x128xf32>
    %dot_general3A_28 = arith.constant dense<0.000000e+00> : vector<6x200x64xf32>
    %dot_general3A_29 = tpu.matmul %get3A_27, %concatenate3A, %dot_general3A_28 {dimension_numbers = #tpu.dot_dimension_numbers<[2], [0], [0, 1], [1], [0, 0, 0, 1, 1, 1], [], []>, transpose_lhs_hint = false} : vector<6x200x128xf32>, vector<128x64xf32>, vector<6x200x64xf32> -> vector<6x200x64xf32>
    %get3A_30 = arith.constant 0 : index
    %get3A_31 = arith.constant 0 : index
    %get3A_32 = arith.constant 0 : index
    %get3A_33 = vector.load %arg2[%get3A_30, %get3A_31, %get3A_32] : memref<2x200x1xf32, #tpu.memory_space<vmem>>, vector<1x200x1xf32>
    %get3A_34 = vector.shape_cast %get3A_33 : vector<1x200x1xf32> to vector<200x1xf32>
    %get3A_35 = arith.constant 1 : index
    %get3A_36 = arith.constant 0 : index
    %get3A_37 = arith.constant 0 : index
    %get3A_38 = vector.load %arg2[%get3A_35, %get3A_36, %get3A_37] : memref<2x200x1xf32, #tpu.memory_space<vmem>>, vector<1x200x1xf32>
    %get3A_39 = vector.shape_cast %get3A_38 : vector<1x200x1xf32> to vector<200x1xf32>
    %add3A = arith.addf %get3A_34, %get3A_39 : vector<200x1xf32>
    %add3A_40 = arith.constant 1.000000e+00 : f32
    %add3A_41 = vector.broadcast %add3A_40 : f32 to vector<200x1xf32>
    %add3A_42 = arith.addf %add3A, %add3A_41 : vector<200x1xf32>
    %rsqrt3A = math.rsqrt %add3A_42 : vector<200x1xf32>
    %concatenate3A_43 = tpu.concatenate %dot_general3A_21, %dot_general3A_29 in 2 : vector<6x200x64xf32>, vector<6x200x64xf32> -> vector<6x200x128xf32>
    %broadcast_in_dim3A = vector.shape_cast %rsqrt3A : vector<200x1xf32> to vector<1x200x1xf32>
    %mul3A = vector.broadcast %broadcast_in_dim3A : vector<1x200x1xf32> to vector<6x200x128xf32>
    %mul3A_44 = arith.mulf %concatenate3A_43, %mul3A : vector<6x200x128xf32>
    %swap3A = arith.constant 0 : index
    %swap3A_45 = arith.constant 0 : index
    %swap3A_46 = arith.constant 0 : index
    %swap3A_47 = vector.load %arg7[%swap3A, %swap3A_45, %swap3A_46] : memref<6x200x128xf32, #tpu.memory_space<vmem>>, vector<6x200x128xf32>
    tpu.vector_store %arg7[%swap3A, %swap3A_45, %swap3A_46], %mul3A_44 {strides = array<i32>} : memref<6x200x128xf32, #tpu.memory_space<vmem>>, vector<6x200x128xf32>,
    return
  }
  func.func @transform_0(%arg0: i32) -> (i32, i32, i32, i32) {
    %c0_i32 = arith.constant 0 : i32
    %c0_i32_0 = arith.constant 0 : i32
    %c0_i32_1 = arith.constant 0 : i32
    %c0_i32_2 = arith.constant 0 : i32
    return %c0_i32, %c0_i32_0, %arg0, %c0_i32_1 : i32, i32, i32, i32
  }
  func.func @transform_1(%arg0: i32) -> (i32, i32, i32) {
    %c0_i32 = arith.constant 0 : i32
    %c0_i32_0 = arith.constant 0 : i32
    %c0_i32_1 = arith.constant 0 : i32
    return %c0_i32, %arg0, %c0_i32_0 : i32, i32, i32
  }
  func.func @transform_2(%arg0: i32) -> (i32, i32) {
    %c0_i32 = arith.constant 0 : i32
    %c0_i32_0 = arith.constant 0 : i32
    %c0_i32_1 = arith.constant 0 : i32
    return %c0_i32, %c0_i32_0 : i32, i32
  }
  func.func @transform_3(%arg0: i32) -> (i32, i32) {
    %c0_i32 = arith.constant 0 : i32
    %c0_i32_0 = arith.constant 0 : i32
    %c0_i32_1 = arith.constant 0 : i32
    return %c0_i32, %c0_i32_0 : i32, i32
  }
  func.func @transform_4(%arg0: i32) -> (i32, i32) {
    %c0_i32 = arith.constant 0 : i32
    %c0_i32_0 = arith.constant 0 : i32
    %c0_i32_1 = arith.constant 0 : i32
    return %c0_i32, %c0_i32_0 : i32, i32
  }
  func.func @transform_5(%arg0: i32) -> (i32, i32) {
    %c0_i32 = arith.constant 0 : i32
    %c0_i32_0 = arith.constant 0 : i32
    %c0_i32_1 = arith.constant 0 : i32
    return %c0_i32, %c0_i32_0 : i32, i32
  }
  func.func @transform_6(%arg0: i32) -> (i32, i32, i32) {
    %c0_i32 = arith.constant 0 : i32
    %c0_i32_0 = arith.constant 0 : i32
    %c0_i32_1 = arith.constant 0 : i32
    return %c0_i32, %arg0, %c0_i32_0 : i32, i32, i32
  }
}

module attributes {stable_mosaic.version = 14 : i64} {
  func.func @_final_body(%arg0: i32, %arg1: memref<6x200x128xf32, #tpu.memory_space<vmem>>, %arg2: memref<6x200x128xf32, #tpu.memory_space<vmem>>, %arg3: memref<2x200x1xf32, #tpu.memory_space<vmem>>, %arg4: memref<6x2xf32, #tpu.memory_space<vmem>>, %arg5: memref<1x32xf32, #tpu.memory_space<vmem>>, %arg6: memref<64x32xf32, #tpu.memory_space<vmem>>, %arg7: memref<1x32xf32, #tpu.memory_space<vmem>>, %arg8: memref<1x32xf32, #tpu.memory_space<vmem>>, %arg9: memref<64x32xf32, #tpu.memory_space<vmem>>, %arg10: memref<1x32xf32, #tpu.memory_space<vmem>>, %arg11: memref<200x32xf32, #tpu.memory_space<vmem>>) attributes {dimension_semantics = [#tpu.dimension_semantics<arbitrary>], iteration_bounds = array<i64: 50>, scalar_prefetch = 0 : i64, scratch_operands = 0 : i64, tpu.core_type = #tpu.core_type<tc>, window_params = [{transform_indices = @transform_0, window_bounds = array<i64: 6, 200, 128>}, {transform_indices = @transform_1, window_bounds = array<i64: 6, 200, 128>}, {transform_indices = @transform_2, window_bounds = array<i64: 2, 200, 1>}, {pipeline_mode = #tpu.pipeline_mode<synchronous>, transform_indices = @transform_3, window_bounds = array<i64: 6, 2>}, {pipeline_mode = #tpu.pipeline_mode<synchronous>, transform_indices = @transform_4, window_bounds = array<i64: 1, 32>}, {pipeline_mode = #tpu.pipeline_mode<synchronous>, transform_indices = @transform_5, window_bounds = array<i64: 64, 32>}, {pipeline_mode = #tpu.pipeline_mode<synchronous>, transform_indices = @transform_6, window_bounds = array<i64: 1, 32>}, {pipeline_mode = #tpu.pipeline_mode<synchronous>, transform_indices = @transform_7, window_bounds = array<i64: 1, 32>}, {pipeline_mode = #tpu.pipeline_mode<synchronous>, transform_indices = @transform_8, window_bounds = array<i64: 64, 32>}, {pipeline_mode = #tpu.pipeline_mode<synchronous>, transform_indices = @transform_9, window_bounds = array<i64: 1, 32>}, {transform_indices = @transform_10, window_bounds = array<i64: 200, 32>}]} {
    %get3A = arith.constant 0 : index
    %get3A_0 = arith.constant 0 : index
    %get3A_1 = vector.load %arg4[%get3A, %get3A_0] : memref<6x2xf32, #tpu.memory_space<vmem>>, vector<6x2xf32>
    %reduce_max3A = vector.shape_cast %get3A_1 : vector<6x2xf32> to vector<1x6x2xf32>
    %reduce_max3A_2 = arith.constant dense<0xFF800000> : vector<1xf32>
    %reduce_max3A_3 = vector.multi_reduction <maximumf>, %reduce_max3A, %reduce_max3A_2 [1, 2] : vector<1x6x2xf32> to vector<1xf32>
    %reduce_max3A_4 = vector.shape_cast %reduce_max3A_3 : vector<1xf32> to vector<1x1x1xf32>
    %reduce_max3A_5 = vector.extract %reduce_max3A_4[0, 0, 0] : f32 from vector<1x1x1xf32>
    %sub3A = vector.broadcast %reduce_max3A_5 : f32 to vector<6x2xf32>
    %sub3A_6 = arith.subf %get3A_1, %sub3A : vector<6x2xf32>
    %exp3A = math.exp %sub3A_6 : vector<6x2xf32>
    %reduce_sum3A = vector.shape_cast %exp3A : vector<6x2xf32> to vector<1x6x2xf32>
    %reduce_sum3A_7 = arith.constant dense<0.000000e+00> : vector<1xf32>
    %reduce_sum3A_8 = vector.multi_reduction <add>, %reduce_sum3A, %reduce_sum3A_7 [1, 2] : vector<1x6x2xf32> to vector<1xf32>
    %reduce_sum3A_9 = vector.shape_cast %reduce_sum3A_8 : vector<1xf32> to vector<1x1x1xf32>
    %reduce_sum3A_10 = vector.extract %reduce_sum3A_9[0, 0, 0] : f32 from vector<1x1x1xf32>
    %div3A = vector.broadcast %reduce_sum3A_10 : f32 to vector<6x2xf32>
    %div3A_11 = arith.divf %exp3A, %div3A : vector<6x2xf32>
    %slice3A = vector.extract_strided_slice %div3A_11 {offsets = [0, 0], sizes = [6, 1], strides = [1, 1]} : vector<6x2xf32> to vector<6x1xf32>
    %slice3A_12 = vector.extract_strided_slice %div3A_11 {offsets = [0, 1], sizes = [6, 1], strides = [1, 1]} : vector<6x2xf32> to vector<6x1xf32>
    %get3A_13 = arith.constant 0 : index
    %get3A_14 = arith.constant 0 : index
    %get3A_15 = vector.load %arg5[%get3A_13, %get3A_14] : memref<1x32xf32, #tpu.memory_space<vmem>>, vector<1x32xf32>
    %get3A_16 = arith.constant 0 : index
    %get3A_17 = arith.constant 0 : index
    %get3A_18 = vector.load %arg6[%get3A_16, %get3A_17] : memref<64x32xf32, #tpu.memory_space<vmem>>, vector<32x32xf32>
    %dot_general3A = arith.constant dense<0.000000e+00> : vector<1x32xf32>
    %dot_general3A_19 = tpu.matmul %get3A_15, %get3A_18, %dot_general3A {dimension_numbers = #tpu.dot_dimension_numbers<[1], [0], [0], [1], [0, 0, 1, 1], [], []>, transpose_lhs_hint = false} : vector<1x32xf32>, vector<32x32xf32>, vector<1x32xf32> -> vector<1x32xf32>
    %get3A_20 = arith.constant 0 : index
    %get3A_21 = arith.constant 0 : index
    %get3A_22 = vector.load %arg7[%get3A_20, %get3A_21] : memref<1x32xf32, #tpu.memory_space<vmem>>, vector<1x32xf32>
    %add3A = arith.addf %dot_general3A_19, %get3A_22 : vector<1x32xf32>
    %get3A_23 = arith.constant 0 : index
    %get3A_24 = arith.constant 0 : index
    %get3A_25 = vector.load %arg8[%get3A_23, %get3A_24] : memref<1x32xf32, #tpu.memory_space<vmem>>, vector<1x32xf32>
    %get3A_26 = arith.constant 0 : index
    %get3A_27 = arith.constant 0 : index
    %get3A_28 = vector.load %arg9[%get3A_26, %get3A_27] : memref<64x32xf32, #tpu.memory_space<vmem>>, vector<32x32xf32>
    %dot_general3A_29 = arith.constant dense<0.000000e+00> : vector<1x32xf32>
    %dot_general3A_30 = tpu.matmul %get3A_25, %get3A_28, %dot_general3A_29 {dimension_numbers = #tpu.dot_dimension_numbers<[1], [0], [0], [1], [0, 0, 1, 1], [], []>, transpose_lhs_hint = false} : vector<1x32xf32>, vector<32x32xf32>, vector<1x32xf32> -> vector<1x32xf32>
    %get3A_31 = arith.constant 0 : index
    %get3A_32 = arith.constant 0 : index
    %get3A_33 = vector.load %arg10[%get3A_31, %get3A_32] : memref<1x32xf32, #tpu.memory_space<vmem>>, vector<1x32xf32>
    %add3A_34 = arith.addf %dot_general3A_30, %get3A_33 : vector<1x32xf32>
    %get3A_35 = arith.constant 0 : index
    %get3A_36 = arith.constant 0 : index
    %get3A_37 = arith.constant 0 : index
    %get3A_38 = vector.load %arg3[%get3A_35, %get3A_36, %get3A_37] : memref<2x200x1xf32, #tpu.memory_space<vmem>>, vector<1x200x1xf32>
    %get3A_39 = vector.shape_cast %get3A_38 : vector<1x200x1xf32> to vector<200x1xf32>
    %get3A_40 = arith.constant 1 : index
    %get3A_41 = arith.constant 0 : index
    %get3A_42 = arith.constant 0 : index
    %get3A_43 = vector.load %arg3[%get3A_40, %get3A_41, %get3A_42] : memref<2x200x1xf32, #tpu.memory_space<vmem>>, vector<1x200x1xf32>
    %get3A_44 = vector.shape_cast %get3A_43 : vector<1x200x1xf32> to vector<200x1xf32>
    %add3A_45 = arith.addf %get3A_39, %get3A_44 : vector<200x1xf32>
    %add3A_46 = arith.constant 1.000000e+00 : f32
    %add3A_47 = vector.broadcast %add3A_46 : f32 to vector<200x1xf32>
    %add3A_48 = arith.addf %add3A_45, %add3A_47 : vector<200x1xf32>
    %rsqrt3A = math.rsqrt %add3A_48 : vector<200x1xf32>
    %get3A_49 = arith.constant 0 : index
    %get3A_50 = arith.constant 0 : index
    %get3A_51 = arith.constant 0 : index
    %get3A_52 = vector.load %arg1[%get3A_49, %get3A_50, %get3A_51] : memref<6x200x128xf32, #tpu.memory_space<vmem>>, vector<6x200x128xf32>
    %get3A_53 = arith.constant 0 : index
    %get3A_54 = arith.constant 0 : index
    %get3A_55 = arith.constant 0 : index
    %get3A_56 = vector.load %arg2[%get3A_53, %get3A_54, %get3A_55] : memref<6x200x128xf32, #tpu.memory_space<vmem>>, vector<6x200x128xf32>
    %add3A_57 = arith.addf %get3A_52, %get3A_56 : vector<6x200x128xf32>
    %broadcast_in_dim3A = vector.shape_cast %rsqrt3A : vector<200x1xf32> to vector<1x200x1xf32>
    %mul3A = vector.broadcast %broadcast_in_dim3A : vector<1x200x1xf32> to vector<6x200x128xf32>
    %mul3A_58 = arith.mulf %add3A_57, %mul3A : vector<6x200x128xf32>
    %slice3A_59 = vector.extract_strided_slice %mul3A_58 {offsets = [0, 0, 0], sizes = [6, 200, 32], strides = [1, 1, 1]} : vector<6x200x128xf32> to vector<6x200x32xf32>
    %broadcast_in_dim3A_60 = vector.shape_cast %add3A : vector<1x32xf32> to vector<1x1x32xf32>
    %add3A_61 = vector.broadcast %broadcast_in_dim3A_60 : vector<1x1x32xf32> to vector<6x200x32xf32>
    %add3A_62 = arith.addf %slice3A_59, %add3A_61 : vector<6x200x32xf32>
    %logistic3A = arith.negf %add3A_62 : vector<6x200x32xf32>
    %logistic3A_63 = math.exp %logistic3A : vector<6x200x32xf32>
    %logistic3A_64 = arith.constant 1.000000e+00 : f32
    %logistic3A_65 = vector.broadcast %logistic3A_64 : f32 to vector<6x200x32xf32>
    %logistic3A_66 = arith.addf %logistic3A_65, %logistic3A_63 : vector<6x200x32xf32>
    %logistic3A_67 = arith.divf %logistic3A_65, %logistic3A_66 : vector<6x200x32xf32>
    %sub3A_68 = arith.constant 1.000000e+00 : f32
    %sub3A_69 = vector.broadcast %sub3A_68 : f32 to vector<6x200x32xf32>
    %sub3A_70 = arith.subf %sub3A_69, %logistic3A_67 : vector<6x200x32xf32>
    %slice3A_71 = vector.extract_strided_slice %mul3A_58 {offsets = [0, 0, 32], sizes = [6, 200, 32], strides = [1, 1, 1]} : vector<6x200x128xf32> to vector<6x200x32xf32>
    %broadcast_in_dim3A_72 = vector.shape_cast %add3A_34 : vector<1x32xf32> to vector<1x1x32xf32>
    %add3A_73 = vector.broadcast %broadcast_in_dim3A_72 : vector<1x1x32xf32> to vector<6x200x32xf32>
    %add3A_74 = arith.addf %slice3A_71, %add3A_73 : vector<6x200x32xf32>
    %tanh3A = math.tanh %add3A_74 : vector<6x200x32xf32>
    %mul3A_75 = arith.mulf %sub3A_70, %tanh3A : vector<6x200x32xf32>
    %slice3A_76 = vector.extract_strided_slice %mul3A_58 {offsets = [0, 0, 64], sizes = [6, 200, 32], strides = [1, 1, 1]} : vector<6x200x128xf32> to vector<6x200x32xf32>
    %broadcast_in_dim3A_77 = vector.shape_cast %add3A : vector<1x32xf32> to vector<1x1x32xf32>
    %add3A_78 = vector.broadcast %broadcast_in_dim3A_77 : vector<1x1x32xf32> to vector<6x200x32xf32>
    %add3A_79 = arith.addf %slice3A_76, %add3A_78 : vector<6x200x32xf32>
    %logistic3A_80 = arith.negf %add3A_79 : vector<6x200x32xf32>
    %logistic3A_81 = math.exp %logistic3A_80 : vector<6x200x32xf32>
    %logistic3A_82 = arith.constant 1.000000e+00 : f32
    %logistic3A_83 = vector.broadcast %logistic3A_82 : f32 to vector<6x200x32xf32>
    %logistic3A_84 = arith.addf %logistic3A_83, %logistic3A_81 : vector<6x200x32xf32>
    %logistic3A_85 = arith.divf %logistic3A_83, %logistic3A_84 : vector<6x200x32xf32>
    %sub3A_86 = arith.constant 1.000000e+00 : f32
    %sub3A_87 = vector.broadcast %sub3A_86 : f32 to vector<6x200x32xf32>
    %sub3A_88 = arith.subf %sub3A_87, %logistic3A_85 : vector<6x200x32xf32>
    %slice3A_89 = vector.extract_strided_slice %mul3A_58 {offsets = [0, 0, 96], sizes = [6, 200, 32], strides = [1, 1, 1]} : vector<6x200x128xf32> to vector<6x200x32xf32>
    %broadcast_in_dim3A_90 = vector.shape_cast %add3A_34 : vector<1x32xf32> to vector<1x1x32xf32>
    %add3A_91 = vector.broadcast %broadcast_in_dim3A_90 : vector<1x1x32xf32> to vector<6x200x32xf32>
    %add3A_92 = arith.addf %slice3A_89, %add3A_91 : vector<6x200x32xf32>
    %tanh3A_93 = math.tanh %add3A_92 : vector<6x200x32xf32>
    %mul3A_94 = arith.mulf %sub3A_88, %tanh3A_93 : vector<6x200x32xf32>
    %broadcast_in_dim3A_95 = vector.shape_cast %slice3A : vector<6x1xf32> to vector<6x1x1xf32>
    %mul3A_96 = vector.broadcast %broadcast_in_dim3A_95 : vector<6x1x1xf32> to vector<6x200x32xf32>
    %mul3A_97 = arith.mulf %mul3A_75, %mul3A_96 : vector<6x200x32xf32>
    %broadcast_in_dim3A_98 = vector.shape_cast %slice3A_12 : vector<6x1xf32> to vector<6x1x1xf32>
    %mul3A_99 = vector.broadcast %broadcast_in_dim3A_98 : vector<6x1x1xf32> to vector<6x200x32xf32>
    %mul3A_100 = arith.mulf %mul3A_94, %mul3A_99 : vector<6x200x32xf32>
    %add3A_101 = arith.addf %mul3A_97, %mul3A_100 : vector<6x200x32xf32>
    %reduce_sum3A_102 = arith.constant dense<0.000000e+00> : vector<200x32xf32>
    %reduce_sum3A_103 = vector.multi_reduction <add>, %add3A_101, %reduce_sum3A_102 [0] : vector<6x200x32xf32> to vector<200x32xf32>
    %swap3A = arith.constant 0 : index
    %swap3A_104 = arith.constant 0 : index
    %swap3A_105 = vector.load %arg11[%swap3A, %swap3A_104] : memref<200x32xf32, #tpu.memory_space<vmem>>, vector<200x32xf32>
    tpu.vector_store %arg11[%swap3A, %swap3A_104], %reduce_sum3A_103 {strides = array<i32>} : memref<200x32xf32, #tpu.memory_space<vmem>>, vector<200x32xf32>,
    return
  }
  func.func @transform_0(%arg0: i32) -> (i32, i32, i32) {
    %c0_i32 = arith.constant 0 : i32
    %c0_i32_0 = arith.constant 0 : i32
    %c0_i32_1 = arith.constant 0 : i32
    return %c0_i32, %arg0, %c0_i32_0 : i32, i32, i32
  }
  func.func @transform_1(%arg0: i32) -> (i32, i32, i32) {
    %c0_i32 = arith.constant 0 : i32
    %c0_i32_0 = arith.constant 0 : i32
    %c0_i32_1 = arith.constant 0 : i32
    return %c0_i32, %arg0, %c0_i32_0 : i32, i32, i32
  }
  func.func @transform_2(%arg0: i32) -> (i32, i32, i32) {
    %c0_i32 = arith.constant 0 : i32
    %c0_i32_0 = arith.constant 0 : i32
    %c0_i32_1 = arith.constant 0 : i32
    return %c0_i32, %arg0, %c0_i32_0 : i32, i32, i32
  }
  func.func @transform_3(%arg0: i32) -> (i32, i32) {
    %c0_i32 = arith.constant 0 : i32
    %c0_i32_0 = arith.constant 0 : i32
    %c0_i32_1 = arith.constant 0 : i32
    return %c0_i32, %c0_i32_0 : i32, i32
  }
  func.func @transform_4(%arg0: i32) -> (i32, i32) {
    %c0_i32 = arith.constant 0 : i32
    %c0_i32_0 = arith.constant 0 : i32
    %c0_i32_1 = arith.constant 0 : i32
    return %c0_i32, %c0_i32_0 : i32, i32
  }
  func.func @transform_5(%arg0: i32) -> (i32, i32) {
    %c0_i32 = arith.constant 0 : i32
    %c0_i32_0 = arith.constant 0 : i32
    %c0_i32_1 = arith.constant 0 : i32
    return %c0_i32, %c0_i32_0 : i32, i32
  }
  func.func @transform_6(%arg0: i32) -> (i32, i32) {
    %c0_i32 = arith.constant 0 : i32
    %c0_i32_0 = arith.constant 0 : i32
    %c0_i32_1 = arith.constant 0 : i32
    return %c0_i32, %c0_i32_0 : i32, i32
  }
  func.func @transform_7(%arg0: i32) -> (i32, i32) {
    %c0_i32 = arith.constant 0 : i32
    %c0_i32_0 = arith.constant 0 : i32
    %c0_i32_1 = arith.constant 0 : i32
    return %c0_i32, %c0_i32_0 : i32, i32
  }
  func.func @transform_8(%arg0: i32) -> (i32, i32) {
    %c0_i32 = arith.constant 0 : i32
    %c0_i32_0 = arith.constant 0 : i32
    %c0_i32_1 = arith.constant 0 : i32
    return %c0_i32, %c0_i32_0 : i32, i32
  }
  func.func @transform_9(%arg0: i32) -> (i32, i32) {
    %c0_i32 = arith.constant 0 : i32
    %c0_i32_0 = arith.constant 0 : i32
    %c0_i32_1 = arith.constant 0 : i32
    return %c0_i32, %c0_i32_0 : i32, i32
  }
  func.func @transform_10(%arg0: i32) -> (i32, i32) {
    %c0_i32 = arith.constant 0 : i32
    %c0_i32_0 = arith.constant 0 : i32
    return %arg0, %c0_i32 : i32, i32
  }
}

</mosaic_0001>

<sc_bundles>
// kernel: kernel.6.cloned.1.call-start
scs
__scs_entry_jumppad:
0x0: {  	(pc) =	sbr.rel $0x88, $3  }
0x1: {  	(tag) =	ssettag $0x0;
	lr =	simm.s32 $0x1  }
0x2: {  	[smem:$0x3F96] =	sst lr;
	_ =	strace $0xD0000000  }
0x3: {  	_ = 	snop  }
0x4: {  	_ = 	snop  }
0x5: {  	_ = 	snop  }
0x6: {  	_ = 	snop  }
0x7: {  	_ = 	snop  }
__scs_overlays_trampoline_lowered:
0x8: {  	[smem:$0x3FA5] =	sst s0  }
0x9: {  	[smem:$0x3FA6] =	sst s1  }
0xa: {  	[smem:$0x3FA7] =	sst s2  }
0xb: {  	[smem:$0x3FA8] =	sst s3  }
0xc: {  	[smem:$0x3FA9] =	sst s4  }
0xd: {  	[smem:$0x3FAA] =	sst s5  }
0xe: {  	[smem:$0x3FAB] =	sst s6  }
0xf: {  	[smem:$0x3FAC] =	sst s7  }
0x10: {  	[smem:$0x3FAD] =	sst s8  }
0x11: {  	[smem:$0x3FAE] =	sst s9;
	s0 =	simm.s32 @!p0 $0x0  }
0x12: {  	s1 =	sld [smem:$0x3F94];
	s0 =	simm.s32 @p0 $0x1  }
0x13: {  	[smem:$0x3FAF] =	sst s0;
	s0 =	simm.s32 @!p1 $0x0  }
0x14: {  	s2 =	sld [smem:$0x3F93];
	s0 =	simm.s32 @p1 $0x1  }
0x15: {  	[smem:$0x3FB0] =	sst s0;
	s0 =	simm.s32 @!p2 $0x0  }
0x16: {  	s3 =	sld [smem:$0x3FDB];
	s0 =	simm.s32 @p2 $0x1  }
0x17: {  	s4 =	simm.s32 $0x1BF5;
	[smem:$0x3FB2] =	sst s0  }
0x18: {  	s0 =	sld [smem:$0x3F95];
	_ =	swait.ge [sflag:s4], $0x0  }
0x19: {  	s7 =	sld [smem:$0x3F96]  }
0x1a: {  	s8 =	sadd.s32 $0xFFFFE003, lr  }
0x1b: {  	s9 =	sadd.s32 $0xFFFFFEF7, lr;
	s5 =	simm.s32 $0xFFFFFFFF;
	p2 =	slt.u32 s8, $0xFFFFF086  }
0x1c: {  	p1 =	slt.u32 s9, $0xF7A;
	s5 =	simm.s32 @!p2 $0x0  }
0x1d: {  	s5 =	simm.s32 @p1 $0x1;
	p0 =	seq.s32 s7, s2  }
0x1e: {  	s7 =	smul.u32 @!p0 $0xF7A, s2;
	p2 =	seq.s32 @!p0 s5, $0x0  }
0x1f: {  	s9 =	smul.u32 $0xF7A, s1;
	s8 =	simm.s32 @!p0 $0x1BF5;
	p2 =	por !p2, p0  }
0x20: {  	[sflag:s8] =	ssyncset.s32 @!p0 $0xFFFFF086;
	s6 =	sadd.s32 @!p0 s3, s7;
	s7 =	simm.s32 @!p0 $0x108  }
0x21: {  	s3 =	sadd.s32 s3, s9;
	s6 =	sadd.s32 @!p0 $0x88, s6;
	s7 =	simm.s32 @p2 $0x1082  }
0x22: {  	[simem:s7], [sflag:s8] =	dma.local @!p0 [hbm:s6], $0xF7A  }
0x23: {  	s9 =	sor.u32 $0xD0000000, s2;
	s6 =	simm.s32 $0x108;
	_ =	swait.ge @!p0 [sflag:s8], $0x0  }
0x24: {  	s3 =	sadd.s32 $0x88, s3;
	s6 =	simm.s32 @!p1 $0x1082;
	[sflag:s4] =	ssyncset.s32 $0xFFFFF086  }
0x25: {  	[simem:s6], [sflag:s4] =	dma.local [hbm:s3], $0xF7A  }
0x26: {  	[smem:$0x3F96] =	sst s1;
	(tag) =	ssettag s2;
	_ =	strace s9  }
0x27: {  	s1 =	sld [smem:$0x3FA6]  }
0x28: {  	s2 =	sld [smem:$0x3FA7]  }
0x29: {  	s4 =	sld [smem:$0x3FA9]  }
0x2a: {  	p0 =	seq.s32 s5, $0x0;
	s5 =	sld [smem:$0x3FAA]  }
0x2b: {  	s6 =	sld [smem:$0x3FAB]  }
0x2c: {  	s7 =	sld [smem:$0x3FAC]  }
0x2d: {  	s3 =	simm.s32 $0x108;
	s8 =	sld [smem:$0x3FAD]  }
0x2e: {  	s3 =	simm.s32 @!p0 $0x1082;
	s9 =	sld [smem:$0x3FAE]  }
0x2f: {  	lr =	sadd.s32 s0, s3;
	s0 =	sld [smem:$0x3FA5]  }
0x30: {  	s3 =	sld [smem:$0x3FA8]  }
0x31: {  	[smem:$0x3FB1] =	sst s10  }
0x32: {  	s10 =	sld [smem:$0x3FAF];
	_ =	sdelay $0x3  }
0x33: {  	p0 =	seq.s32 s10, $0x1;
	s10 =	sld [smem:$0x3FB1];
	_ =	sdelay $0x3  }
0x34: {  	[smem:$0x3FB1] =	sst s10  }
0x35: {  	s10 =	sld [smem:$0x3FB0];
	_ =	sdelay $0x3  }
0x36: {  	p1 =	seq.s32 s10, $0x1;
	s10 =	sld [smem:$0x3FB1];
	_ =	sdelay $0x3  }
0x37: {  	[smem:$0x3FB1] =	sst s10  }
0x38: {  	s10 =	sld [smem:$0x3FB2]  }
0x39: {  	_ = 	snop;
	(pc) =	sbr.ind lr, $3  }
0x3a: {  	_ = 	snop  }
0x3b: {  	_ = 	snop  }
0x3c: {  	p2 =	seq.s32 s10, $0x1;
	s10 =	sld [smem:$0x3FB1]  }
0x3d: {  	_ =	shalt  }
0x3e: {  	_ =	shalt  }
0x3f: {  	_ =	shalt  }
0x40: {  	_ =	shalt  }
0x41: {  	_ =	shalt  }
0x42: {  	_ =	shalt  }
0x43: {  	_ =	shalt  }
0x44: {  	_ =	shalt  }
0x45: {  	_ =	shalt  }
0x46: {  	_ =	shalt  }
0x47: {  	_ =	shalt  }
0x48: {  	_ =	shalt  }
0x49: {  	_ =	shalt  }
0x4a: {  	_ =	shalt  }
0x4b: {  	_ =	shalt  }
0x4c: {  	_ =	shalt  }
0x4d: {  	_ =	shalt  }
0x4e: {  	_ =	shalt  }
0x4f: {  	_ =	shalt  }
0x50: {  	_ =	shalt  }
0x51: {  	_ =	shalt  }
0x52: {  	_ =	shalt  }
0x53: {  	_ =	shalt  }
0x54: {  	_ =	shalt  }
0x55: {  	_ =	shalt  }
0x56: {  	_ =	shalt  }
0x57: {  	_ =	shalt  }
0x58: {  	_ =	shalt  }
0x59: {  	_ =	shalt  }
0x5a: {  	_ =	shalt  }
0x5b: {  	_ =	shalt  }
0x5c: {  	_ =	shalt  }
0x5d: {  	_ =	shalt  }
0x5e: {  	_ =	shalt  }
0x5f: {  	_ =	shalt  }
0x60: {  	_ =	shalt  }
0x61: {  	_ =	shalt  }
0x62: {  	_ =	shalt  }
0x63: {  	_ =	shalt  }
0x64: {  	_ =	shalt  }
0x65: {  	_ =	shalt  }
0x66: {  	_ =	shalt  }
0x67: {  	_ =	shalt  }
0x68: {  	_ =	shalt  }
0x69: {  	_ =	shalt  }
0x6a: {  	_ =	shalt  }
0x6b: {  	_ =	shalt  }
0x6c: {  	_ =	shalt  }
0x6d: {  	_ =	shalt  }
0x6e: {  	_ =	shalt  }
0x6f: {  	_ =	shalt  }
0x70: {  	_ =	shalt  }
0x71: {  	_ =	shalt  }
0x72: {  	_ =	shalt  }
0x73: {  	_ =	shalt  }
0x74: {  	_ =	shalt  }
0x75: {  	_ =	shalt  }
0x76: {  	_ =	shalt  }
0x77: {  	_ =	shalt  }
0x78: {  	_ =	shalt  }
0x79: {  	_ =	shalt  }
0x7a: {  	_ =	shalt  }
0x7b: {  	_ =	shalt  }
0x7c: {  	_ =	shalt  }
0x7d: {  	_ =	shalt  }
0x7e: {  	_ =	shalt  }
0x7f: {  	_ =	shalt  }
0x80: {  	_ =	shalt  }
0x81: {  	_ =	shalt  }
0x82: {  	_ =	shalt  }
0x83: {  	_ =	shalt  }
0x84: {  	_ =	shalt  }
0x85: {  	_ =	shalt  }
0x86: {  	_ =	shalt  }
0x87: {  	_ =	shalt  }
.Lfunc_end0:
.L_simem_size_0:
called_computation_lowered:
.L_overlay_start_0:
0x88: {  	s2 =	sld [smem:$0x3FD9]  }
0x89: {  	s3 =	sld [smem:$0x3FFE];
	_ =	sdelay $0x1  }
0x8a: {  	s1 =	srdreg.scid  }
0x8b: {  	s0 =	sand.u32 $0x1, s1  }
0x8c: {  	s17 =	sshll.u32 s0, $0xA;
	s2 =	sadd.s32 s3, s2  }
0x8d: {  	s2 =	sadd.s32 s2, s17  }
0x8e: {  	[smem:$0x3FBD] =	sst s2  }
0x8f: {  	_ = 	snop  }
0x90: {  	s2 =	sld [smem:$0x3FD0];
	(tm) =	ssettm $0x1  }
0x91: {  	s18 =	sld [smem:$0x3FFB];
	_ =	sdelay $0x3  }
0x92: {  	_ =	strace s18  }
0x93: {  	s3 =	sld [smem:$0x3FFC];
	_ =	sdelay $0x3  }
0x94: {  	_ =	strace s3  }
0x95: {  	s3 =	sld [smem:$0x3FFD];
	_ =	sdelay $0x3  }
0x96: {  	_ =	strace s3  }
0x97: {  	_ =	strace $0x8FFFFFFF  }
0x98: {  	s19 =	sld [smem:$0x3FDB];
	_ =	sdelay $0x1  }
0x99: {  	s4 =	simm.s32 $_scs_section_size  }
0x9a: {  	s5 =	simm.s32 $_size__tile_overlayer_lowered;
	s6 =	simm.s32 $_tile_overlayer_lowered  }
0x9b: {  	s22 =	simm.s32 $0x1BFF;
	s21 =	sshll.u32 s6, $0x1;
	s3 =	sadd.s32 s4, s19  }
0x9c: {  	s7 =	simm.s32 $0x0;
	s20 =	sshll.u32 s5, $0x1;
	s5 =	sadd.s32 s21, s3  }
0x9d: {  	[timem:s7], [sflag:s22] =	dma.local [hbm:s5], s20  }
0x9e: {  	_ =	swait.ge [sflag:s22], s20  }
0x9f: {  	s4 =	ssub.s32 $0x0, s20;
	[sflag:s22] =	ssyncset.done $0x0  }
0xa0: {  	[sflag:s22] =	ssyncadd.s32 s4;
	_ =	sdelay $0x1  }
0xa1: {  	s23 =	simm.s32 $0x1B8B  }
0xa2: {  	_ =	swait.ge [sflag:s23], $0x1  }
0xa3: {  	[sflag:s23] =	ssyncset.done $0x0  }
0xa4: {  	s25 =	simm.s32 $0x1B8E;
	s24 =	sld [smem:$0x3FFE];
	[sflag:s23] =	ssyncadd.s32 $0xFFFFFFFF  }
0xa5: {  	s26 =	simm.s32 $execute0_lowered;
	[smem:$0x3FD2] =	sst s25  }
0xa6: {  	s5 =	sshll.u32 s26, $0x1;
	_ =	strace $0x80000046;
	[dreg:$0x1] =	wrdreg $0xFFFFFFFF  }
0xa7: {  	s28 =	simm.s32 $_size_execute0_lowered;
	s3 =	sadd.s32 s3, s5;
	[dreg:$0x0] =	wrdreg $0x0  }
0xa8: {  	s5 =	sshll.u32 s28, $0x1;
	[dreg:$0x2] =	wrdreg s3  }
0xa9: {  	[dreg:$0x3] =	wrdreg s5  }
0xaa: {  	[dreg:$0x4] =	wrdreg $0xC0  }
0xab: {  	_ =	task [dreg:s7], $0x5FFFF  }
0xac: {  	[dreg:$0x1] =	wrdreg $0xFFFFFFFF  }
0xad: {  	[dreg:$0x0] =	wrdreg $0x60  }
0xae: {  	[dreg:$0x2] =	wrdreg s24  }
0xaf: {  	[dreg:$0x3] =	wrdreg s2  }
0xb0: {  	[dreg:$0x4] =	wrdreg $0x2B000  }
0xb1: {  	[dreg:$0x5] =	wrdreg $0x9  }
0xb2: {  	_ =	task.clear_ibuf [dreg:s7], $0x6FFFF;
	_ =	strace $0x90000046  }
0xb3: {  	s29 =	simm.s32 $0x9;
	_ =	strace $0x80000048  }
0xb4: {  	_ =	swait.ge [sflag:s29], $0x1  }
0xb5: {  	[sflag:s29] =	ssyncadd.s32 $0xFFFFFFFF  }
0xb6: {  	_ =	strace $0x90000048  }
0xb7: {  	_ =	sfence  }
0xb8: {  	s30 =	sld [smem:$0x0];
	_ =	sdelay $0x2  }
0xb9: {  	s31 =	sshll.u32 s1, $0xD;
	s1 =	sshrl.u32 s1, $0x2  }
0xba: {  	s3 =	sand.u32 $0x4000, s31;
	s1 =	sadd.s32 s1, s30  }
0xbb: {  	s0 =	sor.u32 s3, s0;
	s1 =	sshll.u32 s1, $0x11  }
0xbc: {  	s0 =	sor.u32 s1, s0  }
0xbd: {  	s0 =	sadd.s32 $0x8F2B, s0  }
0xbe: {  	[sflag:s0] =	ssyncadd.remote.s32 $0x1  }
0xbf: {  	_ =	sfence.sel $0xFFFF  }
0xc0: {  	[dreg:$0x0] =	wrdreg $0xFFFFFFFF;
	(pc) =	sbr.abs _section_cstart, $3  }
0xc1: {  	[dreg:$0x1] =	wrdreg $0xFFFFFFFF  }
0xc2: {  	_ =	task.clear_ibuf [dreg:s7], $0x2FFFF;
	_ =	strace $0x9FFFFFFF  }
0xc3: {  	(tm) =	ssettm $0x7FFFFFFF  }
tec
execute0_lowered:
.L_overlay_start_1:
0x0: {  	(tag) =	ssettag $0x1  }
0x1: {  	s4 =	rddreg [dreg:$0x0]  }
0x2: {  	s6 =	rddreg [dreg:$0x1];
	s0 =	srdreg.scid  }
0x3: {  	s2 =	rddreg [dreg:$0x2];
	s1 =	stileid.u32  }
0x4: {  	s3 =	simm.s32 $0x0;
	s11 =	simm.s32 $0x2800;
	s14 =	simm.s32 $0x20  }
0x5: {  	s15 =	simm.s32 $0x10;
	s16 =	simm.s32 $0x0;
	s8 =	smul.u32 $0x2800, s1  }
0x6: {  	s5 =	sand.u32 $0x1, s0;
	s0 =	rddreg [dreg:$0x3];
	s28 =	smul.u32 $0xA00, s1  }
0x7: {  	[smem:$0x7FF] =	sst s3;
	s10 =	smul.u32 $0x500, s1;
	s12 =	sshll.u32 s1, $0x6  }
0x8: {  	s7 =	smul.u32 $0x28000, s5;
	_ =	strace $0x80000047;
	s9 =	ssub.s32 $0x2, s5  }
0x9: {  	s5 =	sshll.u32 s5, $0x7;
	s12 =	sor.u32 $0x1C01, s12;
	s29 =	sshrl.u32 s9, $0x1  }
0xa: {  	s30 =	sor.u32 s5, s10;
	s10 =	simm.s32 $0x80;
	s7 =	sadd.s32 s8, s7  }
0xb: {  	s8 =	sshrl.u32 s28, $0x2;
	s31 =	sshrl.u32 s30, $0x3;
	s7 =	sshrl.u32 s7, $0x3  }
0xc: {  	s5 =	sadd.s32 s8, s2;
	s6 =	sadd.s32 s6, s31;
	s8 =	simm.s32 $0x1  }
0xd: {  	s4 =	sadd.s32 s7, s4;
	s7 =	ssub.s32 s9, s29;
	s9 =	simm.s32 $0x2880  }
0xe: {  	v0 =	vimm.f32 $1.000000000e+00;
	v1 =	vimm.f32 $0.0e+00;
	s13 =	sshrl.u32 s5, $0x3;
	s4 =	sadd.s32 $0x1400, s4;
	s7 =	smax.u32 s7, $0x1  }
.LBB2_1:
0xf: {  	[tilespmem:$0x2800] =	vst v0  }
0x10: {  	[tilespmem:$0x2810] =	vst v0  }
0x11: {  	[tilespmem:$0x2820] =	vst v0  }
0x12: {  	[tilespmem:$0x2830] =	vst v0  }
0x13: {  	[tilespmem:$0x2840] =	vst v0  }
0x14: {  	[tilespmem:$0x2850] =	vst v0  }
0x15: {  	[tilespmem:$0x2860] =	vst v0  }
0x16: {  	[tilespmem:$0x2870] =	vst v0  }
0x17: {  	[tilespmem:$0x2880] =	vst v1  }
0x18: {  	[tilespmem:$0x2890] =	vst v1  }
0x19: {  	[tilespmem:$0x28A0] =	vst v1  }
0x1a: {  	[tilespmem:$0x28B0] =	vst v1  }
0x1b: {  	[tilespmem:$0x28C0] =	vst v1  }
0x1c: {  	[tilespmem:$0x28D0] =	vst v1  }
0x1d: {  	[tilespmem:$0x28E0] =	vst v1  }
0x1e: {  	[tilespmem:$0x28F0] =	vst v1  }
0x1f: {  	[tilespmem:$0x2900] =	vst v1  }
0x20: {  	[tilespmem:$0x2910] =	vst v1  }
0x21: {  	[tilespmem:$0x2920] =	vst v1  }
0x22: {  	[tilespmem:$0x2930] =	vst v1  }
0x23: {  	[tilespmem:$0x2940] =	vst v1  }
0x24: {  	[tilespmem:$0x2950] =	vst v1  }
0x25: {  	[tilespmem:$0x2960] =	vst v1  }
0x26: {  	[tilespmem:$0x2970] =	vst v1  }
0x27: {  	[tilespmem:$0x2980] =	vst v1  }
0x28: {  	[tilespmem:$0x2990] =	vst v1  }
0x29: {  	[tilespmem:$0x29A0] =	vst v1  }
0x2a: {  	[tilespmem:$0x29B0] =	vst v1  }
0x2b: {  	[tilespmem:$0x29C0] =	vst v1  }
0x2c: {  	[tilespmem:$0x29D0] =	vst v1  }
0x2d: {  	[tilespmem:$0x29E0] =	vst v1  }
0x2e: {  	[tilespmem:$0x29F0] =	vst v1  }
0x2f: {  	[tilespmem:$0x2A00] =	vst v1  }
0x30: {  	[tilespmem:$0x2A10] =	vst v1  }
0x31: {  	[tilespmem:$0x2A20] =	vst v1  }
0x32: {  	[tilespmem:$0x2A30] =	vst v1  }
0x33: {  	[tilespmem:$0x2A40] =	vst v1  }
0x34: {  	[tilespmem:$0x2A50] =	vst v1  }
0x35: {  	[tilespmem:$0x2A60] =	vst v1  }
0x36: {  	[tilespmem:$0x2A70] =	vst v1  }
0x37: {  	[tilespmem:$0x2A80] =	vst v1  }
0x38: {  	[tilespmem:$0x2A90] =	vst v1  }
0x39: {  	[tilespmem:$0x2AA0] =	vst v1  }
0x3a: {  	[tilespmem:$0x2AB0] =	vst v1  }
0x3b: {  	[tilespmem:$0x2AC0] =	vst v1  }
0x3c: {  	[tilespmem:$0x2AD0] =	vst v1  }
0x3d: {  	[tilespmem:$0x2AE0] =	vst v1  }
0x3e: {  	[tilespmem:$0x2AF0] =	vst v1  }
0x3f: {  	[tilespmem:s3], [sflag:$0x1] =	stream.linear.gather [hbm4b:s4+s3], $0x2800, $0x38;
	[tilespmem:$0x2D80] =	vst v63  }
0x40: {  	_ =	swait.ge [sflag:s8], $0x2800  }
0x41: {  	[sflag:s8] =	ssyncset.done $0x0  }
0x42: {  	[sflag:s8] =	ssyncadd.s32 $0xFFFFD800  }
0x43: {  	[spmem:s5] =	stream.linear.scatter [tilespmem:s9], [sflag:$0x1], $0x280, $0x38;
	[tilespmem:$0x2D80] =	vst v63  }
0x44: {  	_ =	swait.ge [sflag:s8], $0x280  }
0x45: {  	[sflag:s8] =	ssyncset.done $0x0  }
0x46: {  	[sflag:s8] =	ssyncadd.s32 $0xFFFFFD80  }
0x47: {  	s17 =	simm.s32 $0x0;
	[bflag:$0x0] =	sbarrier.arrive $0xFFFF  }
0x48: {  	[spmem:s2] =	stream.indirect.scatter.add.f32 [tilespmem:s11], [sflag:$0x1], $0x1, s17, s10, $0xb8;
	[tilespmem:$0x2D80] =	vst v63  }
0x49: {  	_ =	swait.ge [sflag:s8], $0x80  }
0x4a: {  	s17 =	simm.s32 $0x200;
	[sflag:s8] =	ssyncset.done $0x0  }
.LBB2_2:
0x4b: {  	s18 =	sshra.s32 s17, $0x2;
	[sflag:s8] =	ssyncadd.s32 $0xFFFFFF80;
	p0 =	sne.s32 s17, $0x9E00  }
0x4c: {  	[spmem:s2] =	stream.indirect.scatter.add.f32 [tilespmem:s11], [sflag:$0x1], $0x1, s18, s10, $0xb8;
	[tilespmem:$0x2D80] =	vst v63  }
.Ltmp0:
0x4d: {  	_ = 	snop;
	(pc) =	sbr.rel @p0 .LBB2_2-.Ltmp0, $4  }
0x4e: {  	_ = 	snop  }
0x4f: {  	s17 =	sadd.s32 $0x200, s17  }
0x50: {  	_ =	swait.ge [sflag:s8], $0x80  }
0x51: {  	[sflag:s8] =	ssyncset.done $0x0  }
0x52: {  	s16 =	sadd.s32 $0x1, s16  }
0x53: {  	[sflag:s8] =	ssyncadd.s32 $0xFFFFFF80;
	p0 =	sne.s32 s16, s7  }
.Ltmp1:
0x54: {  	[bflag:$0x0] =	sbarrier.arrive $0xFFFF;
	(pc) =	sbr.rel @p0 .LBB2_1-.Ltmp1, $4  }
0x55: {  	[hbm:s6@s14], [sflag:s12] =	dma.strided [spmem:s13@s15], $0x50, s8, $0x10   }
0x56: {  	_ =	swait.ge [sflag:s8], $0x50  }
0x57: {  	[sflag:s8] =	ssyncset.done $0x0  }
0x58: {  	[sflag:s8] =	ssyncadd.s32 $0xFFFFFFB0  }
0x59: {  	_ =	sfence.sel $0x180000  }
0x5a: {  	[bflag:$0x0] =	sbarrier.arrive $0xFFFF  }
0x5b: {  	p0 =	sne.s32 s1, $0x0;
	_ =	strace $0x90000047  }
0x5c: {  	s0 =	sadd.s32 @!p0 $0x100000, s0;
	[bflag:$0x2] =	sbarrier.arrive $0xFFFF  }
0x5d: {  	[sflag:s0] =	ssyncadd.tile.s32 @!p0 $0x1;
	_ =	shalt  }
.Lfunc_end2:
_tile_overlayer_lowered:
.L_overlay_start_2:
0x5e: {  	(tag) =	ssettag $0x2  }
0x5f: {  	s0 =	rddreg [dreg:$0x0];
	s2 =	stileid.u32  }
0x60: {  	s1 =	rddreg [dreg:$0x1];
	p0 =	sne.s32 s2, $0x0  }
0x61: {  	s3 =	rddreg [dreg:$0x2];
	[bflag:$0x3] =	sbarrier.arrive $0xFFFF;
	s2 =	simm.s32 @!p0 $0x1C01  }
0x62: {  	[timem:s3], [sflag:s2] =	dma.local @!p0 [hbm:s0], s1  }
0x63: {  	s0 =	simm.s32 @!p0 $0x1  }
0x64: {  	_ =	swait.ge @!p0 [sflag:s0], s1  }
0x65: {  	s1 =	ssub.s32 @!p0 $0x0, s1;
	[sflag:s0] =	ssyncset.done @!p0 $0x0  }
0x66: {  	[sflag:s0] =	ssyncadd.s32 @!p0 s1  }
0x67: {  	[bflag:$0x3] =	sbarrier.arrive $0xFFFF  }
0x68: {  	_ =	shalt  }

// kernel: kernel.9.cloned.1.call-start
scs
__scs_entry_jumppad:
0x0: {  	(pc) =	sbr.rel $0x88, $3  }
0x1: {  	(tag) =	ssettag $0x0;
	lr =	simm.s32 $0x1  }
0x2: {  	[smem:$0x3F96] =	sst lr;
	_ =	strace $0xD0000000  }
0x3: {  	_ = 	snop  }
0x4: {  	_ = 	snop  }
0x5: {  	_ = 	snop  }
0x6: {  	_ = 	snop  }
0x7: {  	_ = 	snop  }
__scs_overlays_trampoline_lowered:
0x8: {  	[smem:$0x3FA5] =	sst s0  }
0x9: {  	[smem:$0x3FA6] =	sst s1  }
0xa: {  	[smem:$0x3FA7] =	sst s2  }
0xb: {  	[smem:$0x3FA8] =	sst s3  }
0xc: {  	[smem:$0x3FA9] =	sst s4  }
0xd: {  	[smem:$0x3FAA] =	sst s5  }
0xe: {  	[smem:$0x3FAB] =	sst s6  }
0xf: {  	[smem:$0x3FAC] =	sst s7  }
0x10: {  	[smem:$0x3FAD] =	sst s8  }
0x11: {  	[smem:$0x3FAE] =	sst s9;
	s0 =	simm.s32 @!p0 $0x0  }
0x12: {  	s1 =	sld [smem:$0x3F94];
	s0 =	simm.s32 @p0 $0x1  }
0x13: {  	[smem:$0x3FAF] =	sst s0;
	s0 =	simm.s32 @!p1 $0x0  }
0x14: {  	s2 =	sld [smem:$0x3F93];
	s0 =	simm.s32 @p1 $0x1  }
0x15: {  	[smem:$0x3FB0] =	sst s0;
	s0 =	simm.s32 @!p2 $0x0  }
0x16: {  	s3 =	sld [smem:$0x3FDB];
	s0 =	simm.s32 @p2 $0x1  }
0x17: {  	s4 =	simm.s32 $0x1BF5;
	[smem:$0x3FB2] =	sst s0  }
0x18: {  	s0 =	sld [smem:$0x3F95];
	_ =	swait.ge [sflag:s4], $0x0  }
0x19: {  	s7 =	sld [smem:$0x3F96]  }
0x1a: {  	s8 =	sadd.s32 $0xFFFFE003, lr  }
0x1b: {  	s9 =	sadd.s32 $0xFFFFFEF7, lr;
	s5 =	simm.s32 $0xFFFFFFFF;
	p2 =	slt.u32 s8, $0xFFFFF086  }
0x1c: {  	p1 =	slt.u32 s9, $0xF7A;
	s5 =	simm.s32 @!p2 $0x0  }
0x1d: {  	s5 =	simm.s32 @p1 $0x1;
	p0 =	seq.s32 s7, s2  }
0x1e: {  	s7 =	smul.u32 @!p0 $0xF7A, s2;
	p2 =	seq.s32 @!p0 s5, $0x0  }
0x1f: {  	s9 =	smul.u32 $0xF7A, s1;
	s8 =	simm.s32 @!p0 $0x1BF5;
	p2 =	por !p2, p0  }
0x20: {  	[sflag:s8] =	ssyncset.s32 @!p0 $0xFFFFF086;
	s6 =	sadd.s32 @!p0 s3, s7;
	s7 =	simm.s32 @!p0 $0x108  }
0x21: {  	s3 =	sadd.s32 s3, s9;
	s6 =	sadd.s32 @!p0 $0x88, s6;
	s7 =	simm.s32 @p2 $0x1082  }
0x22: {  	[simem:s7], [sflag:s8] =	dma.local @!p0 [hbm:s6], $0xF7A  }
0x23: {  	s9 =	sor.u32 $0xD0000000, s2;
	s6 =	simm.s32 $0x108;
	_ =	swait.ge @!p0 [sflag:s8], $0x0  }
0x24: {  	s3 =	sadd.s32 $0x88, s3;
	s6 =	simm.s32 @!p1 $0x1082;
	[sflag:s4] =	ssyncset.s32 $0xFFFFF086  }
0x25: {  	[simem:s6], [sflag:s4] =	dma.local [hbm:s3], $0xF7A  }
0x26: {  	[smem:$0x3F96] =	sst s1;
	(tag) =	ssettag s2;
	_ =	strace s9  }
0x27: {  	s1 =	sld [smem:$0x3FA6]  }
0x28: {  	s2 =	sld [smem:$0x3FA7]  }
0x29: {  	s4 =	sld [smem:$0x3FA9]  }
0x2a: {  	p0 =	seq.s32 s5, $0x0;
	s5 =	sld [smem:$0x3FAA]  }
0x2b: {  	s6 =	sld [smem:$0x3FAB]  }
0x2c: {  	s7 =	sld [smem:$0x3FAC]  }
0x2d: {  	s3 =	simm.s32 $0x108;
	s8 =	sld [smem:$0x3FAD]  }
0x2e: {  	s3 =	simm.s32 @!p0 $0x1082;
	s9 =	sld [smem:$0x3FAE]  }
0x2f: {  	lr =	sadd.s32 s0, s3;
	s0 =	sld [smem:$0x3FA5]  }
0x30: {  	s3 =	sld [smem:$0x3FA8]  }
0x31: {  	[smem:$0x3FB1] =	sst s10  }
0x32: {  	s10 =	sld [smem:$0x3FAF];
	_ =	sdelay $0x3  }
0x33: {  	p0 =	seq.s32 s10, $0x1;
	s10 =	sld [smem:$0x3FB1];
	_ =	sdelay $0x3  }
0x34: {  	[smem:$0x3FB1] =	sst s10  }
0x35: {  	s10 =	sld [smem:$0x3FB0];
	_ =	sdelay $0x3  }
0x36: {  	p1 =	seq.s32 s10, $0x1;
	s10 =	sld [smem:$0x3FB1];
	_ =	sdelay $0x3  }
0x37: {  	[smem:$0x3FB1] =	sst s10  }
0x38: {  	s10 =	sld [smem:$0x3FB2]  }
0x39: {  	_ = 	snop;
	(pc) =	sbr.ind lr, $3  }
0x3a: {  	_ = 	snop  }
0x3b: {  	_ = 	snop  }
0x3c: {  	p2 =	seq.s32 s10, $0x1;
	s10 =	sld [smem:$0x3FB1]  }
0x3d: {  	_ =	shalt  }
0x3e: {  	_ =	shalt  }
0x3f: {  	_ =	shalt  }
0x40: {  	_ =	shalt  }
0x41: {  	_ =	shalt  }
0x42: {  	_ =	shalt  }
0x43: {  	_ =	shalt  }
0x44: {  	_ =	shalt  }
0x45: {  	_ =	shalt  }
0x46: {  	_ =	shalt  }
0x47: {  	_ =	shalt  }
0x48: {  	_ =	shalt  }
0x49: {  	_ =	shalt  }
0x4a: {  	_ =	shalt  }
0x4b: {  	_ =	shalt  }
0x4c: {  	_ =	shalt  }
0x4d: {  	_ =	shalt  }
0x4e: {  	_ =	shalt  }
0x4f: {  	_ =	shalt  }
0x50: {  	_ =	shalt  }
0x51: {  	_ =	shalt  }
0x52: {  	_ =	shalt  }
0x53: {  	_ =	shalt  }
0x54: {  	_ =	shalt  }
0x55: {  	_ =	shalt  }
0x56: {  	_ =	shalt  }
0x57: {  	_ =	shalt  }
0x58: {  	_ =	shalt  }
0x59: {  	_ =	shalt  }
0x5a: {  	_ =	shalt  }
0x5b: {  	_ =	shalt  }
0x5c: {  	_ =	shalt  }
0x5d: {  	_ =	shalt  }
0x5e: {  	_ =	shalt  }
0x5f: {  	_ =	shalt  }
0x60: {  	_ =	shalt  }
0x61: {  	_ =	shalt  }
0x62: {  	_ =	shalt  }
0x63: {  	_ =	shalt  }
0x64: {  	_ =	shalt  }
0x65: {  	_ =	shalt  }
0x66: {  	_ =	shalt  }
0x67: {  	_ =	shalt  }
0x68: {  	_ =	shalt  }
0x69: {  	_ =	shalt  }
0x6a: {  	_ =	shalt  }
0x6b: {  	_ =	shalt  }
0x6c: {  	_ =	shalt  }
0x6d: {  	_ =	shalt  }
0x6e: {  	_ =	shalt  }
0x6f: {  	_ =	shalt  }
0x70: {  	_ =	shalt  }
0x71: {  	_ =	shalt  }
0x72: {  	_ =	shalt  }
0x73: {  	_ =	shalt  }
0x74: {  	_ =	shalt  }
0x75: {  	_ =	shalt  }
0x76: {  	_ =	shalt  }
0x77: {  	_ =	shalt  }
0x78: {  	_ =	shalt  }
0x79: {  	_ =	shalt  }
0x7a: {  	_ =	shalt  }
0x7b: {  	_ =	shalt  }
0x7c: {  	_ =	shalt  }
0x7d: {  	_ =	shalt  }
0x7e: {  	_ =	shalt  }
0x7f: {  	_ =	shalt  }
0x80: {  	_ =	shalt  }
0x81: {  	_ =	shalt  }
0x82: {  	_ =	shalt  }
0x83: {  	_ =	shalt  }
0x84: {  	_ =	shalt  }
0x85: {  	_ =	shalt  }
0x86: {  	_ =	shalt  }
0x87: {  	_ =	shalt  }
.Lfunc_end0:
.L_simem_size_0:
called_computation.1_lowered:
.L_overlay_start_0:
0x88: {  	s2 =	sld [smem:$0x3FD9]  }
0x89: {  	s3 =	sld [smem:$0x3FFE];
	_ =	sdelay $0x1  }
0x8a: {  	s1 =	srdreg.scid  }
0x8b: {  	s0 =	sand.u32 $0x1, s1  }
0x8c: {  	s16 =	sshll.u32 s0, $0xA;
	s2 =	sadd.s32 s3, s2  }
0x8d: {  	s2 =	sadd.s32 s2, s16  }
0x8e: {  	[smem:$0x3FBD] =	sst s2  }
0x8f: {  	_ = 	snop  }
0x90: {  	(tm) =	ssettm $0x1  }
0x91: {  	s17 =	sld [smem:$0x3FFB];
	_ =	sdelay $0x3  }
0x92: {  	_ =	strace s17  }
0x93: {  	s2 =	sld [smem:$0x3FFC];
	_ =	sdelay $0x3  }
0x94: {  	_ =	strace s2  }
0x95: {  	s2 =	sld [smem:$0x3FFD];
	_ =	sdelay $0x3  }
0x96: {  	_ =	strace s2  }
0x97: {  	_ =	strace $0x8FFFFFFF  }
0x98: {  	s18 =	sld [smem:$0x3FDB];
	_ =	sdelay $0x1  }
0x99: {  	s19 =	simm.s32 $_scs_section_size  }
0x9a: {  	s4 =	simm.s32 $_size__tile_overlayer_lowered;
	s5 =	simm.s32 $_tile_overlayer_lowered  }
0x9b: {  	s22 =	simm.s32 $0x1BFF;
	s21 =	sshll.u32 s5, $0x1;
	s2 =	sadd.s32 s19, s18  }
0x9c: {  	s6 =	simm.s32 $0x0;
	s20 =	sshll.u32 s4, $0x1;
	s4 =	sadd.s32 s21, s2  }
0x9d: {  	[timem:s6], [sflag:s22] =	dma.local [hbm:s4], s20  }
0x9e: {  	_ =	swait.ge [sflag:s22], s20  }
0x9f: {  	s3 =	ssub.s32 $0x0, s20;
	[sflag:s22] =	ssyncset.done $0x0  }
0xa0: {  	[sflag:s22] =	ssyncadd.s32 s3;
	_ =	sdelay $0x1  }
0xa1: {  	s23 =	simm.s32 $0x1B8B  }
0xa2: {  	_ =	swait.ge [sflag:s23], $0x1  }
0xa3: {  	[sflag:s23] =	ssyncset.done $0x0  }
0xa4: {  	s25 =	simm.s32 $0x1B8E;
	s24 =	sld [smem:$0x3FFE];
	[sflag:s23] =	ssyncadd.s32 $0xFFFFFFFF  }
0xa5: {  	s26 =	simm.s32 $execute0_lowered;
	[smem:$0x3FD2] =	sst s25  }
0xa6: {  	s4 =	sshll.u32 s26, $0x1;
	_ =	strace $0x80000049;
	[dreg:$0x1] =	wrdreg $0xFFFFFFFF  }
0xa7: {  	s28 =	simm.s32 $_size_execute0_lowered;
	s2 =	sadd.s32 s2, s4;
	[dreg:$0x0] =	wrdreg $0x0  }
0xa8: {  	s4 =	sshll.u32 s28, $0x1;
	[dreg:$0x2] =	wrdreg s2  }
0xa9: {  	[dreg:$0x3] =	wrdreg s4  }
0xaa: {  	[dreg:$0x4] =	wrdreg $0xC0  }
0xab: {  	_ =	task [dreg:s6], $0x5FFFF  }
0xac: {  	[dreg:$0x1] =	wrdreg $0xFFFFFFFF  }
0xad: {  	[dreg:$0x0] =	wrdreg $0x60  }
0xae: {  	[dreg:$0x2] =	wrdreg s24  }
0xaf: {  	[dreg:$0x3] =	wrdreg $0xB9000  }
0xb0: {  	[dreg:$0x4] =	wrdreg $0x9  }
0xb1: {  	_ =	task.clear_ibuf [dreg:s6], $0x5FFFF;
	_ =	strace $0x90000049  }
0xb2: {  	s29 =	simm.s32 $0x9;
	_ =	strace $0x8000004B  }
0xb3: {  	_ =	swait.ge [sflag:s29], $0x1  }
0xb4: {  	[sflag:s29] =	ssyncadd.s32 $0xFFFFFFFF  }
0xb5: {  	_ =	strace $0x9000004B  }
0xb6: {  	_ =	sfence  }
0xb7: {  	s30 =	sld [smem:$0x0];
	_ =	sdelay $0x2  }
0xb8: {  	s31 =	sshll.u32 s1, $0xD;
	s1 =	sshrl.u32 s1, $0x2  }
0xb9: {  	s3 =	sand.u32 $0x4000, s31;
	s1 =	sadd.s32 s1, s30  }
0xba: {  	s0 =	sor.u32 s3, s0;
	s1 =	sshll.u32 s1, $0x11  }
0xbb: {  	s0 =	sor.u32 s1, s0  }
0xbc: {  	s0 =	sadd.s32 $0x8F2B, s0  }
0xbd: {  	[sflag:s0] =	ssyncadd.remote.s32 $0x1  }
0xbe: {  	_ =	sfence.sel $0xFFFF  }
0xbf: {  	[dreg:$0x0] =	wrdreg $0xFFFFFFFF;
	(pc) =	sbr.abs _section_cstart, $3  }
0xc0: {  	[dreg:$0x1] =	wrdreg $0xFFFFFFFF  }
0xc1: {  	_ =	task.clear_ibuf [dreg:s6], $0x2FFFF;
	_ =	strace $0x9FFFFFFF  }
0xc2: {  	(tm) =	ssettm $0x7FFFFFFF  }
0xc3: {  	_ =	shalt  }
tec
execute0_lowered:
.L_overlay_start_1:
0x0: {  	(tag) =	ssettag $0x1  }
0x1: {  	s0 =	rddreg [dreg:$0x0]  }
0x2: {  	s1 =	rddreg [dreg:$0x1]  }
0x3: {  	s20 =	simm.s32 $0x0;
	s2 =	srdreg.scid;
	s10 =	stileid.u32  }
0x4: {  	[smem:$0x7FF] =	sst s20;
	s4 =	sadd.s32 $0x1F400, s0;
	s6 =	smul.u32 $0x50000, s10  }
0x5: {  	s2 =	sand.u32 $0x1, s2;
	s3 =	sadd.s32 $0x15400, s0;
	s9 =	smul.u32 $0x5000, s10  }
0x6: {  	s8 =	sadd.s32 $0xB400, s0;
	s0 =	sadd.s32 $0x109A00, s0;
	s23 =	smul.u32 $0xA00, s10  }
0x7: {  	s15 =	smul.u32 $0x14000, s10;
	s10 =	simm.s32 $0x1400;
	_ =	strace $0x8000004A  }
0x8: {  	s5 =	ssub.s32 $0x2, s2;
	[dreg:$0x4] =	wrdreg s0;
	s19 =	ssub.s32 $0x0, s2  }
0x9: {  	s7 =	sshrl.u32 s5, $0x1;
	s0 =	sand.u32 $0x3, s19;
	[dreg:$0xe] =	wrdreg s15  }
0xa: {  	s9 =	sshrl.u32 s9, $0x3;
	s25 =	sadd.s32 s3, s23;
	[dreg:$0x5] =	wrdreg s0  }
0xb: {  	s26 =	sadd.s32 s8, s23;
	s24 =	sadd.s32 $0x280, s9;
	[dreg:$0x6] =	wrdreg s25  }
0xc: {  	s21 =	ssub.s32 s5, s7;
	[dreg:$0x7] =	wrdreg s26;
	s28 =	sadd.s32 s3, s24  }
0xd: {  	s5 =	sadd.s32 $0x500, s9;
	s0 =	sadd.s32 s8, s24;
	[dreg:$0x8] =	wrdreg s28  }
0xe: {  	s11 =	sadd.s32 $0x780, s9;
	s12 =	sadd.s32 s3, s5;
	[dreg:$0x9] =	wrdreg s0  }
0xf: {  	s22 =	sshrl.u32 s6, $0x2;
	s13 =	sadd.s32 s3, s11;
	[dreg:$0xa] =	wrdreg s12  }
0x10: {  	s15 =	simm.s32 $0x6900;
	s14 =	sadd.s32 s8, s11;
	[dreg:$0xc] =	wrdreg s13  }
0x11: {  	s7 =	sadd.s32 s22, s1;
	s16 =	smax.u32 s21, $0x1;
	[dreg:$0xd] =	wrdreg s14  }
0x12: {  	s9 =	simm.s32 $0x5;
	s17 =	sadd.s32 $0x1000, s7;
	[dreg:$0xf] =	wrdreg s16  }
0x13: {  	s18 =	sadd.s32 $0x2000, s7;
	s19 =	sadd.s32 $0x3000, s7;
	[dreg:$0x10] =	wrdreg s17  }
0x14: {  	s21 =	sadd.s32 $0x4000, s7;
	s22 =	sadd.s32 $0x5000, s7;
	[dreg:$0x11] =	wrdreg s18  }
0x15: {  	s23 =	sadd.s32 $0x6000, s7;
	s24 =	sadd.s32 $0x7000, s7;
	[dreg:$0x12] =	wrdreg s19  }
0x16: {  	s25 =	sadd.s32 $0x8000, s7;
	s26 =	sadd.s32 $0x9000, s7;
	[dreg:$0x13] =	wrdreg s21  }
0x17: {  	s29 =	sadd.s32 $0xB000, s7;
	s30 =	sadd.s32 $0xC000, s7;
	[dreg:$0x14] =	wrdreg s22  }
0x18: {  	s31 =	sadd.s32 $0xD000, s7;
	s2 =	sadd.s32 $0x10000, s7;
	[dreg:$0x15] =	wrdreg s23  }
0x19: {  	s3 =	sadd.s32 $0x11000, s7;
	s6 =	sadd.s32 $0x13000, s7;
	[dreg:$0x16] =	wrdreg s24  }
0x1a: {  	s11 =	simm.s32 $0x80;
	s0 =	sadd.s32 s8, s5;
	[dreg:$0x17] =	wrdreg s25  }
.Ltmp0:
0x1b: {  	[dreg:$0x18] =	wrdreg s26;
	s28 =	sadd.s32 $0xA000, s7;
	(pc) =	sbr.rel .LBB2_1-.Ltmp0, $4  }
0x1c: {  	s17 =	sadd.s32 $0xF000, s7;
	s5 =	sadd.s32 $0x12000, s7;
	s8 =	simm.s32 $0xA900  }
0x1d: {  	s12 =	simm.s32 $0x2800;
	s13 =	simm.s32 $0x2900;
	s14 =	simm.s32 $0x2880  }
0x1e: {  	s16 =	simm.s32 $0x1;
	s18 =	simm.s32 $0x2;
	[dreg:$0xb] =	wrdreg s0  }
0x1f: {  	v0 =	vimm.f32 $0.0e+00;
	s19 =	simm.s32 $0x4;
	[dreg:$0x19] =	wrdreg s28;
	s0 =	sadd.s32 $0xE000, s7  }
.LBB2_17:
0x20: {  	s20 =	rddreg [dreg:$0x3]  }
0x21: {  	s21 =	rddreg [dreg:$0xf];
	s20 =	sadd.s32 $0x1, s20  }
0x22: {  	p0 =	sne.s32 s20, s21  }
.Ltmp1:
0x23: {  	_ = 	snop;
	(pc) =	sbr.rel @!p0 .LBB2_18-.Ltmp1, $1  }
0x24: {  	_ =	sdelay $0x3  }
.LBB2_1:
0x25: {  	[dreg:$0x3] =	wrdreg s20;
	s21 =	simm.s32 $0x0;
	s20 =	simm.s32 $0x200  }
.LBB2_2:
0x26: {  	p0 =	sne.s32 s20, $0x3E00;
	[tilespmem:s21+$0xA970] =	vst v0  }
0x27: {  	[tilespmem:s21+$0xA900] =	vst v0  }
0x28: {  	[tilespmem:s21+$0xA910] =	vst v0  }
.Ltmp2:
0x29: {  	[tilespmem:s21+$0xA920] =	vst v0;
	(pc) =	sbr.rel @p0 .LBB2_2-.Ltmp2, $4  }
0x2a: {  	[tilespmem:s21+$0xA930] =	vst v0  }
0x2b: {  	[tilespmem:s21+$0xA940] =	vst v0  }
0x2c: {  	[tilespmem:s21+$0xA950] =	vst v0  }
0x2d: {  	[tilespmem:s21+$0xA960] =	vst v0;
	s21 =	sshra.s32 s20, $0x2;
	s20 =	sadd.s32 $0x200, s20  }
0x2e: {  	[tilespmem:s21+$0xA970] =	vst v0  }
0x2f: {  	[tilespmem:s21+$0xA900] =	vst v0  }
0x30: {  	[tilespmem:s21+$0xA910] =	vst v0  }
.Ltmp3:
0x31: {  	[tilespmem:s21+$0xA920] =	vst v0;
	(pc) =	sbr.rel .LBB2_4-.Ltmp3, $4  }
0x32: {  	[tilespmem:s21+$0xA930] =	vst v0  }
0x33: {  	[tilespmem:s21+$0xA940] =	vst v0  }
0x34: {  	[tilespmem:s21+$0xA950] =	vst v0  }
0x35: {  	s20 =	simm.s32 $0x0;
	[tilespmem:s21+$0xA960] =	vst v0;
	s21 =	simm.s32 $0x0  }
.LBB2_16:
0x36: {  	_ =	swait.ge [sflag:s19], $0x4000;
	s22 =	smul.u32 $0x140000, s22  }
0x37: {  	s26 =	stileid.u32;
	s28 =	sshrl.u32 s7, $0x3;
	[sflag:s19] =	ssyncset.done $0x0  }
0x38: {  	s21 =	sadd.s32 $0x1, s21;
	s23 =	rddreg [dreg:$0xe];
	[sflag:s19] =	ssyncadd.s32 $0xFFFFC000  }
0x39: {  	p0 =	sne.s32 s21, $0x3;
	s22 =	sadd.s32 s23, s22;
	[bflag:$0x0] =	sbarrier.arrive $0xFFFF  }
0x3a: {  	s23 =	sshll.u32 s26, $0x6;
	s22 =	sshrl.u32 s22, $0x3;
	s24 =	rddreg [dreg:$0x4]  }
.Ltmp4:
0x3b: {  	s23 =	sor.u32 $0x1C05, s23;
	s22 =	sadd.s32 s24, s22;
	(pc) =	sbr.rel @!p0 .LBB2_17-.Ltmp4, $4  }
0x3c: {  	[hbm:s22], [sflag:s23] =	dma.local [spmem:s28], $0x2800  }
0x3d: {  	_ =	swait.ge [sflag:s9], $0x2800  }
0x3e: {  	[sflag:s9] =	ssyncset.done $0x0  }
0x3f: {  	[sflag:s9] =	ssyncadd.s32 $0xFFFFD800  }
.LBB2_4:
0x40: {  	[spmem:s7] =	stream.linear.scatter [tilespmem:s8], [sflag:$0x5], $0x1000, $0x38;
	[tilespmem:$0x1F900] =	vst v63  }
0x41: {  	_ =	swait.ge [sflag:s9], $0x1000  }
0x42: {  	[sflag:s9] =	ssyncset.done $0x0  }
0x43: {  	s22 =	rddreg [dreg:$0x10];
	[sflag:s9] =	ssyncadd.s32 $0xFFFFF000  }
0x44: {  	[spmem:s22] =	stream.linear.scatter [tilespmem:s8], [sflag:$0x5], $0x1000, $0x38;
	[tilespmem:$0x1F900] =	vst v63  }
0x45: {  	_ =	swait.ge [sflag:s9], $0x1000  }
0x46: {  	[sflag:s9] =	ssyncset.done $0x0  }
0x47: {  	s26 =	rddreg [dreg:$0x11];
	[sflag:s9] =	ssyncadd.s32 $0xFFFFF000  }
0x48: {  	[spmem:s26] =	stream.linear.scatter [tilespmem:s8], [sflag:$0x5], $0x1000, $0x38;
	[tilespmem:$0x1F900] =	vst v63  }
0x49: {  	_ =	swait.ge [sflag:s9], $0x1000  }
0x4a: {  	[sflag:s9] =	ssyncset.done $0x0  }
0x4b: {  	s28 =	rddreg [dreg:$0x12];
	[sflag:s9] =	ssyncadd.s32 $0xFFFFF000  }
0x4c: {  	[spmem:s28] =	stream.linear.scatter [tilespmem:s8], [sflag:$0x5], $0x1000, $0x38;
	[tilespmem:$0x1F900] =	vst v63  }
0x4d: {  	_ =	swait.ge [sflag:s9], $0x1000  }
0x4e: {  	[sflag:s9] =	ssyncset.done $0x0  }
0x4f: {  	s23 =	rddreg [dreg:$0x13];
	[sflag:s9] =	ssyncadd.s32 $0xFFFFF000  }
0x50: {  	[spmem:s23] =	stream.linear.scatter [tilespmem:s8], [sflag:$0x5], $0x1000, $0x38;
	[tilespmem:$0x1F900] =	vst v63  }
0x51: {  	_ =	swait.ge [sflag:s9], $0x1000  }
0x52: {  	[sflag:s9] =	ssyncset.done $0x0  }
0x53: {  	s24 =	rddreg [dreg:$0x14];
	[sflag:s9] =	ssyncadd.s32 $0xFFFFF000  }
0x54: {  	[spmem:s24] =	stream.linear.scatter [tilespmem:s8], [sflag:$0x5], $0x1000, $0x38;
	[tilespmem:$0x1F900] =	vst v63  }
0x55: {  	_ =	swait.ge [sflag:s9], $0x1000  }
0x56: {  	[sflag:s9] =	ssyncset.done $0x0  }
0x57: {  	s25 =	rddreg [dreg:$0x15];
	[sflag:s9] =	ssyncadd.s32 $0xFFFFF000  }
0x58: {  	[spmem:s25] =	stream.linear.scatter [tilespmem:s8], [sflag:$0x5], $0x1000, $0x38;
	[tilespmem:$0x1F900] =	vst v63  }
0x59: {  	_ =	swait.ge [sflag:s9], $0x1000  }
0x5a: {  	[sflag:s9] =	ssyncset.done $0x0  }
0x5b: {  	s26 =	rddreg [dreg:$0x16];
	[sflag:s9] =	ssyncadd.s32 $0xFFFFF000  }
0x5c: {  	[spmem:s26] =	stream.linear.scatter [tilespmem:s8], [sflag:$0x5], $0x1000, $0x38;
	[tilespmem:$0x1F900] =	vst v63  }
0x5d: {  	_ =	swait.ge [sflag:s9], $0x1000  }
0x5e: {  	[sflag:s9] =	ssyncset.done $0x0  }
0x5f: {  	s28 =	rddreg [dreg:$0x17];
	[sflag:s9] =	ssyncadd.s32 $0xFFFFF000  }
0x60: {  	[spmem:s28] =	stream.linear.scatter [tilespmem:s8], [sflag:$0x5], $0x1000, $0x38;
	[tilespmem:$0x1F900] =	vst v63  }
0x61: {  	_ =	swait.ge [sflag:s9], $0x1000  }
0x62: {  	[sflag:s9] =	ssyncset.done $0x0  }
0x63: {  	s23 =	rddreg [dreg:$0x18];
	[sflag:s9] =	ssyncadd.s32 $0xFFFFF000  }
0x64: {  	[spmem:s23] =	stream.linear.scatter [tilespmem:s8], [sflag:$0x5], $0x1000, $0x38;
	[tilespmem:$0x1F900] =	vst v63  }
0x65: {  	_ =	swait.ge [sflag:s9], $0x1000  }
0x66: {  	[sflag:s9] =	ssyncset.done $0x0  }
0x67: {  	s24 =	rddreg [dreg:$0x19];
	[sflag:s9] =	ssyncadd.s32 $0xFFFFF000  }
0x68: {  	[spmem:s24] =	stream.linear.scatter [tilespmem:s8], [sflag:$0x5], $0x1000, $0x38;
	[tilespmem:$0x1F900] =	vst v63  }
0x69: {  	_ =	swait.ge [sflag:s9], $0x1000  }
0x6a: {  	[sflag:s9] =	ssyncset.done $0x0  }
0x6b: {  	[sflag:s9] =	ssyncadd.s32 $0xFFFFF000  }
0x6c: {  	[spmem:s29] =	stream.linear.scatter [tilespmem:s8], [sflag:$0x5], $0x1000, $0x38;
	[tilespmem:$0x1F900] =	vst v63  }
0x6d: {  	_ =	swait.ge [sflag:s9], $0x1000  }
0x6e: {  	[sflag:s9] =	ssyncset.done $0x0  }
0x6f: {  	[sflag:s9] =	ssyncadd.s32 $0xFFFFF000  }
0x70: {  	[spmem:s30] =	stream.linear.scatter [tilespmem:s8], [sflag:$0x5], $0x1000, $0x38;
	[tilespmem:$0x1F900] =	vst v63  }
0x71: {  	_ =	swait.ge [sflag:s9], $0x1000  }
0x72: {  	[sflag:s9] =	ssyncset.done $0x0  }
0x73: {  	[sflag:s9] =	ssyncadd.s32 $0xFFFFF000  }
0x74: {  	[spmem:s31] =	stream.linear.scatter [tilespmem:s8], [sflag:$0x5], $0x1000, $0x38;
	[tilespmem:$0x1F900] =	vst v63  }
0x75: {  	_ =	swait.ge [sflag:s9], $0x1000  }
0x76: {  	[sflag:s9] =	ssyncset.done $0x0  }
0x77: {  	[sflag:s9] =	ssyncadd.s32 $0xFFFFF000  }
0x78: {  	[spmem:s0] =	stream.linear.scatter [tilespmem:s8], [sflag:$0x5], $0x1000, $0x38;
	[tilespmem:$0x1F900] =	vst v63  }
0x79: {  	_ =	swait.ge [sflag:s9], $0x1000  }
0x7a: {  	[sflag:s9] =	ssyncset.done $0x0  }
0x7b: {  	[sflag:s9] =	ssyncadd.s32 $0xFFFFF000  }
0x7c: {  	[spmem:s17] =	stream.linear.scatter [tilespmem:s8], [sflag:$0x5], $0x1000, $0x38;
	[tilespmem:$0x1F900] =	vst v63  }
0x7d: {  	_ =	swait.ge [sflag:s9], $0x1000  }
0x7e: {  	[sflag:s9] =	ssyncset.done $0x0  }
0x7f: {  	[sflag:s9] =	ssyncadd.s32 $0xFFFFF000  }
0x80: {  	[spmem:s2] =	stream.linear.scatter [tilespmem:s8], [sflag:$0x5], $0x1000, $0x38;
	[tilespmem:$0x1F900] =	vst v63  }
0x81: {  	_ =	swait.ge [sflag:s9], $0x1000  }
0x82: {  	[sflag:s9] =	ssyncset.done $0x0  }
0x83: {  	[sflag:s9] =	ssyncadd.s32 $0xFFFFF000  }
0x84: {  	[spmem:s3] =	stream.linear.scatter [tilespmem:s8], [sflag:$0x5], $0x1000, $0x38;
	[tilespmem:$0x1F900] =	vst v63  }
0x85: {  	_ =	swait.ge [sflag:s9], $0x1000  }
0x86: {  	[sflag:s9] =	ssyncset.done $0x0  }
0x87: {  	[sflag:s9] =	ssyncadd.s32 $0xFFFFF000  }
0x88: {  	[spmem:s5] =	stream.linear.scatter [tilespmem:s8], [sflag:$0x5], $0x1000, $0x38;
	[tilespmem:$0x1F900] =	vst v63  }
0x89: {  	_ =	swait.ge [sflag:s9], $0x1000  }
0x8a: {  	[sflag:s9] =	ssyncset.done $0x0  }
0x8b: {  	[sflag:s9] =	ssyncadd.s32 $0xFFFFF000  }
0x8c: {  	[spmem:s6] =	stream.linear.scatter [tilespmem:s8], [sflag:$0x5], $0x1000, $0x38;
	[tilespmem:$0x1F900] =	vst v63  }
0x8d: {  	_ =	swait.ge [sflag:s9], $0x1000  }
0x8e: {  	[sflag:s9] =	ssyncset.done $0x0  }
0x8f: {  	[sflag:s9] =	ssyncadd.s32 $0xFFFFF000  }
0x90: {  	[bflag:$0x0] =	sbarrier.arrive $0xFFFF  }
0x91: {  	s25 =	rddreg [dreg:$0x6]  }
0x92: {  	[tilespmem:s20], [sflag:$0x5] =	stream.linear.gather [hbm4b:s25+s20], $0x1400, $0x38;
	[tilespmem:$0x1F900] =	vst v63  }
0x93: {  	_ =	swait.ge [sflag:s9], $0x1400  }
0x94: {  	[sflag:s9] =	ssyncset.done $0x0  }
0x95: {  	s26 =	rddreg [dreg:$0x7];
	[sflag:s9] =	ssyncadd.s32 $0xFFFFEC00  }
0x96: {  	[tilespmem:s10], [sflag:$0x5] =	stream.linear.gather [hbm4b:s26+s20], $0x1400, $0x38;
	[tilespmem:$0x1F900] =	vst v63  }
0x97: {  	_ =	swait.ge [sflag:s9], $0x1400  }
0x98: {  	[sflag:s9] =	ssyncset.done $0x0  }
0x99: {  	[sflag:s9] =	ssyncadd.s32 $0xFFFFEC00  }
0x9a: {  	v1 =	vld [tilespmem:$0x0]  }
0x9b: {  	s28 =	rddreg [dreg:$0x5];
	v2 =	vld [tilespmem:$0x10]  }
0x9c: {  	s22 =	sadd.s32 s28, s21;
	v3 =	vld [tilespmem:$0x20]  }
0x9d: {  	s23 =	smul.u32 $0x2710, s22;
	v4 =	vld [tilespmem:$0x30]  }
0x9e: {  	v5 =	vld [tilespmem:$0x40]  }
0x9f: {  	v6 =	vld [tilespmem:$0x50];
	v1 =	vadd.s32 s23, v1  }
0xa0: {  	[tilespmem:$0x2800] =	vst v1;
	v1 =	vadd.s32 s23, v2;
	v2 =	vld [tilespmem:$0x60]  }
0xa1: {  	[tilespmem:$0x2810] =	vst v1;
	v1 =	vadd.s32 s23, v3;
	v3 =	vld [tilespmem:$0x70]  }
0xa2: {  	[tilespmem:$0x2820] =	vst v1;
	v1 =	vadd.s32 s23, v4  }
0xa3: {  	[tilespmem:$0x2830] =	vst v1;
	v1 =	vadd.s32 s23, v5  }
0xa4: {  	[tilespmem:$0x2840] =	vst v1;
	v1 =	vadd.s32 s23, v6  }
0xa5: {  	[tilespmem:$0x2850] =	vst v1;
	v1 =	vadd.s32 s23, v2  }
0xa6: {  	[tilespmem:$0x2860] =	vst v1;
	v1 =	vadd.s32 s23, v3  }
0xa7: {  	[tilespmem:$0x2870] =	vst v1  }
0xa8: {  	[tilespmem:s13], [sflag:$0x1] =	stream.indirect.gather [hbm4b:s4+s11], $0x80, s12, s11, $0xb8;
	[tilespmem:$0x1F900] =	vst v63  }
0xa9: {  	v1 =	vld [tilespmem:$0x80]  }
0xaa: {  	v2 =	vld [tilespmem:$0x90]  }
0xab: {  	v3 =	vld [tilespmem:$0xA0]  }
0xac: {  	v61 =	vld [tilespmem:$0xB0]  }
0xad: {  	v62 =	vld [tilespmem:$0xC0]  }
0xae: {  	v63 =	vld [tilespmem:$0xD0];
	v1 =	vadd.s32 s23, v1  }
0xaf: {  	[tilespmem:$0x2880] =	vst v1;
	v1 =	vadd.s32 s23, v2;
	v2 =	vld [tilespmem:$0xE0]  }
0xb0: {  	[tilespmem:$0x2890] =	vst v1;
	v1 =	vadd.s32 s23, v3;
	v3 =	vld [tilespmem:$0xF0]  }
0xb1: {  	[tilespmem:$0x28A0] =	vst v1;
	v1 =	vadd.s32 s23, v61  }
0xb2: {  	[tilespmem:$0x28B0] =	vst v1;
	v1 =	vadd.s32 s23, v62  }
0xb3: {  	[tilespmem:$0x28C0] =	vst v1;
	v1 =	vadd.s32 s23, v63  }
0xb4: {  	[tilespmem:$0x28D0] =	vst v1;
	v1 =	vadd.s32 s23, v2  }
0xb5: {  	[tilespmem:$0x28E0] =	vst v1;
	v1 =	vadd.s32 s23, v3  }
0xb6: {  	[tilespmem:$0x28F0] =	vst v1;
	v1 =	vmov s23;
	s23 =	simm.s32 $0x0  }
0xb7: {  	[tilespmem:s15], [sflag:$0x2] =	stream.indirect.gather [hbm4b:s4+s11], $0x80, s14, s11, $0xb8;
	[tilespmem:$0x1F900] =	vst v63  }
.LBB2_5:
0xb8: {  	_ =	swait.ge [sflag:s16], $0x4000  }
0xb9: {  	s24 =	sshra.s32 s23, $0x2;
	[sflag:s16] =	ssyncset.done $0x0  }
0xba: {  	p0 =	seq.s32 s23, $0x4C00;
	s25 =	sadd.s32 $0x1400, s24;
	[sflag:s16] =	ssyncadd.s32 $0xFFFFC000  }
0xbb: {  	[spmem:s1] =	stream.indirect.scatter.add.f32 [tilespmem:s13], [sflag:$0x3], $0x80, s25, s11, $0xb8;
	[tilespmem:$0x1F900] =	vst v63  }
0xbc: {  	s25 =	simm.s32 @p0 $0x3  }
0xbd: {  	_ =	swait.ge @p0 [sflag:s25], $0x4000  }
0xbe: {  	[sflag:s25] =	ssyncset.done @p0 $0x0  }
0xbf: {  	[sflag:s25] =	ssyncadd.s32 @p0 $0xFFFFC000;
	s25 =	sshra.s32 @!p0 s23, $0x2  }
0xc0: {  	v2 =	vld @!p0 [tilespmem:s25+$0x100];
	_ =	sdelay $0x4  }
0xc1: {  	v2 =	vadd.s32 @!p0 v1, v2  }
0xc2: {  	[tilespmem:$0x2800] =	vst @!p0 v2  }
0xc3: {  	v2 =	vld @!p0 [tilespmem:s25+$0x110];
	_ =	sdelay $0x4  }
0xc4: {  	v2 =	vadd.s32 @!p0 v1, v2  }
0xc5: {  	[tilespmem:$0x2810] =	vst @!p0 v2  }
0xc6: {  	v2 =	vld @!p0 [tilespmem:s25+$0x120];
	_ =	sdelay $0x4  }
0xc7: {  	v2 =	vadd.s32 @!p0 v1, v2  }
0xc8: {  	[tilespmem:$0x2820] =	vst @!p0 v2  }
0xc9: {  	v2 =	vld @!p0 [tilespmem:s25+$0x130];
	_ =	sdelay $0x4  }
0xca: {  	v2 =	vadd.s32 @!p0 v1, v2  }
0xcb: {  	[tilespmem:$0x2830] =	vst @!p0 v2  }
0xcc: {  	v2 =	vld @!p0 [tilespmem:s25+$0x140];
	_ =	sdelay $0x4  }
0xcd: {  	v2 =	vadd.s32 @!p0 v1, v2  }
0xce: {  	[tilespmem:$0x2840] =	vst @!p0 v2  }
0xcf: {  	v2 =	vld @!p0 [tilespmem:s25+$0x150];
	_ =	sdelay $0x4  }
0xd0: {  	v2 =	vadd.s32 @!p0 v1, v2  }
0xd1: {  	[tilespmem:$0x2850] =	vst @!p0 v2  }
0xd2: {  	v2 =	vld @!p0 [tilespmem:s25+$0x160];
	_ =	sdelay $0x4  }
0xd3: {  	v2 =	vadd.s32 @!p0 v1, v2  }
0xd4: {  	[tilespmem:$0x2860] =	vst @!p0 v2  }
0xd5: {  	v2 =	vld @!p0 [tilespmem:s25+$0x170];
	_ =	sdelay $0x4  }
0xd6: {  	v2 =	vadd.s32 @!p0 v1, v2  }
0xd7: {  	s25 =	simm.s32 @!p0 $0x3;
	[tilespmem:$0x2870] =	vst @!p0 v2  }
0xd8: {  	_ =	swait.ge @!p0 [sflag:s25], $0x4000  }
0xd9: {  	s26 =	simm.s32 @!p0 $0x2800;
	[sflag:s25] =	ssyncset.done @!p0 $0x0  }
0xda: {  	s28 =	simm.s32 @!p0 $0x2900;
	[sflag:s25] =	ssyncadd.s32 @!p0 $0xFFFFC000;
	s25 =	simm.s32 @!p0 $0x80  }
0xdb: {  	[tilespmem:s28], [sflag:$0x1] =	stream.indirect.gather @!p0 [hbm4b:s4+s25], $0x80, s26, s25, $0xb8;
	[tilespmem:$0x1F900] =	vst v63  }
.Ltmp5:
0xdc: {  	_ = 	snop;
	(pc) =	sbr.rel @p0 .LBB2_7-.Ltmp5, $4  }
0xdd: {  	_ =	swait.ge [sflag:s18], $0x4000  }
0xde: {  	[sflag:s18] =	ssyncset.done $0x0  }
0xdf: {  	s28 =	sadd.s32 $0x1480, s24;
	[sflag:s18] =	ssyncadd.s32 $0xFFFFC000  }
0xe0: {  	[spmem:s1] =	stream.indirect.scatter.add.f32 [tilespmem:s15], [sflag:$0x4], $0x80, s28, s11, $0xb8;
	[tilespmem:$0x1F900] =	vst v63  }
0xe1: {  	v2 =	vld [tilespmem:s24+$0x180];
	_ =	sdelay $0x4  }
0xe2: {  	v2 =	vadd.s32 v1, v2  }
0xe3: {  	[tilespmem:$0x2880] =	vst v2  }
0xe4: {  	v2 =	vld [tilespmem:s24+$0x190];
	_ =	sdelay $0x4  }
0xe5: {  	v2 =	vadd.s32 v1, v2  }
0xe6: {  	[tilespmem:$0x2890] =	vst v2  }
0xe7: {  	v2 =	vld [tilespmem:s24+$0x1A0];
	_ =	sdelay $0x4  }
0xe8: {  	v2 =	vadd.s32 v1, v2  }
0xe9: {  	[tilespmem:$0x28A0] =	vst v2  }
0xea: {  	v2 =	vld [tilespmem:s24+$0x1B0];
	_ =	sdelay $0x4  }
0xeb: {  	v2 =	vadd.s32 v1, v2  }
0xec: {  	[tilespmem:$0x28B0] =	vst v2  }
0xed: {  	v2 =	vld [tilespmem:s24+$0x1C0];
	_ =	sdelay $0x4  }
0xee: {  	v2 =	vadd.s32 v1, v2  }
0xef: {  	[tilespmem:$0x28C0] =	vst v2  }
0xf0: {  	v2 =	vld [tilespmem:s24+$0x1D0];
	_ =	sdelay $0x4  }
0xf1: {  	v2 =	vadd.s32 v1, v2  }
0xf2: {  	[tilespmem:$0x28D0] =	vst v2  }
0xf3: {  	v2 =	vld [tilespmem:s24+$0x1E0];
	_ =	sdelay $0x4  }
0xf4: {  	v2 =	vadd.s32 v1, v2  }
0xf5: {  	[tilespmem:$0x28E0] =	vst v2  }
0xf6: {  	v2 =	vld [tilespmem:s24+$0x1F0];
	_ =	sdelay $0x4  }
0xf7: {  	v2 =	vadd.s32 v1, v2  }
.Ltmp6:
0xf8: {  	[tilespmem:$0x28F0] =	vst v2;
	(pc) =	sbr.rel .LBB2_5-.Ltmp6, $4  }
0xf9: {  	_ =	swait.ge [sflag:s19], $0x4000  }
0xfa: {  	[sflag:s19] =	ssyncset.done $0x0  }
0xfb: {  	s23 =	sadd.s32 $0x400, s23;
	[sflag:s19] =	ssyncadd.s32 $0xFFFFC000  }
0xfc: {  	[tilespmem:s15], [sflag:$0x2] =	stream.indirect.gather [hbm4b:s4+s11], $0x80, s14, s11, $0xb8;
	[tilespmem:$0x1F900] =	vst v63  }
.LBB2_7:
0xfd: {  	_ =	swait.ge [sflag:s19], $0x4000  }
0xfe: {  	[sflag:s19] =	ssyncset.done $0x0  }
0xff: {  	s23 =	simm.s32 $0x0;
	s24 =	rddreg [dreg:$0x8];
	[sflag:s19] =	ssyncadd.s32 $0xFFFFC000  }
0x100: {  	[tilespmem:s23], [sflag:$0x5] =	stream.linear.gather [hbm4b:s24+s23], $0x1400, $0x38;
	[tilespmem:$0x1F900] =	vst v63  }
0x101: {  	_ =	swait.ge [sflag:s9], $0x1400  }
0x102: {  	[sflag:s9] =	ssyncset.done $0x0  }
0x103: {  	s28 =	rddreg [dreg:$0x9];
	[sflag:s9] =	ssyncadd.s32 $0xFFFFEC00  }
0x104: {  	[tilespmem:s10], [sflag:$0x5] =	stream.linear.gather [hbm4b:s28+s23], $0x1400, $0x38;
	[tilespmem:$0x1F900] =	vst v63  }
0x105: {  	_ =	swait.ge [sflag:s9], $0x1400  }
0x106: {  	[sflag:s9] =	ssyncset.done $0x0  }
0x107: {  	[sflag:s9] =	ssyncadd.s32 $0xFFFFEC00  }
0x108: {  	v2 =	vld [tilespmem:$0x0]  }
0x109: {  	v3 =	vld [tilespmem:$0x10]  }
0x10a: {  	v4 =	vld [tilespmem:$0x20]  }
0x10b: {  	v5 =	vld [tilespmem:$0x30]  }
0x10c: {  	v6 =	vld [tilespmem:$0x40]  }
0x10d: {  	v7 =	vld [tilespmem:$0x50];
	v2 =	vadd.s32 v1, v2  }
0x10e: {  	[tilespmem:$0x2800] =	vst v2;
	v2 =	vadd.s32 v1, v3;
	v3 =	vld [tilespmem:$0x60]  }
0x10f: {  	v58 =	vld [tilespmem:$0x70];
	[tilespmem:$0x2810] =	vst v2;
	v2 =	vadd.s32 v1, v4  }
0x110: {  	[tilespmem:$0x2820] =	vst v2;
	v2 =	vadd.s32 v1, v5  }
0x111: {  	[tilespmem:$0x2830] =	vst v2;
	v2 =	vadd.s32 v1, v6  }
0x112: {  	[tilespmem:$0x2840] =	vst v2;
	v2 =	vadd.s32 v1, v7  }
0x113: {  	[tilespmem:$0x2850] =	vst v2;
	v2 =	vadd.s32 v1, v3  }
0x114: {  	[tilespmem:$0x2860] =	vst v2;
	v2 =	vadd.s32 v1, v58  }
0x115: {  	[tilespmem:$0x2870] =	vst v2  }
0x116: {  	[tilespmem:s13], [sflag:$0x1] =	stream.indirect.gather [hbm4b:s4+s11], $0x80, s12, s11, $0xb8;
	[tilespmem:$0x1F900] =	vst v63  }
0x117: {  	v2 =	vld [tilespmem:$0x80]  }
0x118: {  	v3 =	vld [tilespmem:$0x90]  }
0x119: {  	v59 =	vld [tilespmem:$0xA0]  }
0x11a: {  	v60 =	vld [tilespmem:$0xB0]  }
0x11b: {  	v61 =	vld [tilespmem:$0xC0]  }
0x11c: {  	v62 =	vld [tilespmem:$0xD0];
	v2 =	vadd.s32 v1, v2  }
0x11d: {  	[tilespmem:$0x2880] =	vst v2;
	v2 =	vadd.s32 v1, v3;
	v3 =	vld [tilespmem:$0xE0]  }
0x11e: {  	v63 =	vld [tilespmem:$0xF0];
	[tilespmem:$0x2890] =	vst v2;
	v2 =	vadd.s32 v1, v59  }
0x11f: {  	[tilespmem:$0x28A0] =	vst v2;
	v2 =	vadd.s32 v1, v60  }
0x120: {  	[tilespmem:$0x28B0] =	vst v2;
	v2 =	vadd.s32 v1, v61  }
0x121: {  	[tilespmem:$0x28C0] =	vst v2;
	v2 =	vadd.s32 v1, v62  }
0x122: {  	[tilespmem:$0x28D0] =	vst v2;
	v2 =	vadd.s32 v1, v3  }
0x123: {  	[tilespmem:$0x28E0] =	vst v2;
	v2 =	vadd.s32 v1, v63  }
0x124: {  	[tilespmem:$0x28F0] =	vst v2  }
0x125: {  	[tilespmem:s15], [sflag:$0x2] =	stream.indirect.gather [hbm4b:s4+s11], $0x80, s14, s11, $0xb8;
	[tilespmem:$0x1F900] =	vst v63  }
.LBB2_8:
0x126: {  	_ =	swait.ge [sflag:s16], $0x4000  }
0x127: {  	s24 =	sshra.s32 s23, $0x2;
	[sflag:s16] =	ssyncset.done $0x0  }
0x128: {  	p0 =	seq.s32 s23, $0x4C00;
	s25 =	sadd.s32 $0x1400, s24;
	[sflag:s16] =	ssyncadd.s32 $0xFFFFC000  }
0x129: {  	[spmem:s1] =	stream.indirect.scatter.add.f32 [tilespmem:s13], [sflag:$0x3], $0x80, s25, s11, $0xb8;
	[tilespmem:$0x1F900] =	vst v63  }
0x12a: {  	s25 =	simm.s32 @p0 $0x3  }
0x12b: {  	_ =	swait.ge @p0 [sflag:s25], $0x4000  }
0x12c: {  	[sflag:s25] =	ssyncset.done @p0 $0x0  }
0x12d: {  	[sflag:s25] =	ssyncadd.s32 @p0 $0xFFFFC000;
	s25 =	sshra.s32 @!p0 s23, $0x2  }
0x12e: {  	v2 =	vld @!p0 [tilespmem:s25+$0x100];
	_ =	sdelay $0x4  }
0x12f: {  	v2 =	vadd.s32 @!p0 v1, v2  }
0x130: {  	[tilespmem:$0x2800] =	vst @!p0 v2  }
0x131: {  	v2 =	vld @!p0 [tilespmem:s25+$0x110];
	_ =	sdelay $0x4  }
0x132: {  	v2 =	vadd.s32 @!p0 v1, v2  }
0x133: {  	[tilespmem:$0x2810] =	vst @!p0 v2  }
0x134: {  	v2 =	vld @!p0 [tilespmem:s25+$0x120];
	_ =	sdelay $0x4  }
0x135: {  	v2 =	vadd.s32 @!p0 v1, v2  }
0x136: {  	[tilespmem:$0x2820] =	vst @!p0 v2  }
0x137: {  	v2 =	vld @!p0 [tilespmem:s25+$0x130];
	_ =	sdelay $0x4  }
0x138: {  	v2 =	vadd.s32 @!p0 v1, v2  }
0x139: {  	[tilespmem:$0x2830] =	vst @!p0 v2  }
0x13a: {  	v2 =	vld @!p0 [tilespmem:s25+$0x140];
	_ =	sdelay $0x4  }
0x13b: {  	v2 =	vadd.s32 @!p0 v1, v2  }
0x13c: {  	[tilespmem:$0x2840] =	vst @!p0 v2  }
0x13d: {  	v2 =	vld @!p0 [tilespmem:s25+$0x150];
	_ =	sdelay $0x4  }
0x13e: {  	v2 =	vadd.s32 @!p0 v1, v2  }
0x13f: {  	[tilespmem:$0x2850] =	vst @!p0 v2  }
0x140: {  	v2 =	vld @!p0 [tilespmem:s25+$0x160];
	_ =	sdelay $0x4  }
0x141: {  	v2 =	vadd.s32 @!p0 v1, v2  }
0x142: {  	[tilespmem:$0x2860] =	vst @!p0 v2  }
0x143: {  	v2 =	vld @!p0 [tilespmem:s25+$0x170];
	_ =	sdelay $0x4  }
0x144: {  	v2 =	vadd.s32 @!p0 v1, v2  }
0x145: {  	s25 =	simm.s32 @!p0 $0x3;
	[tilespmem:$0x2870] =	vst @!p0 v2  }
0x146: {  	_ =	swait.ge @!p0 [sflag:s25], $0x4000  }
0x147: {  	s26 =	simm.s32 @!p0 $0x2800;
	[sflag:s25] =	ssyncset.done @!p0 $0x0  }
0x148: {  	s28 =	simm.s32 @!p0 $0x2900;
	[sflag:s25] =	ssyncadd.s32 @!p0 $0xFFFFC000;
	s25 =	simm.s32 @!p0 $0x80  }
0x149: {  	[tilespmem:s28], [sflag:$0x1] =	stream.indirect.gather @!p0 [hbm4b:s4+s25], $0x80, s26, s25, $0xb8;
	[tilespmem:$0x1F900] =	vst v63  }
.Ltmp7:
0x14a: {  	_ = 	snop;
	(pc) =	sbr.rel @p0 .LBB2_10-.Ltmp7, $4  }
0x14b: {  	_ =	swait.ge [sflag:s18], $0x4000  }
0x14c: {  	[sflag:s18] =	ssyncset.done $0x0  }
0x14d: {  	s28 =	sadd.s32 $0x1480, s24;
	[sflag:s18] =	ssyncadd.s32 $0xFFFFC000  }
0x14e: {  	[spmem:s1] =	stream.indirect.scatter.add.f32 [tilespmem:s15], [sflag:$0x4], $0x80, s28, s11, $0xb8;
	[tilespmem:$0x1F900] =	vst v63  }
0x14f: {  	v2 =	vld [tilespmem:s24+$0x180];
	_ =	sdelay $0x4  }
0x150: {  	v2 =	vadd.s32 v1, v2  }
0x151: {  	[tilespmem:$0x2880] =	vst v2  }
0x152: {  	v2 =	vld [tilespmem:s24+$0x190];
	_ =	sdelay $0x4  }
0x153: {  	v2 =	vadd.s32 v1, v2  }
0x154: {  	[tilespmem:$0x2890] =	vst v2  }
0x155: {  	v2 =	vld [tilespmem:s24+$0x1A0];
	_ =	sdelay $0x4  }
0x156: {  	v2 =	vadd.s32 v1, v2  }
0x157: {  	[tilespmem:$0x28A0] =	vst v2  }
0x158: {  	v2 =	vld [tilespmem:s24+$0x1B0];
	_ =	sdelay $0x4  }
0x159: {  	v2 =	vadd.s32 v1, v2  }
0x15a: {  	[tilespmem:$0x28B0] =	vst v2  }
0x15b: {  	v2 =	vld [tilespmem:s24+$0x1C0];
	_ =	sdelay $0x4  }
0x15c: {  	v2 =	vadd.s32 v1, v2  }
0x15d: {  	[tilespmem:$0x28C0] =	vst v2  }
0x15e: {  	v2 =	vld [tilespmem:s24+$0x1D0];
	_ =	sdelay $0x4  }
0x15f: {  	v2 =	vadd.s32 v1, v2  }
0x160: {  	[tilespmem:$0x28D0] =	vst v2  }
0x161: {  	v2 =	vld [tilespmem:s24+$0x1E0];
	_ =	sdelay $0x4  }
0x162: {  	v2 =	vadd.s32 v1, v2  }
0x163: {  	[tilespmem:$0x28E0] =	vst v2  }
0x164: {  	v2 =	vld [tilespmem:s24+$0x1F0];
	_ =	sdelay $0x4  }
0x165: {  	v2 =	vadd.s32 v1, v2  }
.Ltmp8:
0x166: {  	[tilespmem:$0x28F0] =	vst v2;
	(pc) =	sbr.rel .LBB2_8-.Ltmp8, $4  }
0x167: {  	_ =	swait.ge [sflag:s19], $0x4000  }
0x168: {  	[sflag:s19] =	ssyncset.done $0x0  }
0x169: {  	s23 =	sadd.s32 $0x400, s23;
	[sflag:s19] =	ssyncadd.s32 $0xFFFFC000  }
0x16a: {  	[tilespmem:s15], [sflag:$0x2] =	stream.indirect.gather [hbm4b:s4+s11], $0x80, s14, s11, $0xb8;
	[tilespmem:$0x1F900] =	vst v63  }
.LBB2_10:
0x16b: {  	_ =	swait.ge [sflag:s19], $0x4000  }
0x16c: {  	[sflag:s19] =	ssyncset.done $0x0  }
0x16d: {  	s23 =	simm.s32 $0x0;
	s24 =	rddreg [dreg:$0xa];
	[sflag:s19] =	ssyncadd.s32 $0xFFFFC000  }
0x16e: {  	[tilespmem:s23], [sflag:$0x5] =	stream.linear.gather [hbm4b:s24+s23], $0x1400, $0x38;
	[tilespmem:$0x1F900] =	vst v63  }
0x16f: {  	_ =	swait.ge [sflag:s9], $0x1400  }
0x170: {  	[sflag:s9] =	ssyncset.done $0x0  }
0x171: {  	s28 =	rddreg [dreg:$0xb];
	[sflag:s9] =	ssyncadd.s32 $0xFFFFEC00  }
0x172: {  	[tilespmem:s10], [sflag:$0x5] =	stream.linear.gather [hbm4b:s28+s23], $0x1400, $0x38;
	[tilespmem:$0x1F900] =	vst v63  }
0x173: {  	_ =	swait.ge [sflag:s9], $0x1400  }
0x174: {  	[sflag:s9] =	ssyncset.done $0x0  }
0x175: {  	[sflag:s9] =	ssyncadd.s32 $0xFFFFEC00  }
0x176: {  	v2 =	vld [tilespmem:$0x0]  }
0x177: {  	v3 =	vld [tilespmem:$0x10]  }
0x178: {  	v4 =	vld [tilespmem:$0x20]  }
0x179: {  	v5 =	vld [tilespmem:$0x30]  }
0x17a: {  	v6 =	vld [tilespmem:$0x40]  }
0x17b: {  	v7 =	vld [tilespmem:$0x50];
	v2 =	vadd.s32 v1, v2  }
0x17c: {  	[tilespmem:$0x2800] =	vst v2;
	v2 =	vadd.s32 v1, v3;
	v3 =	vld [tilespmem:$0x60]  }
0x17d: {  	v58 =	vld [tilespmem:$0x70];
	[tilespmem:$0x2810] =	vst v2;
	v2 =	vadd.s32 v1, v4  }
0x17e: {  	[tilespmem:$0x2820] =	vst v2;
	v2 =	vadd.s32 v1, v5  }
0x17f: {  	[tilespmem:$0x2830] =	vst v2;
	v2 =	vadd.s32 v1, v6  }
0x180: {  	[tilespmem:$0x2840] =	vst v2;
	v2 =	vadd.s32 v1, v7  }
0x181: {  	[tilespmem:$0x2850] =	vst v2;
	v2 =	vadd.s32 v1, v3  }
0x182: {  	[tilespmem:$0x2860] =	vst v2;
	v2 =	vadd.s32 v1, v58  }
0x183: {  	[tilespmem:$0x2870] =	vst v2  }
0x184: {  	[tilespmem:s13], [sflag:$0x1] =	stream.indirect.gather [hbm4b:s4+s11], $0x80, s12, s11, $0xb8;
	[tilespmem:$0x1F900] =	vst v63  }
0x185: {  	v2 =	vld [tilespmem:$0x80]  }
0x186: {  	v3 =	vld [tilespmem:$0x90]  }
0x187: {  	v59 =	vld [tilespmem:$0xA0]  }
0x188: {  	v60 =	vld [tilespmem:$0xB0]  }
0x189: {  	v61 =	vld [tilespmem:$0xC0]  }
0x18a: {  	v62 =	vld [tilespmem:$0xD0];
	v2 =	vadd.s32 v1, v2  }
0x18b: {  	[tilespmem:$0x2880] =	vst v2;
	v2 =	vadd.s32 v1, v3;
	v3 =	vld [tilespmem:$0xE0]  }
0x18c: {  	v63 =	vld [tilespmem:$0xF0];
	[tilespmem:$0x2890] =	vst v2;
	v2 =	vadd.s32 v1, v59  }
0x18d: {  	[tilespmem:$0x28A0] =	vst v2;
	v2 =	vadd.s32 v1, v60  }
0x18e: {  	[tilespmem:$0x28B0] =	vst v2;
	v2 =	vadd.s32 v1, v61  }
0x18f: {  	[tilespmem:$0x28C0] =	vst v2;
	v2 =	vadd.s32 v1, v62  }
0x190: {  	[tilespmem:$0x28D0] =	vst v2;
	v2 =	vadd.s32 v1, v3  }
0x191: {  	[tilespmem:$0x28E0] =	vst v2;
	v2 =	vadd.s32 v1, v63  }
0x192: {  	[tilespmem:$0x28F0] =	vst v2  }
0x193: {  	[tilespmem:s15], [sflag:$0x2] =	stream.indirect.gather [hbm4b:s4+s11], $0x80, s14, s11, $0xb8;
	[tilespmem:$0x1F900] =	vst v63  }
.LBB2_11:
0x194: {  	_ =	swait.ge [sflag:s16], $0x4000  }
0x195: {  	s24 =	sshra.s32 s23, $0x2;
	[sflag:s16] =	ssyncset.done $0x0  }
0x196: {  	p0 =	seq.s32 s23, $0x4C00;
	s25 =	sadd.s32 $0x1400, s24;
	[sflag:s16] =	ssyncadd.s32 $0xFFFFC000  }
0x197: {  	[spmem:s1] =	stream.indirect.scatter.add.f32 [tilespmem:s13], [sflag:$0x3], $0x80, s25, s11, $0xb8;
	[tilespmem:$0x1F900] =	vst v63  }
0x198: {  	s25 =	simm.s32 @p0 $0x3  }
0x199: {  	_ =	swait.ge @p0 [sflag:s25], $0x4000  }
0x19a: {  	[sflag:s25] =	ssyncset.done @p0 $0x0  }
0x19b: {  	[sflag:s25] =	ssyncadd.s32 @p0 $0xFFFFC000;
	s25 =	sshra.s32 @!p0 s23, $0x2  }
0x19c: {  	v2 =	vld @!p0 [tilespmem:s25+$0x100];
	_ =	sdelay $0x4  }
0x19d: {  	v2 =	vadd.s32 @!p0 v1, v2  }
0x19e: {  	[tilespmem:$0x2800] =	vst @!p0 v2  }
0x19f: {  	v2 =	vld @!p0 [tilespmem:s25+$0x110];
	_ =	sdelay $0x4  }
0x1a0: {  	v2 =	vadd.s32 @!p0 v1, v2  }
0x1a1: {  	[tilespmem:$0x2810] =	vst @!p0 v2  }
0x1a2: {  	v2 =	vld @!p0 [tilespmem:s25+$0x120];
	_ =	sdelay $0x4  }
0x1a3: {  	v2 =	vadd.s32 @!p0 v1, v2  }
0x1a4: {  	[tilespmem:$0x2820] =	vst @!p0 v2  }
0x1a5: {  	v2 =	vld @!p0 [tilespmem:s25+$0x130];
	_ =	sdelay $0x4  }
0x1a6: {  	v2 =	vadd.s32 @!p0 v1, v2  }
0x1a7: {  	[tilespmem:$0x2830] =	vst @!p0 v2  }
0x1a8: {  	v2 =	vld @!p0 [tilespmem:s25+$0x140];
	_ =	sdelay $0x4  }
0x1a9: {  	v2 =	vadd.s32 @!p0 v1, v2  }
0x1aa: {  	[tilespmem:$0x2840] =	vst @!p0 v2  }
0x1ab: {  	v2 =	vld @!p0 [tilespmem:s25+$0x150];
	_ =	sdelay $0x4  }
0x1ac: {  	v2 =	vadd.s32 @!p0 v1, v2  }
0x1ad: {  	[tilespmem:$0x2850] =	vst @!p0 v2  }
0x1ae: {  	v2 =	vld @!p0 [tilespmem:s25+$0x160];
	_ =	sdelay $0x4  }
0x1af: {  	v2 =	vadd.s32 @!p0 v1, v2  }
0x1b0: {  	[tilespmem:$0x2860] =	vst @!p0 v2  }
0x1b1: {  	v2 =	vld @!p0 [tilespmem:s25+$0x170];
	_ =	sdelay $0x4  }
0x1b2: {  	v2 =	vadd.s32 @!p0 v1, v2  }
0x1b3: {  	s25 =	simm.s32 @!p0 $0x3;
	[tilespmem:$0x2870] =	vst @!p0 v2  }
0x1b4: {  	_ =	swait.ge @!p0 [sflag:s25], $0x4000  }
0x1b5: {  	s26 =	simm.s32 @!p0 $0x2800;
	[sflag:s25] =	ssyncset.done @!p0 $0x0  }
0x1b6: {  	s28 =	simm.s32 @!p0 $0x2900;
	[sflag:s25] =	ssyncadd.s32 @!p0 $0xFFFFC000;
	s25 =	simm.s32 @!p0 $0x80  }
0x1b7: {  	[tilespmem:s28], [sflag:$0x1] =	stream.indirect.gather @!p0 [hbm4b:s4+s25], $0x80, s26, s25, $0xb8;
	[tilespmem:$0x1F900] =	vst v63  }
.Ltmp9:
0x1b8: {  	_ = 	snop;
	(pc) =	sbr.rel @p0 .LBB2_13-.Ltmp9, $4  }
0x1b9: {  	_ =	swait.ge [sflag:s18], $0x4000  }
0x1ba: {  	[sflag:s18] =	ssyncset.done $0x0  }
0x1bb: {  	s28 =	sadd.s32 $0x1480, s24;
	[sflag:s18] =	ssyncadd.s32 $0xFFFFC000  }
0x1bc: {  	[spmem:s1] =	stream.indirect.scatter.add.f32 [tilespmem:s15], [sflag:$0x4], $0x80, s28, s11, $0xb8;
	[tilespmem:$0x1F900] =	vst v63  }
0x1bd: {  	v2 =	vld [tilespmem:s24+$0x180];
	_ =	sdelay $0x4  }
0x1be: {  	v2 =	vadd.s32 v1, v2  }
0x1bf: {  	[tilespmem:$0x2880] =	vst v2  }
0x1c0: {  	v2 =	vld [tilespmem:s24+$0x190];
	_ =	sdelay $0x4  }
0x1c1: {  	v2 =	vadd.s32 v1, v2  }
0x1c2: {  	[tilespmem:$0x2890] =	vst v2  }
0x1c3: {  	v2 =	vld [tilespmem:s24+$0x1A0];
	_ =	sdelay $0x4  }
0x1c4: {  	v2 =	vadd.s32 v1, v2  }
0x1c5: {  	[tilespmem:$0x28A0] =	vst v2  }
0x1c6: {  	v2 =	vld [tilespmem:s24+$0x1B0];
	_ =	sdelay $0x4  }
0x1c7: {  	v2 =	vadd.s32 v1, v2  }
0x1c8: {  	[tilespmem:$0x28B0] =	vst v2  }
0x1c9: {  	v2 =	vld [tilespmem:s24+$0x1C0];
	_ =	sdelay $0x4  }
0x1ca: {  	v2 =	vadd.s32 v1, v2  }
0x1cb: {  	[tilespmem:$0x28C0] =	vst v2  }
0x1cc: {  	v2 =	vld [tilespmem:s24+$0x1D0];
	_ =	sdelay $0x4  }
0x1cd: {  	v2 =	vadd.s32 v1, v2  }
0x1ce: {  	[tilespmem:$0x28D0] =	vst v2  }
0x1cf: {  	v2 =	vld [tilespmem:s24+$0x1E0];
	_ =	sdelay $0x4  }
0x1d0: {  	v2 =	vadd.s32 v1, v2  }
0x1d1: {  	[tilespmem:$0x28E0] =	vst v2  }
0x1d2: {  	v2 =	vld [tilespmem:s24+$0x1F0];
	_ =	sdelay $0x4  }
0x1d3: {  	v2 =	vadd.s32 v1, v2  }
.Ltmp10:
0x1d4: {  	[tilespmem:$0x28F0] =	vst v2;
	(pc) =	sbr.rel .LBB2_11-.Ltmp10, $4  }
0x1d5: {  	_ =	swait.ge [sflag:s19], $0x4000  }
0x1d6: {  	[sflag:s19] =	ssyncset.done $0x0  }
0x1d7: {  	s23 =	sadd.s32 $0x400, s23;
	[sflag:s19] =	ssyncadd.s32 $0xFFFFC000  }
0x1d8: {  	[tilespmem:s15], [sflag:$0x2] =	stream.indirect.gather [hbm4b:s4+s11], $0x80, s14, s11, $0xb8;
	[tilespmem:$0x1F900] =	vst v63  }
.LBB2_13:
0x1d9: {  	_ =	swait.ge [sflag:s19], $0x4000  }
0x1da: {  	[sflag:s19] =	ssyncset.done $0x0  }
0x1db: {  	s23 =	simm.s32 $0x0;
	s24 =	rddreg [dreg:$0xc];
	[sflag:s19] =	ssyncadd.s32 $0xFFFFC000  }
0x1dc: {  	[tilespmem:s23], [sflag:$0x5] =	stream.linear.gather [hbm4b:s24+s23], $0x1400, $0x38;
	[tilespmem:$0x1F900] =	vst v63  }
0x1dd: {  	_ =	swait.ge [sflag:s9], $0x1400  }
0x1de: {  	[sflag:s9] =	ssyncset.done $0x0  }
0x1df: {  	s28 =	rddreg [dreg:$0xd];
	[sflag:s9] =	ssyncadd.s32 $0xFFFFEC00  }
0x1e0: {  	[tilespmem:s10], [sflag:$0x5] =	stream.linear.gather [hbm4b:s28+s23], $0x1400, $0x38;
	[tilespmem:$0x1F900] =	vst v63  }
0x1e1: {  	_ =	swait.ge [sflag:s9], $0x1400  }
0x1e2: {  	[sflag:s9] =	ssyncset.done $0x0  }
0x1e3: {  	[sflag:s9] =	ssyncadd.s32 $0xFFFFEC00  }
0x1e4: {  	v2 =	vld [tilespmem:$0x0]  }
0x1e5: {  	v3 =	vld [tilespmem:$0x10]  }
0x1e6: {  	v4 =	vld [tilespmem:$0x20]  }
0x1e7: {  	v5 =	vld [tilespmem:$0x30]  }
0x1e8: {  	v6 =	vld [tilespmem:$0x40]  }
0x1e9: {  	v7 =	vld [tilespmem:$0x50];
	v2 =	vadd.s32 v1, v2  }
0x1ea: {  	[tilespmem:$0x2800] =	vst v2;
	v2 =	vadd.s32 v1, v3;
	v3 =	vld [tilespmem:$0x60]  }
0x1eb: {  	v58 =	vld [tilespmem:$0x70];
	[tilespmem:$0x2810] =	vst v2;
	v2 =	vadd.s32 v1, v4  }
0x1ec: {  	[tilespmem:$0x2820] =	vst v2;
	v2 =	vadd.s32 v1, v5  }
0x1ed: {  	[tilespmem:$0x2830] =	vst v2;
	v2 =	vadd.s32 v1, v6  }
0x1ee: {  	[tilespmem:$0x2840] =	vst v2;
	v2 =	vadd.s32 v1, v7  }
0x1ef: {  	[tilespmem:$0x2850] =	vst v2;
	v2 =	vadd.s32 v1, v3  }
0x1f0: {  	[tilespmem:$0x2860] =	vst v2;
	v2 =	vadd.s32 v1, v58  }
0x1f1: {  	[tilespmem:$0x2870] =	vst v2  }
0x1f2: {  	[tilespmem:s13], [sflag:$0x1] =	stream.indirect.gather [hbm4b:s4+s11], $0x80, s12, s11, $0xb8;
	[tilespmem:$0x1F900] =	vst v63  }
0x1f3: {  	v2 =	vld [tilespmem:$0x80]  }
0x1f4: {  	v3 =	vld [tilespmem:$0x90]  }
0x1f5: {  	v59 =	vld [tilespmem:$0xA0]  }
0x1f6: {  	v60 =	vld [tilespmem:$0xB0]  }
0x1f7: {  	v61 =	vld [tilespmem:$0xC0]  }
0x1f8: {  	v62 =	vld [tilespmem:$0xD0];
	v2 =	vadd.s32 v1, v2  }
0x1f9: {  	[tilespmem:$0x2880] =	vst v2;
	v2 =	vadd.s32 v1, v3;
	v3 =	vld [tilespmem:$0xE0]  }
0x1fa: {  	v63 =	vld [tilespmem:$0xF0];
	[tilespmem:$0x2890] =	vst v2;
	v2 =	vadd.s32 v1, v59  }
0x1fb: {  	[tilespmem:$0x28A0] =	vst v2;
	v2 =	vadd.s32 v1, v60  }
0x1fc: {  	[tilespmem:$0x28B0] =	vst v2;
	v2 =	vadd.s32 v1, v61  }
0x1fd: {  	[tilespmem:$0x28C0] =	vst v2;
	v2 =	vadd.s32 v1, v62  }
0x1fe: {  	[tilespmem:$0x28D0] =	vst v2;
	v2 =	vadd.s32 v1, v3  }
0x1ff: {  	[tilespmem:$0x28E0] =	vst v2;
	v2 =	vadd.s32 v1, v63  }
0x200: {  	[tilespmem:$0x28F0] =	vst v2  }
0x201: {  	[tilespmem:s15], [sflag:$0x2] =	stream.indirect.gather [hbm4b:s4+s11], $0x80, s14, s11, $0xb8;
	[tilespmem:$0x1F900] =	vst v63  }
.LBB2_14:
0x202: {  	_ =	swait.ge [sflag:s16], $0x4000  }
0x203: {  	s24 =	sshra.s32 s23, $0x2;
	[sflag:s16] =	ssyncset.done $0x0  }
0x204: {  	p0 =	seq.s32 s23, $0x4C00;
	s25 =	sadd.s32 $0x1400, s24;
	[sflag:s16] =	ssyncadd.s32 $0xFFFFC000  }
0x205: {  	[spmem:s1] =	stream.indirect.scatter.add.f32 [tilespmem:s13], [sflag:$0x3], $0x80, s25, s11, $0xb8;
	[tilespmem:$0x1F900] =	vst v63  }
0x206: {  	s25 =	simm.s32 @p0 $0x3  }
0x207: {  	_ =	swait.ge @p0 [sflag:s25], $0x4000  }
0x208: {  	[sflag:s25] =	ssyncset.done @p0 $0x0  }
0x209: {  	[sflag:s25] =	ssyncadd.s32 @p0 $0xFFFFC000;
	s25 =	sshra.s32 @!p0 s23, $0x2  }
0x20a: {  	v2 =	vld @!p0 [tilespmem:s25+$0x100];
	_ =	sdelay $0x4  }
0x20b: {  	v2 =	vadd.s32 @!p0 v1, v2  }
0x20c: {  	[tilespmem:$0x2800] =	vst @!p0 v2  }
0x20d: {  	v2 =	vld @!p0 [tilespmem:s25+$0x110];
	_ =	sdelay $0x4  }
0x20e: {  	v2 =	vadd.s32 @!p0 v1, v2  }
0x20f: {  	[tilespmem:$0x2810] =	vst @!p0 v2  }
0x210: {  	v2 =	vld @!p0 [tilespmem:s25+$0x120];
	_ =	sdelay $0x4  }
0x211: {  	v2 =	vadd.s32 @!p0 v1, v2  }
0x212: {  	[tilespmem:$0x2820] =	vst @!p0 v2  }
0x213: {  	v2 =	vld @!p0 [tilespmem:s25+$0x130];
	_ =	sdelay $0x4  }
0x214: {  	v2 =	vadd.s32 @!p0 v1, v2  }
0x215: {  	[tilespmem:$0x2830] =	vst @!p0 v2  }
0x216: {  	v2 =	vld @!p0 [tilespmem:s25+$0x140];
	_ =	sdelay $0x4  }
0x217: {  	v2 =	vadd.s32 @!p0 v1, v2  }
0x218: {  	[tilespmem:$0x2840] =	vst @!p0 v2  }
0x219: {  	v2 =	vld @!p0 [tilespmem:s25+$0x150];
	_ =	sdelay $0x4  }
0x21a: {  	v2 =	vadd.s32 @!p0 v1, v2  }
0x21b: {  	[tilespmem:$0x2850] =	vst @!p0 v2  }
0x21c: {  	v2 =	vld @!p0 [tilespmem:s25+$0x160];
	_ =	sdelay $0x4  }
0x21d: {  	v2 =	vadd.s32 @!p0 v1, v2  }
0x21e: {  	[tilespmem:$0x2860] =	vst @!p0 v2  }
0x21f: {  	v2 =	vld @!p0 [tilespmem:s25+$0x170];
	_ =	sdelay $0x4  }
0x220: {  	v2 =	vadd.s32 @!p0 v1, v2  }
0x221: {  	s25 =	simm.s32 @!p0 $0x3;
	[tilespmem:$0x2870] =	vst @!p0 v2  }
0x222: {  	_ =	swait.ge @!p0 [sflag:s25], $0x4000  }
0x223: {  	s26 =	simm.s32 @!p0 $0x2800;
	[sflag:s25] =	ssyncset.done @!p0 $0x0  }
0x224: {  	s28 =	simm.s32 @!p0 $0x2900;
	[sflag:s25] =	ssyncadd.s32 @!p0 $0xFFFFC000;
	s25 =	simm.s32 @!p0 $0x80  }
0x225: {  	[tilespmem:s28], [sflag:$0x1] =	stream.indirect.gather @!p0 [hbm4b:s4+s25], $0x80, s26, s25, $0xb8;
	[tilespmem:$0x1F900] =	vst v63  }
.Ltmp11:
0x226: {  	_ = 	snop;
	(pc) =	sbr.rel @p0 .LBB2_16-.Ltmp11, $4  }
0x227: {  	_ =	swait.ge [sflag:s18], $0x4000  }
0x228: {  	[sflag:s18] =	ssyncset.done $0x0  }
0x229: {  	s28 =	sadd.s32 $0x1480, s24;
	[sflag:s18] =	ssyncadd.s32 $0xFFFFC000  }
0x22a: {  	[spmem:s1] =	stream.indirect.scatter.add.f32 [tilespmem:s15], [sflag:$0x4], $0x80, s28, s11, $0xb8;
	[tilespmem:$0x1F900] =	vst v63  }
0x22b: {  	v2 =	vld [tilespmem:s24+$0x180];
	_ =	sdelay $0x4  }
0x22c: {  	v2 =	vadd.s32 v1, v2  }
0x22d: {  	[tilespmem:$0x2880] =	vst v2  }
0x22e: {  	v2 =	vld [tilespmem:s24+$0x190];
	_ =	sdelay $0x4  }
0x22f: {  	v2 =	vadd.s32 v1, v2  }
0x230: {  	[tilespmem:$0x2890] =	vst v2  }
0x231: {  	v2 =	vld [tilespmem:s24+$0x1A0];
	_ =	sdelay $0x4  }
0x232: {  	v2 =	vadd.s32 v1, v2  }
0x233: {  	[tilespmem:$0x28A0] =	vst v2  }
0x234: {  	v2 =	vld [tilespmem:s24+$0x1B0];
	_ =	sdelay $0x4  }
0x235: {  	v2 =	vadd.s32 v1, v2  }
0x236: {  	[tilespmem:$0x28B0] =	vst v2  }
0x237: {  	v2 =	vld [tilespmem:s24+$0x1C0];
	_ =	sdelay $0x4  }
0x238: {  	v2 =	vadd.s32 v1, v2  }
0x239: {  	[tilespmem:$0x28C0] =	vst v2  }
0x23a: {  	v2 =	vld [tilespmem:s24+$0x1D0];
	_ =	sdelay $0x4  }
0x23b: {  	v2 =	vadd.s32 v1, v2  }
0x23c: {  	[tilespmem:$0x28D0] =	vst v2  }
0x23d: {  	v2 =	vld [tilespmem:s24+$0x1E0];
	_ =	sdelay $0x4  }
0x23e: {  	v2 =	vadd.s32 v1, v2  }
0x23f: {  	[tilespmem:$0x28E0] =	vst v2  }
0x240: {  	v2 =	vld [tilespmem:s24+$0x1F0];
	_ =	sdelay $0x4  }
0x241: {  	v2 =	vadd.s32 v1, v2  }
.Ltmp12:
0x242: {  	[tilespmem:$0x28F0] =	vst v2;
	(pc) =	sbr.rel .LBB2_14-.Ltmp12, $4  }
0x243: {  	_ =	swait.ge [sflag:s19], $0x4000  }
0x244: {  	[sflag:s19] =	ssyncset.done $0x0  }
0x245: {  	s23 =	sadd.s32 $0x400, s23;
	[sflag:s19] =	ssyncadd.s32 $0xFFFFC000  }
0x246: {  	[tilespmem:s15], [sflag:$0x2] =	stream.indirect.gather [hbm4b:s4+s11], $0x80, s14, s11, $0xb8;
	[tilespmem:$0x1F900] =	vst v63  }
.LBB2_18:
0x247: {  	_ =	sfence.sel $0x180000  }
0x248: {  	[bflag:$0x0] =	sbarrier.arrive $0xFFFF  }
0x249: {  	_ =	strace $0x9000004A  }
0x24a: {  	s0 =	stileid.u32;
	[bflag:$0x2] =	sbarrier.arrive $0xFFFF  }
0x24b: {  	p0 =	sne.s32 s0, $0x0;
	s0 =	rddreg [dreg:$0x2]  }
0x24c: {  	s0 =	sadd.s32 @!p0 $0x100000, s0  }
0x24d: {  	[sflag:s0] =	ssyncadd.tile.s32 @!p0 $0x1;
	_ =	shalt  }
.Lfunc_end2:
_tile_overlayer_lowered:
.L_overlay_start_2:
0x24e: {  	(tag) =	ssettag $0x2  }
0x24f: {  	s0 =	rddreg [dreg:$0x0];
	s2 =	stileid.u32  }
0x250: {  	s1 =	rddreg [dreg:$0x1];
	p0 =	sne.s32 s2, $0x0  }
0x251: {  	s3 =	rddreg [dreg:$0x2];
	[bflag:$0x3] =	sbarrier.arrive $0xFFFF;
	s2 =	simm.s32 @!p0 $0x1C05  }
0x252: {  	[timem:s3], [sflag:s2] =	dma.local @!p0 [hbm:s0], s1  }
0x253: {  	s0 =	simm.s32 @!p0 $0x5  }
0x254: {  	_ =	swait.ge @!p0 [sflag:s0], s1  }
0x255: {  	s1 =	ssub.s32 @!p0 $0x0, s1;
	[sflag:s0] =	ssyncset.done @!p0 $0x0  }
0x256: {  	[sflag:s0] =	ssyncadd.s32 @!p0 s1  }
0x257: {  	[bflag:$0x3] =	sbarrier.arrive $0xFFFF  }
0x258: {  	_ =	shalt  }

</sc_bundles>
